<compile_context>
chip_gen: v7x
topology: tpu7x:2x2x1
jax: 0.10.2.dev20260603
libtpu: 0.0.44.dev20260713+nightly
codegen_flags: <defaults>
</compile_context>

<pallas_src>
import jax
import jax.numpy as jnp
from jax import lax
from jax.experimental import pallas as pl
from jax.experimental.pallas import tpu as pltpu

L = 3
C = 5
N = 62
T = 1024
K_TOP = int(N * 0.8)


def _softmax_lane(v):
    m = jnp.max(v, axis=-1, keepdims=True)
    e = jnp.exp(v - m)
    return e / jnp.sum(e, axis=-1, keepdims=True)


def _softmax_sub(v):
    m = jnp.max(v, axis=-1, keepdims=True)
    e = jnp.exp(v - m)
    return e / jnp.sum(e.T, axis=0, keepdims=True).T


def _bf(v):
    return v.astype(jnp.bfloat16).astype(jnp.float32)


def _hw_add(p0, p1):
    i0 = lax.bitcast_convert_type(p0, jnp.int32)
    i1 = lax.bitcast_convert_type(p1, jnp.int32)
    big_is_p0 = (i0 & 0x7FFFFFFF) >= (i1 & 0x7FFFFFFF)
    ib = jnp.where(big_is_p0, i0, i1)
    ism = jnp.where(big_is_p0, i1, i0)
    eb = jnp.maximum(lax.shift_right_logical(ib, 23) & 0xFF, 1)
    es = jnp.maximum(lax.shift_right_logical(ism, 23) & 0xFF, 1)
    nclear = eb - es - 4
    mask = lax.shift_left(jnp.full_like(ism, -1), jnp.clip(nclear, 0, 23))
    ism_q = jnp.where(nclear <= 0, ism,
                      jnp.where(nclear >= 24, jnp.zeros_like(ism), ism & mask))
    return lax.bitcast_convert_type(ib, jnp.float32) + \
        lax.bitcast_convert_type(ism_q, jnp.float32)


def _mhgcn_kernel(x_ref, c1W_ref, c1b_ref, mem_ref, fcW_ref, fcb_ref,
                  gW_ref, gb_ref, out_ref, adj0_ref, adj1_ref, adj2_ref):
    adj_refs = (adj0_ref, adj1_ref, adj2_ref)
    scale = jnp.sqrt(jnp.asarray(C, dtype=jnp.float32))
    f32 = jnp.float32
    cur2 = x_ref[0]
    out_ref[0, 0:C] = cur2

    for i in range(L):
        c1W = c1W_ref[i]
        c1b = c1b_ref[i]
        mem_i = mem_ref[i]
        gW = gW_ref[i]
        gb = gb_ref[i]

        xp2 = jnp.dot(c1W, cur2,
                      preferred_element_type=f32) + c1b
        xp = xp2.reshape(C, N, T)

        xs = jnp.sum(xp, axis=2)
        l1 = lax.dot_general(xs, mem_i, (((0,), (0,)), ((), ())),
                             preferred_element_type=f32) / scale
        a1 = _softmax_sub(jnp.maximum(l1, 0.0))
        l2 = lax.dot_general(xs, xs, (((0,), (0,)), ((), ())),
                             preferred_element_type=f32) / scale
        a2 = _softmax_lane(jnp.maximum(l2, 0.0))

        fw0 = fcW_ref[i, 0:1, 0:1]
        fw1 = fcW_ref[i, 1:2, 0:1]
        fb = fcb_ref[i, 0:1, 0:1]
        z = _hw_add(_bf(a1) * _bf(fw0), _bf(a2) * _bf(fw1)) + fb
        af = _softmax_lane(z)

        jj = lax.broadcasted_iota(jnp.int32, (N, N), 1)
        rank = jnp.zeros((N, N), f32)
        for i_cand in range(N):
            col = af[:, i_cand:i_cand + 1]
            cmp = (col > af) | ((col == af) & (i_cand < jj))
            rank = rank + cmp.astype(f32)
        adj = af * (rank < K_TOP).astype(f32)
        adj_refs[i][0] = adj

        props = [lax.dot_general(adj, xp[c], (((0,), (0,)), ((), ())),
                                 preferred_element_type=f32)
                 for c in range(C)]
        prop2 = jnp.stack(props, axis=0).reshape(C, N * T)
        y2 = jnp.dot(gW, prop2, preferred_element_type=f32) + gb
        ycur2 = y2 + cur2

        base = C * (i + 1)
        out_ref[0, base:base + C] = ycur2
        cur2 = ycur2


def kernel(x, conv1_W, conv1_b, mem, fc_W, fc_b, gcn_W, gcn_b):
    B = x.shape[0]
    c1b = conv1_b.reshape(L, C, 1)
    gb = gcn_b.reshape(L, C, 1)
    fcW = fc_W.reshape(L, 2, 1)
    fcb = fc_b.reshape(L, 1, 1)

    full = lambda *shape: pl.BlockSpec(shape, lambda b: (0,) * len(shape))
    out, adj0, adj1, adj2 = pl.pallas_call(
        _mhgcn_kernel,
        grid=(B,),
        in_specs=[
            pl.BlockSpec((1, C, N * T), lambda b: (b, 0, 0)),
            full(L, C, C),
            full(L, C, 1),
            full(L, C, N),
            full(L, 2, 1),
            full(L, 1, 1),
            full(L, C, C),
            full(L, C, 1),
        ],
        out_specs=[
            pl.BlockSpec((1, 4 * C, N * T), lambda b: (b, 0, 0)),
            pl.BlockSpec((1, N, N), lambda b: (b, 0, 0)),
            pl.BlockSpec((1, N, N), lambda b: (b, 0, 0)),
            pl.BlockSpec((1, N, N), lambda b: (b, 0, 0)),
        ],
        out_shape=[
            jax.ShapeDtypeStruct((B, 4 * C, N * T), jnp.float32),
            jax.ShapeDtypeStruct((B, N, N), jnp.float32),
            jax.ShapeDtypeStruct((B, N, N), jnp.float32),
            jax.ShapeDtypeStruct((B, N, N), jnp.float32),
        ],
        compiler_params=pltpu.CompilerParams(
            dimension_semantics=("parallel",),
        ),
    )(x.reshape(B, C, N * T), conv1_W, c1b, mem, fcW, fcb, gcn_W, gb)
    return (out.reshape(B, 4 * C, N, T), adj0, adj1, adj2)

# --- scband reference (transcript-rebuilt; emitter-appended) ---
"""Pipeline reference for scband-mhgcn-89318139888058 (READ-ONLY COPY).

The authoritative reference and input builder live on the scoring server;
editing this copy changes nothing except your own understanding.
"""

import jax, jax.numpy as jnp
import numpy as np

L = 3
C = 5
N = 62
B = 32
T = 1024


def setup_inputs(seed: int = 0) -> dict:
    key = jax.random.key(seed)
    ks = jax.random.split(key, 8)
    return {
        "x": jax.random.normal(ks[0], (B, C, N, T), dtype=jnp.float32),
        "conv1_W": jax.random.normal(ks[1], (L, C, C), dtype=jnp.float32) * 0.3,
        "conv1_b": jnp.zeros((L, C), dtype=jnp.float32),
        "mem": jax.random.normal(ks[2], (L, C, N), dtype=jnp.float32) * 0.3,
        "fc_W": jax.random.normal(ks[3], (L, 2), dtype=jnp.float32) * 0.5,
        "fc_b": jnp.zeros((L,), dtype=jnp.float32),
        "gcn_W": jax.random.normal(ks[4], (L, C, C), dtype=jnp.float32) * 0.3,
        "gcn_b": jnp.zeros((L, C), dtype=jnp.float32),
    }


def _conv1x1(x, W, b):
    # nn.Conv2d(C, C, (1,1)) is a per-position channel mix
    return jnp.einsum('oc,bcnt->bont', W, x) + b[None, :, None, None]


def _generator(x, mem, fcW, fcb):
    scale = jnp.sqrt(jnp.asarray(x.shape[1], dtype=jnp.float32))
    a1 = jax.nn.softmax(jax.nn.relu(jnp.einsum('bcnt,cm->bnm', x, mem) / scale), axis=-1)
    xs = x.sum(-1)
    a2 = jax.nn.softmax(jax.nn.relu(jnp.einsum('bcn,bcm->bnm', xs, xs) / scale), axis=-1)
    af = jnp.stack([a1, a2], axis=-1)  # [b, n, m, 2]
    af = jnp.einsum('bnmk,k->bnm', af, fcW) + fcb  # Linear(2,1) + squeeze
    af = jax.nn.softmax(af, axis=-1)
    k = int(af.shape[1] * 0.8)
    topv, topi = jax.lax.top_k(af, k)
    mask = jax.nn.one_hot(topi, af.shape[-1], dtype=af.dtype).sum(axis=-2)
    return af * mask


def _dgcn(x, c1W, c1b, mem, fcW, fcb, gW, gb):
    skip = x
    x = _conv1x1(x, c1W, c1b)
    adj = _generator(x, mem, fcW, fcb)
    # Diffusion_GCN with diffusion_step=1: one propagation + 1x1 conv (dropout = identity in eval)
    x = jnp.einsum('bcnt,bnm->bcmt', x, adj)
    x = _conv1x1(x, gW, gb)
    return x + skip, adj


def reference(x, conv1_W, conv1_b, mem, fc_W, fc_b, gcn_W, gcn_b):
    outputs = [x]
    adjs = []
    for i in range(conv1_W.shape[0]):
        y, a = _dgcn(x, conv1_W[i], conv1_b[i], mem[i], fc_W[i], fc_b[i], gcn_W[i], gcn_b[i])
        outputs.append(y)
        adjs.append(a)
        x = y
    out = jnp.concatenate(outputs, axis=1)
    return (out, adjs[0], adjs[1], adjs[2])

if __name__ == "__main__":
    import jax
    _d = setup_inputs()
    print(jax.jit(kernel)(*tuple(_d.values())))

</pallas_src>

<mosaic_0001>
module attributes {stable_mosaic.version = 14 : i64} {
  func.func @_mhgcn_kernel(%arg0: i32, %arg1: memref<1x5x63488xf32, #tpu.memory_space<vmem>>, %arg2: memref<3x5x5xf32, #tpu.memory_space<vmem>>, %arg3: memref<3x5x1xf32, #tpu.memory_space<vmem>>, %arg4: memref<3x5x62xf32, #tpu.memory_space<vmem>>, %arg5: memref<3x2x1xf32, #tpu.memory_space<vmem>>, %arg6: memref<3x1x1xf32, #tpu.memory_space<vmem>>, %arg7: memref<3x5x5xf32, #tpu.memory_space<vmem>>, %arg8: memref<3x5x1xf32, #tpu.memory_space<vmem>>, %arg9: memref<1x20x63488xf32, #tpu.memory_space<vmem>>, %arg10: memref<1x62x62xf32, #tpu.memory_space<vmem>>, %arg11: memref<1x62x62xf32, #tpu.memory_space<vmem>>, %arg12: memref<1x62x62xf32, #tpu.memory_space<vmem>>) attributes {dimension_semantics = [#tpu.dimension_semantics<parallel>], iteration_bounds = array<i64: 32>, scalar_prefetch = 0 : i64, scratch_operands = 0 : i64, tpu.core_type = #tpu.core_type<tc>, window_params = [{transform_indices = @transform_0, window_bounds = array<i64: 1, 5, 63488>}, {pipeline_mode = #tpu.pipeline_mode<synchronous>, transform_indices = @transform_1, window_bounds = array<i64: 3, 5, 5>}, {pipeline_mode = #tpu.pipeline_mode<synchronous>, transform_indices = @transform_2, window_bounds = array<i64: 3, 5, 1>}, {pipeline_mode = #tpu.pipeline_mode<synchronous>, transform_indices = @transform_3, window_bounds = array<i64: 3, 5, 62>}, {pipeline_mode = #tpu.pipeline_mode<synchronous>, transform_indices = @transform_4, window_bounds = array<i64: 3, 2, 1>}, {pipeline_mode = #tpu.pipeline_mode<synchronous>, transform_indices = @transform_5, window_bounds = array<i64: 3, 1, 1>}, {pipeline_mode = #tpu.pipeline_mode<synchronous>, transform_indices = @transform_6, window_bounds = array<i64: 3, 5, 5>}, {pipeline_mode = #tpu.pipeline_mode<synchronous>, transform_indices = @transform_7, window_bounds = array<i64: 3, 5, 1>}, {transform_indices = @transform_8, window_bounds = array<i64: 1, 20, 63488>}, {transform_indices = @transform_9, window_bounds = array<i64: 1, 62, 62>}, {transform_indices = @transform_10, window_bounds = array<i64: 1, 62, 62>}, {transform_indices = @transform_11, window_bounds = array<i64: 1, 62, 62>}]} {
    %sqrt3A = arith.constant 5.000000e+00 : f32
    %sqrt3A_0 = math.sqrt %sqrt3A : f32
    %get3A = arith.constant 0 : index
    %get3A_1 = arith.constant 0 : index
    %get3A_2 = arith.constant 0 : index
    %get3A_3 = vector.load %arg1[%get3A, %get3A_1, %get3A_2] : memref<1x5x63488xf32, #tpu.memory_space<vmem>>, vector<1x5x63488xf32>
    %get3A_4 = vector.shape_cast %get3A_3 : vector<1x5x63488xf32> to vector<5x63488xf32>
    %swap3A = arith.constant 0 : index
    %swap3A_5 = arith.constant 0 : index
    %swap3A_6 = arith.constant 0 : index
    %swap3A_7 = vector.load %arg9[%swap3A, %swap3A_5, %swap3A_6] : memref<1x20x63488xf32, #tpu.memory_space<vmem>>, vector<1x5x63488xf32>
    %swap3A_8 = vector.shape_cast %swap3A_7 : vector<1x5x63488xf32> to vector<5x63488xf32>
    %swap3A_9 = vector.shape_cast %get3A_4 : vector<5x63488xf32> to vector<1x5x63488xf32>
    tpu.vector_store %arg9[%swap3A, %swap3A_5, %swap3A_6], %swap3A_9 {strides = array<i32>} : memref<1x20x63488xf32, #tpu.memory_space<vmem>>, vector<1x5x63488xf32>,
    %get3A_10 = arith.constant 0 : index
    %get3A_11 = arith.constant 0 : index
    %get3A_12 = arith.constant 0 : index
    %get3A_13 = vector.load %arg2[%get3A_10, %get3A_11, %get3A_12] : memref<3x5x5xf32, #tpu.memory_space<vmem>>, vector<1x5x5xf32>
    %get3A_14 = vector.shape_cast %get3A_13 : vector<1x5x5xf32> to vector<5x5xf32>
    %get3A_15 = arith.constant 0 : index
    %get3A_16 = arith.constant 0 : index
    %get3A_17 = arith.constant 0 : index
    %get3A_18 = vector.load %arg3[%get3A_15, %get3A_16, %get3A_17] : memref<3x5x1xf32, #tpu.memory_space<vmem>>, vector<1x5x1xf32>
    %get3A_19 = vector.shape_cast %get3A_18 : vector<1x5x1xf32> to vector<5x1xf32>
    %get3A_20 = arith.constant 0 : index
    %get3A_21 = arith.constant 0 : index
    %get3A_22 = arith.constant 0 : index
    %get3A_23 = vector.load %arg4[%get3A_20, %get3A_21, %get3A_22] : memref<3x5x62xf32, #tpu.memory_space<vmem>>, vector<1x5x62xf32>
    %get3A_24 = vector.shape_cast %get3A_23 : vector<1x5x62xf32> to vector<5x62xf32>
    %get3A_25 = arith.constant 0 : index
    %get3A_26 = arith.constant 0 : index
    %get3A_27 = arith.constant 0 : index
    %get3A_28 = vector.load %arg7[%get3A_25, %get3A_26, %get3A_27] : memref<3x5x5xf32, #tpu.memory_space<vmem>>, vector<1x5x5xf32>
    %get3A_29 = vector.shape_cast %get3A_28 : vector<1x5x5xf32> to vector<5x5xf32>
    %get3A_30 = arith.constant 0 : index
    %get3A_31 = arith.constant 0 : index
    %get3A_32 = arith.constant 0 : index
    %get3A_33 = vector.load %arg8[%get3A_30, %get3A_31, %get3A_32] : memref<3x5x1xf32, #tpu.memory_space<vmem>>, vector<1x5x1xf32>
    %get3A_34 = vector.shape_cast %get3A_33 : vector<1x5x1xf32> to vector<5x1xf32>
    %dot_general3A = arith.constant dense<0.000000e+00> : vector<5x63488xf32>
    %dot_general3A_35 = tpu.matmul %get3A_14, %get3A_4, %dot_general3A {dimension_numbers = #tpu.dot_dimension_numbers<[1], [0], [0], [1], [0, 0, 1, 1], [], []>, transpose_lhs_hint = false} : vector<5x5xf32>, vector<5x63488xf32>, vector<5x63488xf32> -> vector<5x63488xf32>
    %add3A = vector.broadcast %get3A_19 : vector<5x1xf32> to vector<5x63488xf32>
    %add3A_36 = arith.addf %dot_general3A_35, %add3A : vector<5x63488xf32>
    %reshape3A = vector.shape_cast %add3A_36 : vector<5x63488xf32> to vector<5x62x1024xf32>
    %reduce_sum3A = arith.constant dense<0.000000e+00> : vector<5x62xf32>
    %reduce_sum3A_37 = vector.multi_reduction <add>, %reshape3A, %reduce_sum3A [2] : vector<5x62x1024xf32> to vector<5x62xf32>
    %dot_general3A_38 = arith.constant dense<0.000000e+00> : vector<62x62xf32>
    %dot_general3A_39 = tpu.matmul %reduce_sum3A_37, %get3A_24, %dot_general3A_38 {dimension_numbers = #tpu.dot_dimension_numbers<[0], [0], [1], [1], [0, 1, 1, 1], [], []>, transpose_lhs_hint = false} : vector<5x62xf32>, vector<5x62xf32>, vector<62x62xf32> -> vector<62x62xf32>
    %div3A = vector.broadcast %sqrt3A_0 : f32 to vector<62x62xf32>
    %div3A_40 = arith.divf %dot_general3A_39, %div3A : vector<62x62xf32>
    %max3A = arith.constant 0.000000e+00 : f32
    %max3A_41 = vector.broadcast %max3A : f32 to vector<62x62xf32>
    %max3A_42 = arith.maximumf %div3A_40, %max3A_41 : vector<62x62xf32>
    %reduce_max3A = arith.constant dense<0xFF800000> : vector<62xf32>
    %reduce_max3A_43 = vector.multi_reduction <maximumf>, %max3A_42, %reduce_max3A [1] : vector<62x62xf32> to vector<62xf32>
    %broadcast_in_dim3A = vector.shape_cast %reduce_max3A_43 : vector<62xf32> to vector<62x1xf32>
    %sub3A = vector.broadcast %broadcast_in_dim3A : vector<62x1xf32> to vector<62x62xf32>
    %sub3A_44 = arith.subf %max3A_42, %sub3A : vector<62x62xf32>
    %exp3A = math.exp %sub3A_44 : vector<62x62xf32>
    %transpose3A = tpu.transpose %exp3A, [1, 0] : vector<62x62xf32> -> vector<62x62xf32>
    %reduce_sum3A_45 = arith.constant dense<0.000000e+00> : vector<62xf32>
    %reduce_sum3A_46 = vector.multi_reduction <add>, %transpose3A, %reduce_sum3A_45 [0] : vector<62x62xf32> to vector<62xf32>
    %broadcast_in_dim3A_47 = vector.shape_cast %reduce_sum3A_46 : vector<62xf32> to vector<1x62xf32>
    %transpose3A_48 = tpu.transpose %broadcast_in_dim3A_47, [1, 0] : vector<1x62xf32> -> vector<62x1xf32>
    %div3A_49 = vector.broadcast %transpose3A_48 : vector<62x1xf32> to vector<62x62xf32>
    %div3A_50 = arith.divf %exp3A, %div3A_49 : vector<62x62xf32>
    %dot_general3A_51 = arith.constant dense<0.000000e+00> : vector<62x62xf32>
    %dot_general3A_52 = tpu.matmul %reduce_sum3A_37, %reduce_sum3A_37, %dot_general3A_51 {dimension_numbers = #tpu.dot_dimension_numbers<[0], [0], [1], [1], [0, 1, 1, 1], [], []>, transpose_lhs_hint = false} : vector<5x62xf32>, vector<5x62xf32>, vector<62x62xf32> -> vector<62x62xf32>
    %div3A_53 = vector.broadcast %sqrt3A_0 : f32 to vector<62x62xf32>
    %div3A_54 = arith.divf %dot_general3A_52, %div3A_53 : vector<62x62xf32>
    %max3A_55 = arith.constant 0.000000e+00 : f32
    %max3A_56 = vector.broadcast %max3A_55 : f32 to vector<62x62xf32>
    %max3A_57 = arith.maximumf %div3A_54, %max3A_56 : vector<62x62xf32>
    %reduce_max3A_58 = arith.constant dense<0xFF800000> : vector<62xf32>
    %reduce_max3A_59 = vector.multi_reduction <maximumf>, %max3A_57, %reduce_max3A_58 [1] : vector<62x62xf32> to vector<62xf32>
    %broadcast_in_dim3A_60 = vector.shape_cast %reduce_max3A_59 : vector<62xf32> to vector<62x1xf32>
    %sub3A_61 = vector.broadcast %broadcast_in_dim3A_60 : vector<62x1xf32> to vector<62x62xf32>
    %sub3A_62 = arith.subf %max3A_57, %sub3A_61 : vector<62x62xf32>
    %exp3A_63 = math.exp %sub3A_62 : vector<62x62xf32>
    %reduce_sum3A_64 = arith.constant dense<0.000000e+00> : vector<62xf32>
    %reduce_sum3A_65 = vector.multi_reduction <add>, %exp3A_63, %reduce_sum3A_64 [1] : vector<62x62xf32> to vector<62xf32>
    %broadcast_in_dim3A_66 = vector.shape_cast %reduce_sum3A_65 : vector<62xf32> to vector<62x1xf32>
    %div3A_67 = vector.broadcast %broadcast_in_dim3A_66 : vector<62x1xf32> to vector<62x62xf32>
    %div3A_68 = arith.divf %exp3A_63, %div3A_67 : vector<62x62xf32>
    %get3A_69 = arith.constant 0 : index
    %get3A_70 = arith.constant 0 : index
    %get3A_71 = arith.constant 0 : index
    %get3A_72 = vector.load %arg5[%get3A_69, %get3A_70, %get3A_71] : memref<3x2x1xf32, #tpu.memory_space<vmem>>, vector<1x1x1xf32>
    %get3A_73 = vector.shape_cast %get3A_72 : vector<1x1x1xf32> to vector<1x1xf32>
    %get3A_74 = arith.constant 0 : index
    %get3A_75 = arith.constant 1 : index
    %get3A_76 = arith.constant 0 : index
    %get3A_77 = vector.load %arg5[%get3A_74, %get3A_75, %get3A_76] : memref<3x2x1xf32, #tpu.memory_space<vmem>>, vector<1x1x1xf32>
    %get3A_78 = vector.shape_cast %get3A_77 : vector<1x1x1xf32> to vector<1x1xf32>
    %get3A_79 = arith.constant 0 : index
    %get3A_80 = arith.constant 0 : index
    %get3A_81 = arith.constant 0 : index
    %get3A_82 = vector.load %arg6[%get3A_79, %get3A_80, %get3A_81] : memref<3x1x1xf32, #tpu.memory_space<vmem>>, vector<1x1x1xf32>
    %get3A_83 = vector.shape_cast %get3A_82 : vector<1x1x1xf32> to vector<1x1xf32>
    %convert_element_type3A = arith.truncf %div3A_50 : vector<62x62xf32> to vector<62x62xbf16>
    %convert_element_type3A_84 = arith.extf %convert_element_type3A : vector<62x62xbf16> to vector<62x62xf32>
    %convert_element_type3A_85 = arith.truncf %get3A_73 : vector<1x1xf32> to vector<1x1xbf16>
    %convert_element_type3A_86 = arith.extf %convert_element_type3A_85 : vector<1x1xbf16> to vector<1x1xf32>
    %mul3A = vector.broadcast %convert_element_type3A_86 : vector<1x1xf32> to vector<62x62xf32>
    %mul3A_87 = arith.mulf %convert_element_type3A_84, %mul3A : vector<62x62xf32>
    %convert_element_type3A_88 = arith.truncf %div3A_68 : vector<62x62xf32> to vector<62x62xbf16>
    %convert_element_type3A_89 = arith.extf %convert_element_type3A_88 : vector<62x62xbf16> to vector<62x62xf32>
    %convert_element_type3A_90 = arith.truncf %get3A_78 : vector<1x1xf32> to vector<1x1xbf16>
    %convert_element_type3A_91 = arith.extf %convert_element_type3A_90 : vector<1x1xbf16> to vector<1x1xf32>
    %mul3A_92 = vector.broadcast %convert_element_type3A_91 : vector<1x1xf32> to vector<62x62xf32>
    %mul3A_93 = arith.mulf %convert_element_type3A_89, %mul3A_92 : vector<62x62xf32>
    %bitcast_convert_type3A = tpu.bitcast %mul3A_87 : vector<62x62xf32> -> vector<62x62xi32>
    %bitcast_convert_type3A_94 = tpu.bitcast %mul3A_93 : vector<62x62xf32> -> vector<62x62xi32>
    %and3A = arith.constant 2147483647 : i32
    %and3A_95 = vector.broadcast %and3A : i32 to vector<62x62xi32>
    %and3A_96 = arith.andi %bitcast_convert_type3A, %and3A_95 : vector<62x62xi32>
    %and3A_97 = arith.constant 2147483647 : i32
    %and3A_98 = vector.broadcast %and3A_97 : i32 to vector<62x62xi32>
    %and3A_99 = arith.andi %bitcast_convert_type3A_94, %and3A_98 : vector<62x62xi32>
    %ge3A = arith.cmpi sge, %and3A_96, %and3A_99 : vector<62x62xi32>
    %select_n3A = arith.select %ge3A, %bitcast_convert_type3A, %bitcast_convert_type3A_94 : vector<62x62xi1>, vector<62x62xi32>
    %select_n3A_100 = arith.select %ge3A, %bitcast_convert_type3A_94, %bitcast_convert_type3A : vector<62x62xi1>, vector<62x62xi32>
    %shift_right_logical3A = arith.constant 23 : i32
    %shift_right_logical3A_101 = vector.broadcast %shift_right_logical3A : i32 to vector<62x62xi32>
    %shift_right_logical3A_102 = arith.shrui %select_n3A, %shift_right_logical3A_101 : vector<62x62xi32>
    %and3A_103 = arith.constant 255 : i32
    %and3A_104 = vector.broadcast %and3A_103 : i32 to vector<62x62xi32>
    %and3A_105 = arith.andi %shift_right_logical3A_102, %and3A_104 : vector<62x62xi32>
    %max3A_106 = arith.constant 1 : i32
    %max3A_107 = vector.broadcast %max3A_106 : i32 to vector<62x62xi32>
    %max3A_108 = arith.maxsi %and3A_105, %max3A_107 : vector<62x62xi32>
    %shift_right_logical3A_109 = arith.constant 23 : i32
    %shift_right_logical3A_110 = vector.broadcast %shift_right_logical3A_109 : i32 to vector<62x62xi32>
    %shift_right_logical3A_111 = arith.shrui %select_n3A_100, %shift_right_logical3A_110 : vector<62x62xi32>
    %and3A_112 = arith.constant 255 : i32
    %and3A_113 = vector.broadcast %and3A_112 : i32 to vector<62x62xi32>
    %and3A_114 = arith.andi %shift_right_logical3A_111, %and3A_113 : vector<62x62xi32>
    %max3A_115 = arith.constant 1 : i32
    %max3A_116 = vector.broadcast %max3A_115 : i32 to vector<62x62xi32>
    %max3A_117 = arith.maxsi %and3A_114, %max3A_116 : vector<62x62xi32>
    %sub3A_118 = arith.subi %max3A_108, %max3A_117 : vector<62x62xi32>
    %sub3A_119 = arith.constant 4 : i32
    %sub3A_120 = vector.broadcast %sub3A_119 : i32 to vector<62x62xi32>
    %sub3A_121 = arith.subi %sub3A_118, %sub3A_120 : vector<62x62xi32>
    %broadcast_in_dim3A_122 = arith.constant -1 : i32
    %broadcast_in_dim3A_123 = vector.broadcast %broadcast_in_dim3A_122 : i32 to vector<62x62xi32>
    %jit3A = arith.constant 0 : i32
    %jit3A_124 = arith.constant 23 : i32
    %max3A_125 = vector.broadcast %jit3A : i32 to vector<62x62xi32>
    %max3A_126 = arith.maxsi %max3A_125, %sub3A_121 : vector<62x62xi32>
    %min3A = vector.broadcast %jit3A_124 : i32 to vector<62x62xi32>
    %min3A_127 = arith.minsi %min3A, %max3A_126 : vector<62x62xi32>
    %shift_left3A = arith.shli %broadcast_in_dim3A_123, %min3A_127 : vector<62x62xi32>
    %le3A = arith.constant 0 : i32
    %le3A_128 = vector.broadcast %le3A : i32 to vector<62x62xi32>
    %le3A_129 = arith.cmpi sle, %sub3A_121, %le3A_128 : vector<62x62xi32>
    %ge3A_130 = arith.constant 24 : i32
    %ge3A_131 = vector.broadcast %ge3A_130 : i32 to vector<62x62xi32>
    %ge3A_132 = arith.cmpi sge, %sub3A_121, %ge3A_131 : vector<62x62xi32>
    %broadcast_in_dim3A_133 = arith.constant 0 : i32
    %broadcast_in_dim3A_134 = vector.broadcast %broadcast_in_dim3A_133 : i32 to vector<62x62xi32>
    %and3A_135 = arith.andi %select_n3A_100, %shift_left3A : vector<62x62xi32>
    %select_n3A_136 = arith.select %ge3A_132, %broadcast_in_dim3A_134, %and3A_135 : vector<62x62xi1>, vector<62x62xi32>
    %select_n3A_137 = arith.select %le3A_129, %select_n3A_100, %select_n3A_136 : vector<62x62xi1>, vector<62x62xi32>
    %bitcast_convert_type3A_138 = tpu.bitcast %select_n3A : vector<62x62xi32> -> vector<62x62xf32>
    %bitcast_convert_type3A_139 = tpu.bitcast %select_n3A_137 : vector<62x62xi32> -> vector<62x62xf32>
    %add3A_140 = arith.addf %bitcast_convert_type3A_138, %bitcast_convert_type3A_139 : vector<62x62xf32>
    %add3A_141 = vector.broadcast %get3A_83 : vector<1x1xf32> to vector<62x62xf32>
    %add3A_142 = arith.addf %add3A_140, %add3A_141 : vector<62x62xf32>
    %reduce_max3A_143 = arith.constant dense<0xFF800000> : vector<62xf32>
    %reduce_max3A_144 = vector.multi_reduction <maximumf>, %add3A_142, %reduce_max3A_143 [1] : vector<62x62xf32> to vector<62xf32>
    %broadcast_in_dim3A_145 = vector.shape_cast %reduce_max3A_144 : vector<62xf32> to vector<62x1xf32>
    %sub3A_146 = vector.broadcast %broadcast_in_dim3A_145 : vector<62x1xf32> to vector<62x62xf32>
    %sub3A_147 = arith.subf %add3A_142, %sub3A_146 : vector<62x62xf32>
    %exp3A_148 = math.exp %sub3A_147 : vector<62x62xf32>
    %reduce_sum3A_149 = arith.constant dense<0.000000e+00> : vector<62xf32>
    %reduce_sum3A_150 = vector.multi_reduction <add>, %exp3A_148, %reduce_sum3A_149 [1] : vector<62x62xf32> to vector<62xf32>
    %broadcast_in_dim3A_151 = vector.shape_cast %reduce_sum3A_150 : vector<62xf32> to vector<62x1xf32>
    %div3A_152 = vector.broadcast %broadcast_in_dim3A_151 : vector<62x1xf32> to vector<62x62xf32>
    %div3A_153 = arith.divf %exp3A_148, %div3A_152 : vector<62x62xf32>
    %iota3A = tpu.iota {dimensions = array<i32: 1>} : vector<62x62xi32>
    %broadcast_in_dim3A_154 = arith.constant 0.000000e+00 : f32
    %broadcast_in_dim3A_155 = vector.broadcast %broadcast_in_dim3A_154 : f32 to vector<62x62xf32>
    %slice3A = vector.extract_strided_slice %div3A_153 {offsets = [0, 0], sizes = [62, 1], strides = [1, 1]} : vector<62x62xf32> to vector<62x1xf32>
    %gt3A = vector.broadcast %slice3A : vector<62x1xf32> to vector<62x62xf32>
    %gt3A_156 = arith.cmpf ogt, %gt3A, %div3A_153 : vector<62x62xf32>
    %eq3A = vector.broadcast %slice3A : vector<62x1xf32> to vector<62x62xf32>
    %eq3A_157 = arith.cmpf oeq, %eq3A, %div3A_153 : vector<62x62xf32>
    %gt3A_158 = arith.constant 0 : i32
    %gt3A_159 = vector.broadcast %gt3A_158 : i32 to vector<62x62xi32>
    %gt3A_160 = arith.cmpi sgt, %iota3A, %gt3A_159 : vector<62x62xi32>
    %and3A_161 = arith.andi %eq3A_157, %gt3A_160 : vector<62x62xi1>
    %or3A = arith.ori %gt3A_156, %and3A_161 : vector<62x62xi1>
    %convert_element_type3A_162 = arith.extui %or3A : vector<62x62xi1> to vector<62x62xi32>
    %convert_element_type3A_163 = arith.sitofp %convert_element_type3A_162 : vector<62x62xi32> to vector<62x62xf32>
    %add3A_164 = arith.addf %broadcast_in_dim3A_155, %convert_element_type3A_163 : vector<62x62xf32>
    %slice3A_165 = vector.extract_strided_slice %div3A_153 {offsets = [0, 1], sizes = [62, 1], strides = [1, 1]} : vector<62x62xf32> to vector<62x1xf32>
    %gt3A_166 = vector.broadcast %slice3A_165 : vector<62x1xf32> to vector<62x62xf32>
    %gt3A_167 = arith.cmpf ogt, %gt3A_166, %div3A_153 : vector<62x62xf32>
    %eq3A_168 = vector.broadcast %slice3A_165 : vector<62x1xf32> to vector<62x62xf32>
    %eq3A_169 = arith.cmpf oeq, %eq3A_168, %div3A_153 : vector<62x62xf32>
    %gt3A_170 = arith.constant 1 : i32
    %gt3A_171 = vector.broadcast %gt3A_170 : i32 to vector<62x62xi32>
    %gt3A_172 = arith.cmpi sgt, %iota3A, %gt3A_171 : vector<62x62xi32>
    %and3A_173 = arith.andi %eq3A_169, %gt3A_172 : vector<62x62xi1>
    %or3A_174 = arith.ori %gt3A_167, %and3A_173 : vector<62x62xi1>
    %convert_element_type3A_175 = arith.extui %or3A_174 : vector<62x62xi1> to vector<62x62xi32>
    %convert_element_type3A_176 = arith.sitofp %convert_element_type3A_175 : vector<62x62xi32> to vector<62x62xf32>
    %add3A_177 = arith.addf %add3A_164, %convert_element_type3A_176 : vector<62x62xf32>
    %slice3A_178 = vector.extract_strided_slice %div3A_153 {offsets = [0, 2], sizes = [62, 1], strides = [1, 1]} : vector<62x62xf32> to vector<62x1xf32>
    %gt3A_179 = vector.broadcast %slice3A_178 : vector<62x1xf32> to vector<62x62xf32>
    %gt3A_180 = arith.cmpf ogt, %gt3A_179, %div3A_153 : vector<62x62xf32>
    %eq3A_181 = vector.broadcast %slice3A_178 : vector<62x1xf32> to vector<62x62xf32>
    %eq3A_182 = arith.cmpf oeq, %eq3A_181, %div3A_153 : vector<62x62xf32>
    %gt3A_183 = arith.constant 2 : i32
    %gt3A_184 = vector.broadcast %gt3A_183 : i32 to vector<62x62xi32>
    %gt3A_185 = arith.cmpi sgt, %iota3A, %gt3A_184 : vector<62x62xi32>
    %and3A_186 = arith.andi %eq3A_182, %gt3A_185 : vector<62x62xi1>
    %or3A_187 = arith.ori %gt3A_180, %and3A_186 : vector<62x62xi1>
    %convert_element_type3A_188 = arith.extui %or3A_187 : vector<62x62xi1> to vector<62x62xi32>
    %convert_element_type3A_189 = arith.sitofp %convert_element_type3A_188 : vector<62x62xi32> to vector<62x62xf32>
    %add3A_190 = arith.addf %add3A_177, %convert_element_type3A_189 : vector<62x62xf32>
    %slice3A_191 = vector.extract_strided_slice %div3A_153 {offsets = [0, 3], sizes = [62, 1], strides = [1, 1]} : vector<62x62xf32> to vector<62x1xf32>
    %gt3A_192 = vector.broadcast %slice3A_191 : vector<62x1xf32> to vector<62x62xf32>
    %gt3A_193 = arith.cmpf ogt, %gt3A_192, %div3A_153 : vector<62x62xf32>
    %eq3A_194 = vector.broadcast %slice3A_191 : vector<62x1xf32> to vector<62x62xf32>
    %eq3A_195 = arith.cmpf oeq, %eq3A_194, %div3A_153 : vector<62x62xf32>
    %gt3A_196 = arith.constant 3 : i32
    %gt3A_197 = vector.broadcast %gt3A_196 : i32 to vector<62x62xi32>
    %gt3A_198 = arith.cmpi sgt, %iota3A, %gt3A_197 : vector<62x62xi32>
    %and3A_199 = arith.andi %eq3A_195, %gt3A_198 : vector<62x62xi1>
    %or3A_200 = arith.ori %gt3A_193, %and3A_199 : vector<62x62xi1>
    %convert_element_type3A_201 = arith.extui %or3A_200 : vector<62x62xi1> to vector<62x62xi32>
    %convert_element_type3A_202 = arith.sitofp %convert_element_type3A_201 : vector<62x62xi32> to vector<62x62xf32>
    %add3A_203 = arith.addf %add3A_190, %convert_element_type3A_202 : vector<62x62xf32>
    %slice3A_204 = vector.extract_strided_slice %div3A_153 {offsets = [0, 4], sizes = [62, 1], strides = [1, 1]} : vector<62x62xf32> to vector<62x1xf32>
    %gt3A_205 = vector.broadcast %slice3A_204 : vector<62x1xf32> to vector<62x62xf32>
    %gt3A_206 = arith.cmpf ogt, %gt3A_205, %div3A_153 : vector<62x62xf32>
    %eq3A_207 = vector.broadcast %slice3A_204 : vector<62x1xf32> to vector<62x62xf32>
    %eq3A_208 = arith.cmpf oeq, %eq3A_207, %div3A_153 : vector<62x62xf32>
    %gt3A_209 = arith.constant 4 : i32
    %gt3A_210 = vector.broadcast %gt3A_209 : i32 to vector<62x62xi32>
    %gt3A_211 = arith.cmpi sgt, %iota3A, %gt3A_210 : vector<62x62xi32>
    %and3A_212 = arith.andi %eq3A_208, %gt3A_211 : vector<62x62xi1>
    %or3A_213 = arith.ori %gt3A_206, %and3A_212 : vector<62x62xi1>
    %convert_element_type3A_214 = arith.extui %or3A_213 : vector<62x62xi1> to vector<62x62xi32>
    %convert_element_type3A_215 = arith.sitofp %convert_element_type3A_214 : vector<62x62xi32> to vector<62x62xf32>
    %add3A_216 = arith.addf %add3A_203, %convert_element_type3A_215 : vector<62x62xf32>
    %slice3A_217 = vector.extract_strided_slice %div3A_153 {offsets = [0, 5], sizes = [62, 1], strides = [1, 1]} : vector<62x62xf32> to vector<62x1xf32>
    %gt3A_218 = vector.broadcast %slice3A_217 : vector<62x1xf32> to vector<62x62xf32>
    %gt3A_219 = arith.cmpf ogt, %gt3A_218, %div3A_153 : vector<62x62xf32>
    %eq3A_220 = vector.broadcast %slice3A_217 : vector<62x1xf32> to vector<62x62xf32>
    %eq3A_221 = arith.cmpf oeq, %eq3A_220, %div3A_153 : vector<62x62xf32>
    %gt3A_222 = arith.constant 5 : i32
    %gt3A_223 = vector.broadcast %gt3A_222 : i32 to vector<62x62xi32>
    %gt3A_224 = arith.cmpi sgt, %iota3A, %gt3A_223 : vector<62x62xi32>
    %and3A_225 = arith.andi %eq3A_221, %gt3A_224 : vector<62x62xi1>
    %or3A_226 = arith.ori %gt3A_219, %and3A_225 : vector<62x62xi1>
    %convert_element_type3A_227 = arith.extui %or3A_226 : vector<62x62xi1> to vector<62x62xi32>
    %convert_element_type3A_228 = arith.sitofp %convert_element_type3A_227 : vector<62x62xi32> to vector<62x62xf32>
    %add3A_229 = arith.addf %add3A_216, %convert_element_type3A_228 : vector<62x62xf32>
    %slice3A_230 = vector.extract_strided_slice %div3A_153 {offsets = [0, 6], sizes = [62, 1], strides = [1, 1]} : vector<62x62xf32> to vector<62x1xf32>
    %gt3A_231 = vector.broadcast %slice3A_230 : vector<62x1xf32> to vector<62x62xf32>
    %gt3A_232 = arith.cmpf ogt, %gt3A_231, %div3A_153 : vector<62x62xf32>
    %eq3A_233 = vector.broadcast %slice3A_230 : vector<62x1xf32> to vector<62x62xf32>
    %eq3A_234 = arith.cmpf oeq, %eq3A_233, %div3A_153 : vector<62x62xf32>
    %gt3A_235 = arith.constant 6 : i32
    %gt3A_236 = vector.broadcast %gt3A_235 : i32 to vector<62x62xi32>
    %gt3A_237 = arith.cmpi sgt, %iota3A, %gt3A_236 : vector<62x62xi32>
    %and3A_238 = arith.andi %eq3A_234, %gt3A_237 : vector<62x62xi1>
    %or3A_239 = arith.ori %gt3A_232, %and3A_238 : vector<62x62xi1>
    %convert_element_type3A_240 = arith.extui %or3A_239 : vector<62x62xi1> to vector<62x62xi32>
    %convert_element_type3A_241 = arith.sitofp %convert_element_type3A_240 : vector<62x62xi32> to vector<62x62xf32>
    %add3A_242 = arith.addf %add3A_229, %convert_element_type3A_241 : vector<62x62xf32>
    %slice3A_243 = vector.extract_strided_slice %div3A_153 {offsets = [0, 7], sizes = [62, 1], strides = [1, 1]} : vector<62x62xf32> to vector<62x1xf32>
    %gt3A_244 = vector.broadcast %slice3A_243 : vector<62x1xf32> to vector<62x62xf32>
    %gt3A_245 = arith.cmpf ogt, %gt3A_244, %div3A_153 : vector<62x62xf32>
    %eq3A_246 = vector.broadcast %slice3A_243 : vector<62x1xf32> to vector<62x62xf32>
    %eq3A_247 = arith.cmpf oeq, %eq3A_246, %div3A_153 : vector<62x62xf32>
    %gt3A_248 = arith.constant 7 : i32
    %gt3A_249 = vector.broadcast %gt3A_248 : i32 to vector<62x62xi32>
    %gt3A_250 = arith.cmpi sgt, %iota3A, %gt3A_249 : vector<62x62xi32>
    %and3A_251 = arith.andi %eq3A_247, %gt3A_250 : vector<62x62xi1>
    %or3A_252 = arith.ori %gt3A_245, %and3A_251 : vector<62x62xi1>
    %convert_element_type3A_253 = arith.extui %or3A_252 : vector<62x62xi1> to vector<62x62xi32>
    %convert_element_type3A_254 = arith.sitofp %convert_element_type3A_253 : vector<62x62xi32> to vector<62x62xf32>
    %add3A_255 = arith.addf %add3A_242, %convert_element_type3A_254 : vector<62x62xf32>
    %slice3A_256 = vector.extract_strided_slice %div3A_153 {offsets = [0, 8], sizes = [62, 1], strides = [1, 1]} : vector<62x62xf32> to vector<62x1xf32>
    %gt3A_257 = vector.broadcast %slice3A_256 : vector<62x1xf32> to vector<62x62xf32>
    %gt3A_258 = arith.cmpf ogt, %gt3A_257, %div3A_153 : vector<62x62xf32>
    %eq3A_259 = vector.broadcast %slice3A_256 : vector<62x1xf32> to vector<62x62xf32>
    %eq3A_260 = arith.cmpf oeq, %eq3A_259, %div3A_153 : vector<62x62xf32>
    %gt3A_261 = arith.constant 8 : i32
    %gt3A_262 = vector.broadcast %gt3A_261 : i32 to vector<62x62xi32>
    %gt3A_263 = arith.cmpi sgt, %iota3A, %gt3A_262 : vector<62x62xi32>
    %and3A_264 = arith.andi %eq3A_260, %gt3A_263 : vector<62x62xi1>
    %or3A_265 = arith.ori %gt3A_258, %and3A_264 : vector<62x62xi1>
    %convert_element_type3A_266 = arith.extui %or3A_265 : vector<62x62xi1> to vector<62x62xi32>
    %convert_element_type3A_267 = arith.sitofp %convert_element_type3A_266 : vector<62x62xi32> to vector<62x62xf32>
    %add3A_268 = arith.addf %add3A_255, %convert_element_type3A_267 : vector<62x62xf32>
    %slice3A_269 = vector.extract_strided_slice %div3A_153 {offsets = [0, 9], sizes = [62, 1], strides = [1, 1]} : vector<62x62xf32> to vector<62x1xf32>
    %gt3A_270 = vector.broadcast %slice3A_269 : vector<62x1xf32> to vector<62x62xf32>
    %gt3A_271 = arith.cmpf ogt, %gt3A_270, %div3A_153 : vector<62x62xf32>
    %eq3A_272 = vector.broadcast %slice3A_269 : vector<62x1xf32> to vector<62x62xf32>
    %eq3A_273 = arith.cmpf oeq, %eq3A_272, %div3A_153 : vector<62x62xf32>
    %gt3A_274 = arith.constant 9 : i32
    %gt3A_275 = vector.broadcast %gt3A_274 : i32 to vector<62x62xi32>
    %gt3A_276 = arith.cmpi sgt, %iota3A, %gt3A_275 : vector<62x62xi32>
    %and3A_277 = arith.andi %eq3A_273, %gt3A_276 : vector<62x62xi1>
    %or3A_278 = arith.ori %gt3A_271, %and3A_277 : vector<62x62xi1>
    %convert_element_type3A_279 = arith.extui %or3A_278 : vector<62x62xi1> to vector<62x62xi32>
    %convert_element_type3A_280 = arith.sitofp %convert_element_type3A_279 : vector<62x62xi32> to vector<62x62xf32>
    %add3A_281 = arith.addf %add3A_268, %convert_element_type3A_280 : vector<62x62xf32>
    %slice3A_282 = vector.extract_strided_slice %div3A_153 {offsets = [0, 10], sizes = [62, 1], strides = [1, 1]} : vector<62x62xf32> to vector<62x1xf32>
    %gt3A_283 = vector.broadcast %slice3A_282 : vector<62x1xf32> to vector<62x62xf32>
    %gt3A_284 = arith.cmpf ogt, %gt3A_283, %div3A_153 : vector<62x62xf32>
    %eq3A_285 = vector.broadcast %slice3A_282 : vector<62x1xf32> to vector<62x62xf32>
    %eq3A_286 = arith.cmpf oeq, %eq3A_285, %div3A_153 : vector<62x62xf32>
    %gt3A_287 = arith.constant 10 : i32
    %gt3A_288 = vector.broadcast %gt3A_287 : i32 to vector<62x62xi32>
    %gt3A_289 = arith.cmpi sgt, %iota3A, %gt3A_288 : vector<62x62xi32>
    %and3A_290 = arith.andi %eq3A_286, %gt3A_289 : vector<62x62xi1>
    %or3A_291 = arith.ori %gt3A_284, %and3A_290 : vector<62x62xi1>
    %convert_element_type3A_292 = arith.extui %or3A_291 : vector<62x62xi1> to vector<62x62xi32>
    %convert_element_type3A_293 = arith.sitofp %convert_element_type3A_292 : vector<62x62xi32> to vector<62x62xf32>
    %add3A_294 = arith.addf %add3A_281, %convert_element_type3A_293 : vector<62x62xf32>
    %slice3A_295 = vector.extract_strided_slice %div3A_153 {offsets = [0, 11], sizes = [62, 1], strides = [1, 1]} : vector<62x62xf32> to vector<62x1xf32>
    %gt3A_296 = vector.broadcast %slice3A_295 : vector<62x1xf32> to vector<62x62xf32>
    %gt3A_297 = arith.cmpf ogt, %gt3A_296, %div3A_153 : vector<62x62xf32>
    %eq3A_298 = vector.broadcast %slice3A_295 : vector<62x1xf32> to vector<62x62xf32>
    %eq3A_299 = arith.cmpf oeq, %eq3A_298, %div3A_153 : vector<62x62xf32>
    %gt3A_300 = arith.constant 11 : i32
    %gt3A_301 = vector.broadcast %gt3A_300 : i32 to vector<62x62xi32>
    %gt3A_302 = arith.cmpi sgt, %iota3A, %gt3A_301 : vector<62x62xi32>
    %and3A_303 = arith.andi %eq3A_299, %gt3A_302 : vector<62x62xi1>
    %or3A_304 = arith.ori %gt3A_297, %and3A_303 : vector<62x62xi1>
    %convert_element_type3A_305 = arith.extui %or3A_304 : vector<62x62xi1> to vector<62x62xi32>
    %convert_element_type3A_306 = arith.sitofp %convert_element_type3A_305 : vector<62x62xi32> to vector<62x62xf32>
    %add3A_307 = arith.addf %add3A_294, %convert_element_type3A_306 : vector<62x62xf32>
    %slice3A_308 = vector.extract_strided_slice %div3A_153 {offsets = [0, 12], sizes = [62, 1], strides = [1, 1]} : vector<62x62xf32> to vector<62x1xf32>
    %gt3A_309 = vector.broadcast %slice3A_308 : vector<62x1xf32> to vector<62x62xf32>
    %gt3A_310 = arith.cmpf ogt, %gt3A_309, %div3A_153 : vector<62x62xf32>
    %eq3A_311 = vector.broadcast %slice3A_308 : vector<62x1xf32> to vector<62x62xf32>
    %eq3A_312 = arith.cmpf oeq, %eq3A_311, %div3A_153 : vector<62x62xf32>
    %gt3A_313 = arith.constant 12 : i32
    %gt3A_314 = vector.broadcast %gt3A_313 : i32 to vector<62x62xi32>
    %gt3A_315 = arith.cmpi sgt, %iota3A, %gt3A_314 : vector<62x62xi32>
    %and3A_316 = arith.andi %eq3A_312, %gt3A_315 : vector<62x62xi1>
    %or3A_317 = arith.ori %gt3A_310, %and3A_316 : vector<62x62xi1>
    %convert_element_type3A_318 = arith.extui %or3A_317 : vector<62x62xi1> to vector<62x62xi32>
    %convert_element_type3A_319 = arith.sitofp %convert_element_type3A_318 : vector<62x62xi32> to vector<62x62xf32>
    %add3A_320 = arith.addf %add3A_307, %convert_element_type3A_319 : vector<62x62xf32>
    %slice3A_321 = vector.extract_strided_slice %div3A_153 {offsets = [0, 13], sizes = [62, 1], strides = [1, 1]} : vector<62x62xf32> to vector<62x1xf32>
    %gt3A_322 = vector.broadcast %slice3A_321 : vector<62x1xf32> to vector<62x62xf32>
    %gt3A_323 = arith.cmpf ogt, %gt3A_322, %div3A_153 : vector<62x62xf32>
    %eq3A_324 = vector.broadcast %slice3A_321 : vector<62x1xf32> to vector<62x62xf32>
    %eq3A_325 = arith.cmpf oeq, %eq3A_324, %div3A_153 : vector<62x62xf32>
    %gt3A_326 = arith.constant 13 : i32
    %gt3A_327 = vector.broadcast %gt3A_326 : i32 to vector<62x62xi32>
    %gt3A_328 = arith.cmpi sgt, %iota3A, %gt3A_327 : vector<62x62xi32>
    %and3A_329 = arith.andi %eq3A_325, %gt3A_328 : vector<62x62xi1>
    %or3A_330 = arith.ori %gt3A_323, %and3A_329 : vector<62x62xi1>
    %convert_element_type3A_331 = arith.extui %or3A_330 : vector<62x62xi1> to vector<62x62xi32>
    %convert_element_type3A_332 = arith.sitofp %convert_element_type3A_331 : vector<62x62xi32> to vector<62x62xf32>
    %add3A_333 = arith.addf %add3A_320, %convert_element_type3A_332 : vector<62x62xf32>
    %slice3A_334 = vector.extract_strided_slice %div3A_153 {offsets = [0, 14], sizes = [62, 1], strides = [1, 1]} : vector<62x62xf32> to vector<62x1xf32>
    %gt3A_335 = vector.broadcast %slice3A_334 : vector<62x1xf32> to vector<62x62xf32>
    %gt3A_336 = arith.cmpf ogt, %gt3A_335, %div3A_153 : vector<62x62xf32>
    %eq3A_337 = vector.broadcast %slice3A_334 : vector<62x1xf32> to vector<62x62xf32>
    %eq3A_338 = arith.cmpf oeq, %eq3A_337, %div3A_153 : vector<62x62xf32>
    %gt3A_339 = arith.constant 14 : i32
    %gt3A_340 = vector.broadcast %gt3A_339 : i32 to vector<62x62xi32>
    %gt3A_341 = arith.cmpi sgt, %iota3A, %gt3A_340 : vector<62x62xi32>
    %and3A_342 = arith.andi %eq3A_338, %gt3A_341 : vector<62x62xi1>
    %or3A_343 = arith.ori %gt3A_336, %and3A_342 : vector<62x62xi1>
    %convert_element_type3A_344 = arith.extui %or3A_343 : vector<62x62xi1> to vector<62x62xi32>
    %convert_element_type3A_345 = arith.sitofp %convert_element_type3A_344 : vector<62x62xi32> to vector<62x62xf32>
    %add3A_346 = arith.addf %add3A_333, %convert_element_type3A_345 : vector<62x62xf32>
    %slice3A_347 = vector.extract_strided_slice %div3A_153 {offsets = [0, 15], sizes = [62, 1], strides = [1, 1]} : vector<62x62xf32> to vector<62x1xf32>
    %gt3A_348 = vector.broadcast %slice3A_347 : vector<62x1xf32> to vector<62x62xf32>
    %gt3A_349 = arith.cmpf ogt, %gt3A_348, %div3A_153 : vector<62x62xf32>
    %eq3A_350 = vector.broadcast %slice3A_347 : vector<62x1xf32> to vector<62x62xf32>
    %eq3A_351 = arith.cmpf oeq, %eq3A_350, %div3A_153 : vector<62x62xf32>
    %gt3A_352 = arith.constant 15 : i32
    %gt3A_353 = vector.broadcast %gt3A_352 : i32 to vector<62x62xi32>
    %gt3A_354 = arith.cmpi sgt, %iota3A, %gt3A_353 : vector<62x62xi32>
    %and3A_355 = arith.andi %eq3A_351, %gt3A_354 : vector<62x62xi1>
    %or3A_356 = arith.ori %gt3A_349, %and3A_355 : vector<62x62xi1>
    %convert_element_type3A_357 = arith.extui %or3A_356 : vector<62x62xi1> to vector<62x62xi32>
    %convert_element_type3A_358 = arith.sitofp %convert_element_type3A_357 : vector<62x62xi32> to vector<62x62xf32>
    %add3A_359 = arith.addf %add3A_346, %convert_element_type3A_358 : vector<62x62xf32>
    %slice3A_360 = vector.extract_strided_slice %div3A_153 {offsets = [0, 16], sizes = [62, 1], strides = [1, 1]} : vector<62x62xf32> to vector<62x1xf32>
    %gt3A_361 = vector.broadcast %slice3A_360 : vector<62x1xf32> to vector<62x62xf32>
    %gt3A_362 = arith.cmpf ogt, %gt3A_361, %div3A_153 : vector<62x62xf32>
    %eq3A_363 = vector.broadcast %slice3A_360 : vector<62x1xf32> to vector<62x62xf32>
    %eq3A_364 = arith.cmpf oeq, %eq3A_363, %div3A_153 : vector<62x62xf32>
    %gt3A_365 = arith.constant 16 : i32
    %gt3A_366 = vector.broadcast %gt3A_365 : i32 to vector<62x62xi32>
    %gt3A_367 = arith.cmpi sgt, %iota3A, %gt3A_366 : vector<62x62xi32>
    %and3A_368 = arith.andi %eq3A_364, %gt3A_367 : vector<62x62xi1>
    %or3A_369 = arith.ori %gt3A_362, %and3A_368 : vector<62x62xi1>
    %convert_element_type3A_370 = arith.extui %or3A_369 : vector<62x62xi1> to vector<62x62xi32>
    %convert_element_type3A_371 = arith.sitofp %convert_element_type3A_370 : vector<62x62xi32> to vector<62x62xf32>
    %add3A_372 = arith.addf %add3A_359, %convert_element_type3A_371 : vector<62x62xf32>
    %slice3A_373 = vector.extract_strided_slice %div3A_153 {offsets = [0, 17], sizes = [62, 1], strides = [1, 1]} : vector<62x62xf32> to vector<62x1xf32>
    %gt3A_374 = vector.broadcast %slice3A_373 : vector<62x1xf32> to vector<62x62xf32>
    %gt3A_375 = arith.cmpf ogt, %gt3A_374, %div3A_153 : vector<62x62xf32>
    %eq3A_376 = vector.broadcast %slice3A_373 : vector<62x1xf32> to vector<62x62xf32>
    %eq3A_377 = arith.cmpf oeq, %eq3A_376, %div3A_153 : vector<62x62xf32>
    %gt3A_378 = arith.constant 17 : i32
    %gt3A_379 = vector.broadcast %gt3A_378 : i32 to vector<62x62xi32>
    %gt3A_380 = arith.cmpi sgt, %iota3A, %gt3A_379 : vector<62x62xi32>
    %and3A_381 = arith.andi %eq3A_377, %gt3A_380 : vector<62x62xi1>
    %or3A_382 = arith.ori %gt3A_375, %and3A_381 : vector<62x62xi1>
    %convert_element_type3A_383 = arith.extui %or3A_382 : vector<62x62xi1> to vector<62x62xi32>
    %convert_element_type3A_384 = arith.sitofp %convert_element_type3A_383 : vector<62x62xi32> to vector<62x62xf32>
    %add3A_385 = arith.addf %add3A_372, %convert_element_type3A_384 : vector<62x62xf32>
    %slice3A_386 = vector.extract_strided_slice %div3A_153 {offsets = [0, 18], sizes = [62, 1], strides = [1, 1]} : vector<62x62xf32> to vector<62x1xf32>
    %gt3A_387 = vector.broadcast %slice3A_386 : vector<62x1xf32> to vector<62x62xf32>
    %gt3A_388 = arith.cmpf ogt, %gt3A_387, %div3A_153 : vector<62x62xf32>
    %eq3A_389 = vector.broadcast %slice3A_386 : vector<62x1xf32> to vector<62x62xf32>
    %eq3A_390 = arith.cmpf oeq, %eq3A_389, %div3A_153 : vector<62x62xf32>
    %gt3A_391 = arith.constant 18 : i32
    %gt3A_392 = vector.broadcast %gt3A_391 : i32 to vector<62x62xi32>
    %gt3A_393 = arith.cmpi sgt, %iota3A, %gt3A_392 : vector<62x62xi32>
    %and3A_394 = arith.andi %eq3A_390, %gt3A_393 : vector<62x62xi1>
    %or3A_395 = arith.ori %gt3A_388, %and3A_394 : vector<62x62xi1>
    %convert_element_type3A_396 = arith.extui %or3A_395 : vector<62x62xi1> to vector<62x62xi32>
    %convert_element_type3A_397 = arith.sitofp %convert_element_type3A_396 : vector<62x62xi32> to vector<62x62xf32>
    %add3A_398 = arith.addf %add3A_385, %convert_element_type3A_397 : vector<62x62xf32>
    %slice3A_399 = vector.extract_strided_slice %div3A_153 {offsets = [0, 19], sizes = [62, 1], strides = [1, 1]} : vector<62x62xf32> to vector<62x1xf32>
    %gt3A_400 = vector.broadcast %slice3A_399 : vector<62x1xf32> to vector<62x62xf32>
    %gt3A_401 = arith.cmpf ogt, %gt3A_400, %div3A_153 : vector<62x62xf32>
    %eq3A_402 = vector.broadcast %slice3A_399 : vector<62x1xf32> to vector<62x62xf32>
    %eq3A_403 = arith.cmpf oeq, %eq3A_402, %div3A_153 : vector<62x62xf32>
    %gt3A_404 = arith.constant 19 : i32
    %gt3A_405 = vector.broadcast %gt3A_404 : i32 to vector<62x62xi32>
    %gt3A_406 = arith.cmpi sgt, %iota3A, %gt3A_405 : vector<62x62xi32>
    %and3A_407 = arith.andi %eq3A_403, %gt3A_406 : vector<62x62xi1>
    %or3A_408 = arith.ori %gt3A_401, %and3A_407 : vector<62x62xi1>
    %convert_element_type3A_409 = arith.extui %or3A_408 : vector<62x62xi1> to vector<62x62xi32>
    %convert_element_type3A_410 = arith.sitofp %convert_element_type3A_409 : vector<62x62xi32> to vector<62x62xf32>
    %add3A_411 = arith.addf %add3A_398, %convert_element_type3A_410 : vector<62x62xf32>
    %slice3A_412 = vector.extract_strided_slice %div3A_153 {offsets = [0, 20], sizes = [62, 1], strides = [1, 1]} : vector<62x62xf32> to vector<62x1xf32>
    %gt3A_413 = vector.broadcast %slice3A_412 : vector<62x1xf32> to vector<62x62xf32>
    %gt3A_414 = arith.cmpf ogt, %gt3A_413, %div3A_153 : vector<62x62xf32>
    %eq3A_415 = vector.broadcast %slice3A_412 : vector<62x1xf32> to vector<62x62xf32>
    %eq3A_416 = arith.cmpf oeq, %eq3A_415, %div3A_153 : vector<62x62xf32>
    %gt3A_417 = arith.constant 20 : i32
    %gt3A_418 = vector.broadcast %gt3A_417 : i32 to vector<62x62xi32>
    %gt3A_419 = arith.cmpi sgt, %iota3A, %gt3A_418 : vector<62x62xi32>
    %and3A_420 = arith.andi %eq3A_416, %gt3A_419 : vector<62x62xi1>
    %or3A_421 = arith.ori %gt3A_414, %and3A_420 : vector<62x62xi1>
    %convert_element_type3A_422 = arith.extui %or3A_421 : vector<62x62xi1> to vector<62x62xi32>
    %convert_element_type3A_423 = arith.sitofp %convert_element_type3A_422 : vector<62x62xi32> to vector<62x62xf32>
    %add3A_424 = arith.addf %add3A_411, %convert_element_type3A_423 : vector<62x62xf32>
    %slice3A_425 = vector.extract_strided_slice %div3A_153 {offsets = [0, 21], sizes = [62, 1], strides = [1, 1]} : vector<62x62xf32> to vector<62x1xf32>
    %gt3A_426 = vector.broadcast %slice3A_425 : vector<62x1xf32> to vector<62x62xf32>
    %gt3A_427 = arith.cmpf ogt, %gt3A_426, %div3A_153 : vector<62x62xf32>
    %eq3A_428 = vector.broadcast %slice3A_425 : vector<62x1xf32> to vector<62x62xf32>
    %eq3A_429 = arith.cmpf oeq, %eq3A_428, %div3A_153 : vector<62x62xf32>
    %gt3A_430 = arith.constant 21 : i32
    %gt3A_431 = vector.broadcast %gt3A_430 : i32 to vector<62x62xi32>
    %gt3A_432 = arith.cmpi sgt, %iota3A, %gt3A_431 : vector<62x62xi32>
    %and3A_433 = arith.andi %eq3A_429, %gt3A_432 : vector<62x62xi1>
    %or3A_434 = arith.ori %gt3A_427, %and3A_433 : vector<62x62xi1>
    %convert_element_type3A_435 = arith.extui %or3A_434 : vector<62x62xi1> to vector<62x62xi32>
    %convert_element_type3A_436 = arith.sitofp %convert_element_type3A_435 : vector<62x62xi32> to vector<62x62xf32>
    %add3A_437 = arith.addf %add3A_424, %convert_element_type3A_436 : vector<62x62xf32>
    %slice3A_438 = vector.extract_strided_slice %div3A_153 {offsets = [0, 22], sizes = [62, 1], strides = [1, 1]} : vector<62x62xf32> to vector<62x1xf32>
    %gt3A_439 = vector.broadcast %slice3A_438 : vector<62x1xf32> to vector<62x62xf32>
    %gt3A_440 = arith.cmpf ogt, %gt3A_439, %div3A_153 : vector<62x62xf32>
    %eq3A_441 = vector.broadcast %slice3A_438 : vector<62x1xf32> to vector<62x62xf32>
    %eq3A_442 = arith.cmpf oeq, %eq3A_441, %div3A_153 : vector<62x62xf32>
    %gt3A_443 = arith.constant 22 : i32
    %gt3A_444 = vector.broadcast %gt3A_443 : i32 to vector<62x62xi32>
    %gt3A_445 = arith.cmpi sgt, %iota3A, %gt3A_444 : vector<62x62xi32>
    %and3A_446 = arith.andi %eq3A_442, %gt3A_445 : vector<62x62xi1>
    %or3A_447 = arith.ori %gt3A_440, %and3A_446 : vector<62x62xi1>
    %convert_element_type3A_448 = arith.extui %or3A_447 : vector<62x62xi1> to vector<62x62xi32>
    %convert_element_type3A_449 = arith.sitofp %convert_element_type3A_448 : vector<62x62xi32> to vector<62x62xf32>
    %add3A_450 = arith.addf %add3A_437, %convert_element_type3A_449 : vector<62x62xf32>
    %slice3A_451 = vector.extract_strided_slice %div3A_153 {offsets = [0, 23], sizes = [62, 1], strides = [1, 1]} : vector<62x62xf32> to vector<62x1xf32>
    %gt3A_452 = vector.broadcast %slice3A_451 : vector<62x1xf32> to vector<62x62xf32>
    %gt3A_453 = arith.cmpf ogt, %gt3A_452, %div3A_153 : vector<62x62xf32>
    %eq3A_454 = vector.broadcast %slice3A_451 : vector<62x1xf32> to vector<62x62xf32>
    %eq3A_455 = arith.cmpf oeq, %eq3A_454, %div3A_153 : vector<62x62xf32>
    %gt3A_456 = arith.constant 23 : i32
    %gt3A_457 = vector.broadcast %gt3A_456 : i32 to vector<62x62xi32>
    %gt3A_458 = arith.cmpi sgt, %iota3A, %gt3A_457 : vector<62x62xi32>
    %and3A_459 = arith.andi %eq3A_455, %gt3A_458 : vector<62x62xi1>
    %or3A_460 = arith.ori %gt3A_453, %and3A_459 : vector<62x62xi1>
    %convert_element_type3A_461 = arith.extui %or3A_460 : vector<62x62xi1> to vector<62x62xi32>
    %convert_element_type3A_462 = arith.sitofp %convert_element_type3A_461 : vector<62x62xi32> to vector<62x62xf32>
    %add3A_463 = arith.addf %add3A_450, %convert_element_type3A_462 : vector<62x62xf32>
    %slice3A_464 = vector.extract_strided_slice %div3A_153 {offsets = [0, 24], sizes = [62, 1], strides = [1, 1]} : vector<62x62xf32> to vector<62x1xf32>
    %gt3A_465 = vector.broadcast %slice3A_464 : vector<62x1xf32> to vector<62x62xf32>
    %gt3A_466 = arith.cmpf ogt, %gt3A_465, %div3A_153 : vector<62x62xf32>
    %eq3A_467 = vector.broadcast %slice3A_464 : vector<62x1xf32> to vector<62x62xf32>
    %eq3A_468 = arith.cmpf oeq, %eq3A_467, %div3A_153 : vector<62x62xf32>
    %gt3A_469 = arith.constant 24 : i32
    %gt3A_470 = vector.broadcast %gt3A_469 : i32 to vector<62x62xi32>
    %gt3A_471 = arith.cmpi sgt, %iota3A, %gt3A_470 : vector<62x62xi32>
    %and3A_472 = arith.andi %eq3A_468, %gt3A_471 : vector<62x62xi1>
    %or3A_473 = arith.ori %gt3A_466, %and3A_472 : vector<62x62xi1>
    %convert_element_type3A_474 = arith.extui %or3A_473 : vector<62x62xi1> to vector<62x62xi32>
    %convert_element_type3A_475 = arith.sitofp %convert_element_type3A_474 : vector<62x62xi32> to vector<62x62xf32>
    %add3A_476 = arith.addf %add3A_463, %convert_element_type3A_475 : vector<62x62xf32>
    %slice3A_477 = vector.extract_strided_slice %div3A_153 {offsets = [0, 25], sizes = [62, 1], strides = [1, 1]} : vector<62x62xf32> to vector<62x1xf32>
    %gt3A_478 = vector.broadcast %slice3A_477 : vector<62x1xf32> to vector<62x62xf32>
    %gt3A_479 = arith.cmpf ogt, %gt3A_478, %div3A_153 : vector<62x62xf32>
    %eq3A_480 = vector.broadcast %slice3A_477 : vector<62x1xf32> to vector<62x62xf32>
    %eq3A_481 = arith.cmpf oeq, %eq3A_480, %div3A_153 : vector<62x62xf32>
    %gt3A_482 = arith.constant 25 : i32
    %gt3A_483 = vector.broadcast %gt3A_482 : i32 to vector<62x62xi32>
    %gt3A_484 = arith.cmpi sgt, %iota3A, %gt3A_483 : vector<62x62xi32>
    %and3A_485 = arith.andi %eq3A_481, %gt3A_484 : vector<62x62xi1>
    %or3A_486 = arith.ori %gt3A_479, %and3A_485 : vector<62x62xi1>
    %convert_element_type3A_487 = arith.extui %or3A_486 : vector<62x62xi1> to vector<62x62xi32>
    %convert_element_type3A_488 = arith.sitofp %convert_element_type3A_487 : vector<62x62xi32> to vector<62x62xf32>
    %add3A_489 = arith.addf %add3A_476, %convert_element_type3A_488 : vector<62x62xf32>
    %slice3A_490 = vector.extract_strided_slice %div3A_153 {offsets = [0, 26], sizes = [62, 1], strides = [1, 1]} : vector<62x62xf32> to vector<62x1xf32>
    %gt3A_491 = vector.broadcast %slice3A_490 : vector<62x1xf32> to vector<62x62xf32>
    %gt3A_492 = arith.cmpf ogt, %gt3A_491, %div3A_153 : vector<62x62xf32>
    %eq3A_493 = vector.broadcast %slice3A_490 : vector<62x1xf32> to vector<62x62xf32>
    %eq3A_494 = arith.cmpf oeq, %eq3A_493, %div3A_153 : vector<62x62xf32>
    %gt3A_495 = arith.constant 26 : i32
    %gt3A_496 = vector.broadcast %gt3A_495 : i32 to vector<62x62xi32>
    %gt3A_497 = arith.cmpi sgt, %iota3A, %gt3A_496 : vector<62x62xi32>
    %and3A_498 = arith.andi %eq3A_494, %gt3A_497 : vector<62x62xi1>
    %or3A_499 = arith.ori %gt3A_492, %and3A_498 : vector<62x62xi1>
    %convert_element_type3A_500 = arith.extui %or3A_499 : vector<62x62xi1> to vector<62x62xi32>
    %convert_element_type3A_501 = arith.sitofp %convert_element_type3A_500 : vector<62x62xi32> to vector<62x62xf32>
    %add3A_502 = arith.addf %add3A_489, %convert_element_type3A_501 : vector<62x62xf32>
    %slice3A_503 = vector.extract_strided_slice %div3A_153 {offsets = [0, 27], sizes = [62, 1], strides = [1, 1]} : vector<62x62xf32> to vector<62x1xf32>
    %gt3A_504 = vector.broadcast %slice3A_503 : vector<62x1xf32> to vector<62x62xf32>
    %gt3A_505 = arith.cmpf ogt, %gt3A_504, %div3A_153 : vector<62x62xf32>
    %eq3A_506 = vector.broadcast %slice3A_503 : vector<62x1xf32> to vector<62x62xf32>
    %eq3A_507 = arith.cmpf oeq, %eq3A_506, %div3A_153 : vector<62x62xf32>
    %gt3A_508 = arith.constant 27 : i32
    %gt3A_509 = vector.broadcast %gt3A_508 : i32 to vector<62x62xi32>
    %gt3A_510 = arith.cmpi sgt, %iota3A, %gt3A_509 : vector<62x62xi32>
    %and3A_511 = arith.andi %eq3A_507, %gt3A_510 : vector<62x62xi1>
    %or3A_512 = arith.ori %gt3A_505, %and3A_511 : vector<62x62xi1>
    %convert_element_type3A_513 = arith.extui %or3A_512 : vector<62x62xi1> to vector<62x62xi32>
    %convert_element_type3A_514 = arith.sitofp %convert_element_type3A_513 : vector<62x62xi32> to vector<62x62xf32>
    %add3A_515 = arith.addf %add3A_502, %convert_element_type3A_514 : vector<62x62xf32>
    %slice3A_516 = vector.extract_strided_slice %div3A_153 {offsets = [0, 28], sizes = [62, 1], strides = [1, 1]} : vector<62x62xf32> to vector<62x1xf32>
    %gt3A_517 = vector.broadcast %slice3A_516 : vector<62x1xf32> to vector<62x62xf32>
    %gt3A_518 = arith.cmpf ogt, %gt3A_517, %div3A_153 : vector<62x62xf32>
    %eq3A_519 = vector.broadcast %slice3A_516 : vector<62x1xf32> to vector<62x62xf32>
    %eq3A_520 = arith.cmpf oeq, %eq3A_519, %div3A_153 : vector<62x62xf32>
    %gt3A_521 = arith.constant 28 : i32
    %gt3A_522 = vector.broadcast %gt3A_521 : i32 to vector<62x62xi32>
    %gt3A_523 = arith.cmpi sgt, %iota3A, %gt3A_522 : vector<62x62xi32>
    %and3A_524 = arith.andi %eq3A_520, %gt3A_523 : vector<62x62xi1>
    %or3A_525 = arith.ori %gt3A_518, %and3A_524 : vector<62x62xi1>
    %convert_element_type3A_526 = arith.extui %or3A_525 : vector<62x62xi1> to vector<62x62xi32>
    %convert_element_type3A_527 = arith.sitofp %convert_element_type3A_526 : vector<62x62xi32> to vector<62x62xf32>
    %add3A_528 = arith.addf %add3A_515, %convert_element_type3A_527 : vector<62x62xf32>
    %slice3A_529 = vector.extract_strided_slice %div3A_153 {offsets = [0, 29], sizes = [62, 1], strides = [1, 1]} : vector<62x62xf32> to vector<62x1xf32>
    %gt3A_530 = vector.broadcast %slice3A_529 : vector<62x1xf32> to vector<62x62xf32>
    %gt3A_531 = arith.cmpf ogt, %gt3A_530, %div3A_153 : vector<62x62xf32>
    %eq3A_532 = vector.broadcast %slice3A_529 : vector<62x1xf32> to vector<62x62xf32>
    %eq3A_533 = arith.cmpf oeq, %eq3A_532, %div3A_153 : vector<62x62xf32>
    %gt3A_534 = arith.constant 29 : i32
    %gt3A_535 = vector.broadcast %gt3A_534 : i32 to vector<62x62xi32>
    %gt3A_536 = arith.cmpi sgt, %iota3A, %gt3A_535 : vector<62x62xi32>
    %and3A_537 = arith.andi %eq3A_533, %gt3A_536 : vector<62x62xi1>
    %or3A_538 = arith.ori %gt3A_531, %and3A_537 : vector<62x62xi1>
    %convert_element_type3A_539 = arith.extui %or3A_538 : vector<62x62xi1> to vector<62x62xi32>
    %convert_element_type3A_540 = arith.sitofp %convert_element_type3A_539 : vector<62x62xi32> to vector<62x62xf32>
    %add3A_541 = arith.addf %add3A_528, %convert_element_type3A_540 : vector<62x62xf32>
    %slice3A_542 = vector.extract_strided_slice %div3A_153 {offsets = [0, 30], sizes = [62, 1], strides = [1, 1]} : vector<62x62xf32> to vector<62x1xf32>
    %gt3A_543 = vector.broadcast %slice3A_542 : vector<62x1xf32> to vector<62x62xf32>
    %gt3A_544 = arith.cmpf ogt, %gt3A_543, %div3A_153 : vector<62x62xf32>
    %eq3A_545 = vector.broadcast %slice3A_542 : vector<62x1xf32> to vector<62x62xf32>
    %eq3A_546 = arith.cmpf oeq, %eq3A_545, %div3A_153 : vector<62x62xf32>
    %gt3A_547 = arith.constant 30 : i32
    %gt3A_548 = vector.broadcast %gt3A_547 : i32 to vector<62x62xi32>
    %gt3A_549 = arith.cmpi sgt, %iota3A, %gt3A_548 : vector<62x62xi32>
    %and3A_550 = arith.andi %eq3A_546, %gt3A_549 : vector<62x62xi1>
    %or3A_551 = arith.ori %gt3A_544, %and3A_550 : vector<62x62xi1>
    %convert_element_type3A_552 = arith.extui %or3A_551 : vector<62x62xi1> to vector<62x62xi32>
    %convert_element_type3A_553 = arith.sitofp %convert_element_type3A_552 : vector<62x62xi32> to vector<62x62xf32>
    %add3A_554 = arith.addf %add3A_541, %convert_element_type3A_553 : vector<62x62xf32>
    %slice3A_555 = vector.extract_strided_slice %div3A_153 {offsets = [0, 31], sizes = [62, 1], strides = [1, 1]} : vector<62x62xf32> to vector<62x1xf32>
    %gt3A_556 = vector.broadcast %slice3A_555 : vector<62x1xf32> to vector<62x62xf32>
    %gt3A_557 = arith.cmpf ogt, %gt3A_556, %div3A_153 : vector<62x62xf32>
    %eq3A_558 = vector.broadcast %slice3A_555 : vector<62x1xf32> to vector<62x62xf32>
    %eq3A_559 = arith.cmpf oeq, %eq3A_558, %div3A_153 : vector<62x62xf32>
    %gt3A_560 = arith.constant 31 : i32
    %gt3A_561 = vector.broadcast %gt3A_560 : i32 to vector<62x62xi32>
    %gt3A_562 = arith.cmpi sgt, %iota3A, %gt3A_561 : vector<62x62xi32>
    %and3A_563 = arith.andi %eq3A_559, %gt3A_562 : vector<62x62xi1>
    %or3A_564 = arith.ori %gt3A_557, %and3A_563 : vector<62x62xi1>
    %convert_element_type3A_565 = arith.extui %or3A_564 : vector<62x62xi1> to vector<62x62xi32>
    %convert_element_type3A_566 = arith.sitofp %convert_element_type3A_565 : vector<62x62xi32> to vector<62x62xf32>
    %add3A_567 = arith.addf %add3A_554, %convert_element_type3A_566 : vector<62x62xf32>
    %slice3A_568 = vector.extract_strided_slice %div3A_153 {offsets = [0, 32], sizes = [62, 1], strides = [1, 1]} : vector<62x62xf32> to vector<62x1xf32>
    %gt3A_569 = vector.broadcast %slice3A_568 : vector<62x1xf32> to vector<62x62xf32>
    %gt3A_570 = arith.cmpf ogt, %gt3A_569, %div3A_153 : vector<62x62xf32>
    %eq3A_571 = vector.broadcast %slice3A_568 : vector<62x1xf32> to vector<62x62xf32>
    %eq3A_572 = arith.cmpf oeq, %eq3A_571, %div3A_153 : vector<62x62xf32>
    %gt3A_573 = arith.constant 32 : i32
    %gt3A_574 = vector.broadcast %gt3A_573 : i32 to vector<62x62xi32>
    %gt3A_575 = arith.cmpi sgt, %iota3A, %gt3A_574 : vector<62x62xi32>
    %and3A_576 = arith.andi %eq3A_572, %gt3A_575 : vector<62x62xi1>
    %or3A_577 = arith.ori %gt3A_570, %and3A_576 : vector<62x62xi1>
    %convert_element_type3A_578 = arith.extui %or3A_577 : vector<62x62xi1> to vector<62x62xi32>
    %convert_element_type3A_579 = arith.sitofp %convert_element_type3A_578 : vector<62x62xi32> to vector<62x62xf32>
    %add3A_580 = arith.addf %add3A_567, %convert_element_type3A_579 : vector<62x62xf32>
    %slice3A_581 = vector.extract_strided_slice %div3A_153 {offsets = [0, 33], sizes = [62, 1], strides = [1, 1]} : vector<62x62xf32> to vector<62x1xf32>
    %gt3A_582 = vector.broadcast %slice3A_581 : vector<62x1xf32> to vector<62x62xf32>
    %gt3A_583 = arith.cmpf ogt, %gt3A_582, %div3A_153 : vector<62x62xf32>
    %eq3A_584 = vector.broadcast %slice3A_581 : vector<62x1xf32> to vector<62x62xf32>
    %eq3A_585 = arith.cmpf oeq, %eq3A_584, %div3A_153 : vector<62x62xf32>
    %gt3A_586 = arith.constant 33 : i32
    %gt3A_587 = vector.broadcast %gt3A_586 : i32 to vector<62x62xi32>
    %gt3A_588 = arith.cmpi sgt, %iota3A, %gt3A_587 : vector<62x62xi32>
    %and3A_589 = arith.andi %eq3A_585, %gt3A_588 : vector<62x62xi1>
    %or3A_590 = arith.ori %gt3A_583, %and3A_589 : vector<62x62xi1>
    %convert_element_type3A_591 = arith.extui %or3A_590 : vector<62x62xi1> to vector<62x62xi32>
    %convert_element_type3A_592 = arith.sitofp %convert_element_type3A_591 : vector<62x62xi32> to vector<62x62xf32>
    %add3A_593 = arith.addf %add3A_580, %convert_element_type3A_592 : vector<62x62xf32>
    %slice3A_594 = vector.extract_strided_slice %div3A_153 {offsets = [0, 34], sizes = [62, 1], strides = [1, 1]} : vector<62x62xf32> to vector<62x1xf32>
    %gt3A_595 = vector.broadcast %slice3A_594 : vector<62x1xf32> to vector<62x62xf32>
    %gt3A_596 = arith.cmpf ogt, %gt3A_595, %div3A_153 : vector<62x62xf32>
    %eq3A_597 = vector.broadcast %slice3A_594 : vector<62x1xf32> to vector<62x62xf32>
    %eq3A_598 = arith.cmpf oeq, %eq3A_597, %div3A_153 : vector<62x62xf32>
    %gt3A_599 = arith.constant 34 : i32
    %gt3A_600 = vector.broadcast %gt3A_599 : i32 to vector<62x62xi32>
    %gt3A_601 = arith.cmpi sgt, %iota3A, %gt3A_600 : vector<62x62xi32>
    %and3A_602 = arith.andi %eq3A_598, %gt3A_601 : vector<62x62xi1>
    %or3A_603 = arith.ori %gt3A_596, %and3A_602 : vector<62x62xi1>
    %convert_element_type3A_604 = arith.extui %or3A_603 : vector<62x62xi1> to vector<62x62xi32>
    %convert_element_type3A_605 = arith.sitofp %convert_element_type3A_604 : vector<62x62xi32> to vector<62x62xf32>
    %add3A_606 = arith.addf %add3A_593, %convert_element_type3A_605 : vector<62x62xf32>
    %slice3A_607 = vector.extract_strided_slice %div3A_153 {offsets = [0, 35], sizes = [62, 1], strides = [1, 1]} : vector<62x62xf32> to vector<62x1xf32>
    %gt3A_608 = vector.broadcast %slice3A_607 : vector<62x1xf32> to vector<62x62xf32>
    %gt3A_609 = arith.cmpf ogt, %gt3A_608, %div3A_153 : vector<62x62xf32>
    %eq3A_610 = vector.broadcast %slice3A_607 : vector<62x1xf32> to vector<62x62xf32>
    %eq3A_611 = arith.cmpf oeq, %eq3A_610, %div3A_153 : vector<62x62xf32>
    %gt3A_612 = arith.constant 35 : i32
    %gt3A_613 = vector.broadcast %gt3A_612 : i32 to vector<62x62xi32>
    %gt3A_614 = arith.cmpi sgt, %iota3A, %gt3A_613 : vector<62x62xi32>
    %and3A_615 = arith.andi %eq3A_611, %gt3A_614 : vector<62x62xi1>
    %or3A_616 = arith.ori %gt3A_609, %and3A_615 : vector<62x62xi1>
    %convert_element_type3A_617 = arith.extui %or3A_616 : vector<62x62xi1> to vector<62x62xi32>
    %convert_element_type3A_618 = arith.sitofp %convert_element_type3A_617 : vector<62x62xi32> to vector<62x62xf32>
    %add3A_619 = arith.addf %add3A_606, %convert_element_type3A_618 : vector<62x62xf32>
    %slice3A_620 = vector.extract_strided_slice %div3A_153 {offsets = [0, 36], sizes = [62, 1], strides = [1, 1]} : vector<62x62xf32> to vector<62x1xf32>
    %gt3A_621 = vector.broadcast %slice3A_620 : vector<62x1xf32> to vector<62x62xf32>
    %gt3A_622 = arith.cmpf ogt, %gt3A_621, %div3A_153 : vector<62x62xf32>
    %eq3A_623 = vector.broadcast %slice3A_620 : vector<62x1xf32> to vector<62x62xf32>
    %eq3A_624 = arith.cmpf oeq, %eq3A_623, %div3A_153 : vector<62x62xf32>
    %gt3A_625 = arith.constant 36 : i32
    %gt3A_626 = vector.broadcast %gt3A_625 : i32 to vector<62x62xi32>
    %gt3A_627 = arith.cmpi sgt, %iota3A, %gt3A_626 : vector<62x62xi32>
    %and3A_628 = arith.andi %eq3A_624, %gt3A_627 : vector<62x62xi1>
    %or3A_629 = arith.ori %gt3A_622, %and3A_628 : vector<62x62xi1>
    %convert_element_type3A_630 = arith.extui %or3A_629 : vector<62x62xi1> to vector<62x62xi32>
    %convert_element_type3A_631 = arith.sitofp %convert_element_type3A_630 : vector<62x62xi32> to vector<62x62xf32>
    %add3A_632 = arith.addf %add3A_619, %convert_element_type3A_631 : vector<62x62xf32>
    %slice3A_633 = vector.extract_strided_slice %div3A_153 {offsets = [0, 37], sizes = [62, 1], strides = [1, 1]} : vector<62x62xf32> to vector<62x1xf32>
    %gt3A_634 = vector.broadcast %slice3A_633 : vector<62x1xf32> to vector<62x62xf32>
    %gt3A_635 = arith.cmpf ogt, %gt3A_634, %div3A_153 : vector<62x62xf32>
    %eq3A_636 = vector.broadcast %slice3A_633 : vector<62x1xf32> to vector<62x62xf32>
    %eq3A_637 = arith.cmpf oeq, %eq3A_636, %div3A_153 : vector<62x62xf32>
    %gt3A_638 = arith.constant 37 : i32
    %gt3A_639 = vector.broadcast %gt3A_638 : i32 to vector<62x62xi32>
    %gt3A_640 = arith.cmpi sgt, %iota3A, %gt3A_639 : vector<62x62xi32>
    %and3A_641 = arith.andi %eq3A_637, %gt3A_640 : vector<62x62xi1>
    %or3A_642 = arith.ori %gt3A_635, %and3A_641 : vector<62x62xi1>
    %convert_element_type3A_643 = arith.extui %or3A_642 : vector<62x62xi1> to vector<62x62xi32>
    %convert_element_type3A_644 = arith.sitofp %convert_element_type3A_643 : vector<62x62xi32> to vector<62x62xf32>
    %add3A_645 = arith.addf %add3A_632, %convert_element_type3A_644 : vector<62x62xf32>
    %slice3A_646 = vector.extract_strided_slice %div3A_153 {offsets = [0, 38], sizes = [62, 1], strides = [1, 1]} : vector<62x62xf32> to vector<62x1xf32>
    %gt3A_647 = vector.broadcast %slice3A_646 : vector<62x1xf32> to vector<62x62xf32>
    %gt3A_648 = arith.cmpf ogt, %gt3A_647, %div3A_153 : vector<62x62xf32>
    %eq3A_649 = vector.broadcast %slice3A_646 : vector<62x1xf32> to vector<62x62xf32>
    %eq3A_650 = arith.cmpf oeq, %eq3A_649, %div3A_153 : vector<62x62xf32>
    %gt3A_651 = arith.constant 38 : i32
    %gt3A_652 = vector.broadcast %gt3A_651 : i32 to vector<62x62xi32>
    %gt3A_653 = arith.cmpi sgt, %iota3A, %gt3A_652 : vector<62x62xi32>
    %and3A_654 = arith.andi %eq3A_650, %gt3A_653 : vector<62x62xi1>
    %or3A_655 = arith.ori %gt3A_648, %and3A_654 : vector<62x62xi1>
    %convert_element_type3A_656 = arith.extui %or3A_655 : vector<62x62xi1> to vector<62x62xi32>
    %convert_element_type3A_657 = arith.sitofp %convert_element_type3A_656 : vector<62x62xi32> to vector<62x62xf32>
    %add3A_658 = arith.addf %add3A_645, %convert_element_type3A_657 : vector<62x62xf32>
    %slice3A_659 = vector.extract_strided_slice %div3A_153 {offsets = [0, 39], sizes = [62, 1], strides = [1, 1]} : vector<62x62xf32> to vector<62x1xf32>
    %gt3A_660 = vector.broadcast %slice3A_659 : vector<62x1xf32> to vector<62x62xf32>
    %gt3A_661 = arith.cmpf ogt, %gt3A_660, %div3A_153 : vector<62x62xf32>
    %eq3A_662 = vector.broadcast %slice3A_659 : vector<62x1xf32> to vector<62x62xf32>
    %eq3A_663 = arith.cmpf oeq, %eq3A_662, %div3A_153 : vector<62x62xf32>
    %gt3A_664 = arith.constant 39 : i32
    %gt3A_665 = vector.broadcast %gt3A_664 : i32 to vector<62x62xi32>
    %gt3A_666 = arith.cmpi sgt, %iota3A, %gt3A_665 : vector<62x62xi32>
    %and3A_667 = arith.andi %eq3A_663, %gt3A_666 : vector<62x62xi1>
    %or3A_668 = arith.ori %gt3A_661, %and3A_667 : vector<62x62xi1>
    %convert_element_type3A_669 = arith.extui %or3A_668 : vector<62x62xi1> to vector<62x62xi32>
    %convert_element_type3A_670 = arith.sitofp %convert_element_type3A_669 : vector<62x62xi32> to vector<62x62xf32>
    %add3A_671 = arith.addf %add3A_658, %convert_element_type3A_670 : vector<62x62xf32>
    %slice3A_672 = vector.extract_strided_slice %div3A_153 {offsets = [0, 40], sizes = [62, 1], strides = [1, 1]} : vector<62x62xf32> to vector<62x1xf32>
    %gt3A_673 = vector.broadcast %slice3A_672 : vector<62x1xf32> to vector<62x62xf32>
    %gt3A_674 = arith.cmpf ogt, %gt3A_673, %div3A_153 : vector<62x62xf32>
    %eq3A_675 = vector.broadcast %slice3A_672 : vector<62x1xf32> to vector<62x62xf32>
    %eq3A_676 = arith.cmpf oeq, %eq3A_675, %div3A_153 : vector<62x62xf32>
    %gt3A_677 = arith.constant 40 : i32
    %gt3A_678 = vector.broadcast %gt3A_677 : i32 to vector<62x62xi32>
    %gt3A_679 = arith.cmpi sgt, %iota3A, %gt3A_678 : vector<62x62xi32>
    %and3A_680 = arith.andi %eq3A_676, %gt3A_679 : vector<62x62xi1>
    %or3A_681 = arith.ori %gt3A_674, %and3A_680 : vector<62x62xi1>
    %convert_element_type3A_682 = arith.extui %or3A_681 : vector<62x62xi1> to vector<62x62xi32>
    %convert_element_type3A_683 = arith.sitofp %convert_element_type3A_682 : vector<62x62xi32> to vector<62x62xf32>
    %add3A_684 = arith.addf %add3A_671, %convert_element_type3A_683 : vector<62x62xf32>
    %slice3A_685 = vector.extract_strided_slice %div3A_153 {offsets = [0, 41], sizes = [62, 1], strides = [1, 1]} : vector<62x62xf32> to vector<62x1xf32>
    %gt3A_686 = vector.broadcast %slice3A_685 : vector<62x1xf32> to vector<62x62xf32>
    %gt3A_687 = arith.cmpf ogt, %gt3A_686, %div3A_153 : vector<62x62xf32>
    %eq3A_688 = vector.broadcast %slice3A_685 : vector<62x1xf32> to vector<62x62xf32>
    %eq3A_689 = arith.cmpf oeq, %eq3A_688, %div3A_153 : vector<62x62xf32>
    %gt3A_690 = arith.constant 41 : i32
    %gt3A_691 = vector.broadcast %gt3A_690 : i32 to vector<62x62xi32>
    %gt3A_692 = arith.cmpi sgt, %iota3A, %gt3A_691 : vector<62x62xi32>
    %and3A_693 = arith.andi %eq3A_689, %gt3A_692 : vector<62x62xi1>
    %or3A_694 = arith.ori %gt3A_687, %and3A_693 : vector<62x62xi1>
    %convert_element_type3A_695 = arith.extui %or3A_694 : vector<62x62xi1> to vector<62x62xi32>
    %convert_element_type3A_696 = arith.sitofp %convert_element_type3A_695 : vector<62x62xi32> to vector<62x62xf32>
    %add3A_697 = arith.addf %add3A_684, %convert_element_type3A_696 : vector<62x62xf32>
    %slice3A_698 = vector.extract_strided_slice %div3A_153 {offsets = [0, 42], sizes = [62, 1], strides = [1, 1]} : vector<62x62xf32> to vector<62x1xf32>
    %gt3A_699 = vector.broadcast %slice3A_698 : vector<62x1xf32> to vector<62x62xf32>
    %gt3A_700 = arith.cmpf ogt, %gt3A_699, %div3A_153 : vector<62x62xf32>
    %eq3A_701 = vector.broadcast %slice3A_698 : vector<62x1xf32> to vector<62x62xf32>
    %eq3A_702 = arith.cmpf oeq, %eq3A_701, %div3A_153 : vector<62x62xf32>
    %gt3A_703 = arith.constant 42 : i32
    %gt3A_704 = vector.broadcast %gt3A_703 : i32 to vector<62x62xi32>
    %gt3A_705 = arith.cmpi sgt, %iota3A, %gt3A_704 : vector<62x62xi32>
    %and3A_706 = arith.andi %eq3A_702, %gt3A_705 : vector<62x62xi1>
    %or3A_707 = arith.ori %gt3A_700, %and3A_706 : vector<62x62xi1>
    %convert_element_type3A_708 = arith.extui %or3A_707 : vector<62x62xi1> to vector<62x62xi32>
    %convert_element_type3A_709 = arith.sitofp %convert_element_type3A_708 : vector<62x62xi32> to vector<62x62xf32>
    %add3A_710 = arith.addf %add3A_697, %convert_element_type3A_709 : vector<62x62xf32>
    %slice3A_711 = vector.extract_strided_slice %div3A_153 {offsets = [0, 43], sizes = [62, 1], strides = [1, 1]} : vector<62x62xf32> to vector<62x1xf32>
    %gt3A_712 = vector.broadcast %slice3A_711 : vector<62x1xf32> to vector<62x62xf32>
    %gt3A_713 = arith.cmpf ogt, %gt3A_712, %div3A_153 : vector<62x62xf32>
    %eq3A_714 = vector.broadcast %slice3A_711 : vector<62x1xf32> to vector<62x62xf32>
    %eq3A_715 = arith.cmpf oeq, %eq3A_714, %div3A_153 : vector<62x62xf32>
    %gt3A_716 = arith.constant 43 : i32
    %gt3A_717 = vector.broadcast %gt3A_716 : i32 to vector<62x62xi32>
    %gt3A_718 = arith.cmpi sgt, %iota3A, %gt3A_717 : vector<62x62xi32>
    %and3A_719 = arith.andi %eq3A_715, %gt3A_718 : vector<62x62xi1>
    %or3A_720 = arith.ori %gt3A_713, %and3A_719 : vector<62x62xi1>
    %convert_element_type3A_721 = arith.extui %or3A_720 : vector<62x62xi1> to vector<62x62xi32>
    %convert_element_type3A_722 = arith.sitofp %convert_element_type3A_721 : vector<62x62xi32> to vector<62x62xf32>
    %add3A_723 = arith.addf %add3A_710, %convert_element_type3A_722 : vector<62x62xf32>
    %slice3A_724 = vector.extract_strided_slice %div3A_153 {offsets = [0, 44], sizes = [62, 1], strides = [1, 1]} : vector<62x62xf32> to vector<62x1xf32>
    %gt3A_725 = vector.broadcast %slice3A_724 : vector<62x1xf32> to vector<62x62xf32>
    %gt3A_726 = arith.cmpf ogt, %gt3A_725, %div3A_153 : vector<62x62xf32>
    %eq3A_727 = vector.broadcast %slice3A_724 : vector<62x1xf32> to vector<62x62xf32>
    %eq3A_728 = arith.cmpf oeq, %eq3A_727, %div3A_153 : vector<62x62xf32>
    %gt3A_729 = arith.constant 44 : i32
    %gt3A_730 = vector.broadcast %gt3A_729 : i32 to vector<62x62xi32>
    %gt3A_731 = arith.cmpi sgt, %iota3A, %gt3A_730 : vector<62x62xi32>
    %and3A_732 = arith.andi %eq3A_728, %gt3A_731 : vector<62x62xi1>
    %or3A_733 = arith.ori %gt3A_726, %and3A_732 : vector<62x62xi1>
    %convert_element_type3A_734 = arith.extui %or3A_733 : vector<62x62xi1> to vector<62x62xi32>
    %convert_element_type3A_735 = arith.sitofp %convert_element_type3A_734 : vector<62x62xi32> to vector<62x62xf32>
    %add3A_736 = arith.addf %add3A_723, %convert_element_type3A_735 : vector<62x62xf32>
    %slice3A_737 = vector.extract_strided_slice %div3A_153 {offsets = [0, 45], sizes = [62, 1], strides = [1, 1]} : vector<62x62xf32> to vector<62x1xf32>
    %gt3A_738 = vector.broadcast %slice3A_737 : vector<62x1xf32> to vector<62x62xf32>
    %gt3A_739 = arith.cmpf ogt, %gt3A_738, %div3A_153 : vector<62x62xf32>
    %eq3A_740 = vector.broadcast %slice3A_737 : vector<62x1xf32> to vector<62x62xf32>
    %eq3A_741 = arith.cmpf oeq, %eq3A_740, %div3A_153 : vector<62x62xf32>
    %gt3A_742 = arith.constant 45 : i32
    %gt3A_743 = vector.broadcast %gt3A_742 : i32 to vector<62x62xi32>
    %gt3A_744 = arith.cmpi sgt, %iota3A, %gt3A_743 : vector<62x62xi32>
    %and3A_745 = arith.andi %eq3A_741, %gt3A_744 : vector<62x62xi1>
    %or3A_746 = arith.ori %gt3A_739, %and3A_745 : vector<62x62xi1>
    %convert_element_type3A_747 = arith.extui %or3A_746 : vector<62x62xi1> to vector<62x62xi32>
    %convert_element_type3A_748 = arith.sitofp %convert_element_type3A_747 : vector<62x62xi32> to vector<62x62xf32>
    %add3A_749 = arith.addf %add3A_736, %convert_element_type3A_748 : vector<62x62xf32>
    %slice3A_750 = vector.extract_strided_slice %div3A_153 {offsets = [0, 46], sizes = [62, 1], strides = [1, 1]} : vector<62x62xf32> to vector<62x1xf32>
    %gt3A_751 = vector.broadcast %slice3A_750 : vector<62x1xf32> to vector<62x62xf32>
    %gt3A_752 = arith.cmpf ogt, %gt3A_751, %div3A_153 : vector<62x62xf32>
    %eq3A_753 = vector.broadcast %slice3A_750 : vector<62x1xf32> to vector<62x62xf32>
    %eq3A_754 = arith.cmpf oeq, %eq3A_753, %div3A_153 : vector<62x62xf32>
    %gt3A_755 = arith.constant 46 : i32
    %gt3A_756 = vector.broadcast %gt3A_755 : i32 to vector<62x62xi32>
    %gt3A_757 = arith.cmpi sgt, %iota3A, %gt3A_756 : vector<62x62xi32>
    %and3A_758 = arith.andi %eq3A_754, %gt3A_757 : vector<62x62xi1>
    %or3A_759 = arith.ori %gt3A_752, %and3A_758 : vector<62x62xi1>
    %convert_element_type3A_760 = arith.extui %or3A_759 : vector<62x62xi1> to vector<62x62xi32>
    %convert_element_type3A_761 = arith.sitofp %convert_element_type3A_760 : vector<62x62xi32> to vector<62x62xf32>
    %add3A_762 = arith.addf %add3A_749, %convert_element_type3A_761 : vector<62x62xf32>
    %slice3A_763 = vector.extract_strided_slice %div3A_153 {offsets = [0, 47], sizes = [62, 1], strides = [1, 1]} : vector<62x62xf32> to vector<62x1xf32>
    %gt3A_764 = vector.broadcast %slice3A_763 : vector<62x1xf32> to vector<62x62xf32>
    %gt3A_765 = arith.cmpf ogt, %gt3A_764, %div3A_153 : vector<62x62xf32>
    %eq3A_766 = vector.broadcast %slice3A_763 : vector<62x1xf32> to vector<62x62xf32>
    %eq3A_767 = arith.cmpf oeq, %eq3A_766, %div3A_153 : vector<62x62xf32>
    %gt3A_768 = arith.constant 47 : i32
    %gt3A_769 = vector.broadcast %gt3A_768 : i32 to vector<62x62xi32>
    %gt3A_770 = arith.cmpi sgt, %iota3A, %gt3A_769 : vector<62x62xi32>
    %and3A_771 = arith.andi %eq3A_767, %gt3A_770 : vector<62x62xi1>
    %or3A_772 = arith.ori %gt3A_765, %and3A_771 : vector<62x62xi1>
    %convert_element_type3A_773 = arith.extui %or3A_772 : vector<62x62xi1> to vector<62x62xi32>
    %convert_element_type3A_774 = arith.sitofp %convert_element_type3A_773 : vector<62x62xi32> to vector<62x62xf32>
    %add3A_775 = arith.addf %add3A_762, %convert_element_type3A_774 : vector<62x62xf32>
    %slice3A_776 = vector.extract_strided_slice %div3A_153 {offsets = [0, 48], sizes = [62, 1], strides = [1, 1]} : vector<62x62xf32> to vector<62x1xf32>
    %gt3A_777 = vector.broadcast %slice3A_776 : vector<62x1xf32> to vector<62x62xf32>
    %gt3A_778 = arith.cmpf ogt, %gt3A_777, %div3A_153 : vector<62x62xf32>
    %eq3A_779 = vector.broadcast %slice3A_776 : vector<62x1xf32> to vector<62x62xf32>
    %eq3A_780 = arith.cmpf oeq, %eq3A_779, %div3A_153 : vector<62x62xf32>
    %gt3A_781 = arith.constant 48 : i32
    %gt3A_782 = vector.broadcast %gt3A_781 : i32 to vector<62x62xi32>
    %gt3A_783 = arith.cmpi sgt, %iota3A, %gt3A_782 : vector<62x62xi32>
    %and3A_784 = arith.andi %eq3A_780, %gt3A_783 : vector<62x62xi1>
    %or3A_785 = arith.ori %gt3A_778, %and3A_784 : vector<62x62xi1>
    %convert_element_type3A_786 = arith.extui %or3A_785 : vector<62x62xi1> to vector<62x62xi32>
    %convert_element_type3A_787 = arith.sitofp %convert_element_type3A_786 : vector<62x62xi32> to vector<62x62xf32>
    %add3A_788 = arith.addf %add3A_775, %convert_element_type3A_787 : vector<62x62xf32>
    %slice3A_789 = vector.extract_strided_slice %div3A_153 {offsets = [0, 49], sizes = [62, 1], strides = [1, 1]} : vector<62x62xf32> to vector<62x1xf32>
    %gt3A_790 = vector.broadcast %slice3A_789 : vector<62x1xf32> to vector<62x62xf32>
    %gt3A_791 = arith.cmpf ogt, %gt3A_790, %div3A_153 : vector<62x62xf32>
    %eq3A_792 = vector.broadcast %slice3A_789 : vector<62x1xf32> to vector<62x62xf32>
    %eq3A_793 = arith.cmpf oeq, %eq3A_792, %div3A_153 : vector<62x62xf32>
    %gt3A_794 = arith.constant 49 : i32
    %gt3A_795 = vector.broadcast %gt3A_794 : i32 to vector<62x62xi32>
    %gt3A_796 = arith.cmpi sgt, %iota3A, %gt3A_795 : vector<62x62xi32>
    %and3A_797 = arith.andi %eq3A_793, %gt3A_796 : vector<62x62xi1>
    %or3A_798 = arith.ori %gt3A_791, %and3A_797 : vector<62x62xi1>
    %convert_element_type3A_799 = arith.extui %or3A_798 : vector<62x62xi1> to vector<62x62xi32>
    %convert_element_type3A_800 = arith.sitofp %convert_element_type3A_799 : vector<62x62xi32> to vector<62x62xf32>
    %add3A_801 = arith.addf %add3A_788, %convert_element_type3A_800 : vector<62x62xf32>
    %slice3A_802 = vector.extract_strided_slice %div3A_153 {offsets = [0, 50], sizes = [62, 1], strides = [1, 1]} : vector<62x62xf32> to vector<62x1xf32>
    %gt3A_803 = vector.broadcast %slice3A_802 : vector<62x1xf32> to vector<62x62xf32>
    %gt3A_804 = arith.cmpf ogt, %gt3A_803, %div3A_153 : vector<62x62xf32>
    %eq3A_805 = vector.broadcast %slice3A_802 : vector<62x1xf32> to vector<62x62xf32>
    %eq3A_806 = arith.cmpf oeq, %eq3A_805, %div3A_153 : vector<62x62xf32>
    %gt3A_807 = arith.constant 50 : i32
    %gt3A_808 = vector.broadcast %gt3A_807 : i32 to vector<62x62xi32>
    %gt3A_809 = arith.cmpi sgt, %iota3A, %gt3A_808 : vector<62x62xi32>
    %and3A_810 = arith.andi %eq3A_806, %gt3A_809 : vector<62x62xi1>
    %or3A_811 = arith.ori %gt3A_804, %and3A_810 : vector<62x62xi1>
    %convert_element_type3A_812 = arith.extui %or3A_811 : vector<62x62xi1> to vector<62x62xi32>
    %convert_element_type3A_813 = arith.sitofp %convert_element_type3A_812 : vector<62x62xi32> to vector<62x62xf32>
    %add3A_814 = arith.addf %add3A_801, %convert_element_type3A_813 : vector<62x62xf32>
    %slice3A_815 = vector.extract_strided_slice %div3A_153 {offsets = [0, 51], sizes = [62, 1], strides = [1, 1]} : vector<62x62xf32> to vector<62x1xf32>
    %gt3A_816 = vector.broadcast %slice3A_815 : vector<62x1xf32> to vector<62x62xf32>
    %gt3A_817 = arith.cmpf ogt, %gt3A_816, %div3A_153 : vector<62x62xf32>
    %eq3A_818 = vector.broadcast %slice3A_815 : vector<62x1xf32> to vector<62x62xf32>
    %eq3A_819 = arith.cmpf oeq, %eq3A_818, %div3A_153 : vector<62x62xf32>
    %gt3A_820 = arith.constant 51 : i32
    %gt3A_821 = vector.broadcast %gt3A_820 : i32 to vector<62x62xi32>
    %gt3A_822 = arith.cmpi sgt, %iota3A, %gt3A_821 : vector<62x62xi32>
    %and3A_823 = arith.andi %eq3A_819, %gt3A_822 : vector<62x62xi1>
    %or3A_824 = arith.ori %gt3A_817, %and3A_823 : vector<62x62xi1>
    %convert_element_type3A_825 = arith.extui %or3A_824 : vector<62x62xi1> to vector<62x62xi32>
    %convert_element_type3A_826 = arith.sitofp %convert_element_type3A_825 : vector<62x62xi32> to vector<62x62xf32>
    %add3A_827 = arith.addf %add3A_814, %convert_element_type3A_826 : vector<62x62xf32>
    %slice3A_828 = vector.extract_strided_slice %div3A_153 {offsets = [0, 52], sizes = [62, 1], strides = [1, 1]} : vector<62x62xf32> to vector<62x1xf32>
    %gt3A_829 = vector.broadcast %slice3A_828 : vector<62x1xf32> to vector<62x62xf32>
    %gt3A_830 = arith.cmpf ogt, %gt3A_829, %div3A_153 : vector<62x62xf32>
    %eq3A_831 = vector.broadcast %slice3A_828 : vector<62x1xf32> to vector<62x62xf32>
    %eq3A_832 = arith.cmpf oeq, %eq3A_831, %div3A_153 : vector<62x62xf32>
    %gt3A_833 = arith.constant 52 : i32
    %gt3A_834 = vector.broadcast %gt3A_833 : i32 to vector<62x62xi32>
    %gt3A_835 = arith.cmpi sgt, %iota3A, %gt3A_834 : vector<62x62xi32>
    %and3A_836 = arith.andi %eq3A_832, %gt3A_835 : vector<62x62xi1>
    %or3A_837 = arith.ori %gt3A_830, %and3A_836 : vector<62x62xi1>
    %convert_element_type3A_838 = arith.extui %or3A_837 : vector<62x62xi1> to vector<62x62xi32>
    %convert_element_type3A_839 = arith.sitofp %convert_element_type3A_838 : vector<62x62xi32> to vector<62x62xf32>
    %add3A_840 = arith.addf %add3A_827, %convert_element_type3A_839 : vector<62x62xf32>
    %slice3A_841 = vector.extract_strided_slice %div3A_153 {offsets = [0, 53], sizes = [62, 1], strides = [1, 1]} : vector<62x62xf32> to vector<62x1xf32>
    %gt3A_842 = vector.broadcast %slice3A_841 : vector<62x1xf32> to vector<62x62xf32>
    %gt3A_843 = arith.cmpf ogt, %gt3A_842, %div3A_153 : vector<62x62xf32>
    %eq3A_844 = vector.broadcast %slice3A_841 : vector<62x1xf32> to vector<62x62xf32>
    %eq3A_845 = arith.cmpf oeq, %eq3A_844, %div3A_153 : vector<62x62xf32>
    %gt3A_846 = arith.constant 53 : i32
    %gt3A_847 = vector.broadcast %gt3A_846 : i32 to vector<62x62xi32>
    %gt3A_848 = arith.cmpi sgt, %iota3A, %gt3A_847 : vector<62x62xi32>
    %and3A_849 = arith.andi %eq3A_845, %gt3A_848 : vector<62x62xi1>
    %or3A_850 = arith.ori %gt3A_843, %and3A_849 : vector<62x62xi1>
    %convert_element_type3A_851 = arith.extui %or3A_850 : vector<62x62xi1> to vector<62x62xi32>
    %convert_element_type3A_852 = arith.sitofp %convert_element_type3A_851 : vector<62x62xi32> to vector<62x62xf32>
    %add3A_853 = arith.addf %add3A_840, %convert_element_type3A_852 : vector<62x62xf32>
    %slice3A_854 = vector.extract_strided_slice %div3A_153 {offsets = [0, 54], sizes = [62, 1], strides = [1, 1]} : vector<62x62xf32> to vector<62x1xf32>
    %gt3A_855 = vector.broadcast %slice3A_854 : vector<62x1xf32> to vector<62x62xf32>
    %gt3A_856 = arith.cmpf ogt, %gt3A_855, %div3A_153 : vector<62x62xf32>
    %eq3A_857 = vector.broadcast %slice3A_854 : vector<62x1xf32> to vector<62x62xf32>
    %eq3A_858 = arith.cmpf oeq, %eq3A_857, %div3A_153 : vector<62x62xf32>
    %gt3A_859 = arith.constant 54 : i32
    %gt3A_860 = vector.broadcast %gt3A_859 : i32 to vector<62x62xi32>
    %gt3A_861 = arith.cmpi sgt, %iota3A, %gt3A_860 : vector<62x62xi32>
    %and3A_862 = arith.andi %eq3A_858, %gt3A_861 : vector<62x62xi1>
    %or3A_863 = arith.ori %gt3A_856, %and3A_862 : vector<62x62xi1>
    %convert_element_type3A_864 = arith.extui %or3A_863 : vector<62x62xi1> to vector<62x62xi32>
    %convert_element_type3A_865 = arith.sitofp %convert_element_type3A_864 : vector<62x62xi32> to vector<62x62xf32>
    %add3A_866 = arith.addf %add3A_853, %convert_element_type3A_865 : vector<62x62xf32>
    %slice3A_867 = vector.extract_strided_slice %div3A_153 {offsets = [0, 55], sizes = [62, 1], strides = [1, 1]} : vector<62x62xf32> to vector<62x1xf32>
    %gt3A_868 = vector.broadcast %slice3A_867 : vector<62x1xf32> to vector<62x62xf32>
    %gt3A_869 = arith.cmpf ogt, %gt3A_868, %div3A_153 : vector<62x62xf32>
    %eq3A_870 = vector.broadcast %slice3A_867 : vector<62x1xf32> to vector<62x62xf32>
    %eq3A_871 = arith.cmpf oeq, %eq3A_870, %div3A_153 : vector<62x62xf32>
    %gt3A_872 = arith.constant 55 : i32
    %gt3A_873 = vector.broadcast %gt3A_872 : i32 to vector<62x62xi32>
    %gt3A_874 = arith.cmpi sgt, %iota3A, %gt3A_873 : vector<62x62xi32>
    %and3A_875 = arith.andi %eq3A_871, %gt3A_874 : vector<62x62xi1>
    %or3A_876 = arith.ori %gt3A_869, %and3A_875 : vector<62x62xi1>
    %convert_element_type3A_877 = arith.extui %or3A_876 : vector<62x62xi1> to vector<62x62xi32>
    %convert_element_type3A_878 = arith.sitofp %convert_element_type3A_877 : vector<62x62xi32> to vector<62x62xf32>
    %add3A_879 = arith.addf %add3A_866, %convert_element_type3A_878 : vector<62x62xf32>
    %slice3A_880 = vector.extract_strided_slice %div3A_153 {offsets = [0, 56], sizes = [62, 1], strides = [1, 1]} : vector<62x62xf32> to vector<62x1xf32>
    %gt3A_881 = vector.broadcast %slice3A_880 : vector<62x1xf32> to vector<62x62xf32>
    %gt3A_882 = arith.cmpf ogt, %gt3A_881, %div3A_153 : vector<62x62xf32>
    %eq3A_883 = vector.broadcast %slice3A_880 : vector<62x1xf32> to vector<62x62xf32>
    %eq3A_884 = arith.cmpf oeq, %eq3A_883, %div3A_153 : vector<62x62xf32>
    %gt3A_885 = arith.constant 56 : i32
    %gt3A_886 = vector.broadcast %gt3A_885 : i32 to vector<62x62xi32>
    %gt3A_887 = arith.cmpi sgt, %iota3A, %gt3A_886 : vector<62x62xi32>
    %and3A_888 = arith.andi %eq3A_884, %gt3A_887 : vector<62x62xi1>
    %or3A_889 = arith.ori %gt3A_882, %and3A_888 : vector<62x62xi1>
    %convert_element_type3A_890 = arith.extui %or3A_889 : vector<62x62xi1> to vector<62x62xi32>
    %convert_element_type3A_891 = arith.sitofp %convert_element_type3A_890 : vector<62x62xi32> to vector<62x62xf32>
    %add3A_892 = arith.addf %add3A_879, %convert_element_type3A_891 : vector<62x62xf32>
    %slice3A_893 = vector.extract_strided_slice %div3A_153 {offsets = [0, 57], sizes = [62, 1], strides = [1, 1]} : vector<62x62xf32> to vector<62x1xf32>
    %gt3A_894 = vector.broadcast %slice3A_893 : vector<62x1xf32> to vector<62x62xf32>
    %gt3A_895 = arith.cmpf ogt, %gt3A_894, %div3A_153 : vector<62x62xf32>
    %eq3A_896 = vector.broadcast %slice3A_893 : vector<62x1xf32> to vector<62x62xf32>
    %eq3A_897 = arith.cmpf oeq, %eq3A_896, %div3A_153 : vector<62x62xf32>
    %gt3A_898 = arith.constant 57 : i32
    %gt3A_899 = vector.broadcast %gt3A_898 : i32 to vector<62x62xi32>
    %gt3A_900 = arith.cmpi sgt, %iota3A, %gt3A_899 : vector<62x62xi32>
    %and3A_901 = arith.andi %eq3A_897, %gt3A_900 : vector<62x62xi1>
    %or3A_902 = arith.ori %gt3A_895, %and3A_901 : vector<62x62xi1>
    %convert_element_type3A_903 = arith.extui %or3A_902 : vector<62x62xi1> to vector<62x62xi32>
    %convert_element_type3A_904 = arith.sitofp %convert_element_type3A_903 : vector<62x62xi32> to vector<62x62xf32>
    %add3A_905 = arith.addf %add3A_892, %convert_element_type3A_904 : vector<62x62xf32>
    %slice3A_906 = vector.extract_strided_slice %div3A_153 {offsets = [0, 58], sizes = [62, 1], strides = [1, 1]} : vector<62x62xf32> to vector<62x1xf32>
    %gt3A_907 = vector.broadcast %slice3A_906 : vector<62x1xf32> to vector<62x62xf32>
    %gt3A_908 = arith.cmpf ogt, %gt3A_907, %div3A_153 : vector<62x62xf32>
    %eq3A_909 = vector.broadcast %slice3A_906 : vector<62x1xf32> to vector<62x62xf32>
    %eq3A_910 = arith.cmpf oeq, %eq3A_909, %div3A_153 : vector<62x62xf32>
    %gt3A_911 = arith.constant 58 : i32
    %gt3A_912 = vector.broadcast %gt3A_911 : i32 to vector<62x62xi32>
    %gt3A_913 = arith.cmpi sgt, %iota3A, %gt3A_912 : vector<62x62xi32>
    %and3A_914 = arith.andi %eq3A_910, %gt3A_913 : vector<62x62xi1>
    %or3A_915 = arith.ori %gt3A_908, %and3A_914 : vector<62x62xi1>
    %convert_element_type3A_916 = arith.extui %or3A_915 : vector<62x62xi1> to vector<62x62xi32>
    %convert_element_type3A_917 = arith.sitofp %convert_element_type3A_916 : vector<62x62xi32> to vector<62x62xf32>
    %add3A_918 = arith.addf %add3A_905, %convert_element_type3A_917 : vector<62x62xf32>
    %slice3A_919 = vector.extract_strided_slice %div3A_153 {offsets = [0, 59], sizes = [62, 1], strides = [1, 1]} : vector<62x62xf32> to vector<62x1xf32>
    %gt3A_920 = vector.broadcast %slice3A_919 : vector<62x1xf32> to vector<62x62xf32>
    %gt3A_921 = arith.cmpf ogt, %gt3A_920, %div3A_153 : vector<62x62xf32>
    %eq3A_922 = vector.broadcast %slice3A_919 : vector<62x1xf32> to vector<62x62xf32>
    %eq3A_923 = arith.cmpf oeq, %eq3A_922, %div3A_153 : vector<62x62xf32>
    %gt3A_924 = arith.constant 59 : i32
    %gt3A_925 = vector.broadcast %gt3A_924 : i32 to vector<62x62xi32>
    %gt3A_926 = arith.cmpi sgt, %iota3A, %gt3A_925 : vector<62x62xi32>
    %and3A_927 = arith.andi %eq3A_923, %gt3A_926 : vector<62x62xi1>
    %or3A_928 = arith.ori %gt3A_921, %and3A_927 : vector<62x62xi1>
    %convert_element_type3A_929 = arith.extui %or3A_928 : vector<62x62xi1> to vector<62x62xi32>
    %convert_element_type3A_930 = arith.sitofp %convert_element_type3A_929 : vector<62x62xi32> to vector<62x62xf32>
    %add3A_931 = arith.addf %add3A_918, %convert_element_type3A_930 : vector<62x62xf32>
    %slice3A_932 = vector.extract_strided_slice %div3A_153 {offsets = [0, 60], sizes = [62, 1], strides = [1, 1]} : vector<62x62xf32> to vector<62x1xf32>
    %gt3A_933 = vector.broadcast %slice3A_932 : vector<62x1xf32> to vector<62x62xf32>
    %gt3A_934 = arith.cmpf ogt, %gt3A_933, %div3A_153 : vector<62x62xf32>
    %eq3A_935 = vector.broadcast %slice3A_932 : vector<62x1xf32> to vector<62x62xf32>
    %eq3A_936 = arith.cmpf oeq, %eq3A_935, %div3A_153 : vector<62x62xf32>
    %gt3A_937 = arith.constant 60 : i32
    %gt3A_938 = vector.broadcast %gt3A_937 : i32 to vector<62x62xi32>
    %gt3A_939 = arith.cmpi sgt, %iota3A, %gt3A_938 : vector<62x62xi32>
    %and3A_940 = arith.andi %eq3A_936, %gt3A_939 : vector<62x62xi1>
    %or3A_941 = arith.ori %gt3A_934, %and3A_940 : vector<62x62xi1>
    %convert_element_type3A_942 = arith.extui %or3A_941 : vector<62x62xi1> to vector<62x62xi32>
    %convert_element_type3A_943 = arith.sitofp %convert_element_type3A_942 : vector<62x62xi32> to vector<62x62xf32>
    %add3A_944 = arith.addf %add3A_931, %convert_element_type3A_943 : vector<62x62xf32>
    %slice3A_945 = vector.extract_strided_slice %div3A_153 {offsets = [0, 61], sizes = [62, 1], strides = [1, 1]} : vector<62x62xf32> to vector<62x1xf32>
    %gt3A_946 = vector.broadcast %slice3A_945 : vector<62x1xf32> to vector<62x62xf32>
    %gt3A_947 = arith.cmpf ogt, %gt3A_946, %div3A_153 : vector<62x62xf32>
    %eq3A_948 = vector.broadcast %slice3A_945 : vector<62x1xf32> to vector<62x62xf32>
    %eq3A_949 = arith.cmpf oeq, %eq3A_948, %div3A_153 : vector<62x62xf32>
    %gt3A_950 = arith.constant 61 : i32
    %gt3A_951 = vector.broadcast %gt3A_950 : i32 to vector<62x62xi32>
    %gt3A_952 = arith.cmpi sgt, %iota3A, %gt3A_951 : vector<62x62xi32>
    %and3A_953 = arith.andi %eq3A_949, %gt3A_952 : vector<62x62xi1>
    %or3A_954 = arith.ori %gt3A_947, %and3A_953 : vector<62x62xi1>
    %convert_element_type3A_955 = arith.extui %or3A_954 : vector<62x62xi1> to vector<62x62xi32>
    %convert_element_type3A_956 = arith.sitofp %convert_element_type3A_955 : vector<62x62xi32> to vector<62x62xf32>
    %add3A_957 = arith.addf %add3A_944, %convert_element_type3A_956 : vector<62x62xf32>
    %lt3A = arith.constant 4.900000e+01 : f32
    %lt3A_958 = vector.broadcast %lt3A : f32 to vector<62x62xf32>
    %lt3A_959 = arith.cmpf olt, %add3A_957, %lt3A_958 : vector<62x62xf32>
    %convert_element_type3A_960 = arith.extui %lt3A_959 : vector<62x62xi1> to vector<62x62xi32>
    %convert_element_type3A_961 = arith.sitofp %convert_element_type3A_960 : vector<62x62xi32> to vector<62x62xf32>
    %mul3A_962 = arith.mulf %div3A_153, %convert_element_type3A_961 : vector<62x62xf32>
    %swap3A_963 = arith.constant 0 : index
    %swap3A_964 = arith.constant 0 : index
    %swap3A_965 = arith.constant 0 : index
    %swap3A_966 = vector.load %arg10[%swap3A_963, %swap3A_964, %swap3A_965] : memref<1x62x62xf32, #tpu.memory_space<vmem>>, vector<1x62x62xf32>
    %swap3A_967 = vector.shape_cast %swap3A_966 : vector<1x62x62xf32> to vector<62x62xf32>
    %swap3A_968 = vector.shape_cast %mul3A_962 : vector<62x62xf32> to vector<1x62x62xf32>
    tpu.vector_store %arg10[%swap3A_963, %swap3A_964, %swap3A_965], %swap3A_968 {strides = array<i32>} : memref<1x62x62xf32, #tpu.memory_space<vmem>>, vector<1x62x62xf32>,
    %slice3A_969 = vector.extract_strided_slice %reshape3A {offsets = [0, 0, 0], sizes = [1, 62, 1024], strides = [1, 1, 1]} : vector<5x62x1024xf32> to vector<1x62x1024xf32>
    %squeeze3A = vector.shape_cast %slice3A_969 : vector<1x62x1024xf32> to vector<62x1024xf32>
    %dot_general3A_970 = arith.constant dense<0.000000e+00> : vector<62x1024xf32>
    %dot_general3A_971 = tpu.matmul %mul3A_962, %squeeze3A, %dot_general3A_970 {dimension_numbers = #tpu.dot_dimension_numbers<[0], [0], [1], [1], [0, 1, 1, 1], [], []>, transpose_lhs_hint = false} : vector<62x62xf32>, vector<62x1024xf32>, vector<62x1024xf32> -> vector<62x1024xf32>
    %slice3A_972 = vector.extract_strided_slice %reshape3A {offsets = [1, 0, 0], sizes = [1, 62, 1024], strides = [1, 1, 1]} : vector<5x62x1024xf32> to vector<1x62x1024xf32>
    %squeeze3A_973 = vector.shape_cast %slice3A_972 : vector<1x62x1024xf32> to vector<62x1024xf32>
    %dot_general3A_974 = arith.constant dense<0.000000e+00> : vector<62x1024xf32>
    %dot_general3A_975 = tpu.matmul %mul3A_962, %squeeze3A_973, %dot_general3A_974 {dimension_numbers = #tpu.dot_dimension_numbers<[0], [0], [1], [1], [0, 1, 1, 1], [], []>, transpose_lhs_hint = false} : vector<62x62xf32>, vector<62x1024xf32>, vector<62x1024xf32> -> vector<62x1024xf32>
    %slice3A_976 = vector.extract_strided_slice %reshape3A {offsets = [2, 0, 0], sizes = [1, 62, 1024], strides = [1, 1, 1]} : vector<5x62x1024xf32> to vector<1x62x1024xf32>
    %squeeze3A_977 = vector.shape_cast %slice3A_976 : vector<1x62x1024xf32> to vector<62x1024xf32>
    %dot_general3A_978 = arith.constant dense<0.000000e+00> : vector<62x1024xf32>
    %dot_general3A_979 = tpu.matmul %mul3A_962, %squeeze3A_977, %dot_general3A_978 {dimension_numbers = #tpu.dot_dimension_numbers<[0], [0], [1], [1], [0, 1, 1, 1], [], []>, transpose_lhs_hint = false} : vector<62x62xf32>, vector<62x1024xf32>, vector<62x1024xf32> -> vector<62x1024xf32>
    %slice3A_980 = vector.extract_strided_slice %reshape3A {offsets = [3, 0, 0], sizes = [1, 62, 1024], strides = [1, 1, 1]} : vector<5x62x1024xf32> to vector<1x62x1024xf32>
    %squeeze3A_981 = vector.shape_cast %slice3A_980 : vector<1x62x1024xf32> to vector<62x1024xf32>
    %dot_general3A_982 = arith.constant dense<0.000000e+00> : vector<62x1024xf32>
    %dot_general3A_983 = tpu.matmul %mul3A_962, %squeeze3A_981, %dot_general3A_982 {dimension_numbers = #tpu.dot_dimension_numbers<[0], [0], [1], [1], [0, 1, 1, 1], [], []>, transpose_lhs_hint = false} : vector<62x62xf32>, vector<62x1024xf32>, vector<62x1024xf32> -> vector<62x1024xf32>
    %slice3A_984 = vector.extract_strided_slice %reshape3A {offsets = [4, 0, 0], sizes = [1, 62, 1024], strides = [1, 1, 1]} : vector<5x62x1024xf32> to vector<1x62x1024xf32>
    %squeeze3A_985 = vector.shape_cast %slice3A_984 : vector<1x62x1024xf32> to vector<62x1024xf32>
    %dot_general3A_986 = arith.constant dense<0.000000e+00> : vector<62x1024xf32>
    %dot_general3A_987 = tpu.matmul %mul3A_962, %squeeze3A_985, %dot_general3A_986 {dimension_numbers = #tpu.dot_dimension_numbers<[0], [0], [1], [1], [0, 1, 1, 1], [], []>, transpose_lhs_hint = false} : vector<62x62xf32>, vector<62x1024xf32>, vector<62x1024xf32> -> vector<62x1024xf32>
    %stack3A = vector.shape_cast %dot_general3A_971 : vector<62x1024xf32> to vector<1x62x1024xf32>
    %stack3A_988 = vector.shape_cast %dot_general3A_975 : vector<62x1024xf32> to vector<1x62x1024xf32>
    %stack3A_989 = vector.shape_cast %dot_general3A_979 : vector<62x1024xf32> to vector<1x62x1024xf32>
    %stack3A_990 = vector.shape_cast %dot_general3A_983 : vector<62x1024xf32> to vector<1x62x1024xf32>
    %stack3A_991 = vector.shape_cast %dot_general3A_987 : vector<62x1024xf32> to vector<1x62x1024xf32>
    %stack3A_992 = tpu.concatenate %stack3A, %stack3A_988, %stack3A_989, %stack3A_990, %stack3A_991 in 0 : vector<1x62x1024xf32>, vector<1x62x1024xf32>, vector<1x62x1024xf32>, vector<1x62x1024xf32>, vector<1x62x1024xf32> -> vector<5x62x1024xf32>
    %reshape3A_993 = vector.shape_cast %stack3A_992 : vector<5x62x1024xf32> to vector<5x63488xf32>
    %dot_general3A_994 = arith.constant dense<0.000000e+00> : vector<5x63488xf32>
    %dot_general3A_995 = tpu.matmul %get3A_29, %reshape3A_993, %dot_general3A_994 {dimension_numbers = #tpu.dot_dimension_numbers<[1], [0], [0], [1], [0, 0, 1, 1], [], []>, transpose_lhs_hint = false} : vector<5x5xf32>, vector<5x63488xf32>, vector<5x63488xf32> -> vector<5x63488xf32>
    %add3A_996 = vector.broadcast %get3A_34 : vector<5x1xf32> to vector<5x63488xf32>
    %add3A_997 = arith.addf %dot_general3A_995, %add3A_996 : vector<5x63488xf32>
    %add3A_998 = arith.addf %add3A_997, %get3A_4 : vector<5x63488xf32>
    %swap3A_999 = arith.constant 0 : index
    %swap3A_1000 = arith.constant 5 : index
    %swap3A_1001 = arith.constant 0 : index
    %swap3A_1002 = vector.load %arg9[%swap3A_999, %swap3A_1000, %swap3A_1001] : memref<1x20x63488xf32, #tpu.memory_space<vmem>>, vector<1x5x63488xf32>
    %swap3A_1003 = vector.shape_cast %swap3A_1002 : vector<1x5x63488xf32> to vector<5x63488xf32>
    %swap3A_1004 = vector.shape_cast %add3A_998 : vector<5x63488xf32> to vector<1x5x63488xf32>
    tpu.vector_store %arg9[%swap3A_999, %swap3A_1000, %swap3A_1001], %swap3A_1004 {strides = array<i32>} : memref<1x20x63488xf32, #tpu.memory_space<vmem>>, vector<1x5x63488xf32>,
    %get3A_1005 = arith.constant 1 : index
    %get3A_1006 = arith.constant 0 : index
    %get3A_1007 = arith.constant 0 : index
    %get3A_1008 = vector.load %arg2[%get3A_1005, %get3A_1006, %get3A_1007] : memref<3x5x5xf32, #tpu.memory_space<vmem>>, vector<1x5x5xf32>
    %get3A_1009 = vector.shape_cast %get3A_1008 : vector<1x5x5xf32> to vector<5x5xf32>
    %get3A_1010 = arith.constant 1 : index
    %get3A_1011 = arith.constant 0 : index
    %get3A_1012 = arith.constant 0 : index
    %get3A_1013 = vector.load %arg3[%get3A_1010, %get3A_1011, %get3A_1012] : memref<3x5x1xf32, #tpu.memory_space<vmem>>, vector<1x5x1xf32>
    %get3A_1014 = vector.shape_cast %get3A_1013 : vector<1x5x1xf32> to vector<5x1xf32>
    %get3A_1015 = arith.constant 1 : index
    %get3A_1016 = arith.constant 0 : index
    %get3A_1017 = arith.constant 0 : index
    %get3A_1018 = vector.load %arg4[%get3A_1015, %get3A_1016, %get3A_1017] : memref<3x5x62xf32, #tpu.memory_space<vmem>>, vector<1x5x62xf32>
    %get3A_1019 = vector.shape_cast %get3A_1018 : vector<1x5x62xf32> to vector<5x62xf32>
    %get3A_1020 = arith.constant 1 : index
    %get3A_1021 = arith.constant 0 : index
    %get3A_1022 = arith.constant 0 : index
    %get3A_1023 = vector.load %arg7[%get3A_1020, %get3A_1021, %get3A_1022] : memref<3x5x5xf32, #tpu.memory_space<vmem>>, vector<1x5x5xf32>
    %get3A_1024 = vector.shape_cast %get3A_1023 : vector<1x5x5xf32> to vector<5x5xf32>
    %get3A_1025 = arith.constant 1 : index
    %get3A_1026 = arith.constant 0 : index
    %get3A_1027 = arith.constant 0 : index
    %get3A_1028 = vector.load %arg8[%get3A_1025, %get3A_1026, %get3A_1027] : memref<3x5x1xf32, #tpu.memory_space<vmem>>, vector<1x5x1xf32>
    %get3A_1029 = vector.shape_cast %get3A_1028 : vector<1x5x1xf32> to vector<5x1xf32>
    %dot_general3A_1030 = arith.constant dense<0.000000e+00> : vector<5x63488xf32>
    %dot_general3A_1031 = tpu.matmul %get3A_1009, %add3A_998, %dot_general3A_1030 {dimension_numbers = #tpu.dot_dimension_numbers<[1], [0], [0], [1], [0, 0, 1, 1], [], []>, transpose_lhs_hint = false} : vector<5x5xf32>, vector<5x63488xf32>, vector<5x63488xf32> -> vector<5x63488xf32>
    %add3A_1032 = vector.broadcast %get3A_1014 : vector<5x1xf32> to vector<5x63488xf32>
    %add3A_1033 = arith.addf %dot_general3A_1031, %add3A_1032 : vector<5x63488xf32>
    %reshape3A_1034 = vector.shape_cast %add3A_1033 : vector<5x63488xf32> to vector<5x62x1024xf32>
    %reduce_sum3A_1035 = arith.constant dense<0.000000e+00> : vector<5x62xf32>
    %reduce_sum3A_1036 = vector.multi_reduction <add>, %reshape3A_1034, %reduce_sum3A_1035 [2] : vector<5x62x1024xf32> to vector<5x62xf32>
    %dot_general3A_1037 = arith.constant dense<0.000000e+00> : vector<62x62xf32>
    %dot_general3A_1038 = tpu.matmul %reduce_sum3A_1036, %get3A_1019, %dot_general3A_1037 {dimension_numbers = #tpu.dot_dimension_numbers<[0], [0], [1], [1], [0, 1, 1, 1], [], []>, transpose_lhs_hint = false} : vector<5x62xf32>, vector<5x62xf32>, vector<62x62xf32> -> vector<62x62xf32>
    %div3A_1039 = vector.broadcast %sqrt3A_0 : f32 to vector<62x62xf32>
    %div3A_1040 = arith.divf %dot_general3A_1038, %div3A_1039 : vector<62x62xf32>
    %max3A_1041 = arith.constant 0.000000e+00 : f32
    %max3A_1042 = vector.broadcast %max3A_1041 : f32 to vector<62x62xf32>
    %max3A_1043 = arith.maximumf %div3A_1040, %max3A_1042 : vector<62x62xf32>
    %reduce_max3A_1044 = arith.constant dense<0xFF800000> : vector<62xf32>
    %reduce_max3A_1045 = vector.multi_reduction <maximumf>, %max3A_1043, %reduce_max3A_1044 [1] : vector<62x62xf32> to vector<62xf32>
    %broadcast_in_dim3A_1046 = vector.shape_cast %reduce_max3A_1045 : vector<62xf32> to vector<62x1xf32>
    %sub3A_1047 = vector.broadcast %broadcast_in_dim3A_1046 : vector<62x1xf32> to vector<62x62xf32>
    %sub3A_1048 = arith.subf %max3A_1043, %sub3A_1047 : vector<62x62xf32>
    %exp3A_1049 = math.exp %sub3A_1048 : vector<62x62xf32>
    %transpose3A_1050 = tpu.transpose %exp3A_1049, [1, 0] : vector<62x62xf32> -> vector<62x62xf32>
    %reduce_sum3A_1051 = arith.constant dense<0.000000e+00> : vector<62xf32>
    %reduce_sum3A_1052 = vector.multi_reduction <add>, %transpose3A_1050, %reduce_sum3A_1051 [0] : vector<62x62xf32> to vector<62xf32>
    %broadcast_in_dim3A_1053 = vector.shape_cast %reduce_sum3A_1052 : vector<62xf32> to vector<1x62xf32>
    %transpose3A_1054 = tpu.transpose %broadcast_in_dim3A_1053, [1, 0] : vector<1x62xf32> -> vector<62x1xf32>
    %div3A_1055 = vector.broadcast %transpose3A_1054 : vector<62x1xf32> to vector<62x62xf32>
    %div3A_1056 = arith.divf %exp3A_1049, %div3A_1055 : vector<62x62xf32>
    %dot_general3A_1057 = arith.constant dense<0.000000e+00> : vector<62x62xf32>
    %dot_general3A_1058 = tpu.matmul %reduce_sum3A_1036, %reduce_sum3A_1036, %dot_general3A_1057 {dimension_numbers = #tpu.dot_dimension_numbers<[0], [0], [1], [1], [0, 1, 1, 1], [], []>, transpose_lhs_hint = false} : vector<5x62xf32>, vector<5x62xf32>, vector<62x62xf32> -> vector<62x62xf32>
    %div3A_1059 = vector.broadcast %sqrt3A_0 : f32 to vector<62x62xf32>
    %div3A_1060 = arith.divf %dot_general3A_1058, %div3A_1059 : vector<62x62xf32>
    %max3A_1061 = arith.constant 0.000000e+00 : f32
    %max3A_1062 = vector.broadcast %max3A_1061 : f32 to vector<62x62xf32>
    %max3A_1063 = arith.maximumf %div3A_1060, %max3A_1062 : vector<62x62xf32>
    %reduce_max3A_1064 = arith.constant dense<0xFF800000> : vector<62xf32>
    %reduce_max3A_1065 = vector.multi_reduction <maximumf>, %max3A_1063, %reduce_max3A_1064 [1] : vector<62x62xf32> to vector<62xf32>
    %broadcast_in_dim3A_1066 = vector.shape_cast %reduce_max3A_1065 : vector<62xf32> to vector<62x1xf32>
    %sub3A_1067 = vector.broadcast %broadcast_in_dim3A_1066 : vector<62x1xf32> to vector<62x62xf32>
    %sub3A_1068 = arith.subf %max3A_1063, %sub3A_1067 : vector<62x62xf32>
    %exp3A_1069 = math.exp %sub3A_1068 : vector<62x62xf32>
    %reduce_sum3A_1070 = arith.constant dense<0.000000e+00> : vector<62xf32>
    %reduce_sum3A_1071 = vector.multi_reduction <add>, %exp3A_1069, %reduce_sum3A_1070 [1] : vector<62x62xf32> to vector<62xf32>
    %broadcast_in_dim3A_1072 = vector.shape_cast %reduce_sum3A_1071 : vector<62xf32> to vector<62x1xf32>
    %div3A_1073 = vector.broadcast %broadcast_in_dim3A_1072 : vector<62x1xf32> to vector<62x62xf32>
    %div3A_1074 = arith.divf %exp3A_1069, %div3A_1073 : vector<62x62xf32>
    %get3A_1075 = arith.constant 1 : index
    %get3A_1076 = arith.constant 0 : index
    %get3A_1077 = arith.constant 0 : index
    %get3A_1078 = vector.load %arg5[%get3A_1075, %get3A_1076, %get3A_1077] : memref<3x2x1xf32, #tpu.memory_space<vmem>>, vector<1x1x1xf32>
    %get3A_1079 = vector.shape_cast %get3A_1078 : vector<1x1x1xf32> to vector<1x1xf32>
    %get3A_1080 = arith.constant 1 : index
    %get3A_1081 = arith.constant 1 : index
    %get3A_1082 = arith.constant 0 : index
    %get3A_1083 = vector.load %arg5[%get3A_1080, %get3A_1081, %get3A_1082] : memref<3x2x1xf32, #tpu.memory_space<vmem>>, vector<1x1x1xf32>
    %get3A_1084 = vector.shape_cast %get3A_1083 : vector<1x1x1xf32> to vector<1x1xf32>
    %get3A_1085 = arith.constant 1 : index
    %get3A_1086 = arith.constant 0 : index
    %get3A_1087 = arith.constant 0 : index
    %get3A_1088 = vector.load %arg6[%get3A_1085, %get3A_1086, %get3A_1087] : memref<3x1x1xf32, #tpu.memory_space<vmem>>, vector<1x1x1xf32>
    %get3A_1089 = vector.shape_cast %get3A_1088 : vector<1x1x1xf32> to vector<1x1xf32>
    %convert_element_type3A_1090 = arith.truncf %div3A_1056 : vector<62x62xf32> to vector<62x62xbf16>
    %convert_element_type3A_1091 = arith.extf %convert_element_type3A_1090 : vector<62x62xbf16> to vector<62x62xf32>
    %convert_element_type3A_1092 = arith.truncf %get3A_1079 : vector<1x1xf32> to vector<1x1xbf16>
    %convert_element_type3A_1093 = arith.extf %convert_element_type3A_1092 : vector<1x1xbf16> to vector<1x1xf32>
    %mul3A_1094 = vector.broadcast %convert_element_type3A_1093 : vector<1x1xf32> to vector<62x62xf32>
    %mul3A_1095 = arith.mulf %convert_element_type3A_1091, %mul3A_1094 : vector<62x62xf32>
    %convert_element_type3A_1096 = arith.truncf %div3A_1074 : vector<62x62xf32> to vector<62x62xbf16>
    %convert_element_type3A_1097 = arith.extf %convert_element_type3A_1096 : vector<62x62xbf16> to vector<62x62xf32>
    %convert_element_type3A_1098 = arith.truncf %get3A_1084 : vector<1x1xf32> to vector<1x1xbf16>
    %convert_element_type3A_1099 = arith.extf %convert_element_type3A_1098 : vector<1x1xbf16> to vector<1x1xf32>
    %mul3A_1100 = vector.broadcast %convert_element_type3A_1099 : vector<1x1xf32> to vector<62x62xf32>
    %mul3A_1101 = arith.mulf %convert_element_type3A_1097, %mul3A_1100 : vector<62x62xf32>
    %bitcast_convert_type3A_1102 = tpu.bitcast %mul3A_1095 : vector<62x62xf32> -> vector<62x62xi32>
    %bitcast_convert_type3A_1103 = tpu.bitcast %mul3A_1101 : vector<62x62xf32> -> vector<62x62xi32>
    %and3A_1104 = arith.constant 2147483647 : i32
    %and3A_1105 = vector.broadcast %and3A_1104 : i32 to vector<62x62xi32>
    %and3A_1106 = arith.andi %bitcast_convert_type3A_1102, %and3A_1105 : vector<62x62xi32>
    %and3A_1107 = arith.constant 2147483647 : i32
    %and3A_1108 = vector.broadcast %and3A_1107 : i32 to vector<62x62xi32>
    %and3A_1109 = arith.andi %bitcast_convert_type3A_1103, %and3A_1108 : vector<62x62xi32>
    %ge3A_1110 = arith.cmpi sge, %and3A_1106, %and3A_1109 : vector<62x62xi32>
    %select_n3A_1111 = arith.select %ge3A_1110, %bitcast_convert_type3A_1102, %bitcast_convert_type3A_1103 : vector<62x62xi1>, vector<62x62xi32>
    %select_n3A_1112 = arith.select %ge3A_1110, %bitcast_convert_type3A_1103, %bitcast_convert_type3A_1102 : vector<62x62xi1>, vector<62x62xi32>
    %shift_right_logical3A_1113 = arith.constant 23 : i32
    %shift_right_logical3A_1114 = vector.broadcast %shift_right_logical3A_1113 : i32 to vector<62x62xi32>
    %shift_right_logical3A_1115 = arith.shrui %select_n3A_1111, %shift_right_logical3A_1114 : vector<62x62xi32>
    %and3A_1116 = arith.constant 255 : i32
    %and3A_1117 = vector.broadcast %and3A_1116 : i32 to vector<62x62xi32>
    %and3A_1118 = arith.andi %shift_right_logical3A_1115, %and3A_1117 : vector<62x62xi32>
    %max3A_1119 = arith.constant 1 : i32
    %max3A_1120 = vector.broadcast %max3A_1119 : i32 to vector<62x62xi32>
    %max3A_1121 = arith.maxsi %and3A_1118, %max3A_1120 : vector<62x62xi32>
    %shift_right_logical3A_1122 = arith.constant 23 : i32
    %shift_right_logical3A_1123 = vector.broadcast %shift_right_logical3A_1122 : i32 to vector<62x62xi32>
    %shift_right_logical3A_1124 = arith.shrui %select_n3A_1112, %shift_right_logical3A_1123 : vector<62x62xi32>
    %and3A_1125 = arith.constant 255 : i32
    %and3A_1126 = vector.broadcast %and3A_1125 : i32 to vector<62x62xi32>
    %and3A_1127 = arith.andi %shift_right_logical3A_1124, %and3A_1126 : vector<62x62xi32>
    %max3A_1128 = arith.constant 1 : i32
    %max3A_1129 = vector.broadcast %max3A_1128 : i32 to vector<62x62xi32>
    %max3A_1130 = arith.maxsi %and3A_1127, %max3A_1129 : vector<62x62xi32>
    %sub3A_1131 = arith.subi %max3A_1121, %max3A_1130 : vector<62x62xi32>
    %sub3A_1132 = arith.constant 4 : i32
    %sub3A_1133 = vector.broadcast %sub3A_1132 : i32 to vector<62x62xi32>
    %sub3A_1134 = arith.subi %sub3A_1131, %sub3A_1133 : vector<62x62xi32>
    %broadcast_in_dim3A_1135 = arith.constant -1 : i32
    %broadcast_in_dim3A_1136 = vector.broadcast %broadcast_in_dim3A_1135 : i32 to vector<62x62xi32>
    %jit3A_1137 = arith.constant 0 : i32
    %jit3A_1138 = arith.constant 23 : i32
    %max3A_1139 = vector.broadcast %jit3A_1137 : i32 to vector<62x62xi32>
    %max3A_1140 = arith.maxsi %max3A_1139, %sub3A_1134 : vector<62x62xi32>
    %min3A_1141 = vector.broadcast %jit3A_1138 : i32 to vector<62x62xi32>
    %min3A_1142 = arith.minsi %min3A_1141, %max3A_1140 : vector<62x62xi32>
    %shift_left3A_1143 = arith.shli %broadcast_in_dim3A_1136, %min3A_1142 : vector<62x62xi32>
    %le3A_1144 = arith.constant 0 : i32
    %le3A_1145 = vector.broadcast %le3A_1144 : i32 to vector<62x62xi32>
    %le3A_1146 = arith.cmpi sle, %sub3A_1134, %le3A_1145 : vector<62x62xi32>
    %ge3A_1147 = arith.constant 24 : i32
    %ge3A_1148 = vector.broadcast %ge3A_1147 : i32 to vector<62x62xi32>
    %ge3A_1149 = arith.cmpi sge, %sub3A_1134, %ge3A_1148 : vector<62x62xi32>
    %broadcast_in_dim3A_1150 = arith.constant 0 : i32
    %broadcast_in_dim3A_1151 = vector.broadcast %broadcast_in_dim3A_1150 : i32 to vector<62x62xi32>
    %and3A_1152 = arith.andi %select_n3A_1112, %shift_left3A_1143 : vector<62x62xi32>
    %select_n3A_1153 = arith.select %ge3A_1149, %broadcast_in_dim3A_1151, %and3A_1152 : vector<62x62xi1>, vector<62x62xi32>
    %select_n3A_1154 = arith.select %le3A_1146, %select_n3A_1112, %select_n3A_1153 : vector<62x62xi1>, vector<62x62xi32>
    %bitcast_convert_type3A_1155 = tpu.bitcast %select_n3A_1111 : vector<62x62xi32> -> vector<62x62xf32>
    %bitcast_convert_type3A_1156 = tpu.bitcast %select_n3A_1154 : vector<62x62xi32> -> vector<62x62xf32>
    %add3A_1157 = arith.addf %bitcast_convert_type3A_1155, %bitcast_convert_type3A_1156 : vector<62x62xf32>
    %add3A_1158 = vector.broadcast %get3A_1089 : vector<1x1xf32> to vector<62x62xf32>
    %add3A_1159 = arith.addf %add3A_1157, %add3A_1158 : vector<62x62xf32>
    %reduce_max3A_1160 = arith.constant dense<0xFF800000> : vector<62xf32>
    %reduce_max3A_1161 = vector.multi_reduction <maximumf>, %add3A_1159, %reduce_max3A_1160 [1] : vector<62x62xf32> to vector<62xf32>
    %broadcast_in_dim3A_1162 = vector.shape_cast %reduce_max3A_1161 : vector<62xf32> to vector<62x1xf32>
    %sub3A_1163 = vector.broadcast %broadcast_in_dim3A_1162 : vector<62x1xf32> to vector<62x62xf32>
    %sub3A_1164 = arith.subf %add3A_1159, %sub3A_1163 : vector<62x62xf32>
    %exp3A_1165 = math.exp %sub3A_1164 : vector<62x62xf32>
    %reduce_sum3A_1166 = arith.constant dense<0.000000e+00> : vector<62xf32>
    %reduce_sum3A_1167 = vector.multi_reduction <add>, %exp3A_1165, %reduce_sum3A_1166 [1] : vector<62x62xf32> to vector<62xf32>
    %broadcast_in_dim3A_1168 = vector.shape_cast %reduce_sum3A_1167 : vector<62xf32> to vector<62x1xf32>
    %div3A_1169 = vector.broadcast %broadcast_in_dim3A_1168 : vector<62x1xf32> to vector<62x62xf32>
    %div3A_1170 = arith.divf %exp3A_1165, %div3A_1169 : vector<62x62xf32>
    %iota3A_1171 = tpu.iota {dimensions = array<i32: 1>} : vector<62x62xi32>
    %broadcast_in_dim3A_1172 = arith.constant 0.000000e+00 : f32
    %broadcast_in_dim3A_1173 = vector.broadcast %broadcast_in_dim3A_1172 : f32 to vector<62x62xf32>
    %slice3A_1174 = vector.extract_strided_slice %div3A_1170 {offsets = [0, 0], sizes = [62, 1], strides = [1, 1]} : vector<62x62xf32> to vector<62x1xf32>
    %gt3A_1175 = vector.broadcast %slice3A_1174 : vector<62x1xf32> to vector<62x62xf32>
    %gt3A_1176 = arith.cmpf ogt, %gt3A_1175, %div3A_1170 : vector<62x62xf32>
    %eq3A_1177 = vector.broadcast %slice3A_1174 : vector<62x1xf32> to vector<62x62xf32>
    %eq3A_1178 = arith.cmpf oeq, %eq3A_1177, %div3A_1170 : vector<62x62xf32>
    %gt3A_1179 = arith.constant 0 : i32
    %gt3A_1180 = vector.broadcast %gt3A_1179 : i32 to vector<62x62xi32>
    %gt3A_1181 = arith.cmpi sgt, %iota3A_1171, %gt3A_1180 : vector<62x62xi32>
    %and3A_1182 = arith.andi %eq3A_1178, %gt3A_1181 : vector<62x62xi1>
    %or3A_1183 = arith.ori %gt3A_1176, %and3A_1182 : vector<62x62xi1>
    %convert_element_type3A_1184 = arith.extui %or3A_1183 : vector<62x62xi1> to vector<62x62xi32>
    %convert_element_type3A_1185 = arith.sitofp %convert_element_type3A_1184 : vector<62x62xi32> to vector<62x62xf32>
    %add3A_1186 = arith.addf %broadcast_in_dim3A_1173, %convert_element_type3A_1185 : vector<62x62xf32>
    %slice3A_1187 = vector.extract_strided_slice %div3A_1170 {offsets = [0, 1], sizes = [62, 1], strides = [1, 1]} : vector<62x62xf32> to vector<62x1xf32>
    %gt3A_1188 = vector.broadcast %slice3A_1187 : vector<62x1xf32> to vector<62x62xf32>
    %gt3A_1189 = arith.cmpf ogt, %gt3A_1188, %div3A_1170 : vector<62x62xf32>
    %eq3A_1190 = vector.broadcast %slice3A_1187 : vector<62x1xf32> to vector<62x62xf32>
    %eq3A_1191 = arith.cmpf oeq, %eq3A_1190, %div3A_1170 : vector<62x62xf32>
    %gt3A_1192 = arith.constant 1 : i32
    %gt3A_1193 = vector.broadcast %gt3A_1192 : i32 to vector<62x62xi32>
    %gt3A_1194 = arith.cmpi sgt, %iota3A_1171, %gt3A_1193 : vector<62x62xi32>
    %and3A_1195 = arith.andi %eq3A_1191, %gt3A_1194 : vector<62x62xi1>
    %or3A_1196 = arith.ori %gt3A_1189, %and3A_1195 : vector<62x62xi1>
    %convert_element_type3A_1197 = arith.extui %or3A_1196 : vector<62x62xi1> to vector<62x62xi32>
    %convert_element_type3A_1198 = arith.sitofp %convert_element_type3A_1197 : vector<62x62xi32> to vector<62x62xf32>
    %add3A_1199 = arith.addf %add3A_1186, %convert_element_type3A_1198 : vector<62x62xf32>
    %slice3A_1200 = vector.extract_strided_slice %div3A_1170 {offsets = [0, 2], sizes = [62, 1], strides = [1, 1]} : vector<62x62xf32> to vector<62x1xf32>
    %gt3A_1201 = vector.broadcast %slice3A_1200 : vector<62x1xf32> to vector<62x62xf32>
    %gt3A_1202 = arith.cmpf ogt, %gt3A_1201, %div3A_1170 : vector<62x62xf32>
    %eq3A_1203 = vector.broadcast %slice3A_1200 : vector<62x1xf32> to vector<62x62xf32>
    %eq3A_1204 = arith.cmpf oeq, %eq3A_1203, %div3A_1170 : vector<62x62xf32>
    %gt3A_1205 = arith.constant 2 : i32
    %gt3A_1206 = vector.broadcast %gt3A_1205 : i32 to vector<62x62xi32>
    %gt3A_1207 = arith.cmpi sgt, %iota3A_1171, %gt3A_1206 : vector<62x62xi32>
    %and3A_1208 = arith.andi %eq3A_1204, %gt3A_1207 : vector<62x62xi1>
    %or3A_1209 = arith.ori %gt3A_1202, %and3A_1208 : vector<62x62xi1>
    %convert_element_type3A_1210 = arith.extui %or3A_1209 : vector<62x62xi1> to vector<62x62xi32>
    %convert_element_type3A_1211 = arith.sitofp %convert_element_type3A_1210 : vector<62x62xi32> to vector<62x62xf32>
    %add3A_1212 = arith.addf %add3A_1199, %convert_element_type3A_1211 : vector<62x62xf32>
    %slice3A_1213 = vector.extract_strided_slice %div3A_1170 {offsets = [0, 3], sizes = [62, 1], strides = [1, 1]} : vector<62x62xf32> to vector<62x1xf32>
    %gt3A_1214 = vector.broadcast %slice3A_1213 : vector<62x1xf32> to vector<62x62xf32>
    %gt3A_1215 = arith.cmpf ogt, %gt3A_1214, %div3A_1170 : vector<62x62xf32>
    %eq3A_1216 = vector.broadcast %slice3A_1213 : vector<62x1xf32> to vector<62x62xf32>
    %eq3A_1217 = arith.cmpf oeq, %eq3A_1216, %div3A_1170 : vector<62x62xf32>
    %gt3A_1218 = arith.constant 3 : i32
    %gt3A_1219 = vector.broadcast %gt3A_1218 : i32 to vector<62x62xi32>
    %gt3A_1220 = arith.cmpi sgt, %iota3A_1171, %gt3A_1219 : vector<62x62xi32>
    %and3A_1221 = arith.andi %eq3A_1217, %gt3A_1220 : vector<62x62xi1>
    %or3A_1222 = arith.ori %gt3A_1215, %and3A_1221 : vector<62x62xi1>
    %convert_element_type3A_1223 = arith.extui %or3A_1222 : vector<62x62xi1> to vector<62x62xi32>
    %convert_element_type3A_1224 = arith.sitofp %convert_element_type3A_1223 : vector<62x62xi32> to vector<62x62xf32>
    %add3A_1225 = arith.addf %add3A_1212, %convert_element_type3A_1224 : vector<62x62xf32>
    %slice3A_1226 = vector.extract_strided_slice %div3A_1170 {offsets = [0, 4], sizes = [62, 1], strides = [1, 1]} : vector<62x62xf32> to vector<62x1xf32>
    %gt3A_1227 = vector.broadcast %slice3A_1226 : vector<62x1xf32> to vector<62x62xf32>
    %gt3A_1228 = arith.cmpf ogt, %gt3A_1227, %div3A_1170 : vector<62x62xf32>
    %eq3A_1229 = vector.broadcast %slice3A_1226 : vector<62x1xf32> to vector<62x62xf32>
    %eq3A_1230 = arith.cmpf oeq, %eq3A_1229, %div3A_1170 : vector<62x62xf32>
    %gt3A_1231 = arith.constant 4 : i32
    %gt3A_1232 = vector.broadcast %gt3A_1231 : i32 to vector<62x62xi32>
    %gt3A_1233 = arith.cmpi sgt, %iota3A_1171, %gt3A_1232 : vector<62x62xi32>
    %and3A_1234 = arith.andi %eq3A_1230, %gt3A_1233 : vector<62x62xi1>
    %or3A_1235 = arith.ori %gt3A_1228, %and3A_1234 : vector<62x62xi1>
    %convert_element_type3A_1236 = arith.extui %or3A_1235 : vector<62x62xi1> to vector<62x62xi32>
    %convert_element_type3A_1237 = arith.sitofp %convert_element_type3A_1236 : vector<62x62xi32> to vector<62x62xf32>
    %add3A_1238 = arith.addf %add3A_1225, %convert_element_type3A_1237 : vector<62x62xf32>
    %slice3A_1239 = vector.extract_strided_slice %div3A_1170 {offsets = [0, 5], sizes = [62, 1], strides = [1, 1]} : vector<62x62xf32> to vector<62x1xf32>
    %gt3A_1240 = vector.broadcast %slice3A_1239 : vector<62x1xf32> to vector<62x62xf32>
    %gt3A_1241 = arith.cmpf ogt, %gt3A_1240, %div3A_1170 : vector<62x62xf32>
    %eq3A_1242 = vector.broadcast %slice3A_1239 : vector<62x1xf32> to vector<62x62xf32>
    %eq3A_1243 = arith.cmpf oeq, %eq3A_1242, %div3A_1170 : vector<62x62xf32>
    %gt3A_1244 = arith.constant 5 : i32
    %gt3A_1245 = vector.broadcast %gt3A_1244 : i32 to vector<62x62xi32>
    %gt3A_1246 = arith.cmpi sgt, %iota3A_1171, %gt3A_1245 : vector<62x62xi32>
    %and3A_1247 = arith.andi %eq3A_1243, %gt3A_1246 : vector<62x62xi1>
    %or3A_1248 = arith.ori %gt3A_1241, %and3A_1247 : vector<62x62xi1>
    %convert_element_type3A_1249 = arith.extui %or3A_1248 : vector<62x62xi1> to vector<62x62xi32>
    %convert_element_type3A_1250 = arith.sitofp %convert_element_type3A_1249 : vector<62x62xi32> to vector<62x62xf32>
    %add3A_1251 = arith.addf %add3A_1238, %convert_element_type3A_1250 : vector<62x62xf32>
    %slice3A_1252 = vector.extract_strided_slice %div3A_1170 {offsets = [0, 6], sizes = [62, 1], strides = [1, 1]} : vector<62x62xf32> to vector<62x1xf32>
    %gt3A_1253 = vector.broadcast %slice3A_1252 : vector<62x1xf32> to vector<62x62xf32>
    %gt3A_1254 = arith.cmpf ogt, %gt3A_1253, %div3A_1170 : vector<62x62xf32>
    %eq3A_1255 = vector.broadcast %slice3A_1252 : vector<62x1xf32> to vector<62x62xf32>
    %eq3A_1256 = arith.cmpf oeq, %eq3A_1255, %div3A_1170 : vector<62x62xf32>
    %gt3A_1257 = arith.constant 6 : i32
    %gt3A_1258 = vector.broadcast %gt3A_1257 : i32 to vector<62x62xi32>
    %gt3A_1259 = arith.cmpi sgt, %iota3A_1171, %gt3A_1258 : vector<62x62xi32>
    %and3A_1260 = arith.andi %eq3A_1256, %gt3A_1259 : vector<62x62xi1>
    %or3A_1261 = arith.ori %gt3A_1254, %and3A_1260 : vector<62x62xi1>
    %convert_element_type3A_1262 = arith.extui %or3A_1261 : vector<62x62xi1> to vector<62x62xi32>
    %convert_element_type3A_1263 = arith.sitofp %convert_element_type3A_1262 : vector<62x62xi32> to vector<62x62xf32>
    %add3A_1264 = arith.addf %add3A_1251, %convert_element_type3A_1263 : vector<62x62xf32>
    %slice3A_1265 = vector.extract_strided_slice %div3A_1170 {offsets = [0, 7], sizes = [62, 1], strides = [1, 1]} : vector<62x62xf32> to vector<62x1xf32>
    %gt3A_1266 = vector.broadcast %slice3A_1265 : vector<62x1xf32> to vector<62x62xf32>
    %gt3A_1267 = arith.cmpf ogt, %gt3A_1266, %div3A_1170 : vector<62x62xf32>
    %eq3A_1268 = vector.broadcast %slice3A_1265 : vector<62x1xf32> to vector<62x62xf32>
    %eq3A_1269 = arith.cmpf oeq, %eq3A_1268, %div3A_1170 : vector<62x62xf32>
    %gt3A_1270 = arith.constant 7 : i32
    %gt3A_1271 = vector.broadcast %gt3A_1270 : i32 to vector<62x62xi32>
    %gt3A_1272 = arith.cmpi sgt, %iota3A_1171, %gt3A_1271 : vector<62x62xi32>
    %and3A_1273 = arith.andi %eq3A_1269, %gt3A_1272 : vector<62x62xi1>
    %or3A_1274 = arith.ori %gt3A_1267, %and3A_1273 : vector<62x62xi1>
    %convert_element_type3A_1275 = arith.extui %or3A_1274 : vector<62x62xi1> to vector<62x62xi32>
    %convert_element_type3A_1276 = arith.sitofp %convert_element_type3A_1275 : vector<62x62xi32> to vector<62x62xf32>
    %add3A_1277 = arith.addf %add3A_1264, %convert_element_type3A_1276 : vector<62x62xf32>
    %slice3A_1278 = vector.extract_strided_slice %div3A_1170 {offsets = [0, 8], sizes = [62, 1], strides = [1, 1]} : vector<62x62xf32> to vector<62x1xf32>
    %gt3A_1279 = vector.broadcast %slice3A_1278 : vector<62x1xf32> to vector<62x62xf32>
    %gt3A_1280 = arith.cmpf ogt, %gt3A_1279, %div3A_1170 : vector<62x62xf32>
    %eq3A_1281 = vector.broadcast %slice3A_1278 : vector<62x1xf32> to vector<62x62xf32>
    %eq3A_1282 = arith.cmpf oeq, %eq3A_1281, %div3A_1170 : vector<62x62xf32>
    %gt3A_1283 = arith.constant 8 : i32
    %gt3A_1284 = vector.broadcast %gt3A_1283 : i32 to vector<62x62xi32>
    %gt3A_1285 = arith.cmpi sgt, %iota3A_1171, %gt3A_1284 : vector<62x62xi32>
    %and3A_1286 = arith.andi %eq3A_1282, %gt3A_1285 : vector<62x62xi1>
    %or3A_1287 = arith.ori %gt3A_1280, %and3A_1286 : vector<62x62xi1>
    %convert_element_type3A_1288 = arith.extui %or3A_1287 : vector<62x62xi1> to vector<62x62xi32>
    %convert_element_type3A_1289 = arith.sitofp %convert_element_type3A_1288 : vector<62x62xi32> to vector<62x62xf32>
    %add3A_1290 = arith.addf %add3A_1277, %convert_element_type3A_1289 : vector<62x62xf32>
    %slice3A_1291 = vector.extract_strided_slice %div3A_1170 {offsets = [0, 9], sizes = [62, 1], strides = [1, 1]} : vector<62x62xf32> to vector<62x1xf32>
    %gt3A_1292 = vector.broadcast %slice3A_1291 : vector<62x1xf32> to vector<62x62xf32>
    %gt3A_1293 = arith.cmpf ogt, %gt3A_1292, %div3A_1170 : vector<62x62xf32>
    %eq3A_1294 = vector.broadcast %slice3A_1291 : vector<62x1xf32> to vector<62x62xf32>
    %eq3A_1295 = arith.cmpf oeq, %eq3A_1294, %div3A_1170 : vector<62x62xf32>
    %gt3A_1296 = arith.constant 9 : i32
    %gt3A_1297 = vector.broadcast %gt3A_1296 : i32 to vector<62x62xi32>
    %gt3A_1298 = arith.cmpi sgt, %iota3A_1171, %gt3A_1297 : vector<62x62xi32>
    %and3A_1299 = arith.andi %eq3A_1295, %gt3A_1298 : vector<62x62xi1>
    %or3A_1300 = arith.ori %gt3A_1293, %and3A_1299 : vector<62x62xi1>
    %convert_element_type3A_1301 = arith.extui %or3A_1300 : vector<62x62xi1> to vector<62x62xi32>
    %convert_element_type3A_1302 = arith.sitofp %convert_element_type3A_1301 : vector<62x62xi32> to vector<62x62xf32>
    %add3A_1303 = arith.addf %add3A_1290, %convert_element_type3A_1302 : vector<62x62xf32>
    %slice3A_1304 = vector.extract_strided_slice %div3A_1170 {offsets = [0, 10], sizes = [62, 1], strides = [1, 1]} : vector<62x62xf32> to vector<62x1xf32>
    %gt3A_1305 = vector.broadcast %slice3A_1304 : vector<62x1xf32> to vector<62x62xf32>
    %gt3A_1306 = arith.cmpf ogt, %gt3A_1305, %div3A_1170 : vector<62x62xf32>
    %eq3A_1307 = vector.broadcast %slice3A_1304 : vector<62x1xf32> to vector<62x62xf32>
    %eq3A_1308 = arith.cmpf oeq, %eq3A_1307, %div3A_1170 : vector<62x62xf32>
    %gt3A_1309 = arith.constant 10 : i32
    %gt3A_1310 = vector.broadcast %gt3A_1309 : i32 to vector<62x62xi32>
    %gt3A_1311 = arith.cmpi sgt, %iota3A_1171, %gt3A_1310 : vector<62x62xi32>
    %and3A_1312 = arith.andi %eq3A_1308, %gt3A_1311 : vector<62x62xi1>
    %or3A_1313 = arith.ori %gt3A_1306, %and3A_1312 : vector<62x62xi1>
    %convert_element_type3A_1314 = arith.extui %or3A_1313 : vector<62x62xi1> to vector<62x62xi32>
    %convert_element_type3A_1315 = arith.sitofp %convert_element_type3A_1314 : vector<62x62xi32> to vector<62x62xf32>
    %add3A_1316 = arith.addf %add3A_1303, %convert_element_type3A_1315 : vector<62x62xf32>
    %slice3A_1317 = vector.extract_strided_slice %div3A_1170 {offsets = [0, 11], sizes = [62, 1], strides = [1, 1]} : vector<62x62xf32> to vector<62x1xf32>
    %gt3A_1318 = vector.broadcast %slice3A_1317 : vector<62x1xf32> to vector<62x62xf32>
    %gt3A_1319 = arith.cmpf ogt, %gt3A_1318, %div3A_1170 : vector<62x62xf32>
    %eq3A_1320 = vector.broadcast %slice3A_1317 : vector<62x1xf32> to vector<62x62xf32>
    %eq3A_1321 = arith.cmpf oeq, %eq3A_1320, %div3A_1170 : vector<62x62xf32>
    %gt3A_1322 = arith.constant 11 : i32
    %gt3A_1323 = vector.broadcast %gt3A_1322 : i32 to vector<62x62xi32>
    %gt3A_1324 = arith.cmpi sgt, %iota3A_1171, %gt3A_1323 : vector<62x62xi32>
    %and3A_1325 = arith.andi %eq3A_1321, %gt3A_1324 : vector<62x62xi1>
    %or3A_1326 = arith.ori %gt3A_1319, %and3A_1325 : vector<62x62xi1>
    %convert_element_type3A_1327 = arith.extui %or3A_1326 : vector<62x62xi1> to vector<62x62xi32>
    %convert_element_type3A_1328 = arith.sitofp %convert_element_type3A_1327 : vector<62x62xi32> to vector<62x62xf32>
    %add3A_1329 = arith.addf %add3A_1316, %convert_element_type3A_1328 : vector<62x62xf32>
    %slice3A_1330 = vector.extract_strided_slice %div3A_1170 {offsets = [0, 12], sizes = [62, 1], strides = [1, 1]} : vector<62x62xf32> to vector<62x1xf32>
    %gt3A_1331 = vector.broadcast %slice3A_1330 : vector<62x1xf32> to vector<62x62xf32>
    %gt3A_1332 = arith.cmpf ogt, %gt3A_1331, %div3A_1170 : vector<62x62xf32>
    %eq3A_1333 = vector.broadcast %slice3A_1330 : vector<62x1xf32> to vector<62x62xf32>
    %eq3A_1334 = arith.cmpf oeq, %eq3A_1333, %div3A_1170 : vector<62x62xf32>
    %gt3A_1335 = arith.constant 12 : i32
    %gt3A_1336 = vector.broadcast %gt3A_1335 : i32 to vector<62x62xi32>
    %gt3A_1337 = arith.cmpi sgt, %iota3A_1171, %gt3A_1336 : vector<62x62xi32>
    %and3A_1338 = arith.andi %eq3A_1334, %gt3A_1337 : vector<62x62xi1>
    %or3A_1339 = arith.ori %gt3A_1332, %and3A_1338 : vector<62x62xi1>
    %convert_element_type3A_1340 = arith.extui %or3A_1339 : vector<62x62xi1> to vector<62x62xi32>
    %convert_element_type3A_1341 = arith.sitofp %convert_element_type3A_1340 : vector<62x62xi32> to vector<62x62xf32>
    %add3A_1342 = arith.addf %add3A_1329, %convert_element_type3A_1341 : vector<62x62xf32>
    %slice3A_1343 = vector.extract_strided_slice %div3A_1170 {offsets = [0, 13], sizes = [62, 1], strides = [1, 1]} : vector<62x62xf32> to vector<62x1xf32>
    %gt3A_1344 = vector.broadcast %slice3A_1343 : vector<62x1xf32> to vector<62x62xf32>
    %gt3A_1345 = arith.cmpf ogt, %gt3A_1344, %div3A_1170 : vector<62x62xf32>
    %eq3A_1346 = vector.broadcast %slice3A_1343 : vector<62x1xf32> to vector<62x62xf32>
    %eq3A_1347 = arith.cmpf oeq, %eq3A_1346, %div3A_1170 : vector<62x62xf32>
    %gt3A_1348 = arith.constant 13 : i32
    %gt3A_1349 = vector.broadcast %gt3A_1348 : i32 to vector<62x62xi32>
    %gt3A_1350 = arith.cmpi sgt, %iota3A_1171, %gt3A_1349 : vector<62x62xi32>
    %and3A_1351 = arith.andi %eq3A_1347, %gt3A_1350 : vector<62x62xi1>
    %or3A_1352 = arith.ori %gt3A_1345, %and3A_1351 : vector<62x62xi1>
    %convert_element_type3A_1353 = arith.extui %or3A_1352 : vector<62x62xi1> to vector<62x62xi32>
    %convert_element_type3A_1354 = arith.sitofp %convert_element_type3A_1353 : vector<62x62xi32> to vector<62x62xf32>
    %add3A_1355 = arith.addf %add3A_1342, %convert_element_type3A_1354 : vector<62x62xf32>
    %slice3A_1356 = vector.extract_strided_slice %div3A_1170 {offsets = [0, 14], sizes = [62, 1], strides = [1, 1]} : vector<62x62xf32> to vector<62x1xf32>
    %gt3A_1357 = vector.broadcast %slice3A_1356 : vector<62x1xf32> to vector<62x62xf32>
    %gt3A_1358 = arith.cmpf ogt, %gt3A_1357, %div3A_1170 : vector<62x62xf32>
    %eq3A_1359 = vector.broadcast %slice3A_1356 : vector<62x1xf32> to vector<62x62xf32>
    %eq3A_1360 = arith.cmpf oeq, %eq3A_1359, %div3A_1170 : vector<62x62xf32>
    %gt3A_1361 = arith.constant 14 : i32
    %gt3A_1362 = vector.broadcast %gt3A_1361 : i32 to vector<62x62xi32>
    %gt3A_1363 = arith.cmpi sgt, %iota3A_1171, %gt3A_1362 : vector<62x62xi32>
    %and3A_1364 = arith.andi %eq3A_1360, %gt3A_1363 : vector<62x62xi1>
    %or3A_1365 = arith.ori %gt3A_1358, %and3A_1364 : vector<62x62xi1>
    %convert_element_type3A_1366 = arith.extui %or3A_1365 : vector<62x62xi1> to vector<62x62xi32>
    %convert_element_type3A_1367 = arith.sitofp %convert_element_type3A_1366 : vector<62x62xi32> to vector<62x62xf32>
    %add3A_1368 = arith.addf %add3A_1355, %convert_element_type3A_1367 : vector<62x62xf32>
    %slice3A_1369 = vector.extract_strided_slice %div3A_1170 {offsets = [0, 15], sizes = [62, 1], strides = [1, 1]} : vector<62x62xf32> to vector<62x1xf32>
    %gt3A_1370 = vector.broadcast %slice3A_1369 : vector<62x1xf32> to vector<62x62xf32>
    %gt3A_1371 = arith.cmpf ogt, %gt3A_1370, %div3A_1170 : vector<62x62xf32>
    %eq3A_1372 = vector.broadcast %slice3A_1369 : vector<62x1xf32> to vector<62x62xf32>
    %eq3A_1373 = arith.cmpf oeq, %eq3A_1372, %div3A_1170 : vector<62x62xf32>
    %gt3A_1374 = arith.constant 15 : i32
    %gt3A_1375 = vector.broadcast %gt3A_1374 : i32 to vector<62x62xi32>
    %gt3A_1376 = arith.cmpi sgt, %iota3A_1171, %gt3A_1375 : vector<62x62xi32>
    %and3A_1377 = arith.andi %eq3A_1373, %gt3A_1376 : vector<62x62xi1>
    %or3A_1378 = arith.ori %gt3A_1371, %and3A_1377 : vector<62x62xi1>
    %convert_element_type3A_1379 = arith.extui %or3A_1378 : vector<62x62xi1> to vector<62x62xi32>
    %convert_element_type3A_1380 = arith.sitofp %convert_element_type3A_1379 : vector<62x62xi32> to vector<62x62xf32>
    %add3A_1381 = arith.addf %add3A_1368, %convert_element_type3A_1380 : vector<62x62xf32>
    %slice3A_1382 = vector.extract_strided_slice %div3A_1170 {offsets = [0, 16], sizes = [62, 1], strides = [1, 1]} : vector<62x62xf32> to vector<62x1xf32>
    %gt3A_1383 = vector.broadcast %slice3A_1382 : vector<62x1xf32> to vector<62x62xf32>
    %gt3A_1384 = arith.cmpf ogt, %gt3A_1383, %div3A_1170 : vector<62x62xf32>
    %eq3A_1385 = vector.broadcast %slice3A_1382 : vector<62x1xf32> to vector<62x62xf32>
    %eq3A_1386 = arith.cmpf oeq, %eq3A_1385, %div3A_1170 : vector<62x62xf32>
    %gt3A_1387 = arith.constant 16 : i32
    %gt3A_1388 = vector.broadcast %gt3A_1387 : i32 to vector<62x62xi32>
    %gt3A_1389 = arith.cmpi sgt, %iota3A_1171, %gt3A_1388 : vector<62x62xi32>
    %and3A_1390 = arith.andi %eq3A_1386, %gt3A_1389 : vector<62x62xi1>
    %or3A_1391 = arith.ori %gt3A_1384, %and3A_1390 : vector<62x62xi1>
    %convert_element_type3A_1392 = arith.extui %or3A_1391 : vector<62x62xi1> to vector<62x62xi32>
    %convert_element_type3A_1393 = arith.sitofp %convert_element_type3A_1392 : vector<62x62xi32> to vector<62x62xf32>
    %add3A_1394 = arith.addf %add3A_1381, %convert_element_type3A_1393 : vector<62x62xf32>
    %slice3A_1395 = vector.extract_strided_slice %div3A_1170 {offsets = [0, 17], sizes = [62, 1], strides = [1, 1]} : vector<62x62xf32> to vector<62x1xf32>
    %gt3A_1396 = vector.broadcast %slice3A_1395 : vector<62x1xf32> to vector<62x62xf32>
    %gt3A_1397 = arith.cmpf ogt, %gt3A_1396, %div3A_1170 : vector<62x62xf32>
    %eq3A_1398 = vector.broadcast %slice3A_1395 : vector<62x1xf32> to vector<62x62xf32>
    %eq3A_1399 = arith.cmpf oeq, %eq3A_1398, %div3A_1170 : vector<62x62xf32>
    %gt3A_1400 = arith.constant 17 : i32
    %gt3A_1401 = vector.broadcast %gt3A_1400 : i32 to vector<62x62xi32>
    %gt3A_1402 = arith.cmpi sgt, %iota3A_1171, %gt3A_1401 : vector<62x62xi32>
    %and3A_1403 = arith.andi %eq3A_1399, %gt3A_1402 : vector<62x62xi1>
    %or3A_1404 = arith.ori %gt3A_1397, %and3A_1403 : vector<62x62xi1>
    %convert_element_type3A_1405 = arith.extui %or3A_1404 : vector<62x62xi1> to vector<62x62xi32>
    %convert_element_type3A_1406 = arith.sitofp %convert_element_type3A_1405 : vector<62x62xi32> to vector<62x62xf32>
    %add3A_1407 = arith.addf %add3A_1394, %convert_element_type3A_1406 : vector<62x62xf32>
    %slice3A_1408 = vector.extract_strided_slice %div3A_1170 {offsets = [0, 18], sizes = [62, 1], strides = [1, 1]} : vector<62x62xf32> to vector<62x1xf32>
    %gt3A_1409 = vector.broadcast %slice3A_1408 : vector<62x1xf32> to vector<62x62xf32>
    %gt3A_1410 = arith.cmpf ogt, %gt3A_1409, %div3A_1170 : vector<62x62xf32>
    %eq3A_1411 = vector.broadcast %slice3A_1408 : vector<62x1xf32> to vector<62x62xf32>
    %eq3A_1412 = arith.cmpf oeq, %eq3A_1411, %div3A_1170 : vector<62x62xf32>
    %gt3A_1413 = arith.constant 18 : i32
    %gt3A_1414 = vector.broadcast %gt3A_1413 : i32 to vector<62x62xi32>
    %gt3A_1415 = arith.cmpi sgt, %iota3A_1171, %gt3A_1414 : vector<62x62xi32>
    %and3A_1416 = arith.andi %eq3A_1412, %gt3A_1415 : vector<62x62xi1>
    %or3A_1417 = arith.ori %gt3A_1410, %and3A_1416 : vector<62x62xi1>
    %convert_element_type3A_1418 = arith.extui %or3A_1417 : vector<62x62xi1> to vector<62x62xi32>
    %convert_element_type3A_1419 = arith.sitofp %convert_element_type3A_1418 : vector<62x62xi32> to vector<62x62xf32>
    %add3A_1420 = arith.addf %add3A_1407, %convert_element_type3A_1419 : vector<62x62xf32>
    %slice3A_1421 = vector.extract_strided_slice %div3A_1170 {offsets = [0, 19], sizes = [62, 1], strides = [1, 1]} : vector<62x62xf32> to vector<62x1xf32>
    %gt3A_1422 = vector.broadcast %slice3A_1421 : vector<62x1xf32> to vector<62x62xf32>
    %gt3A_1423 = arith.cmpf ogt, %gt3A_1422, %div3A_1170 : vector<62x62xf32>
    %eq3A_1424 = vector.broadcast %slice3A_1421 : vector<62x1xf32> to vector<62x62xf32>
    %eq3A_1425 = arith.cmpf oeq, %eq3A_1424, %div3A_1170 : vector<62x62xf32>
    %gt3A_1426 = arith.constant 19 : i32
    %gt3A_1427 = vector.broadcast %gt3A_1426 : i32 to vector<62x62xi32>
    %gt3A_1428 = arith.cmpi sgt, %iota3A_1171, %gt3A_1427 : vector<62x62xi32>
    %and3A_1429 = arith.andi %eq3A_1425, %gt3A_1428 : vector<62x62xi1>
    %or3A_1430 = arith.ori %gt3A_1423, %and3A_1429 : vector<62x62xi1>
    %convert_element_type3A_1431 = arith.extui %or3A_1430 : vector<62x62xi1> to vector<62x62xi32>
    %convert_element_type3A_1432 = arith.sitofp %convert_element_type3A_1431 : vector<62x62xi32> to vector<62x62xf32>
    %add3A_1433 = arith.addf %add3A_1420, %convert_element_type3A_1432 : vector<62x62xf32>
    %slice3A_1434 = vector.extract_strided_slice %div3A_1170 {offsets = [0, 20], sizes = [62, 1], strides = [1, 1]} : vector<62x62xf32> to vector<62x1xf32>
    %gt3A_1435 = vector.broadcast %slice3A_1434 : vector<62x1xf32> to vector<62x62xf32>
    %gt3A_1436 = arith.cmpf ogt, %gt3A_1435, %div3A_1170 : vector<62x62xf32>
    %eq3A_1437 = vector.broadcast %slice3A_1434 : vector<62x1xf32> to vector<62x62xf32>
    %eq3A_1438 = arith.cmpf oeq, %eq3A_1437, %div3A_1170 : vector<62x62xf32>
    %gt3A_1439 = arith.constant 20 : i32
    %gt3A_1440 = vector.broadcast %gt3A_1439 : i32 to vector<62x62xi32>
    %gt3A_1441 = arith.cmpi sgt, %iota3A_1171, %gt3A_1440 : vector<62x62xi32>
    %and3A_1442 = arith.andi %eq3A_1438, %gt3A_1441 : vector<62x62xi1>
    %or3A_1443 = arith.ori %gt3A_1436, %and3A_1442 : vector<62x62xi1>
    %convert_element_type3A_1444 = arith.extui %or3A_1443 : vector<62x62xi1> to vector<62x62xi32>
    %convert_element_type3A_1445 = arith.sitofp %convert_element_type3A_1444 : vector<62x62xi32> to vector<62x62xf32>
    %add3A_1446 = arith.addf %add3A_1433, %convert_element_type3A_1445 : vector<62x62xf32>
    %slice3A_1447 = vector.extract_strided_slice %div3A_1170 {offsets = [0, 21], sizes = [62, 1], strides = [1, 1]} : vector<62x62xf32> to vector<62x1xf32>
    %gt3A_1448 = vector.broadcast %slice3A_1447 : vector<62x1xf32> to vector<62x62xf32>
    %gt3A_1449 = arith.cmpf ogt, %gt3A_1448, %div3A_1170 : vector<62x62xf32>
    %eq3A_1450 = vector.broadcast %slice3A_1447 : vector<62x1xf32> to vector<62x62xf32>
    %eq3A_1451 = arith.cmpf oeq, %eq3A_1450, %div3A_1170 : vector<62x62xf32>
    %gt3A_1452 = arith.constant 21 : i32
    %gt3A_1453 = vector.broadcast %gt3A_1452 : i32 to vector<62x62xi32>
    %gt3A_1454 = arith.cmpi sgt, %iota3A_1171, %gt3A_1453 : vector<62x62xi32>
    %and3A_1455 = arith.andi %eq3A_1451, %gt3A_1454 : vector<62x62xi1>
    %or3A_1456 = arith.ori %gt3A_1449, %and3A_1455 : vector<62x62xi1>
    %convert_element_type3A_1457 = arith.extui %or3A_1456 : vector<62x62xi1> to vector<62x62xi32>
    %convert_element_type3A_1458 = arith.sitofp %convert_element_type3A_1457 : vector<62x62xi32> to vector<62x62xf32>
    %add3A_1459 = arith.addf %add3A_1446, %convert_element_type3A_1458 : vector<62x62xf32>
    %slice3A_1460 = vector.extract_strided_slice %div3A_1170 {offsets = [0, 22], sizes = [62, 1], strides = [1, 1]} : vector<62x62xf32> to vector<62x1xf32>
    %gt3A_1461 = vector.broadcast %slice3A_1460 : vector<62x1xf32> to vector<62x62xf32>
    %gt3A_1462 = arith.cmpf ogt, %gt3A_1461, %div3A_1170 : vector<62x62xf32>
    %eq3A_1463 = vector.broadcast %slice3A_1460 : vector<62x1xf32> to vector<62x62xf32>
    %eq3A_1464 = arith.cmpf oeq, %eq3A_1463, %div3A_1170 : vector<62x62xf32>
    %gt3A_1465 = arith.constant 22 : i32
    %gt3A_1466 = vector.broadcast %gt3A_1465 : i32 to vector<62x62xi32>
    %gt3A_1467 = arith.cmpi sgt, %iota3A_1171, %gt3A_1466 : vector<62x62xi32>
    %and3A_1468 = arith.andi %eq3A_1464, %gt3A_1467 : vector<62x62xi1>
    %or3A_1469 = arith.ori %gt3A_1462, %and3A_1468 : vector<62x62xi1>
    %convert_element_type3A_1470 = arith.extui %or3A_1469 : vector<62x62xi1> to vector<62x62xi32>
    %convert_element_type3A_1471 = arith.sitofp %convert_element_type3A_1470 : vector<62x62xi32> to vector<62x62xf32>
    %add3A_1472 = arith.addf %add3A_1459, %convert_element_type3A_1471 : vector<62x62xf32>
    %slice3A_1473 = vector.extract_strided_slice %div3A_1170 {offsets = [0, 23], sizes = [62, 1], strides = [1, 1]} : vector<62x62xf32> to vector<62x1xf32>
    %gt3A_1474 = vector.broadcast %slice3A_1473 : vector<62x1xf32> to vector<62x62xf32>
    %gt3A_1475 = arith.cmpf ogt, %gt3A_1474, %div3A_1170 : vector<62x62xf32>
    %eq3A_1476 = vector.broadcast %slice3A_1473 : vector<62x1xf32> to vector<62x62xf32>
    %eq3A_1477 = arith.cmpf oeq, %eq3A_1476, %div3A_1170 : vector<62x62xf32>
    %gt3A_1478 = arith.constant 23 : i32
    %gt3A_1479 = vector.broadcast %gt3A_1478 : i32 to vector<62x62xi32>
    %gt3A_1480 = arith.cmpi sgt, %iota3A_1171, %gt3A_1479 : vector<62x62xi32>
    %and3A_1481 = arith.andi %eq3A_1477, %gt3A_1480 : vector<62x62xi1>
    %or3A_1482 = arith.ori %gt3A_1475, %and3A_1481 : vector<62x62xi1>
    %convert_element_type3A_1483 = arith.extui %or3A_1482 : vector<62x62xi1> to vector<62x62xi32>
    %convert_element_type3A_1484 = arith.sitofp %convert_element_type3A_1483 : vector<62x62xi32> to vector<62x62xf32>
    %add3A_1485 = arith.addf %add3A_1472, %convert_element_type3A_1484 : vector<62x62xf32>
    %slice3A_1486 = vector.extract_strided_slice %div3A_1170 {offsets = [0, 24], sizes = [62, 1], strides = [1, 1]} : vector<62x62xf32> to vector<62x1xf32>
    %gt3A_1487 = vector.broadcast %slice3A_1486 : vector<62x1xf32> to vector<62x62xf32>
    %gt3A_1488 = arith.cmpf ogt, %gt3A_1487, %div3A_1170 : vector<62x62xf32>
    %eq3A_1489 = vector.broadcast %slice3A_1486 : vector<62x1xf32> to vector<62x62xf32>
    %eq3A_1490 = arith.cmpf oeq, %eq3A_1489, %div3A_1170 : vector<62x62xf32>
    %gt3A_1491 = arith.constant 24 : i32
    %gt3A_1492 = vector.broadcast %gt3A_1491 : i32 to vector<62x62xi32>
    %gt3A_1493 = arith.cmpi sgt, %iota3A_1171, %gt3A_1492 : vector<62x62xi32>
    %and3A_1494 = arith.andi %eq3A_1490, %gt3A_1493 : vector<62x62xi1>
    %or3A_1495 = arith.ori %gt3A_1488, %and3A_1494 : vector<62x62xi1>
    %convert_element_type3A_1496 = arith.extui %or3A_1495 : vector<62x62xi1> to vector<62x62xi32>
    %convert_element_type3A_1497 = arith.sitofp %convert_element_type3A_1496 : vector<62x62xi32> to vector<62x62xf32>
    %add3A_1498 = arith.addf %add3A_1485, %convert_element_type3A_1497 : vector<62x62xf32>
    %slice3A_1499 = vector.extract_strided_slice %div3A_1170 {offsets = [0, 25], sizes = [62, 1], strides = [1, 1]} : vector<62x62xf32> to vector<62x1xf32>
    %gt3A_1500 = vector.broadcast %slice3A_1499 : vector<62x1xf32> to vector<62x62xf32>
    %gt3A_1501 = arith.cmpf ogt, %gt3A_1500, %div3A_1170 : vector<62x62xf32>
    %eq3A_1502 = vector.broadcast %slice3A_1499 : vector<62x1xf32> to vector<62x62xf32>
    %eq3A_1503 = arith.cmpf oeq, %eq3A_1502, %div3A_1170 : vector<62x62xf32>
    %gt3A_1504 = arith.constant 25 : i32
    %gt3A_1505 = vector.broadcast %gt3A_1504 : i32 to vector<62x62xi32>
    %gt3A_1506 = arith.cmpi sgt, %iota3A_1171, %gt3A_1505 : vector<62x62xi32>
    %and3A_1507 = arith.andi %eq3A_1503, %gt3A_1506 : vector<62x62xi1>
    %or3A_1508 = arith.ori %gt3A_1501, %and3A_1507 : vector<62x62xi1>
    %convert_element_type3A_1509 = arith.extui %or3A_1508 : vector<62x62xi1> to vector<62x62xi32>
    %convert_element_type3A_1510 = arith.sitofp %convert_element_type3A_1509 : vector<62x62xi32> to vector<62x62xf32>
    %add3A_1511 = arith.addf %add3A_1498, %convert_element_type3A_1510 : vector<62x62xf32>
    %slice3A_1512 = vector.extract_strided_slice %div3A_1170 {offsets = [0, 26], sizes = [62, 1], strides = [1, 1]} : vector<62x62xf32> to vector<62x1xf32>
    %gt3A_1513 = vector.broadcast %slice3A_1512 : vector<62x1xf32> to vector<62x62xf32>
    %gt3A_1514 = arith.cmpf ogt, %gt3A_1513, %div3A_1170 : vector<62x62xf32>
    %eq3A_1515 = vector.broadcast %slice3A_1512 : vector<62x1xf32> to vector<62x62xf32>
    %eq3A_1516 = arith.cmpf oeq, %eq3A_1515, %div3A_1170 : vector<62x62xf32>
    %gt3A_1517 = arith.constant 26 : i32
    %gt3A_1518 = vector.broadcast %gt3A_1517 : i32 to vector<62x62xi32>
    %gt3A_1519 = arith.cmpi sgt, %iota3A_1171, %gt3A_1518 : vector<62x62xi32>
    %and3A_1520 = arith.andi %eq3A_1516, %gt3A_1519 : vector<62x62xi1>
    %or3A_1521 = arith.ori %gt3A_1514, %and3A_1520 : vector<62x62xi1>
    %convert_element_type3A_1522 = arith.extui %or3A_1521 : vector<62x62xi1> to vector<62x62xi32>
    %convert_element_type3A_1523 = arith.sitofp %convert_element_type3A_1522 : vector<62x62xi32> to vector<62x62xf32>
    %add3A_1524 = arith.addf %add3A_1511, %convert_element_type3A_1523 : vector<62x62xf32>
    %slice3A_1525 = vector.extract_strided_slice %div3A_1170 {offsets = [0, 27], sizes = [62, 1], strides = [1, 1]} : vector<62x62xf32> to vector<62x1xf32>
    %gt3A_1526 = vector.broadcast %slice3A_1525 : vector<62x1xf32> to vector<62x62xf32>
    %gt3A_1527 = arith.cmpf ogt, %gt3A_1526, %div3A_1170 : vector<62x62xf32>
    %eq3A_1528 = vector.broadcast %slice3A_1525 : vector<62x1xf32> to vector<62x62xf32>
    %eq3A_1529 = arith.cmpf oeq, %eq3A_1528, %div3A_1170 : vector<62x62xf32>
    %gt3A_1530 = arith.constant 27 : i32
    %gt3A_1531 = vector.broadcast %gt3A_1530 : i32 to vector<62x62xi32>
    %gt3A_1532 = arith.cmpi sgt, %iota3A_1171, %gt3A_1531 : vector<62x62xi32>
    %and3A_1533 = arith.andi %eq3A_1529, %gt3A_1532 : vector<62x62xi1>
    %or3A_1534 = arith.ori %gt3A_1527, %and3A_1533 : vector<62x62xi1>
    %convert_element_type3A_1535 = arith.extui %or3A_1534 : vector<62x62xi1> to vector<62x62xi32>
    %convert_element_type3A_1536 = arith.sitofp %convert_element_type3A_1535 : vector<62x62xi32> to vector<62x62xf32>
    %add3A_1537 = arith.addf %add3A_1524, %convert_element_type3A_1536 : vector<62x62xf32>
    %slice3A_1538 = vector.extract_strided_slice %div3A_1170 {offsets = [0, 28], sizes = [62, 1], strides = [1, 1]} : vector<62x62xf32> to vector<62x1xf32>
    %gt3A_1539 = vector.broadcast %slice3A_1538 : vector<62x1xf32> to vector<62x62xf32>
    %gt3A_1540 = arith.cmpf ogt, %gt3A_1539, %div3A_1170 : vector<62x62xf32>
    %eq3A_1541 = vector.broadcast %slice3A_1538 : vector<62x1xf32> to vector<62x62xf32>
    %eq3A_1542 = arith.cmpf oeq, %eq3A_1541, %div3A_1170 : vector<62x62xf32>
    %gt3A_1543 = arith.constant 28 : i32
    %gt3A_1544 = vector.broadcast %gt3A_1543 : i32 to vector<62x62xi32>
    %gt3A_1545 = arith.cmpi sgt, %iota3A_1171, %gt3A_1544 : vector<62x62xi32>
    %and3A_1546 = arith.andi %eq3A_1542, %gt3A_1545 : vector<62x62xi1>
    %or3A_1547 = arith.ori %gt3A_1540, %and3A_1546 : vector<62x62xi1>
    %convert_element_type3A_1548 = arith.extui %or3A_1547 : vector<62x62xi1> to vector<62x62xi32>
    %convert_element_type3A_1549 = arith.sitofp %convert_element_type3A_1548 : vector<62x62xi32> to vector<62x62xf32>
    %add3A_1550 = arith.addf %add3A_1537, %convert_element_type3A_1549 : vector<62x62xf32>
    %slice3A_1551 = vector.extract_strided_slice %div3A_1170 {offsets = [0, 29], sizes = [62, 1], strides = [1, 1]} : vector<62x62xf32> to vector<62x1xf32>
    %gt3A_1552 = vector.broadcast %slice3A_1551 : vector<62x1xf32> to vector<62x62xf32>
    %gt3A_1553 = arith.cmpf ogt, %gt3A_1552, %div3A_1170 : vector<62x62xf32>
    %eq3A_1554 = vector.broadcast %slice3A_1551 : vector<62x1xf32> to vector<62x62xf32>
    %eq3A_1555 = arith.cmpf oeq, %eq3A_1554, %div3A_1170 : vector<62x62xf32>
    %gt3A_1556 = arith.constant 29 : i32
    %gt3A_1557 = vector.broadcast %gt3A_1556 : i32 to vector<62x62xi32>
    %gt3A_1558 = arith.cmpi sgt, %iota3A_1171, %gt3A_1557 : vector<62x62xi32>
    %and3A_1559 = arith.andi %eq3A_1555, %gt3A_1558 : vector<62x62xi1>
    %or3A_1560 = arith.ori %gt3A_1553, %and3A_1559 : vector<62x62xi1>
    %convert_element_type3A_1561 = arith.extui %or3A_1560 : vector<62x62xi1> to vector<62x62xi32>
    %convert_element_type3A_1562 = arith.sitofp %convert_element_type3A_1561 : vector<62x62xi32> to vector<62x62xf32>
    %add3A_1563 = arith.addf %add3A_1550, %convert_element_type3A_1562 : vector<62x62xf32>
    %slice3A_1564 = vector.extract_strided_slice %div3A_1170 {offsets = [0, 30], sizes = [62, 1], strides = [1, 1]} : vector<62x62xf32> to vector<62x1xf32>
    %gt3A_1565 = vector.broadcast %slice3A_1564 : vector<62x1xf32> to vector<62x62xf32>
    %gt3A_1566 = arith.cmpf ogt, %gt3A_1565, %div3A_1170 : vector<62x62xf32>
    %eq3A_1567 = vector.broadcast %slice3A_1564 : vector<62x1xf32> to vector<62x62xf32>
    %eq3A_1568 = arith.cmpf oeq, %eq3A_1567, %div3A_1170 : vector<62x62xf32>
    %gt3A_1569 = arith.constant 30 : i32
    %gt3A_1570 = vector.broadcast %gt3A_1569 : i32 to vector<62x62xi32>
    %gt3A_1571 = arith.cmpi sgt, %iota3A_1171, %gt3A_1570 : vector<62x62xi32>
    %and3A_1572 = arith.andi %eq3A_1568, %gt3A_1571 : vector<62x62xi1>
    %or3A_1573 = arith.ori %gt3A_1566, %and3A_1572 : vector<62x62xi1>
    %convert_element_type3A_1574 = arith.extui %or3A_1573 : vector<62x62xi1> to vector<62x62xi32>
    %convert_element_type3A_1575 = arith.sitofp %convert_element_type3A_1574 : vector<62x62xi32> to vector<62x62xf32>
    %add3A_1576 = arith.addf %add3A_1563, %convert_element_type3A_1575 : vector<62x62xf32>
    %slice3A_1577 = vector.extract_strided_slice %div3A_1170 {offsets = [0, 31], sizes = [62, 1], strides = [1, 1]} : vector<62x62xf32> to vector<62x1xf32>
    %gt3A_1578 = vector.broadcast %slice3A_1577 : vector<62x1xf32> to vector<62x62xf32>
    %gt3A_1579 = arith.cmpf ogt, %gt3A_1578, %div3A_1170 : vector<62x62xf32>
    %eq3A_1580 = vector.broadcast %slice3A_1577 : vector<62x1xf32> to vector<62x62xf32>
    %eq3A_1581 = arith.cmpf oeq, %eq3A_1580, %div3A_1170 : vector<62x62xf32>
    %gt3A_1582 = arith.constant 31 : i32
    %gt3A_1583 = vector.broadcast %gt3A_1582 : i32 to vector<62x62xi32>
    %gt3A_1584 = arith.cmpi sgt, %iota3A_1171, %gt3A_1583 : vector<62x62xi32>
    %and3A_1585 = arith.andi %eq3A_1581, %gt3A_1584 : vector<62x62xi1>
    %or3A_1586 = arith.ori %gt3A_1579, %and3A_1585 : vector<62x62xi1>
    %convert_element_type3A_1587 = arith.extui %or3A_1586 : vector<62x62xi1> to vector<62x62xi32>
    %convert_element_type3A_1588 = arith.sitofp %convert_element_type3A_1587 : vector<62x62xi32> to vector<62x62xf32>
    %add3A_1589 = arith.addf %add3A_1576, %convert_element_type3A_1588 : vector<62x62xf32>
    %slice3A_1590 = vector.extract_strided_slice %div3A_1170 {offsets = [0, 32], sizes = [62, 1], strides = [1, 1]} : vector<62x62xf32> to vector<62x1xf32>
    %gt3A_1591 = vector.broadcast %slice3A_1590 : vector<62x1xf32> to vector<62x62xf32>
    %gt3A_1592 = arith.cmpf ogt, %gt3A_1591, %div3A_1170 : vector<62x62xf32>
    %eq3A_1593 = vector.broadcast %slice3A_1590 : vector<62x1xf32> to vector<62x62xf32>
    %eq3A_1594 = arith.cmpf oeq, %eq3A_1593, %div3A_1170 : vector<62x62xf32>
    %gt3A_1595 = arith.constant 32 : i32
    %gt3A_1596 = vector.broadcast %gt3A_1595 : i32 to vector<62x62xi32>
    %gt3A_1597 = arith.cmpi sgt, %iota3A_1171, %gt3A_1596 : vector<62x62xi32>
    %and3A_1598 = arith.andi %eq3A_1594, %gt3A_1597 : vector<62x62xi1>
    %or3A_1599 = arith.ori %gt3A_1592, %and3A_1598 : vector<62x62xi1>
    %convert_element_type3A_1600 = arith.extui %or3A_1599 : vector<62x62xi1> to vector<62x62xi32>
    %convert_element_type3A_1601 = arith.sitofp %convert_element_type3A_1600 : vector<62x62xi32> to vector<62x62xf32>
    %add3A_1602 = arith.addf %add3A_1589, %convert_element_type3A_1601 : vector<62x62xf32>
    %slice3A_1603 = vector.extract_strided_slice %div3A_1170 {offsets = [0, 33], sizes = [62, 1], strides = [1, 1]} : vector<62x62xf32> to vector<62x1xf32>
    %gt3A_1604 = vector.broadcast %slice3A_1603 : vector<62x1xf32> to vector<62x62xf32>
    %gt3A_1605 = arith.cmpf ogt, %gt3A_1604, %div3A_1170 : vector<62x62xf32>
    %eq3A_1606 = vector.broadcast %slice3A_1603 : vector<62x1xf32> to vector<62x62xf32>
    %eq3A_1607 = arith.cmpf oeq, %eq3A_1606, %div3A_1170 : vector<62x62xf32>
    %gt3A_1608 = arith.constant 33 : i32
    %gt3A_1609 = vector.broadcast %gt3A_1608 : i32 to vector<62x62xi32>
    %gt3A_1610 = arith.cmpi sgt, %iota3A_1171, %gt3A_1609 : vector<62x62xi32>
    %and3A_1611 = arith.andi %eq3A_1607, %gt3A_1610 : vector<62x62xi1>
    %or3A_1612 = arith.ori %gt3A_1605, %and3A_1611 : vector<62x62xi1>
    %convert_element_type3A_1613 = arith.extui %or3A_1612 : vector<62x62xi1> to vector<62x62xi32>
    %convert_element_type3A_1614 = arith.sitofp %convert_element_type3A_1613 : vector<62x62xi32> to vector<62x62xf32>
    %add3A_1615 = arith.addf %add3A_1602, %convert_element_type3A_1614 : vector<62x62xf32>
    %slice3A_1616 = vector.extract_strided_slice %div3A_1170 {offsets = [0, 34], sizes = [62, 1], strides = [1, 1]} : vector<62x62xf32> to vector<62x1xf32>
    %gt3A_1617 = vector.broadcast %slice3A_1616 : vector<62x1xf32> to vector<62x62xf32>
    %gt3A_1618 = arith.cmpf ogt, %gt3A_1617, %div3A_1170 : vector<62x62xf32>
    %eq3A_1619 = vector.broadcast %slice3A_1616 : vector<62x1xf32> to vector<62x62xf32>
    %eq3A_1620 = arith.cmpf oeq, %eq3A_1619, %div3A_1170 : vector<62x62xf32>
    %gt3A_1621 = arith.constant 34 : i32
    %gt3A_1622 = vector.broadcast %gt3A_1621 : i32 to vector<62x62xi32>
    %gt3A_1623 = arith.cmpi sgt, %iota3A_1171, %gt3A_1622 : vector<62x62xi32>
    %and3A_1624 = arith.andi %eq3A_1620, %gt3A_1623 : vector<62x62xi1>
    %or3A_1625 = arith.ori %gt3A_1618, %and3A_1624 : vector<62x62xi1>
    %convert_element_type3A_1626 = arith.extui %or3A_1625 : vector<62x62xi1> to vector<62x62xi32>
    %convert_element_type3A_1627 = arith.sitofp %convert_element_type3A_1626 : vector<62x62xi32> to vector<62x62xf32>
    %add3A_1628 = arith.addf %add3A_1615, %convert_element_type3A_1627 : vector<62x62xf32>
    %slice3A_1629 = vector.extract_strided_slice %div3A_1170 {offsets = [0, 35], sizes = [62, 1], strides = [1, 1]} : vector<62x62xf32> to vector<62x1xf32>
    %gt3A_1630 = vector.broadcast %slice3A_1629 : vector<62x1xf32> to vector<62x62xf32>
    %gt3A_1631 = arith.cmpf ogt, %gt3A_1630, %div3A_1170 : vector<62x62xf32>
    %eq3A_1632 = vector.broadcast %slice3A_1629 : vector<62x1xf32> to vector<62x62xf32>
    %eq3A_1633 = arith.cmpf oeq, %eq3A_1632, %div3A_1170 : vector<62x62xf32>
    %gt3A_1634 = arith.constant 35 : i32
    %gt3A_1635 = vector.broadcast %gt3A_1634 : i32 to vector<62x62xi32>
    %gt3A_1636 = arith.cmpi sgt, %iota3A_1171, %gt3A_1635 : vector<62x62xi32>
    %and3A_1637 = arith.andi %eq3A_1633, %gt3A_1636 : vector<62x62xi1>
    %or3A_1638 = arith.ori %gt3A_1631, %and3A_1637 : vector<62x62xi1>
    %convert_element_type3A_1639 = arith.extui %or3A_1638 : vector<62x62xi1> to vector<62x62xi32>
    %convert_element_type3A_1640 = arith.sitofp %convert_element_type3A_1639 : vector<62x62xi32> to vector<62x62xf32>
    %add3A_1641 = arith.addf %add3A_1628, %convert_element_type3A_1640 : vector<62x62xf32>
    %slice3A_1642 = vector.extract_strided_slice %div3A_1170 {offsets = [0, 36], sizes = [62, 1], strides = [1, 1]} : vector<62x62xf32> to vector<62x1xf32>
    %gt3A_1643 = vector.broadcast %slice3A_1642 : vector<62x1xf32> to vector<62x62xf32>
    %gt3A_1644 = arith.cmpf ogt, %gt3A_1643, %div3A_1170 : vector<62x62xf32>
    %eq3A_1645 = vector.broadcast %slice3A_1642 : vector<62x1xf32> to vector<62x62xf32>
    %eq3A_1646 = arith.cmpf oeq, %eq3A_1645, %div3A_1170 : vector<62x62xf32>
    %gt3A_1647 = arith.constant 36 : i32
    %gt3A_1648 = vector.broadcast %gt3A_1647 : i32 to vector<62x62xi32>
    %gt3A_1649 = arith.cmpi sgt, %iota3A_1171, %gt3A_1648 : vector<62x62xi32>
    %and3A_1650 = arith.andi %eq3A_1646, %gt3A_1649 : vector<62x62xi1>
    %or3A_1651 = arith.ori %gt3A_1644, %and3A_1650 : vector<62x62xi1>
    %convert_element_type3A_1652 = arith.extui %or3A_1651 : vector<62x62xi1> to vector<62x62xi32>
    %convert_element_type3A_1653 = arith.sitofp %convert_element_type3A_1652 : vector<62x62xi32> to vector<62x62xf32>
    %add3A_1654 = arith.addf %add3A_1641, %convert_element_type3A_1653 : vector<62x62xf32>
    %slice3A_1655 = vector.extract_strided_slice %div3A_1170 {offsets = [0, 37], sizes = [62, 1], strides = [1, 1]} : vector<62x62xf32> to vector<62x1xf32>
    %gt3A_1656 = vector.broadcast %slice3A_1655 : vector<62x1xf32> to vector<62x62xf32>
    %gt3A_1657 = arith.cmpf ogt, %gt3A_1656, %div3A_1170 : vector<62x62xf32>
    %eq3A_1658 = vector.broadcast %slice3A_1655 : vector<62x1xf32> to vector<62x62xf32>
    %eq3A_1659 = arith.cmpf oeq, %eq3A_1658, %div3A_1170 : vector<62x62xf32>
    %gt3A_1660 = arith.constant 37 : i32
    %gt3A_1661 = vector.broadcast %gt3A_1660 : i32 to vector<62x62xi32>
    %gt3A_1662 = arith.cmpi sgt, %iota3A_1171, %gt3A_1661 : vector<62x62xi32>
    %and3A_1663 = arith.andi %eq3A_1659, %gt3A_1662 : vector<62x62xi1>
    %or3A_1664 = arith.ori %gt3A_1657, %and3A_1663 : vector<62x62xi1>
    %convert_element_type3A_1665 = arith.extui %or3A_1664 : vector<62x62xi1> to vector<62x62xi32>
    %convert_element_type3A_1666 = arith.sitofp %convert_element_type3A_1665 : vector<62x62xi32> to vector<62x62xf32>
    %add3A_1667 = arith.addf %add3A_1654, %convert_element_type3A_1666 : vector<62x62xf32>
    %slice3A_1668 = vector.extract_strided_slice %div3A_1170 {offsets = [0, 38], sizes = [62, 1], strides = [1, 1]} : vector<62x62xf32> to vector<62x1xf32>
    %gt3A_1669 = vector.broadcast %slice3A_1668 : vector<62x1xf32> to vector<62x62xf32>
    %gt3A_1670 = arith.cmpf ogt, %gt3A_1669, %div3A_1170 : vector<62x62xf32>
    %eq3A_1671 = vector.broadcast %slice3A_1668 : vector<62x1xf32> to vector<62x62xf32>
    %eq3A_1672 = arith.cmpf oeq, %eq3A_1671, %div3A_1170 : vector<62x62xf32>
    %gt3A_1673 = arith.constant 38 : i32
    %gt3A_1674 = vector.broadcast %gt3A_1673 : i32 to vector<62x62xi32>
    %gt3A_1675 = arith.cmpi sgt, %iota3A_1171, %gt3A_1674 : vector<62x62xi32>
    %and3A_1676 = arith.andi %eq3A_1672, %gt3A_1675 : vector<62x62xi1>
    %or3A_1677 = arith.ori %gt3A_1670, %and3A_1676 : vector<62x62xi1>
    %convert_element_type3A_1678 = arith.extui %or3A_1677 : vector<62x62xi1> to vector<62x62xi32>
    %convert_element_type3A_1679 = arith.sitofp %convert_element_type3A_1678 : vector<62x62xi32> to vector<62x62xf32>
    %add3A_1680 = arith.addf %add3A_1667, %convert_element_type3A_1679 : vector<62x62xf32>
    %slice3A_1681 = vector.extract_strided_slice %div3A_1170 {offsets = [0, 39], sizes = [62, 1], strides = [1, 1]} : vector<62x62xf32> to vector<62x1xf32>
    %gt3A_1682 = vector.broadcast %slice3A_1681 : vector<62x1xf32> to vector<62x62xf32>
    %gt3A_1683 = arith.cmpf ogt, %gt3A_1682, %div3A_1170 : vector<62x62xf32>
    %eq3A_1684 = vector.broadcast %slice3A_1681 : vector<62x1xf32> to vector<62x62xf32>
    %eq3A_1685 = arith.cmpf oeq, %eq3A_1684, %div3A_1170 : vector<62x62xf32>
    %gt3A_1686 = arith.constant 39 : i32
    %gt3A_1687 = vector.broadcast %gt3A_1686 : i32 to vector<62x62xi32>
    %gt3A_1688 = arith.cmpi sgt, %iota3A_1171, %gt3A_1687 : vector<62x62xi32>
    %and3A_1689 = arith.andi %eq3A_1685, %gt3A_1688 : vector<62x62xi1>
    %or3A_1690 = arith.ori %gt3A_1683, %and3A_1689 : vector<62x62xi1>
    %convert_element_type3A_1691 = arith.extui %or3A_1690 : vector<62x62xi1> to vector<62x62xi32>
    %convert_element_type3A_1692 = arith.sitofp %convert_element_type3A_1691 : vector<62x62xi32> to vector<62x62xf32>
    %add3A_1693 = arith.addf %add3A_1680, %convert_element_type3A_1692 : vector<62x62xf32>
    %slice3A_1694 = vector.extract_strided_slice %div3A_1170 {offsets = [0, 40], sizes = [62, 1], strides = [1, 1]} : vector<62x62xf32> to vector<62x1xf32>
    %gt3A_1695 = vector.broadcast %slice3A_1694 : vector<62x1xf32> to vector<62x62xf32>
    %gt3A_1696 = arith.cmpf ogt, %gt3A_1695, %div3A_1170 : vector<62x62xf32>
    %eq3A_1697 = vector.broadcast %slice3A_1694 : vector<62x1xf32> to vector<62x62xf32>
    %eq3A_1698 = arith.cmpf oeq, %eq3A_1697, %div3A_1170 : vector<62x62xf32>
    %gt3A_1699 = arith.constant 40 : i32
    %gt3A_1700 = vector.broadcast %gt3A_1699 : i32 to vector<62x62xi32>
    %gt3A_1701 = arith.cmpi sgt, %iota3A_1171, %gt3A_1700 : vector<62x62xi32>
    %and3A_1702 = arith.andi %eq3A_1698, %gt3A_1701 : vector<62x62xi1>
    %or3A_1703 = arith.ori %gt3A_1696, %and3A_1702 : vector<62x62xi1>
    %convert_element_type3A_1704 = arith.extui %or3A_1703 : vector<62x62xi1> to vector<62x62xi32>
    %convert_element_type3A_1705 = arith.sitofp %convert_element_type3A_1704 : vector<62x62xi32> to vector<62x62xf32>
    %add3A_1706 = arith.addf %add3A_1693, %convert_element_type3A_1705 : vector<62x62xf32>
    %slice3A_1707 = vector.extract_strided_slice %div3A_1170 {offsets = [0, 41], sizes = [62, 1], strides = [1, 1]} : vector<62x62xf32> to vector<62x1xf32>
    %gt3A_1708 = vector.broadcast %slice3A_1707 : vector<62x1xf32> to vector<62x62xf32>
    %gt3A_1709 = arith.cmpf ogt, %gt3A_1708, %div3A_1170 : vector<62x62xf32>
    %eq3A_1710 = vector.broadcast %slice3A_1707 : vector<62x1xf32> to vector<62x62xf32>
    %eq3A_1711 = arith.cmpf oeq, %eq3A_1710, %div3A_1170 : vector<62x62xf32>
    %gt3A_1712 = arith.constant 41 : i32
    %gt3A_1713 = vector.broadcast %gt3A_1712 : i32 to vector<62x62xi32>
    %gt3A_1714 = arith.cmpi sgt, %iota3A_1171, %gt3A_1713 : vector<62x62xi32>
    %and3A_1715 = arith.andi %eq3A_1711, %gt3A_1714 : vector<62x62xi1>
    %or3A_1716 = arith.ori %gt3A_1709, %and3A_1715 : vector<62x62xi1>
    %convert_element_type3A_1717 = arith.extui %or3A_1716 : vector<62x62xi1> to vector<62x62xi32>
    %convert_element_type3A_1718 = arith.sitofp %convert_element_type3A_1717 : vector<62x62xi32> to vector<62x62xf32>
    %add3A_1719 = arith.addf %add3A_1706, %convert_element_type3A_1718 : vector<62x62xf32>
    %slice3A_1720 = vector.extract_strided_slice %div3A_1170 {offsets = [0, 42], sizes = [62, 1], strides = [1, 1]} : vector<62x62xf32> to vector<62x1xf32>
    %gt3A_1721 = vector.broadcast %slice3A_1720 : vector<62x1xf32> to vector<62x62xf32>
    %gt3A_1722 = arith.cmpf ogt, %gt3A_1721, %div3A_1170 : vector<62x62xf32>
    %eq3A_1723 = vector.broadcast %slice3A_1720 : vector<62x1xf32> to vector<62x62xf32>
    %eq3A_1724 = arith.cmpf oeq, %eq3A_1723, %div3A_1170 : vector<62x62xf32>
    %gt3A_1725 = arith.constant 42 : i32
    %gt3A_1726 = vector.broadcast %gt3A_1725 : i32 to vector<62x62xi32>
    %gt3A_1727 = arith.cmpi sgt, %iota3A_1171, %gt3A_1726 : vector<62x62xi32>
    %and3A_1728 = arith.andi %eq3A_1724, %gt3A_1727 : vector<62x62xi1>
    %or3A_1729 = arith.ori %gt3A_1722, %and3A_1728 : vector<62x62xi1>
    %convert_element_type3A_1730 = arith.extui %or3A_1729 : vector<62x62xi1> to vector<62x62xi32>
    %convert_element_type3A_1731 = arith.sitofp %convert_element_type3A_1730 : vector<62x62xi32> to vector<62x62xf32>
    %add3A_1732 = arith.addf %add3A_1719, %convert_element_type3A_1731 : vector<62x62xf32>
    %slice3A_1733 = vector.extract_strided_slice %div3A_1170 {offsets = [0, 43], sizes = [62, 1], strides = [1, 1]} : vector<62x62xf32> to vector<62x1xf32>
    %gt3A_1734 = vector.broadcast %slice3A_1733 : vector<62x1xf32> to vector<62x62xf32>
    %gt3A_1735 = arith.cmpf ogt, %gt3A_1734, %div3A_1170 : vector<62x62xf32>
    %eq3A_1736 = vector.broadcast %slice3A_1733 : vector<62x1xf32> to vector<62x62xf32>
    %eq3A_1737 = arith.cmpf oeq, %eq3A_1736, %div3A_1170 : vector<62x62xf32>
    %gt3A_1738 = arith.constant 43 : i32
    %gt3A_1739 = vector.broadcast %gt3A_1738 : i32 to vector<62x62xi32>
    %gt3A_1740 = arith.cmpi sgt, %iota3A_1171, %gt3A_1739 : vector<62x62xi32>
    %and3A_1741 = arith.andi %eq3A_1737, %gt3A_1740 : vector<62x62xi1>
    %or3A_1742 = arith.ori %gt3A_1735, %and3A_1741 : vector<62x62xi1>
    %convert_element_type3A_1743 = arith.extui %or3A_1742 : vector<62x62xi1> to vector<62x62xi32>
    %convert_element_type3A_1744 = arith.sitofp %convert_element_type3A_1743 : vector<62x62xi32> to vector<62x62xf32>
    %add3A_1745 = arith.addf %add3A_1732, %convert_element_type3A_1744 : vector<62x62xf32>
    %slice3A_1746 = vector.extract_strided_slice %div3A_1170 {offsets = [0, 44], sizes = [62, 1], strides = [1, 1]} : vector<62x62xf32> to vector<62x1xf32>
    %gt3A_1747 = vector.broadcast %slice3A_1746 : vector<62x1xf32> to vector<62x62xf32>
    %gt3A_1748 = arith.cmpf ogt, %gt3A_1747, %div3A_1170 : vector<62x62xf32>
    %eq3A_1749 = vector.broadcast %slice3A_1746 : vector<62x1xf32> to vector<62x62xf32>
    %eq3A_1750 = arith.cmpf oeq, %eq3A_1749, %div3A_1170 : vector<62x62xf32>
    %gt3A_1751 = arith.constant 44 : i32
    %gt3A_1752 = vector.broadcast %gt3A_1751 : i32 to vector<62x62xi32>
    %gt3A_1753 = arith.cmpi sgt, %iota3A_1171, %gt3A_1752 : vector<62x62xi32>
    %and3A_1754 = arith.andi %eq3A_1750, %gt3A_1753 : vector<62x62xi1>
    %or3A_1755 = arith.ori %gt3A_1748, %and3A_1754 : vector<62x62xi1>
    %convert_element_type3A_1756 = arith.extui %or3A_1755 : vector<62x62xi1> to vector<62x62xi32>
    %convert_element_type3A_1757 = arith.sitofp %convert_element_type3A_1756 : vector<62x62xi32> to vector<62x62xf32>
    %add3A_1758 = arith.addf %add3A_1745, %convert_element_type3A_1757 : vector<62x62xf32>
    %slice3A_1759 = vector.extract_strided_slice %div3A_1170 {offsets = [0, 45], sizes = [62, 1], strides = [1, 1]} : vector<62x62xf32> to vector<62x1xf32>
    %gt3A_1760 = vector.broadcast %slice3A_1759 : vector<62x1xf32> to vector<62x62xf32>
    %gt3A_1761 = arith.cmpf ogt, %gt3A_1760, %div3A_1170 : vector<62x62xf32>
    %eq3A_1762 = vector.broadcast %slice3A_1759 : vector<62x1xf32> to vector<62x62xf32>
    %eq3A_1763 = arith.cmpf oeq, %eq3A_1762, %div3A_1170 : vector<62x62xf32>
    %gt3A_1764 = arith.constant 45 : i32
    %gt3A_1765 = vector.broadcast %gt3A_1764 : i32 to vector<62x62xi32>
    %gt3A_1766 = arith.cmpi sgt, %iota3A_1171, %gt3A_1765 : vector<62x62xi32>
    %and3A_1767 = arith.andi %eq3A_1763, %gt3A_1766 : vector<62x62xi1>
    %or3A_1768 = arith.ori %gt3A_1761, %and3A_1767 : vector<62x62xi1>
    %convert_element_type3A_1769 = arith.extui %or3A_1768 : vector<62x62xi1> to vector<62x62xi32>
    %convert_element_type3A_1770 = arith.sitofp %convert_element_type3A_1769 : vector<62x62xi32> to vector<62x62xf32>
    %add3A_1771 = arith.addf %add3A_1758, %convert_element_type3A_1770 : vector<62x62xf32>
    %slice3A_1772 = vector.extract_strided_slice %div3A_1170 {offsets = [0, 46], sizes = [62, 1], strides = [1, 1]} : vector<62x62xf32> to vector<62x1xf32>
    %gt3A_1773 = vector.broadcast %slice3A_1772 : vector<62x1xf32> to vector<62x62xf32>
    %gt3A_1774 = arith.cmpf ogt, %gt3A_1773, %div3A_1170 : vector<62x62xf32>
    %eq3A_1775 = vector.broadcast %slice3A_1772 : vector<62x1xf32> to vector<62x62xf32>
    %eq3A_1776 = arith.cmpf oeq, %eq3A_1775, %div3A_1170 : vector<62x62xf32>
    %gt3A_1777 = arith.constant 46 : i32
    %gt3A_1778 = vector.broadcast %gt3A_1777 : i32 to vector<62x62xi32>
    %gt3A_1779 = arith.cmpi sgt, %iota3A_1171, %gt3A_1778 : vector<62x62xi32>
    %and3A_1780 = arith.andi %eq3A_1776, %gt3A_1779 : vector<62x62xi1>
    %or3A_1781 = arith.ori %gt3A_1774, %and3A_1780 : vector<62x62xi1>
    %convert_element_type3A_1782 = arith.extui %or3A_1781 : vector<62x62xi1> to vector<62x62xi32>
    %convert_element_type3A_1783 = arith.sitofp %convert_element_type3A_1782 : vector<62x62xi32> to vector<62x62xf32>
    %add3A_1784 = arith.addf %add3A_1771, %convert_element_type3A_1783 : vector<62x62xf32>
    %slice3A_1785 = vector.extract_strided_slice %div3A_1170 {offsets = [0, 47], sizes = [62, 1], strides = [1, 1]} : vector<62x62xf32> to vector<62x1xf32>
    %gt3A_1786 = vector.broadcast %slice3A_1785 : vector<62x1xf32> to vector<62x62xf32>
    %gt3A_1787 = arith.cmpf ogt, %gt3A_1786, %div3A_1170 : vector<62x62xf32>
    %eq3A_1788 = vector.broadcast %slice3A_1785 : vector<62x1xf32> to vector<62x62xf32>
    %eq3A_1789 = arith.cmpf oeq, %eq3A_1788, %div3A_1170 : vector<62x62xf32>
    %gt3A_1790 = arith.constant 47 : i32
    %gt3A_1791 = vector.broadcast %gt3A_1790 : i32 to vector<62x62xi32>
    %gt3A_1792 = arith.cmpi sgt, %iota3A_1171, %gt3A_1791 : vector<62x62xi32>
    %and3A_1793 = arith.andi %eq3A_1789, %gt3A_1792 : vector<62x62xi1>
    %or3A_1794 = arith.ori %gt3A_1787, %and3A_1793 : vector<62x62xi1>
    %convert_element_type3A_1795 = arith.extui %or3A_1794 : vector<62x62xi1> to vector<62x62xi32>
    %convert_element_type3A_1796 = arith.sitofp %convert_element_type3A_1795 : vector<62x62xi32> to vector<62x62xf32>
    %add3A_1797 = arith.addf %add3A_1784, %convert_element_type3A_1796 : vector<62x62xf32>
    %slice3A_1798 = vector.extract_strided_slice %div3A_1170 {offsets = [0, 48], sizes = [62, 1], strides = [1, 1]} : vector<62x62xf32> to vector<62x1xf32>
    %gt3A_1799 = vector.broadcast %slice3A_1798 : vector<62x1xf32> to vector<62x62xf32>
    %gt3A_1800 = arith.cmpf ogt, %gt3A_1799, %div3A_1170 : vector<62x62xf32>
    %eq3A_1801 = vector.broadcast %slice3A_1798 : vector<62x1xf32> to vector<62x62xf32>
    %eq3A_1802 = arith.cmpf oeq, %eq3A_1801, %div3A_1170 : vector<62x62xf32>
    %gt3A_1803 = arith.constant 48 : i32
    %gt3A_1804 = vector.broadcast %gt3A_1803 : i32 to vector<62x62xi32>
    %gt3A_1805 = arith.cmpi sgt, %iota3A_1171, %gt3A_1804 : vector<62x62xi32>
    %and3A_1806 = arith.andi %eq3A_1802, %gt3A_1805 : vector<62x62xi1>
    %or3A_1807 = arith.ori %gt3A_1800, %and3A_1806 : vector<62x62xi1>
    %convert_element_type3A_1808 = arith.extui %or3A_1807 : vector<62x62xi1> to vector<62x62xi32>
    %convert_element_type3A_1809 = arith.sitofp %convert_element_type3A_1808 : vector<62x62xi32> to vector<62x62xf32>
    %add3A_1810 = arith.addf %add3A_1797, %convert_element_type3A_1809 : vector<62x62xf32>
    %slice3A_1811 = vector.extract_strided_slice %div3A_1170 {offsets = [0, 49], sizes = [62, 1], strides = [1, 1]} : vector<62x62xf32> to vector<62x1xf32>
    %gt3A_1812 = vector.broadcast %slice3A_1811 : vector<62x1xf32> to vector<62x62xf32>
    %gt3A_1813 = arith.cmpf ogt, %gt3A_1812, %div3A_1170 : vector<62x62xf32>
    %eq3A_1814 = vector.broadcast %slice3A_1811 : vector<62x1xf32> to vector<62x62xf32>
    %eq3A_1815 = arith.cmpf oeq, %eq3A_1814, %div3A_1170 : vector<62x62xf32>
    %gt3A_1816 = arith.constant 49 : i32
    %gt3A_1817 = vector.broadcast %gt3A_1816 : i32 to vector<62x62xi32>
    %gt3A_1818 = arith.cmpi sgt, %iota3A_1171, %gt3A_1817 : vector<62x62xi32>
    %and3A_1819 = arith.andi %eq3A_1815, %gt3A_1818 : vector<62x62xi1>
    %or3A_1820 = arith.ori %gt3A_1813, %and3A_1819 : vector<62x62xi1>
    %convert_element_type3A_1821 = arith.extui %or3A_1820 : vector<62x62xi1> to vector<62x62xi32>
    %convert_element_type3A_1822 = arith.sitofp %convert_element_type3A_1821 : vector<62x62xi32> to vector<62x62xf32>
    %add3A_1823 = arith.addf %add3A_1810, %convert_element_type3A_1822 : vector<62x62xf32>
    %slice3A_1824 = vector.extract_strided_slice %div3A_1170 {offsets = [0, 50], sizes = [62, 1], strides = [1, 1]} : vector<62x62xf32> to vector<62x1xf32>
    %gt3A_1825 = vector.broadcast %slice3A_1824 : vector<62x1xf32> to vector<62x62xf32>
    %gt3A_1826 = arith.cmpf ogt, %gt3A_1825, %div3A_1170 : vector<62x62xf32>
    %eq3A_1827 = vector.broadcast %slice3A_1824 : vector<62x1xf32> to vector<62x62xf32>
    %eq3A_1828 = arith.cmpf oeq, %eq3A_1827, %div3A_1170 : vector<62x62xf32>
    %gt3A_1829 = arith.constant 50 : i32
    %gt3A_1830 = vector.broadcast %gt3A_1829 : i32 to vector<62x62xi32>
    %gt3A_1831 = arith.cmpi sgt, %iota3A_1171, %gt3A_1830 : vector<62x62xi32>
    %and3A_1832 = arith.andi %eq3A_1828, %gt3A_1831 : vector<62x62xi1>
    %or3A_1833 = arith.ori %gt3A_1826, %and3A_1832 : vector<62x62xi1>
    %convert_element_type3A_1834 = arith.extui %or3A_1833 : vector<62x62xi1> to vector<62x62xi32>
    %convert_element_type3A_1835 = arith.sitofp %convert_element_type3A_1834 : vector<62x62xi32> to vector<62x62xf32>
    %add3A_1836 = arith.addf %add3A_1823, %convert_element_type3A_1835 : vector<62x62xf32>
    %slice3A_1837 = vector.extract_strided_slice %div3A_1170 {offsets = [0, 51], sizes = [62, 1], strides = [1, 1]} : vector<62x62xf32> to vector<62x1xf32>
    %gt3A_1838 = vector.broadcast %slice3A_1837 : vector<62x1xf32> to vector<62x62xf32>
    %gt3A_1839 = arith.cmpf ogt, %gt3A_1838, %div3A_1170 : vector<62x62xf32>
    %eq3A_1840 = vector.broadcast %slice3A_1837 : vector<62x1xf32> to vector<62x62xf32>
    %eq3A_1841 = arith.cmpf oeq, %eq3A_1840, %div3A_1170 : vector<62x62xf32>
    %gt3A_1842 = arith.constant 51 : i32
    %gt3A_1843 = vector.broadcast %gt3A_1842 : i32 to vector<62x62xi32>
    %gt3A_1844 = arith.cmpi sgt, %iota3A_1171, %gt3A_1843 : vector<62x62xi32>
    %and3A_1845 = arith.andi %eq3A_1841, %gt3A_1844 : vector<62x62xi1>
    %or3A_1846 = arith.ori %gt3A_1839, %and3A_1845 : vector<62x62xi1>
    %convert_element_type3A_1847 = arith.extui %or3A_1846 : vector<62x62xi1> to vector<62x62xi32>
    %convert_element_type3A_1848 = arith.sitofp %convert_element_type3A_1847 : vector<62x62xi32> to vector<62x62xf32>
    %add3A_1849 = arith.addf %add3A_1836, %convert_element_type3A_1848 : vector<62x62xf32>
    %slice3A_1850 = vector.extract_strided_slice %div3A_1170 {offsets = [0, 52], sizes = [62, 1], strides = [1, 1]} : vector<62x62xf32> to vector<62x1xf32>
    %gt3A_1851 = vector.broadcast %slice3A_1850 : vector<62x1xf32> to vector<62x62xf32>
    %gt3A_1852 = arith.cmpf ogt, %gt3A_1851, %div3A_1170 : vector<62x62xf32>
    %eq3A_1853 = vector.broadcast %slice3A_1850 : vector<62x1xf32> to vector<62x62xf32>
    %eq3A_1854 = arith.cmpf oeq, %eq3A_1853, %div3A_1170 : vector<62x62xf32>
    %gt3A_1855 = arith.constant 52 : i32
    %gt3A_1856 = vector.broadcast %gt3A_1855 : i32 to vector<62x62xi32>
    %gt3A_1857 = arith.cmpi sgt, %iota3A_1171, %gt3A_1856 : vector<62x62xi32>
    %and3A_1858 = arith.andi %eq3A_1854, %gt3A_1857 : vector<62x62xi1>
    %or3A_1859 = arith.ori %gt3A_1852, %and3A_1858 : vector<62x62xi1>
    %convert_element_type3A_1860 = arith.extui %or3A_1859 : vector<62x62xi1> to vector<62x62xi32>
    %convert_element_type3A_1861 = arith.sitofp %convert_element_type3A_1860 : vector<62x62xi32> to vector<62x62xf32>
    %add3A_1862 = arith.addf %add3A_1849, %convert_element_type3A_1861 : vector<62x62xf32>
    %slice3A_1863 = vector.extract_strided_slice %div3A_1170 {offsets = [0, 53], sizes = [62, 1], strides = [1, 1]} : vector<62x62xf32> to vector<62x1xf32>
    %gt3A_1864 = vector.broadcast %slice3A_1863 : vector<62x1xf32> to vector<62x62xf32>
    %gt3A_1865 = arith.cmpf ogt, %gt3A_1864, %div3A_1170 : vector<62x62xf32>
    %eq3A_1866 = vector.broadcast %slice3A_1863 : vector<62x1xf32> to vector<62x62xf32>
    %eq3A_1867 = arith.cmpf oeq, %eq3A_1866, %div3A_1170 : vector<62x62xf32>
    %gt3A_1868 = arith.constant 53 : i32
    %gt3A_1869 = vector.broadcast %gt3A_1868 : i32 to vector<62x62xi32>
    %gt3A_1870 = arith.cmpi sgt, %iota3A_1171, %gt3A_1869 : vector<62x62xi32>
    %and3A_1871 = arith.andi %eq3A_1867, %gt3A_1870 : vector<62x62xi1>
    %or3A_1872 = arith.ori %gt3A_1865, %and3A_1871 : vector<62x62xi1>
    %convert_element_type3A_1873 = arith.extui %or3A_1872 : vector<62x62xi1> to vector<62x62xi32>
    %convert_element_type3A_1874 = arith.sitofp %convert_element_type3A_1873 : vector<62x62xi32> to vector<62x62xf32>
    %add3A_1875 = arith.addf %add3A_1862, %convert_element_type3A_1874 : vector<62x62xf32>
    %slice3A_1876 = vector.extract_strided_slice %div3A_1170 {offsets = [0, 54], sizes = [62, 1], strides = [1, 1]} : vector<62x62xf32> to vector<62x1xf32>
    %gt3A_1877 = vector.broadcast %slice3A_1876 : vector<62x1xf32> to vector<62x62xf32>
    %gt3A_1878 = arith.cmpf ogt, %gt3A_1877, %div3A_1170 : vector<62x62xf32>
    %eq3A_1879 = vector.broadcast %slice3A_1876 : vector<62x1xf32> to vector<62x62xf32>
    %eq3A_1880 = arith.cmpf oeq, %eq3A_1879, %div3A_1170 : vector<62x62xf32>
    %gt3A_1881 = arith.constant 54 : i32
    %gt3A_1882 = vector.broadcast %gt3A_1881 : i32 to vector<62x62xi32>
    %gt3A_1883 = arith.cmpi sgt, %iota3A_1171, %gt3A_1882 : vector<62x62xi32>
    %and3A_1884 = arith.andi %eq3A_1880, %gt3A_1883 : vector<62x62xi1>
    %or3A_1885 = arith.ori %gt3A_1878, %and3A_1884 : vector<62x62xi1>
    %convert_element_type3A_1886 = arith.extui %or3A_1885 : vector<62x62xi1> to vector<62x62xi32>
    %convert_element_type3A_1887 = arith.sitofp %convert_element_type3A_1886 : vector<62x62xi32> to vector<62x62xf32>
    %add3A_1888 = arith.addf %add3A_1875, %convert_element_type3A_1887 : vector<62x62xf32>
    %slice3A_1889 = vector.extract_strided_slice %div3A_1170 {offsets = [0, 55], sizes = [62, 1], strides = [1, 1]} : vector<62x62xf32> to vector<62x1xf32>
    %gt3A_1890 = vector.broadcast %slice3A_1889 : vector<62x1xf32> to vector<62x62xf32>
    %gt3A_1891 = arith.cmpf ogt, %gt3A_1890, %div3A_1170 : vector<62x62xf32>
    %eq3A_1892 = vector.broadcast %slice3A_1889 : vector<62x1xf32> to vector<62x62xf32>
    %eq3A_1893 = arith.cmpf oeq, %eq3A_1892, %div3A_1170 : vector<62x62xf32>
    %gt3A_1894 = arith.constant 55 : i32
    %gt3A_1895 = vector.broadcast %gt3A_1894 : i32 to vector<62x62xi32>
    %gt3A_1896 = arith.cmpi sgt, %iota3A_1171, %gt3A_1895 : vector<62x62xi32>
    %and3A_1897 = arith.andi %eq3A_1893, %gt3A_1896 : vector<62x62xi1>
    %or3A_1898 = arith.ori %gt3A_1891, %and3A_1897 : vector<62x62xi1>
    %convert_element_type3A_1899 = arith.extui %or3A_1898 : vector<62x62xi1> to vector<62x62xi32>
    %convert_element_type3A_1900 = arith.sitofp %convert_element_type3A_1899 : vector<62x62xi32> to vector<62x62xf32>
    %add3A_1901 = arith.addf %add3A_1888, %convert_element_type3A_1900 : vector<62x62xf32>
    %slice3A_1902 = vector.extract_strided_slice %div3A_1170 {offsets = [0, 56], sizes = [62, 1], strides = [1, 1]} : vector<62x62xf32> to vector<62x1xf32>
    %gt3A_1903 = vector.broadcast %slice3A_1902 : vector<62x1xf32> to vector<62x62xf32>
    %gt3A_1904 = arith.cmpf ogt, %gt3A_1903, %div3A_1170 : vector<62x62xf32>
    %eq3A_1905 = vector.broadcast %slice3A_1902 : vector<62x1xf32> to vector<62x62xf32>
    %eq3A_1906 = arith.cmpf oeq, %eq3A_1905, %div3A_1170 : vector<62x62xf32>
    %gt3A_1907 = arith.constant 56 : i32
    %gt3A_1908 = vector.broadcast %gt3A_1907 : i32 to vector<62x62xi32>
    %gt3A_1909 = arith.cmpi sgt, %iota3A_1171, %gt3A_1908 : vector<62x62xi32>
    %and3A_1910 = arith.andi %eq3A_1906, %gt3A_1909 : vector<62x62xi1>
    %or3A_1911 = arith.ori %gt3A_1904, %and3A_1910 : vector<62x62xi1>
    %convert_element_type3A_1912 = arith.extui %or3A_1911 : vector<62x62xi1> to vector<62x62xi32>
    %convert_element_type3A_1913 = arith.sitofp %convert_element_type3A_1912 : vector<62x62xi32> to vector<62x62xf32>
    %add3A_1914 = arith.addf %add3A_1901, %convert_element_type3A_1913 : vector<62x62xf32>
    %slice3A_1915 = vector.extract_strided_slice %div3A_1170 {offsets = [0, 57], sizes = [62, 1], strides = [1, 1]} : vector<62x62xf32> to vector<62x1xf32>
    %gt3A_1916 = vector.broadcast %slice3A_1915 : vector<62x1xf32> to vector<62x62xf32>
    %gt3A_1917 = arith.cmpf ogt, %gt3A_1916, %div3A_1170 : vector<62x62xf32>
    %eq3A_1918 = vector.broadcast %slice3A_1915 : vector<62x1xf32> to vector<62x62xf32>
    %eq3A_1919 = arith.cmpf oeq, %eq3A_1918, %div3A_1170 : vector<62x62xf32>
    %gt3A_1920 = arith.constant 57 : i32
    %gt3A_1921 = vector.broadcast %gt3A_1920 : i32 to vector<62x62xi32>
    %gt3A_1922 = arith.cmpi sgt, %iota3A_1171, %gt3A_1921 : vector<62x62xi32>
    %and3A_1923 = arith.andi %eq3A_1919, %gt3A_1922 : vector<62x62xi1>
    %or3A_1924 = arith.ori %gt3A_1917, %and3A_1923 : vector<62x62xi1>
    %convert_element_type3A_1925 = arith.extui %or3A_1924 : vector<62x62xi1> to vector<62x62xi32>
    %convert_element_type3A_1926 = arith.sitofp %convert_element_type3A_1925 : vector<62x62xi32> to vector<62x62xf32>
    %add3A_1927 = arith.addf %add3A_1914, %convert_element_type3A_1926 : vector<62x62xf32>
    %slice3A_1928 = vector.extract_strided_slice %div3A_1170 {offsets = [0, 58], sizes = [62, 1], strides = [1, 1]} : vector<62x62xf32> to vector<62x1xf32>
    %gt3A_1929 = vector.broadcast %slice3A_1928 : vector<62x1xf32> to vector<62x62xf32>
    %gt3A_1930 = arith.cmpf ogt, %gt3A_1929, %div3A_1170 : vector<62x62xf32>
    %eq3A_1931 = vector.broadcast %slice3A_1928 : vector<62x1xf32> to vector<62x62xf32>
    %eq3A_1932 = arith.cmpf oeq, %eq3A_1931, %div3A_1170 : vector<62x62xf32>
    %gt3A_1933 = arith.constant 58 : i32
    %gt3A_1934 = vector.broadcast %gt3A_1933 : i32 to vector<62x62xi32>
    %gt3A_1935 = arith.cmpi sgt, %iota3A_1171, %gt3A_1934 : vector<62x62xi32>
    %and3A_1936 = arith.andi %eq3A_1932, %gt3A_1935 : vector<62x62xi1>
    %or3A_1937 = arith.ori %gt3A_1930, %and3A_1936 : vector<62x62xi1>
    %convert_element_type3A_1938 = arith.extui %or3A_1937 : vector<62x62xi1> to vector<62x62xi32>
    %convert_element_type3A_1939 = arith.sitofp %convert_element_type3A_1938 : vector<62x62xi32> to vector<62x62xf32>
    %add3A_1940 = arith.addf %add3A_1927, %convert_element_type3A_1939 : vector<62x62xf32>
    %slice3A_1941 = vector.extract_strided_slice %div3A_1170 {offsets = [0, 59], sizes = [62, 1], strides = [1, 1]} : vector<62x62xf32> to vector<62x1xf32>
    %gt3A_1942 = vector.broadcast %slice3A_1941 : vector<62x1xf32> to vector<62x62xf32>
    %gt3A_1943 = arith.cmpf ogt, %gt3A_1942, %div3A_1170 : vector<62x62xf32>
    %eq3A_1944 = vector.broadcast %slice3A_1941 : vector<62x1xf32> to vector<62x62xf32>
    %eq3A_1945 = arith.cmpf oeq, %eq3A_1944, %div3A_1170 : vector<62x62xf32>
    %gt3A_1946 = arith.constant 59 : i32
    %gt3A_1947 = vector.broadcast %gt3A_1946 : i32 to vector<62x62xi32>
    %gt3A_1948 = arith.cmpi sgt, %iota3A_1171, %gt3A_1947 : vector<62x62xi32>
    %and3A_1949 = arith.andi %eq3A_1945, %gt3A_1948 : vector<62x62xi1>
    %or3A_1950 = arith.ori %gt3A_1943, %and3A_1949 : vector<62x62xi1>
    %convert_element_type3A_1951 = arith.extui %or3A_1950 : vector<62x62xi1> to vector<62x62xi32>
    %convert_element_type3A_1952 = arith.sitofp %convert_element_type3A_1951 : vector<62x62xi32> to vector<62x62xf32>
    %add3A_1953 = arith.addf %add3A_1940, %convert_element_type3A_1952 : vector<62x62xf32>
    %slice3A_1954 = vector.extract_strided_slice %div3A_1170 {offsets = [0, 60], sizes = [62, 1], strides = [1, 1]} : vector<62x62xf32> to vector<62x1xf32>
    %gt3A_1955 = vector.broadcast %slice3A_1954 : vector<62x1xf32> to vector<62x62xf32>
    %gt3A_1956 = arith.cmpf ogt, %gt3A_1955, %div3A_1170 : vector<62x62xf32>
    %eq3A_1957 = vector.broadcast %slice3A_1954 : vector<62x1xf32> to vector<62x62xf32>
    %eq3A_1958 = arith.cmpf oeq, %eq3A_1957, %div3A_1170 : vector<62x62xf32>
    %gt3A_1959 = arith.constant 60 : i32
    %gt3A_1960 = vector.broadcast %gt3A_1959 : i32 to vector<62x62xi32>
    %gt3A_1961 = arith.cmpi sgt, %iota3A_1171, %gt3A_1960 : vector<62x62xi32>
    %and3A_1962 = arith.andi %eq3A_1958, %gt3A_1961 : vector<62x62xi1>
    %or3A_1963 = arith.ori %gt3A_1956, %and3A_1962 : vector<62x62xi1>
    %convert_element_type3A_1964 = arith.extui %or3A_1963 : vector<62x62xi1> to vector<62x62xi32>
    %convert_element_type3A_1965 = arith.sitofp %convert_element_type3A_1964 : vector<62x62xi32> to vector<62x62xf32>
    %add3A_1966 = arith.addf %add3A_1953, %convert_element_type3A_1965 : vector<62x62xf32>
    %slice3A_1967 = vector.extract_strided_slice %div3A_1170 {offsets = [0, 61], sizes = [62, 1], strides = [1, 1]} : vector<62x62xf32> to vector<62x1xf32>
    %gt3A_1968 = vector.broadcast %slice3A_1967 : vector<62x1xf32> to vector<62x62xf32>
    %gt3A_1969 = arith.cmpf ogt, %gt3A_1968, %div3A_1170 : vector<62x62xf32>
    %eq3A_1970 = vector.broadcast %slice3A_1967 : vector<62x1xf32> to vector<62x62xf32>
    %eq3A_1971 = arith.cmpf oeq, %eq3A_1970, %div3A_1170 : vector<62x62xf32>
    %gt3A_1972 = arith.constant 61 : i32
    %gt3A_1973 = vector.broadcast %gt3A_1972 : i32 to vector<62x62xi32>
    %gt3A_1974 = arith.cmpi sgt, %iota3A_1171, %gt3A_1973 : vector<62x62xi32>
    %and3A_1975 = arith.andi %eq3A_1971, %gt3A_1974 : vector<62x62xi1>
    %or3A_1976 = arith.ori %gt3A_1969, %and3A_1975 : vector<62x62xi1>
    %convert_element_type3A_1977 = arith.extui %or3A_1976 : vector<62x62xi1> to vector<62x62xi32>
    %convert_element_type3A_1978 = arith.sitofp %convert_element_type3A_1977 : vector<62x62xi32> to vector<62x62xf32>
    %add3A_1979 = arith.addf %add3A_1966, %convert_element_type3A_1978 : vector<62x62xf32>
    %lt3A_1980 = arith.constant 4.900000e+01 : f32
    %lt3A_1981 = vector.broadcast %lt3A_1980 : f32 to vector<62x62xf32>
    %lt3A_1982 = arith.cmpf olt, %add3A_1979, %lt3A_1981 : vector<62x62xf32>
    %convert_element_type3A_1983 = arith.extui %lt3A_1982 : vector<62x62xi1> to vector<62x62xi32>
    %convert_element_type3A_1984 = arith.sitofp %convert_element_type3A_1983 : vector<62x62xi32> to vector<62x62xf32>
    %mul3A_1985 = arith.mulf %div3A_1170, %convert_element_type3A_1984 : vector<62x62xf32>
    %swap3A_1986 = arith.constant 0 : index
    %swap3A_1987 = arith.constant 0 : index
    %swap3A_1988 = arith.constant 0 : index
    %swap3A_1989 = vector.load %arg11[%swap3A_1986, %swap3A_1987, %swap3A_1988] : memref<1x62x62xf32, #tpu.memory_space<vmem>>, vector<1x62x62xf32>
    %swap3A_1990 = vector.shape_cast %swap3A_1989 : vector<1x62x62xf32> to vector<62x62xf32>
    %swap3A_1991 = vector.shape_cast %mul3A_1985 : vector<62x62xf32> to vector<1x62x62xf32>
    tpu.vector_store %arg11[%swap3A_1986, %swap3A_1987, %swap3A_1988], %swap3A_1991 {strides = array<i32>} : memref<1x62x62xf32, #tpu.memory_space<vmem>>, vector<1x62x62xf32>,
    %slice3A_1992 = vector.extract_strided_slice %reshape3A_1034 {offsets = [0, 0, 0], sizes = [1, 62, 1024], strides = [1, 1, 1]} : vector<5x62x1024xf32> to vector<1x62x1024xf32>
    %squeeze3A_1993 = vector.shape_cast %slice3A_1992 : vector<1x62x1024xf32> to vector<62x1024xf32>
    %dot_general3A_1994 = arith.constant dense<0.000000e+00> : vector<62x1024xf32>
    %dot_general3A_1995 = tpu.matmul %mul3A_1985, %squeeze3A_1993, %dot_general3A_1994 {dimension_numbers = #tpu.dot_dimension_numbers<[0], [0], [1], [1], [0, 1, 1, 1], [], []>, transpose_lhs_hint = false} : vector<62x62xf32>, vector<62x1024xf32>, vector<62x1024xf32> -> vector<62x1024xf32>
    %slice3A_1996 = vector.extract_strided_slice %reshape3A_1034 {offsets = [1, 0, 0], sizes = [1, 62, 1024], strides = [1, 1, 1]} : vector<5x62x1024xf32> to vector<1x62x1024xf32>
    %squeeze3A_1997 = vector.shape_cast %slice3A_1996 : vector<1x62x1024xf32> to vector<62x1024xf32>
    %dot_general3A_1998 = arith.constant dense<0.000000e+00> : vector<62x1024xf32>
    %dot_general3A_1999 = tpu.matmul %mul3A_1985, %squeeze3A_1997, %dot_general3A_1998 {dimension_numbers = #tpu.dot_dimension_numbers<[0], [0], [1], [1], [0, 1, 1, 1], [], []>, transpose_lhs_hint = false} : vector<62x62xf32>, vector<62x1024xf32>, vector<62x1024xf32> -> vector<62x1024xf32>
    %slice3A_2000 = vector.extract_strided_slice %reshape3A_1034 {offsets = [2, 0, 0], sizes = [1, 62, 1024], strides = [1, 1, 1]} : vector<5x62x1024xf32> to vector<1x62x1024xf32>
    %squeeze3A_2001 = vector.shape_cast %slice3A_2000 : vector<1x62x1024xf32> to vector<62x1024xf32>
    %dot_general3A_2002 = arith.constant dense<0.000000e+00> : vector<62x1024xf32>
    %dot_general3A_2003 = tpu.matmul %mul3A_1985, %squeeze3A_2001, %dot_general3A_2002 {dimension_numbers = #tpu.dot_dimension_numbers<[0], [0], [1], [1], [0, 1, 1, 1], [], []>, transpose_lhs_hint = false} : vector<62x62xf32>, vector<62x1024xf32>, vector<62x1024xf32> -> vector<62x1024xf32>
    %slice3A_2004 = vector.extract_strided_slice %reshape3A_1034 {offsets = [3, 0, 0], sizes = [1, 62, 1024], strides = [1, 1, 1]} : vector<5x62x1024xf32> to vector<1x62x1024xf32>
    %squeeze3A_2005 = vector.shape_cast %slice3A_2004 : vector<1x62x1024xf32> to vector<62x1024xf32>
    %dot_general3A_2006 = arith.constant dense<0.000000e+00> : vector<62x1024xf32>
    %dot_general3A_2007 = tpu.matmul %mul3A_1985, %squeeze3A_2005, %dot_general3A_2006 {dimension_numbers = #tpu.dot_dimension_numbers<[0], [0], [1], [1], [0, 1, 1, 1], [], []>, transpose_lhs_hint = false} : vector<62x62xf32>, vector<62x1024xf32>, vector<62x1024xf32> -> vector<62x1024xf32>
    %slice3A_2008 = vector.extract_strided_slice %reshape3A_1034 {offsets = [4, 0, 0], sizes = [1, 62, 1024], strides = [1, 1, 1]} : vector<5x62x1024xf32> to vector<1x62x1024xf32>
    %squeeze3A_2009 = vector.shape_cast %slice3A_2008 : vector<1x62x1024xf32> to vector<62x1024xf32>
    %dot_general3A_2010 = arith.constant dense<0.000000e+00> : vector<62x1024xf32>
    %dot_general3A_2011 = tpu.matmul %mul3A_1985, %squeeze3A_2009, %dot_general3A_2010 {dimension_numbers = #tpu.dot_dimension_numbers<[0], [0], [1], [1], [0, 1, 1, 1], [], []>, transpose_lhs_hint = false} : vector<62x62xf32>, vector<62x1024xf32>, vector<62x1024xf32> -> vector<62x1024xf32>
    %stack3A_2012 = vector.shape_cast %dot_general3A_1995 : vector<62x1024xf32> to vector<1x62x1024xf32>
    %stack3A_2013 = vector.shape_cast %dot_general3A_1999 : vector<62x1024xf32> to vector<1x62x1024xf32>
    %stack3A_2014 = vector.shape_cast %dot_general3A_2003 : vector<62x1024xf32> to vector<1x62x1024xf32>
    %stack3A_2015 = vector.shape_cast %dot_general3A_2007 : vector<62x1024xf32> to vector<1x62x1024xf32>
    %stack3A_2016 = vector.shape_cast %dot_general3A_2011 : vector<62x1024xf32> to vector<1x62x1024xf32>
    %stack3A_2017 = tpu.concatenate %stack3A_2012, %stack3A_2013, %stack3A_2014, %stack3A_2015, %stack3A_2016 in 0 : vector<1x62x1024xf32>, vector<1x62x1024xf32>, vector<1x62x1024xf32>, vector<1x62x1024xf32>, vector<1x62x1024xf32> -> vector<5x62x1024xf32>
    %reshape3A_2018 = vector.shape_cast %stack3A_2017 : vector<5x62x1024xf32> to vector<5x63488xf32>
    %dot_general3A_2019 = arith.constant dense<0.000000e+00> : vector<5x63488xf32>
    %dot_general3A_2020 = tpu.matmul %get3A_1024, %reshape3A_2018, %dot_general3A_2019 {dimension_numbers = #tpu.dot_dimension_numbers<[1], [0], [0], [1], [0, 0, 1, 1], [], []>, transpose_lhs_hint = false} : vector<5x5xf32>, vector<5x63488xf32>, vector<5x63488xf32> -> vector<5x63488xf32>
    %add3A_2021 = vector.broadcast %get3A_1029 : vector<5x1xf32> to vector<5x63488xf32>
    %add3A_2022 = arith.addf %dot_general3A_2020, %add3A_2021 : vector<5x63488xf32>
    %add3A_2023 = arith.addf %add3A_2022, %add3A_998 : vector<5x63488xf32>
    %swap3A_2024 = arith.constant 0 : index
    %swap3A_2025 = arith.constant 10 : index
    %swap3A_2026 = arith.constant 0 : index
    %swap3A_2027 = vector.load %arg9[%swap3A_2024, %swap3A_2025, %swap3A_2026] : memref<1x20x63488xf32, #tpu.memory_space<vmem>>, vector<1x5x63488xf32>
    %swap3A_2028 = vector.shape_cast %swap3A_2027 : vector<1x5x63488xf32> to vector<5x63488xf32>
    %swap3A_2029 = vector.shape_cast %add3A_2023 : vector<5x63488xf32> to vector<1x5x63488xf32>
    tpu.vector_store %arg9[%swap3A_2024, %swap3A_2025, %swap3A_2026], %swap3A_2029 {strides = array<i32>} : memref<1x20x63488xf32, #tpu.memory_space<vmem>>, vector<1x5x63488xf32>,
    %get3A_2030 = arith.constant 2 : index
    %get3A_2031 = arith.constant 0 : index
    %get3A_2032 = arith.constant 0 : index
    %get3A_2033 = vector.load %arg2[%get3A_2030, %get3A_2031, %get3A_2032] : memref<3x5x5xf32, #tpu.memory_space<vmem>>, vector<1x5x5xf32>
    %get3A_2034 = vector.shape_cast %get3A_2033 : vector<1x5x5xf32> to vector<5x5xf32>
    %get3A_2035 = arith.constant 2 : index
    %get3A_2036 = arith.constant 0 : index
    %get3A_2037 = arith.constant 0 : index
    %get3A_2038 = vector.load %arg3[%get3A_2035, %get3A_2036, %get3A_2037] : memref<3x5x1xf32, #tpu.memory_space<vmem>>, vector<1x5x1xf32>
    %get3A_2039 = vector.shape_cast %get3A_2038 : vector<1x5x1xf32> to vector<5x1xf32>
    %get3A_2040 = arith.constant 2 : index
    %get3A_2041 = arith.constant 0 : index
    %get3A_2042 = arith.constant 0 : index
    %get3A_2043 = vector.load %arg4[%get3A_2040, %get3A_2041, %get3A_2042] : memref<3x5x62xf32, #tpu.memory_space<vmem>>, vector<1x5x62xf32>
    %get3A_2044 = vector.shape_cast %get3A_2043 : vector<1x5x62xf32> to vector<5x62xf32>
    %get3A_2045 = arith.constant 2 : index
    %get3A_2046 = arith.constant 0 : index
    %get3A_2047 = arith.constant 0 : index
    %get3A_2048 = vector.load %arg7[%get3A_2045, %get3A_2046, %get3A_2047] : memref<3x5x5xf32, #tpu.memory_space<vmem>>, vector<1x5x5xf32>
    %get3A_2049 = vector.shape_cast %get3A_2048 : vector<1x5x5xf32> to vector<5x5xf32>
    %get3A_2050 = arith.constant 2 : index
    %get3A_2051 = arith.constant 0 : index
    %get3A_2052 = arith.constant 0 : index
    %get3A_2053 = vector.load %arg8[%get3A_2050, %get3A_2051, %get3A_2052] : memref<3x5x1xf32, #tpu.memory_space<vmem>>, vector<1x5x1xf32>
    %get3A_2054 = vector.shape_cast %get3A_2053 : vector<1x5x1xf32> to vector<5x1xf32>
    %dot_general3A_2055 = arith.constant dense<0.000000e+00> : vector<5x63488xf32>
    %dot_general3A_2056 = tpu.matmul %get3A_2034, %add3A_2023, %dot_general3A_2055 {dimension_numbers = #tpu.dot_dimension_numbers<[1], [0], [0], [1], [0, 0, 1, 1], [], []>, transpose_lhs_hint = false} : vector<5x5xf32>, vector<5x63488xf32>, vector<5x63488xf32> -> vector<5x63488xf32>
    %add3A_2057 = vector.broadcast %get3A_2039 : vector<5x1xf32> to vector<5x63488xf32>
    %add3A_2058 = arith.addf %dot_general3A_2056, %add3A_2057 : vector<5x63488xf32>
    %reshape3A_2059 = vector.shape_cast %add3A_2058 : vector<5x63488xf32> to vector<5x62x1024xf32>
    %reduce_sum3A_2060 = arith.constant dense<0.000000e+00> : vector<5x62xf32>
    %reduce_sum3A_2061 = vector.multi_reduction <add>, %reshape3A_2059, %reduce_sum3A_2060 [2] : vector<5x62x1024xf32> to vector<5x62xf32>
    %dot_general3A_2062 = arith.constant dense<0.000000e+00> : vector<62x62xf32>
    %dot_general3A_2063 = tpu.matmul %reduce_sum3A_2061, %get3A_2044, %dot_general3A_2062 {dimension_numbers = #tpu.dot_dimension_numbers<[0], [0], [1], [1], [0, 1, 1, 1], [], []>, transpose_lhs_hint = false} : vector<5x62xf32>, vector<5x62xf32>, vector<62x62xf32> -> vector<62x62xf32>
    %div3A_2064 = vector.broadcast %sqrt3A_0 : f32 to vector<62x62xf32>
    %div3A_2065 = arith.divf %dot_general3A_2063, %div3A_2064 : vector<62x62xf32>
    %max3A_2066 = arith.constant 0.000000e+00 : f32
    %max3A_2067 = vector.broadcast %max3A_2066 : f32 to vector<62x62xf32>
    %max3A_2068 = arith.maximumf %div3A_2065, %max3A_2067 : vector<62x62xf32>
    %reduce_max3A_2069 = arith.constant dense<0xFF800000> : vector<62xf32>
    %reduce_max3A_2070 = vector.multi_reduction <maximumf>, %max3A_2068, %reduce_max3A_2069 [1] : vector<62x62xf32> to vector<62xf32>
    %broadcast_in_dim3A_2071 = vector.shape_cast %reduce_max3A_2070 : vector<62xf32> to vector<62x1xf32>
    %sub3A_2072 = vector.broadcast %broadcast_in_dim3A_2071 : vector<62x1xf32> to vector<62x62xf32>
    %sub3A_2073 = arith.subf %max3A_2068, %sub3A_2072 : vector<62x62xf32>
    %exp3A_2074 = math.exp %sub3A_2073 : vector<62x62xf32>
    %transpose3A_2075 = tpu.transpose %exp3A_2074, [1, 0] : vector<62x62xf32> -> vector<62x62xf32>
    %reduce_sum3A_2076 = arith.constant dense<0.000000e+00> : vector<62xf32>
    %reduce_sum3A_2077 = vector.multi_reduction <add>, %transpose3A_2075, %reduce_sum3A_2076 [0] : vector<62x62xf32> to vector<62xf32>
    %broadcast_in_dim3A_2078 = vector.shape_cast %reduce_sum3A_2077 : vector<62xf32> to vector<1x62xf32>
    %transpose3A_2079 = tpu.transpose %broadcast_in_dim3A_2078, [1, 0] : vector<1x62xf32> -> vector<62x1xf32>
    %div3A_2080 = vector.broadcast %transpose3A_2079 : vector<62x1xf32> to vector<62x62xf32>
    %div3A_2081 = arith.divf %exp3A_2074, %div3A_2080 : vector<62x62xf32>
    %dot_general3A_2082 = arith.constant dense<0.000000e+00> : vector<62x62xf32>
    %dot_general3A_2083 = tpu.matmul %reduce_sum3A_2061, %reduce_sum3A_2061, %dot_general3A_2082 {dimension_numbers = #tpu.dot_dimension_numbers<[0], [0], [1], [1], [0, 1, 1, 1], [], []>, transpose_lhs_hint = false} : vector<5x62xf32>, vector<5x62xf32>, vector<62x62xf32> -> vector<62x62xf32>
    %div3A_2084 = vector.broadcast %sqrt3A_0 : f32 to vector<62x62xf32>
    %div3A_2085 = arith.divf %dot_general3A_2083, %div3A_2084 : vector<62x62xf32>
    %max3A_2086 = arith.constant 0.000000e+00 : f32
    %max3A_2087 = vector.broadcast %max3A_2086 : f32 to vector<62x62xf32>
    %max3A_2088 = arith.maximumf %div3A_2085, %max3A_2087 : vector<62x62xf32>
    %reduce_max3A_2089 = arith.constant dense<0xFF800000> : vector<62xf32>
    %reduce_max3A_2090 = vector.multi_reduction <maximumf>, %max3A_2088, %reduce_max3A_2089 [1] : vector<62x62xf32> to vector<62xf32>
    %broadcast_in_dim3A_2091 = vector.shape_cast %reduce_max3A_2090 : vector<62xf32> to vector<62x1xf32>
    %sub3A_2092 = vector.broadcast %broadcast_in_dim3A_2091 : vector<62x1xf32> to vector<62x62xf32>
    %sub3A_2093 = arith.subf %max3A_2088, %sub3A_2092 : vector<62x62xf32>
    %exp3A_2094 = math.exp %sub3A_2093 : vector<62x62xf32>
    %reduce_sum3A_2095 = arith.constant dense<0.000000e+00> : vector<62xf32>
    %reduce_sum3A_2096 = vector.multi_reduction <add>, %exp3A_2094, %reduce_sum3A_2095 [1] : vector<62x62xf32> to vector<62xf32>
    %broadcast_in_dim3A_2097 = vector.shape_cast %reduce_sum3A_2096 : vector<62xf32> to vector<62x1xf32>
    %div3A_2098 = vector.broadcast %broadcast_in_dim3A_2097 : vector<62x1xf32> to vector<62x62xf32>
    %div3A_2099 = arith.divf %exp3A_2094, %div3A_2098 : vector<62x62xf32>
    %get3A_2100 = arith.constant 2 : index
    %get3A_2101 = arith.constant 0 : index
    %get3A_2102 = arith.constant 0 : index
    %get3A_2103 = vector.load %arg5[%get3A_2100, %get3A_2101, %get3A_2102] : memref<3x2x1xf32, #tpu.memory_space<vmem>>, vector<1x1x1xf32>
    %get3A_2104 = vector.shape_cast %get3A_2103 : vector<1x1x1xf32> to vector<1x1xf32>
    %get3A_2105 = arith.constant 2 : index
    %get3A_2106 = arith.constant 1 : index
    %get3A_2107 = arith.constant 0 : index
    %get3A_2108 = vector.load %arg5[%get3A_2105, %get3A_2106, %get3A_2107] : memref<3x2x1xf32, #tpu.memory_space<vmem>>, vector<1x1x1xf32>
    %get3A_2109 = vector.shape_cast %get3A_2108 : vector<1x1x1xf32> to vector<1x1xf32>
    %get3A_2110 = arith.constant 2 : index
    %get3A_2111 = arith.constant 0 : index
    %get3A_2112 = arith.constant 0 : index
    %get3A_2113 = vector.load %arg6[%get3A_2110, %get3A_2111, %get3A_2112] : memref<3x1x1xf32, #tpu.memory_space<vmem>>, vector<1x1x1xf32>
    %get3A_2114 = vector.shape_cast %get3A_2113 : vector<1x1x1xf32> to vector<1x1xf32>
    %convert_element_type3A_2115 = arith.truncf %div3A_2081 : vector<62x62xf32> to vector<62x62xbf16>
    %convert_element_type3A_2116 = arith.extf %convert_element_type3A_2115 : vector<62x62xbf16> to vector<62x62xf32>
    %convert_element_type3A_2117 = arith.truncf %get3A_2104 : vector<1x1xf32> to vector<1x1xbf16>
    %convert_element_type3A_2118 = arith.extf %convert_element_type3A_2117 : vector<1x1xbf16> to vector<1x1xf32>
    %mul3A_2119 = vector.broadcast %convert_element_type3A_2118 : vector<1x1xf32> to vector<62x62xf32>
    %mul3A_2120 = arith.mulf %convert_element_type3A_2116, %mul3A_2119 : vector<62x62xf32>
    %convert_element_type3A_2121 = arith.truncf %div3A_2099 : vector<62x62xf32> to vector<62x62xbf16>
    %convert_element_type3A_2122 = arith.extf %convert_element_type3A_2121 : vector<62x62xbf16> to vector<62x62xf32>
    %convert_element_type3A_2123 = arith.truncf %get3A_2109 : vector<1x1xf32> to vector<1x1xbf16>
    %convert_element_type3A_2124 = arith.extf %convert_element_type3A_2123 : vector<1x1xbf16> to vector<1x1xf32>
    %mul3A_2125 = vector.broadcast %convert_element_type3A_2124 : vector<1x1xf32> to vector<62x62xf32>
    %mul3A_2126 = arith.mulf %convert_element_type3A_2122, %mul3A_2125 : vector<62x62xf32>
    %bitcast_convert_type3A_2127 = tpu.bitcast %mul3A_2120 : vector<62x62xf32> -> vector<62x62xi32>
    %bitcast_convert_type3A_2128 = tpu.bitcast %mul3A_2126 : vector<62x62xf32> -> vector<62x62xi32>
    %and3A_2129 = arith.constant 2147483647 : i32
    %and3A_2130 = vector.broadcast %and3A_2129 : i32 to vector<62x62xi32>
    %and3A_2131 = arith.andi %bitcast_convert_type3A_2127, %and3A_2130 : vector<62x62xi32>
    %and3A_2132 = arith.constant 2147483647 : i32
    %and3A_2133 = vector.broadcast %and3A_2132 : i32 to vector<62x62xi32>
    %and3A_2134 = arith.andi %bitcast_convert_type3A_2128, %and3A_2133 : vector<62x62xi32>
    %ge3A_2135 = arith.cmpi sge, %and3A_2131, %and3A_2134 : vector<62x62xi32>
    %select_n3A_2136 = arith.select %ge3A_2135, %bitcast_convert_type3A_2127, %bitcast_convert_type3A_2128 : vector<62x62xi1>, vector<62x62xi32>
    %select_n3A_2137 = arith.select %ge3A_2135, %bitcast_convert_type3A_2128, %bitcast_convert_type3A_2127 : vector<62x62xi1>, vector<62x62xi32>
    %shift_right_logical3A_2138 = arith.constant 23 : i32
    %shift_right_logical3A_2139 = vector.broadcast %shift_right_logical3A_2138 : i32 to vector<62x62xi32>
    %shift_right_logical3A_2140 = arith.shrui %select_n3A_2136, %shift_right_logical3A_2139 : vector<62x62xi32>
    %and3A_2141 = arith.constant 255 : i32
    %and3A_2142 = vector.broadcast %and3A_2141 : i32 to vector<62x62xi32>
    %and3A_2143 = arith.andi %shift_right_logical3A_2140, %and3A_2142 : vector<62x62xi32>
    %max3A_2144 = arith.constant 1 : i32
    %max3A_2145 = vector.broadcast %max3A_2144 : i32 to vector<62x62xi32>
    %max3A_2146 = arith.maxsi %and3A_2143, %max3A_2145 : vector<62x62xi32>
    %shift_right_logical3A_2147 = arith.constant 23 : i32
    %shift_right_logical3A_2148 = vector.broadcast %shift_right_logical3A_2147 : i32 to vector<62x62xi32>
    %shift_right_logical3A_2149 = arith.shrui %select_n3A_2137, %shift_right_logical3A_2148 : vector<62x62xi32>
    %and3A_2150 = arith.constant 255 : i32
    %and3A_2151 = vector.broadcast %and3A_2150 : i32 to vector<62x62xi32>
    %and3A_2152 = arith.andi %shift_right_logical3A_2149, %and3A_2151 : vector<62x62xi32>
    %max3A_2153 = arith.constant 1 : i32
    %max3A_2154 = vector.broadcast %max3A_2153 : i32 to vector<62x62xi32>
    %max3A_2155 = arith.maxsi %and3A_2152, %max3A_2154 : vector<62x62xi32>
    %sub3A_2156 = arith.subi %max3A_2146, %max3A_2155 : vector<62x62xi32>
    %sub3A_2157 = arith.constant 4 : i32
    %sub3A_2158 = vector.broadcast %sub3A_2157 : i32 to vector<62x62xi32>
    %sub3A_2159 = arith.subi %sub3A_2156, %sub3A_2158 : vector<62x62xi32>
    %broadcast_in_dim3A_2160 = arith.constant -1 : i32
    %broadcast_in_dim3A_2161 = vector.broadcast %broadcast_in_dim3A_2160 : i32 to vector<62x62xi32>
    %jit3A_2162 = arith.constant 0 : i32
    %jit3A_2163 = arith.constant 23 : i32
    %max3A_2164 = vector.broadcast %jit3A_2162 : i32 to vector<62x62xi32>
    %max3A_2165 = arith.maxsi %max3A_2164, %sub3A_2159 : vector<62x62xi32>
    %min3A_2166 = vector.broadcast %jit3A_2163 : i32 to vector<62x62xi32>
    %min3A_2167 = arith.minsi %min3A_2166, %max3A_2165 : vector<62x62xi32>
    %shift_left3A_2168 = arith.shli %broadcast_in_dim3A_2161, %min3A_2167 : vector<62x62xi32>
    %le3A_2169 = arith.constant 0 : i32
    %le3A_2170 = vector.broadcast %le3A_2169 : i32 to vector<62x62xi32>
    %le3A_2171 = arith.cmpi sle, %sub3A_2159, %le3A_2170 : vector<62x62xi32>
    %ge3A_2172 = arith.constant 24 : i32
    %ge3A_2173 = vector.broadcast %ge3A_2172 : i32 to vector<62x62xi32>
    %ge3A_2174 = arith.cmpi sge, %sub3A_2159, %ge3A_2173 : vector<62x62xi32>
    %broadcast_in_dim3A_2175 = arith.constant 0 : i32
    %broadcast_in_dim3A_2176 = vector.broadcast %broadcast_in_dim3A_2175 : i32 to vector<62x62xi32>
    %and3A_2177 = arith.andi %select_n3A_2137, %shift_left3A_2168 : vector<62x62xi32>
    %select_n3A_2178 = arith.select %ge3A_2174, %broadcast_in_dim3A_2176, %and3A_2177 : vector<62x62xi1>, vector<62x62xi32>
    %select_n3A_2179 = arith.select %le3A_2171, %select_n3A_2137, %select_n3A_2178 : vector<62x62xi1>, vector<62x62xi32>
    %bitcast_convert_type3A_2180 = tpu.bitcast %select_n3A_2136 : vector<62x62xi32> -> vector<62x62xf32>
    %bitcast_convert_type3A_2181 = tpu.bitcast %select_n3A_2179 : vector<62x62xi32> -> vector<62x62xf32>
    %add3A_2182 = arith.addf %bitcast_convert_type3A_2180, %bitcast_convert_type3A_2181 : vector<62x62xf32>
    %add3A_2183 = vector.broadcast %get3A_2114 : vector<1x1xf32> to vector<62x62xf32>
    %add3A_2184 = arith.addf %add3A_2182, %add3A_2183 : vector<62x62xf32>
    %reduce_max3A_2185 = arith.constant dense<0xFF800000> : vector<62xf32>
    %reduce_max3A_2186 = vector.multi_reduction <maximumf>, %add3A_2184, %reduce_max3A_2185 [1] : vector<62x62xf32> to vector<62xf32>
    %broadcast_in_dim3A_2187 = vector.shape_cast %reduce_max3A_2186 : vector<62xf32> to vector<62x1xf32>
    %sub3A_2188 = vector.broadcast %broadcast_in_dim3A_2187 : vector<62x1xf32> to vector<62x62xf32>
    %sub3A_2189 = arith.subf %add3A_2184, %sub3A_2188 : vector<62x62xf32>
    %exp3A_2190 = math.exp %sub3A_2189 : vector<62x62xf32>
    %reduce_sum3A_2191 = arith.constant dense<0.000000e+00> : vector<62xf32>
    %reduce_sum3A_2192 = vector.multi_reduction <add>, %exp3A_2190, %reduce_sum3A_2191 [1] : vector<62x62xf32> to vector<62xf32>
    %broadcast_in_dim3A_2193 = vector.shape_cast %reduce_sum3A_2192 : vector<62xf32> to vector<62x1xf32>
    %div3A_2194 = vector.broadcast %broadcast_in_dim3A_2193 : vector<62x1xf32> to vector<62x62xf32>
    %div3A_2195 = arith.divf %exp3A_2190, %div3A_2194 : vector<62x62xf32>
    %iota3A_2196 = tpu.iota {dimensions = array<i32: 1>} : vector<62x62xi32>
    %broadcast_in_dim3A_2197 = arith.constant 0.000000e+00 : f32
    %broadcast_in_dim3A_2198 = vector.broadcast %broadcast_in_dim3A_2197 : f32 to vector<62x62xf32>
    %slice3A_2199 = vector.extract_strided_slice %div3A_2195 {offsets = [0, 0], sizes = [62, 1], strides = [1, 1]} : vector<62x62xf32> to vector<62x1xf32>
    %gt3A_2200 = vector.broadcast %slice3A_2199 : vector<62x1xf32> to vector<62x62xf32>
    %gt3A_2201 = arith.cmpf ogt, %gt3A_2200, %div3A_2195 : vector<62x62xf32>
    %eq3A_2202 = vector.broadcast %slice3A_2199 : vector<62x1xf32> to vector<62x62xf32>
    %eq3A_2203 = arith.cmpf oeq, %eq3A_2202, %div3A_2195 : vector<62x62xf32>
    %gt3A_2204 = arith.constant 0 : i32
    %gt3A_2205 = vector.broadcast %gt3A_2204 : i32 to vector<62x62xi32>
    %gt3A_2206 = arith.cmpi sgt, %iota3A_2196, %gt3A_2205 : vector<62x62xi32>
    %and3A_2207 = arith.andi %eq3A_2203, %gt3A_2206 : vector<62x62xi1>
    %or3A_2208 = arith.ori %gt3A_2201, %and3A_2207 : vector<62x62xi1>
    %convert_element_type3A_2209 = arith.extui %or3A_2208 : vector<62x62xi1> to vector<62x62xi32>
    %convert_element_type3A_2210 = arith.sitofp %convert_element_type3A_2209 : vector<62x62xi32> to vector<62x62xf32>
    %add3A_2211 = arith.addf %broadcast_in_dim3A_2198, %convert_element_type3A_2210 : vector<62x62xf32>
    %slice3A_2212 = vector.extract_strided_slice %div3A_2195 {offsets = [0, 1], sizes = [62, 1], strides = [1, 1]} : vector<62x62xf32> to vector<62x1xf32>
    %gt3A_2213 = vector.broadcast %slice3A_2212 : vector<62x1xf32> to vector<62x62xf32>
    %gt3A_2214 = arith.cmpf ogt, %gt3A_2213, %div3A_2195 : vector<62x62xf32>
    %eq3A_2215 = vector.broadcast %slice3A_2212 : vector<62x1xf32> to vector<62x62xf32>
    %eq3A_2216 = arith.cmpf oeq, %eq3A_2215, %div3A_2195 : vector<62x62xf32>
    %gt3A_2217 = arith.constant 1 : i32
    %gt3A_2218 = vector.broadcast %gt3A_2217 : i32 to vector<62x62xi32>
    %gt3A_2219 = arith.cmpi sgt, %iota3A_2196, %gt3A_2218 : vector<62x62xi32>
    %and3A_2220 = arith.andi %eq3A_2216, %gt3A_2219 : vector<62x62xi1>
    %or3A_2221 = arith.ori %gt3A_2214, %and3A_2220 : vector<62x62xi1>
    %convert_element_type3A_2222 = arith.extui %or3A_2221 : vector<62x62xi1> to vector<62x62xi32>
    %convert_element_type3A_2223 = arith.sitofp %convert_element_type3A_2222 : vector<62x62xi32> to vector<62x62xf32>
    %add3A_2224 = arith.addf %add3A_2211, %convert_element_type3A_2223 : vector<62x62xf32>
    %slice3A_2225 = vector.extract_strided_slice %div3A_2195 {offsets = [0, 2], sizes = [62, 1], strides = [1, 1]} : vector<62x62xf32> to vector<62x1xf32>
    %gt3A_2226 = vector.broadcast %slice3A_2225 : vector<62x1xf32> to vector<62x62xf32>
    %gt3A_2227 = arith.cmpf ogt, %gt3A_2226, %div3A_2195 : vector<62x62xf32>
    %eq3A_2228 = vector.broadcast %slice3A_2225 : vector<62x1xf32> to vector<62x62xf32>
    %eq3A_2229 = arith.cmpf oeq, %eq3A_2228, %div3A_2195 : vector<62x62xf32>
    %gt3A_2230 = arith.constant 2 : i32
    %gt3A_2231 = vector.broadcast %gt3A_2230 : i32 to vector<62x62xi32>
    %gt3A_2232 = arith.cmpi sgt, %iota3A_2196, %gt3A_2231 : vector<62x62xi32>
    %and3A_2233 = arith.andi %eq3A_2229, %gt3A_2232 : vector<62x62xi1>
    %or3A_2234 = arith.ori %gt3A_2227, %and3A_2233 : vector<62x62xi1>
    %convert_element_type3A_2235 = arith.extui %or3A_2234 : vector<62x62xi1> to vector<62x62xi32>
    %convert_element_type3A_2236 = arith.sitofp %convert_element_type3A_2235 : vector<62x62xi32> to vector<62x62xf32>
    %add3A_2237 = arith.addf %add3A_2224, %convert_element_type3A_2236 : vector<62x62xf32>
    %slice3A_2238 = vector.extract_strided_slice %div3A_2195 {offsets = [0, 3], sizes = [62, 1], strides = [1, 1]} : vector<62x62xf32> to vector<62x1xf32>
    %gt3A_2239 = vector.broadcast %slice3A_2238 : vector<62x1xf32> to vector<62x62xf32>
    %gt3A_2240 = arith.cmpf ogt, %gt3A_2239, %div3A_2195 : vector<62x62xf32>
    %eq3A_2241 = vector.broadcast %slice3A_2238 : vector<62x1xf32> to vector<62x62xf32>
    %eq3A_2242 = arith.cmpf oeq, %eq3A_2241, %div3A_2195 : vector<62x62xf32>
    %gt3A_2243 = arith.constant 3 : i32
    %gt3A_2244 = vector.broadcast %gt3A_2243 : i32 to vector<62x62xi32>
    %gt3A_2245 = arith.cmpi sgt, %iota3A_2196, %gt3A_2244 : vector<62x62xi32>
    %and3A_2246 = arith.andi %eq3A_2242, %gt3A_2245 : vector<62x62xi1>
    %or3A_2247 = arith.ori %gt3A_2240, %and3A_2246 : vector<62x62xi1>
    %convert_element_type3A_2248 = arith.extui %or3A_2247 : vector<62x62xi1> to vector<62x62xi32>
    %convert_element_type3A_2249 = arith.sitofp %convert_element_type3A_2248 : vector<62x62xi32> to vector<62x62xf32>
    %add3A_2250 = arith.addf %add3A_2237, %convert_element_type3A_2249 : vector<62x62xf32>
    %slice3A_2251 = vector.extract_strided_slice %div3A_2195 {offsets = [0, 4], sizes = [62, 1], strides = [1, 1]} : vector<62x62xf32> to vector<62x1xf32>
    %gt3A_2252 = vector.broadcast %slice3A_2251 : vector<62x1xf32> to vector<62x62xf32>
    %gt3A_2253 = arith.cmpf ogt, %gt3A_2252, %div3A_2195 : vector<62x62xf32>
    %eq3A_2254 = vector.broadcast %slice3A_2251 : vector<62x1xf32> to vector<62x62xf32>
    %eq3A_2255 = arith.cmpf oeq, %eq3A_2254, %div3A_2195 : vector<62x62xf32>
    %gt3A_2256 = arith.constant 4 : i32
    %gt3A_2257 = vector.broadcast %gt3A_2256 : i32 to vector<62x62xi32>
    %gt3A_2258 = arith.cmpi sgt, %iota3A_2196, %gt3A_2257 : vector<62x62xi32>
    %and3A_2259 = arith.andi %eq3A_2255, %gt3A_2258 : vector<62x62xi1>
    %or3A_2260 = arith.ori %gt3A_2253, %and3A_2259 : vector<62x62xi1>
    %convert_element_type3A_2261 = arith.extui %or3A_2260 : vector<62x62xi1> to vector<62x62xi32>
    %convert_element_type3A_2262 = arith.sitofp %convert_element_type3A_2261 : vector<62x62xi32> to vector<62x62xf32>
    %add3A_2263 = arith.addf %add3A_2250, %convert_element_type3A_2262 : vector<62x62xf32>
    %slice3A_2264 = vector.extract_strided_slice %div3A_2195 {offsets = [0, 5], sizes = [62, 1], strides = [1, 1]} : vector<62x62xf32> to vector<62x1xf32>
    %gt3A_2265 = vector.broadcast %slice3A_2264 : vector<62x1xf32> to vector<62x62xf32>
    %gt3A_2266 = arith.cmpf ogt, %gt3A_2265, %div3A_2195 : vector<62x62xf32>
    %eq3A_2267 = vector.broadcast %slice3A_2264 : vector<62x1xf32> to vector<62x62xf32>
    %eq3A_2268 = arith.cmpf oeq, %eq3A_2267, %div3A_2195 : vector<62x62xf32>
    %gt3A_2269 = arith.constant 5 : i32
    %gt3A_2270 = vector.broadcast %gt3A_2269 : i32 to vector<62x62xi32>
    %gt3A_2271 = arith.cmpi sgt, %iota3A_2196, %gt3A_2270 : vector<62x62xi32>
    %and3A_2272 = arith.andi %eq3A_2268, %gt3A_2271 : vector<62x62xi1>
    %or3A_2273 = arith.ori %gt3A_2266, %and3A_2272 : vector<62x62xi1>
    %convert_element_type3A_2274 = arith.extui %or3A_2273 : vector<62x62xi1> to vector<62x62xi32>
    %convert_element_type3A_2275 = arith.sitofp %convert_element_type3A_2274 : vector<62x62xi32> to vector<62x62xf32>
    %add3A_2276 = arith.addf %add3A_2263, %convert_element_type3A_2275 : vector<62x62xf32>
    %slice3A_2277 = vector.extract_strided_slice %div3A_2195 {offsets = [0, 6], sizes = [62, 1], strides = [1, 1]} : vector<62x62xf32> to vector<62x1xf32>
    %gt3A_2278 = vector.broadcast %slice3A_2277 : vector<62x1xf32> to vector<62x62xf32>
    %gt3A_2279 = arith.cmpf ogt, %gt3A_2278, %div3A_2195 : vector<62x62xf32>
    %eq3A_2280 = vector.broadcast %slice3A_2277 : vector<62x1xf32> to vector<62x62xf32>
    %eq3A_2281 = arith.cmpf oeq, %eq3A_2280, %div3A_2195 : vector<62x62xf32>
    %gt3A_2282 = arith.constant 6 : i32
    %gt3A_2283 = vector.broadcast %gt3A_2282 : i32 to vector<62x62xi32>
    %gt3A_2284 = arith.cmpi sgt, %iota3A_2196, %gt3A_2283 : vector<62x62xi32>
    %and3A_2285 = arith.andi %eq3A_2281, %gt3A_2284 : vector<62x62xi1>
    %or3A_2286 = arith.ori %gt3A_2279, %and3A_2285 : vector<62x62xi1>
    %convert_element_type3A_2287 = arith.extui %or3A_2286 : vector<62x62xi1> to vector<62x62xi32>
    %convert_element_type3A_2288 = arith.sitofp %convert_element_type3A_2287 : vector<62x62xi32> to vector<62x62xf32>
    %add3A_2289 = arith.addf %add3A_2276, %convert_element_type3A_2288 : vector<62x62xf32>
    %slice3A_2290 = vector.extract_strided_slice %div3A_2195 {offsets = [0, 7], sizes = [62, 1], strides = [1, 1]} : vector<62x62xf32> to vector<62x1xf32>
    %gt3A_2291 = vector.broadcast %slice3A_2290 : vector<62x1xf32> to vector<62x62xf32>
    %gt3A_2292 = arith.cmpf ogt, %gt3A_2291, %div3A_2195 : vector<62x62xf32>
    %eq3A_2293 = vector.broadcast %slice3A_2290 : vector<62x1xf32> to vector<62x62xf32>
    %eq3A_2294 = arith.cmpf oeq, %eq3A_2293, %div3A_2195 : vector<62x62xf32>
    %gt3A_2295 = arith.constant 7 : i32
    %gt3A_2296 = vector.broadcast %gt3A_2295 : i32 to vector<62x62xi32>
    %gt3A_2297 = arith.cmpi sgt, %iota3A_2196, %gt3A_2296 : vector<62x62xi32>
    %and3A_2298 = arith.andi %eq3A_2294, %gt3A_2297 : vector<62x62xi1>
    %or3A_2299 = arith.ori %gt3A_2292, %and3A_2298 : vector<62x62xi1>
    %convert_element_type3A_2300 = arith.extui %or3A_2299 : vector<62x62xi1> to vector<62x62xi32>
    %convert_element_type3A_2301 = arith.sitofp %convert_element_type3A_2300 : vector<62x62xi32> to vector<62x62xf32>
    %add3A_2302 = arith.addf %add3A_2289, %convert_element_type3A_2301 : vector<62x62xf32>
    %slice3A_2303 = vector.extract_strided_slice %div3A_2195 {offsets = [0, 8], sizes = [62, 1], strides = [1, 1]} : vector<62x62xf32> to vector<62x1xf32>
    %gt3A_2304 = vector.broadcast %slice3A_2303 : vector<62x1xf32> to vector<62x62xf32>
    %gt3A_2305 = arith.cmpf ogt, %gt3A_2304, %div3A_2195 : vector<62x62xf32>
    %eq3A_2306 = vector.broadcast %slice3A_2303 : vector<62x1xf32> to vector<62x62xf32>
    %eq3A_2307 = arith.cmpf oeq, %eq3A_2306, %div3A_2195 : vector<62x62xf32>
    %gt3A_2308 = arith.constant 8 : i32
    %gt3A_2309 = vector.broadcast %gt3A_2308 : i32 to vector<62x62xi32>
    %gt3A_2310 = arith.cmpi sgt, %iota3A_2196, %gt3A_2309 : vector<62x62xi32>
    %and3A_2311 = arith.andi %eq3A_2307, %gt3A_2310 : vector<62x62xi1>
    %or3A_2312 = arith.ori %gt3A_2305, %and3A_2311 : vector<62x62xi1>
    %convert_element_type3A_2313 = arith.extui %or3A_2312 : vector<62x62xi1> to vector<62x62xi32>
    %convert_element_type3A_2314 = arith.sitofp %convert_element_type3A_2313 : vector<62x62xi32> to vector<62x62xf32>
    %add3A_2315 = arith.addf %add3A_2302, %convert_element_type3A_2314 : vector<62x62xf32>
    %slice3A_2316 = vector.extract_strided_slice %div3A_2195 {offsets = [0, 9], sizes = [62, 1], strides = [1, 1]} : vector<62x62xf32> to vector<62x1xf32>
    %gt3A_2317 = vector.broadcast %slice3A_2316 : vector<62x1xf32> to vector<62x62xf32>
    %gt3A_2318 = arith.cmpf ogt, %gt3A_2317, %div3A_2195 : vector<62x62xf32>
    %eq3A_2319 = vector.broadcast %slice3A_2316 : vector<62x1xf32> to vector<62x62xf32>
    %eq3A_2320 = arith.cmpf oeq, %eq3A_2319, %div3A_2195 : vector<62x62xf32>
    %gt3A_2321 = arith.constant 9 : i32
    %gt3A_2322 = vector.broadcast %gt3A_2321 : i32 to vector<62x62xi32>
    %gt3A_2323 = arith.cmpi sgt, %iota3A_2196, %gt3A_2322 : vector<62x62xi32>
    %and3A_2324 = arith.andi %eq3A_2320, %gt3A_2323 : vector<62x62xi1>
    %or3A_2325 = arith.ori %gt3A_2318, %and3A_2324 : vector<62x62xi1>
    %convert_element_type3A_2326 = arith.extui %or3A_2325 : vector<62x62xi1> to vector<62x62xi32>
    %convert_element_type3A_2327 = arith.sitofp %convert_element_type3A_2326 : vector<62x62xi32> to vector<62x62xf32>
    %add3A_2328 = arith.addf %add3A_2315, %convert_element_type3A_2327 : vector<62x62xf32>
    %slice3A_2329 = vector.extract_strided_slice %div3A_2195 {offsets = [0, 10], sizes = [62, 1], strides = [1, 1]} : vector<62x62xf32> to vector<62x1xf32>
    %gt3A_2330 = vector.broadcast %slice3A_2329 : vector<62x1xf32> to vector<62x62xf32>
    %gt3A_2331 = arith.cmpf ogt, %gt3A_2330, %div3A_2195 : vector<62x62xf32>
    %eq3A_2332 = vector.broadcast %slice3A_2329 : vector<62x1xf32> to vector<62x62xf32>
    %eq3A_2333 = arith.cmpf oeq, %eq3A_2332, %div3A_2195 : vector<62x62xf32>
    %gt3A_2334 = arith.constant 10 : i32
    %gt3A_2335 = vector.broadcast %gt3A_2334 : i32 to vector<62x62xi32>
    %gt3A_2336 = arith.cmpi sgt, %iota3A_2196, %gt3A_2335 : vector<62x62xi32>
    %and3A_2337 = arith.andi %eq3A_2333, %gt3A_2336 : vector<62x62xi1>
    %or3A_2338 = arith.ori %gt3A_2331, %and3A_2337 : vector<62x62xi1>
    %convert_element_type3A_2339 = arith.extui %or3A_2338 : vector<62x62xi1> to vector<62x62xi32>
    %convert_element_type3A_2340 = arith.sitofp %convert_element_type3A_2339 : vector<62x62xi32> to vector<62x62xf32>
    %add3A_2341 = arith.addf %add3A_2328, %convert_element_type3A_2340 : vector<62x62xf32>
    %slice3A_2342 = vector.extract_strided_slice %div3A_2195 {offsets = [0, 11], sizes = [62, 1], strides = [1, 1]} : vector<62x62xf32> to vector<62x1xf32>
    %gt3A_2343 = vector.broadcast %slice3A_2342 : vector<62x1xf32> to vector<62x62xf32>
    %gt3A_2344 = arith.cmpf ogt, %gt3A_2343, %div3A_2195 : vector<62x62xf32>
    %eq3A_2345 = vector.broadcast %slice3A_2342 : vector<62x1xf32> to vector<62x62xf32>
    %eq3A_2346 = arith.cmpf oeq, %eq3A_2345, %div3A_2195 : vector<62x62xf32>
    %gt3A_2347 = arith.constant 11 : i32
    %gt3A_2348 = vector.broadcast %gt3A_2347 : i32 to vector<62x62xi32>
    %gt3A_2349 = arith.cmpi sgt, %iota3A_2196, %gt3A_2348 : vector<62x62xi32>
    %and3A_2350 = arith.andi %eq3A_2346, %gt3A_2349 : vector<62x62xi1>
    %or3A_2351 = arith.ori %gt3A_2344, %and3A_2350 : vector<62x62xi1>
    %convert_element_type3A_2352 = arith.extui %or3A_2351 : vector<62x62xi1> to vector<62x62xi32>
    %convert_element_type3A_2353 = arith.sitofp %convert_element_type3A_2352 : vector<62x62xi32> to vector<62x62xf32>
    %add3A_2354 = arith.addf %add3A_2341, %convert_element_type3A_2353 : vector<62x62xf32>
    %slice3A_2355 = vector.extract_strided_slice %div3A_2195 {offsets = [0, 12], sizes = [62, 1], strides = [1, 1]} : vector<62x62xf32> to vector<62x1xf32>
    %gt3A_2356 = vector.broadcast %slice3A_2355 : vector<62x1xf32> to vector<62x62xf32>
    %gt3A_2357 = arith.cmpf ogt, %gt3A_2356, %div3A_2195 : vector<62x62xf32>
    %eq3A_2358 = vector.broadcast %slice3A_2355 : vector<62x1xf32> to vector<62x62xf32>
    %eq3A_2359 = arith.cmpf oeq, %eq3A_2358, %div3A_2195 : vector<62x62xf32>
    %gt3A_2360 = arith.constant 12 : i32
    %gt3A_2361 = vector.broadcast %gt3A_2360 : i32 to vector<62x62xi32>
    %gt3A_2362 = arith.cmpi sgt, %iota3A_2196, %gt3A_2361 : vector<62x62xi32>
    %and3A_2363 = arith.andi %eq3A_2359, %gt3A_2362 : vector<62x62xi1>
    %or3A_2364 = arith.ori %gt3A_2357, %and3A_2363 : vector<62x62xi1>
    %convert_element_type3A_2365 = arith.extui %or3A_2364 : vector<62x62xi1> to vector<62x62xi32>
    %convert_element_type3A_2366 = arith.sitofp %convert_element_type3A_2365 : vector<62x62xi32> to vector<62x62xf32>
    %add3A_2367 = arith.addf %add3A_2354, %convert_element_type3A_2366 : vector<62x62xf32>
    %slice3A_2368 = vector.extract_strided_slice %div3A_2195 {offsets = [0, 13], sizes = [62, 1], strides = [1, 1]} : vector<62x62xf32> to vector<62x1xf32>
    %gt3A_2369 = vector.broadcast %slice3A_2368 : vector<62x1xf32> to vector<62x62xf32>
    %gt3A_2370 = arith.cmpf ogt, %gt3A_2369, %div3A_2195 : vector<62x62xf32>
    %eq3A_2371 = vector.broadcast %slice3A_2368 : vector<62x1xf32> to vector<62x62xf32>
    %eq3A_2372 = arith.cmpf oeq, %eq3A_2371, %div3A_2195 : vector<62x62xf32>
    %gt3A_2373 = arith.constant 13 : i32
    %gt3A_2374 = vector.broadcast %gt3A_2373 : i32 to vector<62x62xi32>
    %gt3A_2375 = arith.cmpi sgt, %iota3A_2196, %gt3A_2374 : vector<62x62xi32>
    %and3A_2376 = arith.andi %eq3A_2372, %gt3A_2375 : vector<62x62xi1>
    %or3A_2377 = arith.ori %gt3A_2370, %and3A_2376 : vector<62x62xi1>
    %convert_element_type3A_2378 = arith.extui %or3A_2377 : vector<62x62xi1> to vector<62x62xi32>
    %convert_element_type3A_2379 = arith.sitofp %convert_element_type3A_2378 : vector<62x62xi32> to vector<62x62xf32>
    %add3A_2380 = arith.addf %add3A_2367, %convert_element_type3A_2379 : vector<62x62xf32>
    %slice3A_2381 = vector.extract_strided_slice %div3A_2195 {offsets = [0, 14], sizes = [62, 1], strides = [1, 1]} : vector<62x62xf32> to vector<62x1xf32>
    %gt3A_2382 = vector.broadcast %slice3A_2381 : vector<62x1xf32> to vector<62x62xf32>
    %gt3A_2383 = arith.cmpf ogt, %gt3A_2382, %div3A_2195 : vector<62x62xf32>
    %eq3A_2384 = vector.broadcast %slice3A_2381 : vector<62x1xf32> to vector<62x62xf32>
    %eq3A_2385 = arith.cmpf oeq, %eq3A_2384, %div3A_2195 : vector<62x62xf32>
    %gt3A_2386 = arith.constant 14 : i32
    %gt3A_2387 = vector.broadcast %gt3A_2386 : i32 to vector<62x62xi32>
    %gt3A_2388 = arith.cmpi sgt, %iota3A_2196, %gt3A_2387 : vector<62x62xi32>
    %and3A_2389 = arith.andi %eq3A_2385, %gt3A_2388 : vector<62x62xi1>
    %or3A_2390 = arith.ori %gt3A_2383, %and3A_2389 : vector<62x62xi1>
    %convert_element_type3A_2391 = arith.extui %or3A_2390 : vector<62x62xi1> to vector<62x62xi32>
    %convert_element_type3A_2392 = arith.sitofp %convert_element_type3A_2391 : vector<62x62xi32> to vector<62x62xf32>
    %add3A_2393 = arith.addf %add3A_2380, %convert_element_type3A_2392 : vector<62x62xf32>
    %slice3A_2394 = vector.extract_strided_slice %div3A_2195 {offsets = [0, 15], sizes = [62, 1], strides = [1, 1]} : vector<62x62xf32> to vector<62x1xf32>
    %gt3A_2395 = vector.broadcast %slice3A_2394 : vector<62x1xf32> to vector<62x62xf32>
    %gt3A_2396 = arith.cmpf ogt, %gt3A_2395, %div3A_2195 : vector<62x62xf32>
    %eq3A_2397 = vector.broadcast %slice3A_2394 : vector<62x1xf32> to vector<62x62xf32>
    %eq3A_2398 = arith.cmpf oeq, %eq3A_2397, %div3A_2195 : vector<62x62xf32>
    %gt3A_2399 = arith.constant 15 : i32
    %gt3A_2400 = vector.broadcast %gt3A_2399 : i32 to vector<62x62xi32>
    %gt3A_2401 = arith.cmpi sgt, %iota3A_2196, %gt3A_2400 : vector<62x62xi32>
    %and3A_2402 = arith.andi %eq3A_2398, %gt3A_2401 : vector<62x62xi1>
    %or3A_2403 = arith.ori %gt3A_2396, %and3A_2402 : vector<62x62xi1>
    %convert_element_type3A_2404 = arith.extui %or3A_2403 : vector<62x62xi1> to vector<62x62xi32>
    %convert_element_type3A_2405 = arith.sitofp %convert_element_type3A_2404 : vector<62x62xi32> to vector<62x62xf32>
    %add3A_2406 = arith.addf %add3A_2393, %convert_element_type3A_2405 : vector<62x62xf32>
    %slice3A_2407 = vector.extract_strided_slice %div3A_2195 {offsets = [0, 16], sizes = [62, 1], strides = [1, 1]} : vector<62x62xf32> to vector<62x1xf32>
    %gt3A_2408 = vector.broadcast %slice3A_2407 : vector<62x1xf32> to vector<62x62xf32>
    %gt3A_2409 = arith.cmpf ogt, %gt3A_2408, %div3A_2195 : vector<62x62xf32>
    %eq3A_2410 = vector.broadcast %slice3A_2407 : vector<62x1xf32> to vector<62x62xf32>
    %eq3A_2411 = arith.cmpf oeq, %eq3A_2410, %div3A_2195 : vector<62x62xf32>
    %gt3A_2412 = arith.constant 16 : i32
    %gt3A_2413 = vector.broadcast %gt3A_2412 : i32 to vector<62x62xi32>
    %gt3A_2414 = arith.cmpi sgt, %iota3A_2196, %gt3A_2413 : vector<62x62xi32>
    %and3A_2415 = arith.andi %eq3A_2411, %gt3A_2414 : vector<62x62xi1>
    %or3A_2416 = arith.ori %gt3A_2409, %and3A_2415 : vector<62x62xi1>
    %convert_element_type3A_2417 = arith.extui %or3A_2416 : vector<62x62xi1> to vector<62x62xi32>
    %convert_element_type3A_2418 = arith.sitofp %convert_element_type3A_2417 : vector<62x62xi32> to vector<62x62xf32>
    %add3A_2419 = arith.addf %add3A_2406, %convert_element_type3A_2418 : vector<62x62xf32>
    %slice3A_2420 = vector.extract_strided_slice %div3A_2195 {offsets = [0, 17], sizes = [62, 1], strides = [1, 1]} : vector<62x62xf32> to vector<62x1xf32>
    %gt3A_2421 = vector.broadcast %slice3A_2420 : vector<62x1xf32> to vector<62x62xf32>
    %gt3A_2422 = arith.cmpf ogt, %gt3A_2421, %div3A_2195 : vector<62x62xf32>
    %eq3A_2423 = vector.broadcast %slice3A_2420 : vector<62x1xf32> to vector<62x62xf32>
    %eq3A_2424 = arith.cmpf oeq, %eq3A_2423, %div3A_2195 : vector<62x62xf32>
    %gt3A_2425 = arith.constant 17 : i32
    %gt3A_2426 = vector.broadcast %gt3A_2425 : i32 to vector<62x62xi32>
    %gt3A_2427 = arith.cmpi sgt, %iota3A_2196, %gt3A_2426 : vector<62x62xi32>
    %and3A_2428 = arith.andi %eq3A_2424, %gt3A_2427 : vector<62x62xi1>
    %or3A_2429 = arith.ori %gt3A_2422, %and3A_2428 : vector<62x62xi1>
    %convert_element_type3A_2430 = arith.extui %or3A_2429 : vector<62x62xi1> to vector<62x62xi32>
    %convert_element_type3A_2431 = arith.sitofp %convert_element_type3A_2430 : vector<62x62xi32> to vector<62x62xf32>
    %add3A_2432 = arith.addf %add3A_2419, %convert_element_type3A_2431 : vector<62x62xf32>
    %slice3A_2433 = vector.extract_strided_slice %div3A_2195 {offsets = [0, 18], sizes = [62, 1], strides = [1, 1]} : vector<62x62xf32> to vector<62x1xf32>
    %gt3A_2434 = vector.broadcast %slice3A_2433 : vector<62x1xf32> to vector<62x62xf32>
    %gt3A_2435 = arith.cmpf ogt, %gt3A_2434, %div3A_2195 : vector<62x62xf32>
    %eq3A_2436 = vector.broadcast %slice3A_2433 : vector<62x1xf32> to vector<62x62xf32>
    %eq3A_2437 = arith.cmpf oeq, %eq3A_2436, %div3A_2195 : vector<62x62xf32>
    %gt3A_2438 = arith.constant 18 : i32
    %gt3A_2439 = vector.broadcast %gt3A_2438 : i32 to vector<62x62xi32>
    %gt3A_2440 = arith.cmpi sgt, %iota3A_2196, %gt3A_2439 : vector<62x62xi32>
    %and3A_2441 = arith.andi %eq3A_2437, %gt3A_2440 : vector<62x62xi1>
    %or3A_2442 = arith.ori %gt3A_2435, %and3A_2441 : vector<62x62xi1>
    %convert_element_type3A_2443 = arith.extui %or3A_2442 : vector<62x62xi1> to vector<62x62xi32>
    %convert_element_type3A_2444 = arith.sitofp %convert_element_type3A_2443 : vector<62x62xi32> to vector<62x62xf32>
    %add3A_2445 = arith.addf %add3A_2432, %convert_element_type3A_2444 : vector<62x62xf32>
    %slice3A_2446 = vector.extract_strided_slice %div3A_2195 {offsets = [0, 19], sizes = [62, 1], strides = [1, 1]} : vector<62x62xf32> to vector<62x1xf32>
    %gt3A_2447 = vector.broadcast %slice3A_2446 : vector<62x1xf32> to vector<62x62xf32>
    %gt3A_2448 = arith.cmpf ogt, %gt3A_2447, %div3A_2195 : vector<62x62xf32>
    %eq3A_2449 = vector.broadcast %slice3A_2446 : vector<62x1xf32> to vector<62x62xf32>
    %eq3A_2450 = arith.cmpf oeq, %eq3A_2449, %div3A_2195 : vector<62x62xf32>
    %gt3A_2451 = arith.constant 19 : i32
    %gt3A_2452 = vector.broadcast %gt3A_2451 : i32 to vector<62x62xi32>
    %gt3A_2453 = arith.cmpi sgt, %iota3A_2196, %gt3A_2452 : vector<62x62xi32>
    %and3A_2454 = arith.andi %eq3A_2450, %gt3A_2453 : vector<62x62xi1>
    %or3A_2455 = arith.ori %gt3A_2448, %and3A_2454 : vector<62x62xi1>
    %convert_element_type3A_2456 = arith.extui %or3A_2455 : vector<62x62xi1> to vector<62x62xi32>
    %convert_element_type3A_2457 = arith.sitofp %convert_element_type3A_2456 : vector<62x62xi32> to vector<62x62xf32>
    %add3A_2458 = arith.addf %add3A_2445, %convert_element_type3A_2457 : vector<62x62xf32>
    %slice3A_2459 = vector.extract_strided_slice %div3A_2195 {offsets = [0, 20], sizes = [62, 1], strides = [1, 1]} : vector<62x62xf32> to vector<62x1xf32>
    %gt3A_2460 = vector.broadcast %slice3A_2459 : vector<62x1xf32> to vector<62x62xf32>
    %gt3A_2461 = arith.cmpf ogt, %gt3A_2460, %div3A_2195 : vector<62x62xf32>
    %eq3A_2462 = vector.broadcast %slice3A_2459 : vector<62x1xf32> to vector<62x62xf32>
    %eq3A_2463 = arith.cmpf oeq, %eq3A_2462, %div3A_2195 : vector<62x62xf32>
    %gt3A_2464 = arith.constant 20 : i32
    %gt3A_2465 = vector.broadcast %gt3A_2464 : i32 to vector<62x62xi32>
    %gt3A_2466 = arith.cmpi sgt, %iota3A_2196, %gt3A_2465 : vector<62x62xi32>
    %and3A_2467 = arith.andi %eq3A_2463, %gt3A_2466 : vector<62x62xi1>
    %or3A_2468 = arith.ori %gt3A_2461, %and3A_2467 : vector<62x62xi1>
    %convert_element_type3A_2469 = arith.extui %or3A_2468 : vector<62x62xi1> to vector<62x62xi32>
    %convert_element_type3A_2470 = arith.sitofp %convert_element_type3A_2469 : vector<62x62xi32> to vector<62x62xf32>
    %add3A_2471 = arith.addf %add3A_2458, %convert_element_type3A_2470 : vector<62x62xf32>
    %slice3A_2472 = vector.extract_strided_slice %div3A_2195 {offsets = [0, 21], sizes = [62, 1], strides = [1, 1]} : vector<62x62xf32> to vector<62x1xf32>
    %gt3A_2473 = vector.broadcast %slice3A_2472 : vector<62x1xf32> to vector<62x62xf32>
    %gt3A_2474 = arith.cmpf ogt, %gt3A_2473, %div3A_2195 : vector<62x62xf32>
    %eq3A_2475 = vector.broadcast %slice3A_2472 : vector<62x1xf32> to vector<62x62xf32>
    %eq3A_2476 = arith.cmpf oeq, %eq3A_2475, %div3A_2195 : vector<62x62xf32>
    %gt3A_2477 = arith.constant 21 : i32
    %gt3A_2478 = vector.broadcast %gt3A_2477 : i32 to vector<62x62xi32>
    %gt3A_2479 = arith.cmpi sgt, %iota3A_2196, %gt3A_2478 : vector<62x62xi32>
    %and3A_2480 = arith.andi %eq3A_2476, %gt3A_2479 : vector<62x62xi1>
    %or3A_2481 = arith.ori %gt3A_2474, %and3A_2480 : vector<62x62xi1>
    %convert_element_type3A_2482 = arith.extui %or3A_2481 : vector<62x62xi1> to vector<62x62xi32>
    %convert_element_type3A_2483 = arith.sitofp %convert_element_type3A_2482 : vector<62x62xi32> to vector<62x62xf32>
    %add3A_2484 = arith.addf %add3A_2471, %convert_element_type3A_2483 : vector<62x62xf32>
    %slice3A_2485 = vector.extract_strided_slice %div3A_2195 {offsets = [0, 22], sizes = [62, 1], strides = [1, 1]} : vector<62x62xf32> to vector<62x1xf32>
    %gt3A_2486 = vector.broadcast %slice3A_2485 : vector<62x1xf32> to vector<62x62xf32>
    %gt3A_2487 = arith.cmpf ogt, %gt3A_2486, %div3A_2195 : vector<62x62xf32>
    %eq3A_2488 = vector.broadcast %slice3A_2485 : vector<62x1xf32> to vector<62x62xf32>
    %eq3A_2489 = arith.cmpf oeq, %eq3A_2488, %div3A_2195 : vector<62x62xf32>
    %gt3A_2490 = arith.constant 22 : i32
    %gt3A_2491 = vector.broadcast %gt3A_2490 : i32 to vector<62x62xi32>
    %gt3A_2492 = arith.cmpi sgt, %iota3A_2196, %gt3A_2491 : vector<62x62xi32>
    %and3A_2493 = arith.andi %eq3A_2489, %gt3A_2492 : vector<62x62xi1>
    %or3A_2494 = arith.ori %gt3A_2487, %and3A_2493 : vector<62x62xi1>
    %convert_element_type3A_2495 = arith.extui %or3A_2494 : vector<62x62xi1> to vector<62x62xi32>
    %convert_element_type3A_2496 = arith.sitofp %convert_element_type3A_2495 : vector<62x62xi32> to vector<62x62xf32>
    %add3A_2497 = arith.addf %add3A_2484, %convert_element_type3A_2496 : vector<62x62xf32>
    %slice3A_2498 = vector.extract_strided_slice %div3A_2195 {offsets = [0, 23], sizes = [62, 1], strides = [1, 1]} : vector<62x62xf32> to vector<62x1xf32>
    %gt3A_2499 = vector.broadcast %slice3A_2498 : vector<62x1xf32> to vector<62x62xf32>
    %gt3A_2500 = arith.cmpf ogt, %gt3A_2499, %div3A_2195 : vector<62x62xf32>
    %eq3A_2501 = vector.broadcast %slice3A_2498 : vector<62x1xf32> to vector<62x62xf32>
    %eq3A_2502 = arith.cmpf oeq, %eq3A_2501, %div3A_2195 : vector<62x62xf32>
    %gt3A_2503 = arith.constant 23 : i32
    %gt3A_2504 = vector.broadcast %gt3A_2503 : i32 to vector<62x62xi32>
    %gt3A_2505 = arith.cmpi sgt, %iota3A_2196, %gt3A_2504 : vector<62x62xi32>
    %and3A_2506 = arith.andi %eq3A_2502, %gt3A_2505 : vector<62x62xi1>
    %or3A_2507 = arith.ori %gt3A_2500, %and3A_2506 : vector<62x62xi1>
    %convert_element_type3A_2508 = arith.extui %or3A_2507 : vector<62x62xi1> to vector<62x62xi32>
    %convert_element_type3A_2509 = arith.sitofp %convert_element_type3A_2508 : vector<62x62xi32> to vector<62x62xf32>
    %add3A_2510 = arith.addf %add3A_2497, %convert_element_type3A_2509 : vector<62x62xf32>
    %slice3A_2511 = vector.extract_strided_slice %div3A_2195 {offsets = [0, 24], sizes = [62, 1], strides = [1, 1]} : vector<62x62xf32> to vector<62x1xf32>
    %gt3A_2512 = vector.broadcast %slice3A_2511 : vector<62x1xf32> to vector<62x62xf32>
    %gt3A_2513 = arith.cmpf ogt, %gt3A_2512, %div3A_2195 : vector<62x62xf32>
    %eq3A_2514 = vector.broadcast %slice3A_2511 : vector<62x1xf32> to vector<62x62xf32>
    %eq3A_2515 = arith.cmpf oeq, %eq3A_2514, %div3A_2195 : vector<62x62xf32>
    %gt3A_2516 = arith.constant 24 : i32
    %gt3A_2517 = vector.broadcast %gt3A_2516 : i32 to vector<62x62xi32>
    %gt3A_2518 = arith.cmpi sgt, %iota3A_2196, %gt3A_2517 : vector<62x62xi32>
    %and3A_2519 = arith.andi %eq3A_2515, %gt3A_2518 : vector<62x62xi1>
    %or3A_2520 = arith.ori %gt3A_2513, %and3A_2519 : vector<62x62xi1>
    %convert_element_type3A_2521 = arith.extui %or3A_2520 : vector<62x62xi1> to vector<62x62xi32>
    %convert_element_type3A_2522 = arith.sitofp %convert_element_type3A_2521 : vector<62x62xi32> to vector<62x62xf32>
    %add3A_2523 = arith.addf %add3A_2510, %convert_element_type3A_2522 : vector<62x62xf32>
    %slice3A_2524 = vector.extract_strided_slice %div3A_2195 {offsets = [0, 25], sizes = [62, 1], strides = [1, 1]} : vector<62x62xf32> to vector<62x1xf32>
    %gt3A_2525 = vector.broadcast %slice3A_2524 : vector<62x1xf32> to vector<62x62xf32>
    %gt3A_2526 = arith.cmpf ogt, %gt3A_2525, %div3A_2195 : vector<62x62xf32>
    %eq3A_2527 = vector.broadcast %slice3A_2524 : vector<62x1xf32> to vector<62x62xf32>
    %eq3A_2528 = arith.cmpf oeq, %eq3A_2527, %div3A_2195 : vector<62x62xf32>
    %gt3A_2529 = arith.constant 25 : i32
    %gt3A_2530 = vector.broadcast %gt3A_2529 : i32 to vector<62x62xi32>
    %gt3A_2531 = arith.cmpi sgt, %iota3A_2196, %gt3A_2530 : vector<62x62xi32>
    %and3A_2532 = arith.andi %eq3A_2528, %gt3A_2531 : vector<62x62xi1>
    %or3A_2533 = arith.ori %gt3A_2526, %and3A_2532 : vector<62x62xi1>
    %convert_element_type3A_2534 = arith.extui %or3A_2533 : vector<62x62xi1> to vector<62x62xi32>
    %convert_element_type3A_2535 = arith.sitofp %convert_element_type3A_2534 : vector<62x62xi32> to vector<62x62xf32>
    %add3A_2536 = arith.addf %add3A_2523, %convert_element_type3A_2535 : vector<62x62xf32>
    %slice3A_2537 = vector.extract_strided_slice %div3A_2195 {offsets = [0, 26], sizes = [62, 1], strides = [1, 1]} : vector<62x62xf32> to vector<62x1xf32>
    %gt3A_2538 = vector.broadcast %slice3A_2537 : vector<62x1xf32> to vector<62x62xf32>
    %gt3A_2539 = arith.cmpf ogt, %gt3A_2538, %div3A_2195 : vector<62x62xf32>
    %eq3A_2540 = vector.broadcast %slice3A_2537 : vector<62x1xf32> to vector<62x62xf32>
    %eq3A_2541 = arith.cmpf oeq, %eq3A_2540, %div3A_2195 : vector<62x62xf32>
    %gt3A_2542 = arith.constant 26 : i32
    %gt3A_2543 = vector.broadcast %gt3A_2542 : i32 to vector<62x62xi32>
    %gt3A_2544 = arith.cmpi sgt, %iota3A_2196, %gt3A_2543 : vector<62x62xi32>
    %and3A_2545 = arith.andi %eq3A_2541, %gt3A_2544 : vector<62x62xi1>
    %or3A_2546 = arith.ori %gt3A_2539, %and3A_2545 : vector<62x62xi1>
    %convert_element_type3A_2547 = arith.extui %or3A_2546 : vector<62x62xi1> to vector<62x62xi32>
    %convert_element_type3A_2548 = arith.sitofp %convert_element_type3A_2547 : vector<62x62xi32> to vector<62x62xf32>
    %add3A_2549 = arith.addf %add3A_2536, %convert_element_type3A_2548 : vector<62x62xf32>
    %slice3A_2550 = vector.extract_strided_slice %div3A_2195 {offsets = [0, 27], sizes = [62, 1], strides = [1, 1]} : vector<62x62xf32> to vector<62x1xf32>
    %gt3A_2551 = vector.broadcast %slice3A_2550 : vector<62x1xf32> to vector<62x62xf32>
    %gt3A_2552 = arith.cmpf ogt, %gt3A_2551, %div3A_2195 : vector<62x62xf32>
    %eq3A_2553 = vector.broadcast %slice3A_2550 : vector<62x1xf32> to vector<62x62xf32>
    %eq3A_2554 = arith.cmpf oeq, %eq3A_2553, %div3A_2195 : vector<62x62xf32>
    %gt3A_2555 = arith.constant 27 : i32
    %gt3A_2556 = vector.broadcast %gt3A_2555 : i32 to vector<62x62xi32>
    %gt3A_2557 = arith.cmpi sgt, %iota3A_2196, %gt3A_2556 : vector<62x62xi32>
    %and3A_2558 = arith.andi %eq3A_2554, %gt3A_2557 : vector<62x62xi1>
    %or3A_2559 = arith.ori %gt3A_2552, %and3A_2558 : vector<62x62xi1>
    %convert_element_type3A_2560 = arith.extui %or3A_2559 : vector<62x62xi1> to vector<62x62xi32>
    %convert_element_type3A_2561 = arith.sitofp %convert_element_type3A_2560 : vector<62x62xi32> to vector<62x62xf32>
    %add3A_2562 = arith.addf %add3A_2549, %convert_element_type3A_2561 : vector<62x62xf32>
    %slice3A_2563 = vector.extract_strided_slice %div3A_2195 {offsets = [0, 28], sizes = [62, 1], strides = [1, 1]} : vector<62x62xf32> to vector<62x1xf32>
    %gt3A_2564 = vector.broadcast %slice3A_2563 : vector<62x1xf32> to vector<62x62xf32>
    %gt3A_2565 = arith.cmpf ogt, %gt3A_2564, %div3A_2195 : vector<62x62xf32>
    %eq3A_2566 = vector.broadcast %slice3A_2563 : vector<62x1xf32> to vector<62x62xf32>
    %eq3A_2567 = arith.cmpf oeq, %eq3A_2566, %div3A_2195 : vector<62x62xf32>
    %gt3A_2568 = arith.constant 28 : i32
    %gt3A_2569 = vector.broadcast %gt3A_2568 : i32 to vector<62x62xi32>
    %gt3A_2570 = arith.cmpi sgt, %iota3A_2196, %gt3A_2569 : vector<62x62xi32>
    %and3A_2571 = arith.andi %eq3A_2567, %gt3A_2570 : vector<62x62xi1>
    %or3A_2572 = arith.ori %gt3A_2565, %and3A_2571 : vector<62x62xi1>
    %convert_element_type3A_2573 = arith.extui %or3A_2572 : vector<62x62xi1> to vector<62x62xi32>
    %convert_element_type3A_2574 = arith.sitofp %convert_element_type3A_2573 : vector<62x62xi32> to vector<62x62xf32>
    %add3A_2575 = arith.addf %add3A_2562, %convert_element_type3A_2574 : vector<62x62xf32>
    %slice3A_2576 = vector.extract_strided_slice %div3A_2195 {offsets = [0, 29], sizes = [62, 1], strides = [1, 1]} : vector<62x62xf32> to vector<62x1xf32>
    %gt3A_2577 = vector.broadcast %slice3A_2576 : vector<62x1xf32> to vector<62x62xf32>
    %gt3A_2578 = arith.cmpf ogt, %gt3A_2577, %div3A_2195 : vector<62x62xf32>
    %eq3A_2579 = vector.broadcast %slice3A_2576 : vector<62x1xf32> to vector<62x62xf32>
    %eq3A_2580 = arith.cmpf oeq, %eq3A_2579, %div3A_2195 : vector<62x62xf32>
    %gt3A_2581 = arith.constant 29 : i32
    %gt3A_2582 = vector.broadcast %gt3A_2581 : i32 to vector<62x62xi32>
    %gt3A_2583 = arith.cmpi sgt, %iota3A_2196, %gt3A_2582 : vector<62x62xi32>
    %and3A_2584 = arith.andi %eq3A_2580, %gt3A_2583 : vector<62x62xi1>
    %or3A_2585 = arith.ori %gt3A_2578, %and3A_2584 : vector<62x62xi1>
    %convert_element_type3A_2586 = arith.extui %or3A_2585 : vector<62x62xi1> to vector<62x62xi32>
    %convert_element_type3A_2587 = arith.sitofp %convert_element_type3A_2586 : vector<62x62xi32> to vector<62x62xf32>
    %add3A_2588 = arith.addf %add3A_2575, %convert_element_type3A_2587 : vector<62x62xf32>
    %slice3A_2589 = vector.extract_strided_slice %div3A_2195 {offsets = [0, 30], sizes = [62, 1], strides = [1, 1]} : vector<62x62xf32> to vector<62x1xf32>
    %gt3A_2590 = vector.broadcast %slice3A_2589 : vector<62x1xf32> to vector<62x62xf32>
    %gt3A_2591 = arith.cmpf ogt, %gt3A_2590, %div3A_2195 : vector<62x62xf32>
    %eq3A_2592 = vector.broadcast %slice3A_2589 : vector<62x1xf32> to vector<62x62xf32>
    %eq3A_2593 = arith.cmpf oeq, %eq3A_2592, %div3A_2195 : vector<62x62xf32>
    %gt3A_2594 = arith.constant 30 : i32
    %gt3A_2595 = vector.broadcast %gt3A_2594 : i32 to vector<62x62xi32>
    %gt3A_2596 = arith.cmpi sgt, %iota3A_2196, %gt3A_2595 : vector<62x62xi32>
    %and3A_2597 = arith.andi %eq3A_2593, %gt3A_2596 : vector<62x62xi1>
    %or3A_2598 = arith.ori %gt3A_2591, %and3A_2597 : vector<62x62xi1>
    %convert_element_type3A_2599 = arith.extui %or3A_2598 : vector<62x62xi1> to vector<62x62xi32>
    %convert_element_type3A_2600 = arith.sitofp %convert_element_type3A_2599 : vector<62x62xi32> to vector<62x62xf32>
    %add3A_2601 = arith.addf %add3A_2588, %convert_element_type3A_2600 : vector<62x62xf32>
    %slice3A_2602 = vector.extract_strided_slice %div3A_2195 {offsets = [0, 31], sizes = [62, 1], strides = [1, 1]} : vector<62x62xf32> to vector<62x1xf32>
    %gt3A_2603 = vector.broadcast %slice3A_2602 : vector<62x1xf32> to vector<62x62xf32>
    %gt3A_2604 = arith.cmpf ogt, %gt3A_2603, %div3A_2195 : vector<62x62xf32>
    %eq3A_2605 = vector.broadcast %slice3A_2602 : vector<62x1xf32> to vector<62x62xf32>
    %eq3A_2606 = arith.cmpf oeq, %eq3A_2605, %div3A_2195 : vector<62x62xf32>
    %gt3A_2607 = arith.constant 31 : i32
    %gt3A_2608 = vector.broadcast %gt3A_2607 : i32 to vector<62x62xi32>
    %gt3A_2609 = arith.cmpi sgt, %iota3A_2196, %gt3A_2608 : vector<62x62xi32>
    %and3A_2610 = arith.andi %eq3A_2606, %gt3A_2609 : vector<62x62xi1>
    %or3A_2611 = arith.ori %gt3A_2604, %and3A_2610 : vector<62x62xi1>
    %convert_element_type3A_2612 = arith.extui %or3A_2611 : vector<62x62xi1> to vector<62x62xi32>
    %convert_element_type3A_2613 = arith.sitofp %convert_element_type3A_2612 : vector<62x62xi32> to vector<62x62xf32>
    %add3A_2614 = arith.addf %add3A_2601, %convert_element_type3A_2613 : vector<62x62xf32>
    %slice3A_2615 = vector.extract_strided_slice %div3A_2195 {offsets = [0, 32], sizes = [62, 1], strides = [1, 1]} : vector<62x62xf32> to vector<62x1xf32>
    %gt3A_2616 = vector.broadcast %slice3A_2615 : vector<62x1xf32> to vector<62x62xf32>
    %gt3A_2617 = arith.cmpf ogt, %gt3A_2616, %div3A_2195 : vector<62x62xf32>
    %eq3A_2618 = vector.broadcast %slice3A_2615 : vector<62x1xf32> to vector<62x62xf32>
    %eq3A_2619 = arith.cmpf oeq, %eq3A_2618, %div3A_2195 : vector<62x62xf32>
    %gt3A_2620 = arith.constant 32 : i32
    %gt3A_2621 = vector.broadcast %gt3A_2620 : i32 to vector<62x62xi32>
    %gt3A_2622 = arith.cmpi sgt, %iota3A_2196, %gt3A_2621 : vector<62x62xi32>
    %and3A_2623 = arith.andi %eq3A_2619, %gt3A_2622 : vector<62x62xi1>
    %or3A_2624 = arith.ori %gt3A_2617, %and3A_2623 : vector<62x62xi1>
    %convert_element_type3A_2625 = arith.extui %or3A_2624 : vector<62x62xi1> to vector<62x62xi32>
    %convert_element_type3A_2626 = arith.sitofp %convert_element_type3A_2625 : vector<62x62xi32> to vector<62x62xf32>
    %add3A_2627 = arith.addf %add3A_2614, %convert_element_type3A_2626 : vector<62x62xf32>
    %slice3A_2628 = vector.extract_strided_slice %div3A_2195 {offsets = [0, 33], sizes = [62, 1], strides = [1, 1]} : vector<62x62xf32> to vector<62x1xf32>
    %gt3A_2629 = vector.broadcast %slice3A_2628 : vector<62x1xf32> to vector<62x62xf32>
    %gt3A_2630 = arith.cmpf ogt, %gt3A_2629, %div3A_2195 : vector<62x62xf32>
    %eq3A_2631 = vector.broadcast %slice3A_2628 : vector<62x1xf32> to vector<62x62xf32>
    %eq3A_2632 = arith.cmpf oeq, %eq3A_2631, %div3A_2195 : vector<62x62xf32>
    %gt3A_2633 = arith.constant 33 : i32
    %gt3A_2634 = vector.broadcast %gt3A_2633 : i32 to vector<62x62xi32>
    %gt3A_2635 = arith.cmpi sgt, %iota3A_2196, %gt3A_2634 : vector<62x62xi32>
    %and3A_2636 = arith.andi %eq3A_2632, %gt3A_2635 : vector<62x62xi1>
    %or3A_2637 = arith.ori %gt3A_2630, %and3A_2636 : vector<62x62xi1>
    %convert_element_type3A_2638 = arith.extui %or3A_2637 : vector<62x62xi1> to vector<62x62xi32>
    %convert_element_type3A_2639 = arith.sitofp %convert_element_type3A_2638 : vector<62x62xi32> to vector<62x62xf32>
    %add3A_2640 = arith.addf %add3A_2627, %convert_element_type3A_2639 : vector<62x62xf32>
    %slice3A_2641 = vector.extract_strided_slice %div3A_2195 {offsets = [0, 34], sizes = [62, 1], strides = [1, 1]} : vector<62x62xf32> to vector<62x1xf32>
    %gt3A_2642 = vector.broadcast %slice3A_2641 : vector<62x1xf32> to vector<62x62xf32>
    %gt3A_2643 = arith.cmpf ogt, %gt3A_2642, %div3A_2195 : vector<62x62xf32>
    %eq3A_2644 = vector.broadcast %slice3A_2641 : vector<62x1xf32> to vector<62x62xf32>
    %eq3A_2645 = arith.cmpf oeq, %eq3A_2644, %div3A_2195 : vector<62x62xf32>
    %gt3A_2646 = arith.constant 34 : i32
    %gt3A_2647 = vector.broadcast %gt3A_2646 : i32 to vector<62x62xi32>
    %gt3A_2648 = arith.cmpi sgt, %iota3A_2196, %gt3A_2647 : vector<62x62xi32>
    %and3A_2649 = arith.andi %eq3A_2645, %gt3A_2648 : vector<62x62xi1>
    %or3A_2650 = arith.ori %gt3A_2643, %and3A_2649 : vector<62x62xi1>
    %convert_element_type3A_2651 = arith.extui %or3A_2650 : vector<62x62xi1> to vector<62x62xi32>
    %convert_element_type3A_2652 = arith.sitofp %convert_element_type3A_2651 : vector<62x62xi32> to vector<62x62xf32>
    %add3A_2653 = arith.addf %add3A_2640, %convert_element_type3A_2652 : vector<62x62xf32>
    %slice3A_2654 = vector.extract_strided_slice %div3A_2195 {offsets = [0, 35], sizes = [62, 1], strides = [1, 1]} : vector<62x62xf32> to vector<62x1xf32>
    %gt3A_2655 = vector.broadcast %slice3A_2654 : vector<62x1xf32> to vector<62x62xf32>
    %gt3A_2656 = arith.cmpf ogt, %gt3A_2655, %div3A_2195 : vector<62x62xf32>
    %eq3A_2657 = vector.broadcast %slice3A_2654 : vector<62x1xf32> to vector<62x62xf32>
    %eq3A_2658 = arith.cmpf oeq, %eq3A_2657, %div3A_2195 : vector<62x62xf32>
    %gt3A_2659 = arith.constant 35 : i32
    %gt3A_2660 = vector.broadcast %gt3A_2659 : i32 to vector<62x62xi32>
    %gt3A_2661 = arith.cmpi sgt, %iota3A_2196, %gt3A_2660 : vector<62x62xi32>
    %and3A_2662 = arith.andi %eq3A_2658, %gt3A_2661 : vector<62x62xi1>
    %or3A_2663 = arith.ori %gt3A_2656, %and3A_2662 : vector<62x62xi1>
    %convert_element_type3A_2664 = arith.extui %or3A_2663 : vector<62x62xi1> to vector<62x62xi32>
    %convert_element_type3A_2665 = arith.sitofp %convert_element_type3A_2664 : vector<62x62xi32> to vector<62x62xf32>
    %add3A_2666 = arith.addf %add3A_2653, %convert_element_type3A_2665 : vector<62x62xf32>
    %slice3A_2667 = vector.extract_strided_slice %div3A_2195 {offsets = [0, 36], sizes = [62, 1], strides = [1, 1]} : vector<62x62xf32> to vector<62x1xf32>
    %gt3A_2668 = vector.broadcast %slice3A_2667 : vector<62x1xf32> to vector<62x62xf32>
    %gt3A_2669 = arith.cmpf ogt, %gt3A_2668, %div3A_2195 : vector<62x62xf32>
    %eq3A_2670 = vector.broadcast %slice3A_2667 : vector<62x1xf32> to vector<62x62xf32>
    %eq3A_2671 = arith.cmpf oeq, %eq3A_2670, %div3A_2195 : vector<62x62xf32>
    %gt3A_2672 = arith.constant 36 : i32
    %gt3A_2673 = vector.broadcast %gt3A_2672 : i32 to vector<62x62xi32>
    %gt3A_2674 = arith.cmpi sgt, %iota3A_2196, %gt3A_2673 : vector<62x62xi32>
    %and3A_2675 = arith.andi %eq3A_2671, %gt3A_2674 : vector<62x62xi1>
    %or3A_2676 = arith.ori %gt3A_2669, %and3A_2675 : vector<62x62xi1>
    %convert_element_type3A_2677 = arith.extui %or3A_2676 : vector<62x62xi1> to vector<62x62xi32>
    %convert_element_type3A_2678 = arith.sitofp %convert_element_type3A_2677 : vector<62x62xi32> to vector<62x62xf32>
    %add3A_2679 = arith.addf %add3A_2666, %convert_element_type3A_2678 : vector<62x62xf32>
    %slice3A_2680 = vector.extract_strided_slice %div3A_2195 {offsets = [0, 37], sizes = [62, 1], strides = [1, 1]} : vector<62x62xf32> to vector<62x1xf32>
    %gt3A_2681 = vector.broadcast %slice3A_2680 : vector<62x1xf32> to vector<62x62xf32>
    %gt3A_2682 = arith.cmpf ogt, %gt3A_2681, %div3A_2195 : vector<62x62xf32>
    %eq3A_2683 = vector.broadcast %slice3A_2680 : vector<62x1xf32> to vector<62x62xf32>
    %eq3A_2684 = arith.cmpf oeq, %eq3A_2683, %div3A_2195 : vector<62x62xf32>
    %gt3A_2685 = arith.constant 37 : i32
    %gt3A_2686 = vector.broadcast %gt3A_2685 : i32 to vector<62x62xi32>
    %gt3A_2687 = arith.cmpi sgt, %iota3A_2196, %gt3A_2686 : vector<62x62xi32>
    %and3A_2688 = arith.andi %eq3A_2684, %gt3A_2687 : vector<62x62xi1>
    %or3A_2689 = arith.ori %gt3A_2682, %and3A_2688 : vector<62x62xi1>
    %convert_element_type3A_2690 = arith.extui %or3A_2689 : vector<62x62xi1> to vector<62x62xi32>
    %convert_element_type3A_2691 = arith.sitofp %convert_element_type3A_2690 : vector<62x62xi32> to vector<62x62xf32>
    %add3A_2692 = arith.addf %add3A_2679, %convert_element_type3A_2691 : vector<62x62xf32>
    %slice3A_2693 = vector.extract_strided_slice %div3A_2195 {offsets = [0, 38], sizes = [62, 1], strides = [1, 1]} : vector<62x62xf32> to vector<62x1xf32>
    %gt3A_2694 = vector.broadcast %slice3A_2693 : vector<62x1xf32> to vector<62x62xf32>
    %gt3A_2695 = arith.cmpf ogt, %gt3A_2694, %div3A_2195 : vector<62x62xf32>
    %eq3A_2696 = vector.broadcast %slice3A_2693 : vector<62x1xf32> to vector<62x62xf32>
    %eq3A_2697 = arith.cmpf oeq, %eq3A_2696, %div3A_2195 : vector<62x62xf32>
    %gt3A_2698 = arith.constant 38 : i32
    %gt3A_2699 = vector.broadcast %gt3A_2698 : i32 to vector<62x62xi32>
    %gt3A_2700 = arith.cmpi sgt, %iota3A_2196, %gt3A_2699 : vector<62x62xi32>
    %and3A_2701 = arith.andi %eq3A_2697, %gt3A_2700 : vector<62x62xi1>
    %or3A_2702 = arith.ori %gt3A_2695, %and3A_2701 : vector<62x62xi1>
    %convert_element_type3A_2703 = arith.extui %or3A_2702 : vector<62x62xi1> to vector<62x62xi32>
    %convert_element_type3A_2704 = arith.sitofp %convert_element_type3A_2703 : vector<62x62xi32> to vector<62x62xf32>
    %add3A_2705 = arith.addf %add3A_2692, %convert_element_type3A_2704 : vector<62x62xf32>
    %slice3A_2706 = vector.extract_strided_slice %div3A_2195 {offsets = [0, 39], sizes = [62, 1], strides = [1, 1]} : vector<62x62xf32> to vector<62x1xf32>
    %gt3A_2707 = vector.broadcast %slice3A_2706 : vector<62x1xf32> to vector<62x62xf32>
    %gt3A_2708 = arith.cmpf ogt, %gt3A_2707, %div3A_2195 : vector<62x62xf32>
    %eq3A_2709 = vector.broadcast %slice3A_2706 : vector<62x1xf32> to vector<62x62xf32>
    %eq3A_2710 = arith.cmpf oeq, %eq3A_2709, %div3A_2195 : vector<62x62xf32>
    %gt3A_2711 = arith.constant 39 : i32
    %gt3A_2712 = vector.broadcast %gt3A_2711 : i32 to vector<62x62xi32>
    %gt3A_2713 = arith.cmpi sgt, %iota3A_2196, %gt3A_2712 : vector<62x62xi32>
    %and3A_2714 = arith.andi %eq3A_2710, %gt3A_2713 : vector<62x62xi1>
    %or3A_2715 = arith.ori %gt3A_2708, %and3A_2714 : vector<62x62xi1>
    %convert_element_type3A_2716 = arith.extui %or3A_2715 : vector<62x62xi1> to vector<62x62xi32>
    %convert_element_type3A_2717 = arith.sitofp %convert_element_type3A_2716 : vector<62x62xi32> to vector<62x62xf32>
    %add3A_2718 = arith.addf %add3A_2705, %convert_element_type3A_2717 : vector<62x62xf32>
    %slice3A_2719 = vector.extract_strided_slice %div3A_2195 {offsets = [0, 40], sizes = [62, 1], strides = [1, 1]} : vector<62x62xf32> to vector<62x1xf32>
    %gt3A_2720 = vector.broadcast %slice3A_2719 : vector<62x1xf32> to vector<62x62xf32>
    %gt3A_2721 = arith.cmpf ogt, %gt3A_2720, %div3A_2195 : vector<62x62xf32>
    %eq3A_2722 = vector.broadcast %slice3A_2719 : vector<62x1xf32> to vector<62x62xf32>
    %eq3A_2723 = arith.cmpf oeq, %eq3A_2722, %div3A_2195 : vector<62x62xf32>
    %gt3A_2724 = arith.constant 40 : i32
    %gt3A_2725 = vector.broadcast %gt3A_2724 : i32 to vector<62x62xi32>
    %gt3A_2726 = arith.cmpi sgt, %iota3A_2196, %gt3A_2725 : vector<62x62xi32>
    %and3A_2727 = arith.andi %eq3A_2723, %gt3A_2726 : vector<62x62xi1>
    %or3A_2728 = arith.ori %gt3A_2721, %and3A_2727 : vector<62x62xi1>
    %convert_element_type3A_2729 = arith.extui %or3A_2728 : vector<62x62xi1> to vector<62x62xi32>
    %convert_element_type3A_2730 = arith.sitofp %convert_element_type3A_2729 : vector<62x62xi32> to vector<62x62xf32>
    %add3A_2731 = arith.addf %add3A_2718, %convert_element_type3A_2730 : vector<62x62xf32>
    %slice3A_2732 = vector.extract_strided_slice %div3A_2195 {offsets = [0, 41], sizes = [62, 1], strides = [1, 1]} : vector<62x62xf32> to vector<62x1xf32>
    %gt3A_2733 = vector.broadcast %slice3A_2732 : vector<62x1xf32> to vector<62x62xf32>
    %gt3A_2734 = arith.cmpf ogt, %gt3A_2733, %div3A_2195 : vector<62x62xf32>
    %eq3A_2735 = vector.broadcast %slice3A_2732 : vector<62x1xf32> to vector<62x62xf32>
    %eq3A_2736 = arith.cmpf oeq, %eq3A_2735, %div3A_2195 : vector<62x62xf32>
    %gt3A_2737 = arith.constant 41 : i32
    %gt3A_2738 = vector.broadcast %gt3A_2737 : i32 to vector<62x62xi32>
    %gt3A_2739 = arith.cmpi sgt, %iota3A_2196, %gt3A_2738 : vector<62x62xi32>
    %and3A_2740 = arith.andi %eq3A_2736, %gt3A_2739 : vector<62x62xi1>
    %or3A_2741 = arith.ori %gt3A_2734, %and3A_2740 : vector<62x62xi1>
    %convert_element_type3A_2742 = arith.extui %or3A_2741 : vector<62x62xi1> to vector<62x62xi32>
    %convert_element_type3A_2743 = arith.sitofp %convert_element_type3A_2742 : vector<62x62xi32> to vector<62x62xf32>
    %add3A_2744 = arith.addf %add3A_2731, %convert_element_type3A_2743 : vector<62x62xf32>
    %slice3A_2745 = vector.extract_strided_slice %div3A_2195 {offsets = [0, 42], sizes = [62, 1], strides = [1, 1]} : vector<62x62xf32> to vector<62x1xf32>
    %gt3A_2746 = vector.broadcast %slice3A_2745 : vector<62x1xf32> to vector<62x62xf32>
    %gt3A_2747 = arith.cmpf ogt, %gt3A_2746, %div3A_2195 : vector<62x62xf32>
    %eq3A_2748 = vector.broadcast %slice3A_2745 : vector<62x1xf32> to vector<62x62xf32>
    %eq3A_2749 = arith.cmpf oeq, %eq3A_2748, %div3A_2195 : vector<62x62xf32>
    %gt3A_2750 = arith.constant 42 : i32
    %gt3A_2751 = vector.broadcast %gt3A_2750 : i32 to vector<62x62xi32>
    %gt3A_2752 = arith.cmpi sgt, %iota3A_2196, %gt3A_2751 : vector<62x62xi32>
    %and3A_2753 = arith.andi %eq3A_2749, %gt3A_2752 : vector<62x62xi1>
    %or3A_2754 = arith.ori %gt3A_2747, %and3A_2753 : vector<62x62xi1>
    %convert_element_type3A_2755 = arith.extui %or3A_2754 : vector<62x62xi1> to vector<62x62xi32>
    %convert_element_type3A_2756 = arith.sitofp %convert_element_type3A_2755 : vector<62x62xi32> to vector<62x62xf32>
    %add3A_2757 = arith.addf %add3A_2744, %convert_element_type3A_2756 : vector<62x62xf32>
    %slice3A_2758 = vector.extract_strided_slice %div3A_2195 {offsets = [0, 43], sizes = [62, 1], strides = [1, 1]} : vector<62x62xf32> to vector<62x1xf32>
    %gt3A_2759 = vector.broadcast %slice3A_2758 : vector<62x1xf32> to vector<62x62xf32>
    %gt3A_2760 = arith.cmpf ogt, %gt3A_2759, %div3A_2195 : vector<62x62xf32>
    %eq3A_2761 = vector.broadcast %slice3A_2758 : vector<62x1xf32> to vector<62x62xf32>
    %eq3A_2762 = arith.cmpf oeq, %eq3A_2761, %div3A_2195 : vector<62x62xf32>
    %gt3A_2763 = arith.constant 43 : i32
    %gt3A_2764 = vector.broadcast %gt3A_2763 : i32 to vector<62x62xi32>
    %gt3A_2765 = arith.cmpi sgt, %iota3A_2196, %gt3A_2764 : vector<62x62xi32>
    %and3A_2766 = arith.andi %eq3A_2762, %gt3A_2765 : vector<62x62xi1>
    %or3A_2767 = arith.ori %gt3A_2760, %and3A_2766 : vector<62x62xi1>
    %convert_element_type3A_2768 = arith.extui %or3A_2767 : vector<62x62xi1> to vector<62x62xi32>
    %convert_element_type3A_2769 = arith.sitofp %convert_element_type3A_2768 : vector<62x62xi32> to vector<62x62xf32>
    %add3A_2770 = arith.addf %add3A_2757, %convert_element_type3A_2769 : vector<62x62xf32>
    %slice3A_2771 = vector.extract_strided_slice %div3A_2195 {offsets = [0, 44], sizes = [62, 1], strides = [1, 1]} : vector<62x62xf32> to vector<62x1xf32>
    %gt3A_2772 = vector.broadcast %slice3A_2771 : vector<62x1xf32> to vector<62x62xf32>
    %gt3A_2773 = arith.cmpf ogt, %gt3A_2772, %div3A_2195 : vector<62x62xf32>
    %eq3A_2774 = vector.broadcast %slice3A_2771 : vector<62x1xf32> to vector<62x62xf32>
    %eq3A_2775 = arith.cmpf oeq, %eq3A_2774, %div3A_2195 : vector<62x62xf32>
    %gt3A_2776 = arith.constant 44 : i32
    %gt3A_2777 = vector.broadcast %gt3A_2776 : i32 to vector<62x62xi32>
    %gt3A_2778 = arith.cmpi sgt, %iota3A_2196, %gt3A_2777 : vector<62x62xi32>
    %and3A_2779 = arith.andi %eq3A_2775, %gt3A_2778 : vector<62x62xi1>
    %or3A_2780 = arith.ori %gt3A_2773, %and3A_2779 : vector<62x62xi1>
    %convert_element_type3A_2781 = arith.extui %or3A_2780 : vector<62x62xi1> to vector<62x62xi32>
    %convert_element_type3A_2782 = arith.sitofp %convert_element_type3A_2781 : vector<62x62xi32> to vector<62x62xf32>
    %add3A_2783 = arith.addf %add3A_2770, %convert_element_type3A_2782 : vector<62x62xf32>
    %slice3A_2784 = vector.extract_strided_slice %div3A_2195 {offsets = [0, 45], sizes = [62, 1], strides = [1, 1]} : vector<62x62xf32> to vector<62x1xf32>
    %gt3A_2785 = vector.broadcast %slice3A_2784 : vector<62x1xf32> to vector<62x62xf32>
    %gt3A_2786 = arith.cmpf ogt, %gt3A_2785, %div3A_2195 : vector<62x62xf32>
    %eq3A_2787 = vector.broadcast %slice3A_2784 : vector<62x1xf32> to vector<62x62xf32>
    %eq3A_2788 = arith.cmpf oeq, %eq3A_2787, %div3A_2195 : vector<62x62xf32>
    %gt3A_2789 = arith.constant 45 : i32
    %gt3A_2790 = vector.broadcast %gt3A_2789 : i32 to vector<62x62xi32>
    %gt3A_2791 = arith.cmpi sgt, %iota3A_2196, %gt3A_2790 : vector<62x62xi32>
    %and3A_2792 = arith.andi %eq3A_2788, %gt3A_2791 : vector<62x62xi1>
    %or3A_2793 = arith.ori %gt3A_2786, %and3A_2792 : vector<62x62xi1>
    %convert_element_type3A_2794 = arith.extui %or3A_2793 : vector<62x62xi1> to vector<62x62xi32>
    %convert_element_type3A_2795 = arith.sitofp %convert_element_type3A_2794 : vector<62x62xi32> to vector<62x62xf32>
    %add3A_2796 = arith.addf %add3A_2783, %convert_element_type3A_2795 : vector<62x62xf32>
    %slice3A_2797 = vector.extract_strided_slice %div3A_2195 {offsets = [0, 46], sizes = [62, 1], strides = [1, 1]} : vector<62x62xf32> to vector<62x1xf32>
    %gt3A_2798 = vector.broadcast %slice3A_2797 : vector<62x1xf32> to vector<62x62xf32>
    %gt3A_2799 = arith.cmpf ogt, %gt3A_2798, %div3A_2195 : vector<62x62xf32>
    %eq3A_2800 = vector.broadcast %slice3A_2797 : vector<62x1xf32> to vector<62x62xf32>
    %eq3A_2801 = arith.cmpf oeq, %eq3A_2800, %div3A_2195 : vector<62x62xf32>
    %gt3A_2802 = arith.constant 46 : i32
    %gt3A_2803 = vector.broadcast %gt3A_2802 : i32 to vector<62x62xi32>
    %gt3A_2804 = arith.cmpi sgt, %iota3A_2196, %gt3A_2803 : vector<62x62xi32>
    %and3A_2805 = arith.andi %eq3A_2801, %gt3A_2804 : vector<62x62xi1>
    %or3A_2806 = arith.ori %gt3A_2799, %and3A_2805 : vector<62x62xi1>
    %convert_element_type3A_2807 = arith.extui %or3A_2806 : vector<62x62xi1> to vector<62x62xi32>
    %convert_element_type3A_2808 = arith.sitofp %convert_element_type3A_2807 : vector<62x62xi32> to vector<62x62xf32>
    %add3A_2809 = arith.addf %add3A_2796, %convert_element_type3A_2808 : vector<62x62xf32>
    %slice3A_2810 = vector.extract_strided_slice %div3A_2195 {offsets = [0, 47], sizes = [62, 1], strides = [1, 1]} : vector<62x62xf32> to vector<62x1xf32>
    %gt3A_2811 = vector.broadcast %slice3A_2810 : vector<62x1xf32> to vector<62x62xf32>
    %gt3A_2812 = arith.cmpf ogt, %gt3A_2811, %div3A_2195 : vector<62x62xf32>
    %eq3A_2813 = vector.broadcast %slice3A_2810 : vector<62x1xf32> to vector<62x62xf32>
    %eq3A_2814 = arith.cmpf oeq, %eq3A_2813, %div3A_2195 : vector<62x62xf32>
    %gt3A_2815 = arith.constant 47 : i32
    %gt3A_2816 = vector.broadcast %gt3A_2815 : i32 to vector<62x62xi32>
    %gt3A_2817 = arith.cmpi sgt, %iota3A_2196, %gt3A_2816 : vector<62x62xi32>
    %and3A_2818 = arith.andi %eq3A_2814, %gt3A_2817 : vector<62x62xi1>
    %or3A_2819 = arith.ori %gt3A_2812, %and3A_2818 : vector<62x62xi1>
    %convert_element_type3A_2820 = arith.extui %or3A_2819 : vector<62x62xi1> to vector<62x62xi32>
    %convert_element_type3A_2821 = arith.sitofp %convert_element_type3A_2820 : vector<62x62xi32> to vector<62x62xf32>
    %add3A_2822 = arith.addf %add3A_2809, %convert_element_type3A_2821 : vector<62x62xf32>
    %slice3A_2823 = vector.extract_strided_slice %div3A_2195 {offsets = [0, 48], sizes = [62, 1], strides = [1, 1]} : vector<62x62xf32> to vector<62x1xf32>
    %gt3A_2824 = vector.broadcast %slice3A_2823 : vector<62x1xf32> to vector<62x62xf32>
    %gt3A_2825 = arith.cmpf ogt, %gt3A_2824, %div3A_2195 : vector<62x62xf32>
    %eq3A_2826 = vector.broadcast %slice3A_2823 : vector<62x1xf32> to vector<62x62xf32>
    %eq3A_2827 = arith.cmpf oeq, %eq3A_2826, %div3A_2195 : vector<62x62xf32>
    %gt3A_2828 = arith.constant 48 : i32
    %gt3A_2829 = vector.broadcast %gt3A_2828 : i32 to vector<62x62xi32>
    %gt3A_2830 = arith.cmpi sgt, %iota3A_2196, %gt3A_2829 : vector<62x62xi32>
    %and3A_2831 = arith.andi %eq3A_2827, %gt3A_2830 : vector<62x62xi1>
    %or3A_2832 = arith.ori %gt3A_2825, %and3A_2831 : vector<62x62xi1>
    %convert_element_type3A_2833 = arith.extui %or3A_2832 : vector<62x62xi1> to vector<62x62xi32>
    %convert_element_type3A_2834 = arith.sitofp %convert_element_type3A_2833 : vector<62x62xi32> to vector<62x62xf32>
    %add3A_2835 = arith.addf %add3A_2822, %convert_element_type3A_2834 : vector<62x62xf32>
    %slice3A_2836 = vector.extract_strided_slice %div3A_2195 {offsets = [0, 49], sizes = [62, 1], strides = [1, 1]} : vector<62x62xf32> to vector<62x1xf32>
    %gt3A_2837 = vector.broadcast %slice3A_2836 : vector<62x1xf32> to vector<62x62xf32>
    %gt3A_2838 = arith.cmpf ogt, %gt3A_2837, %div3A_2195 : vector<62x62xf32>
    %eq3A_2839 = vector.broadcast %slice3A_2836 : vector<62x1xf32> to vector<62x62xf32>
    %eq3A_2840 = arith.cmpf oeq, %eq3A_2839, %div3A_2195 : vector<62x62xf32>
    %gt3A_2841 = arith.constant 49 : i32
    %gt3A_2842 = vector.broadcast %gt3A_2841 : i32 to vector<62x62xi32>
    %gt3A_2843 = arith.cmpi sgt, %iota3A_2196, %gt3A_2842 : vector<62x62xi32>
    %and3A_2844 = arith.andi %eq3A_2840, %gt3A_2843 : vector<62x62xi1>
    %or3A_2845 = arith.ori %gt3A_2838, %and3A_2844 : vector<62x62xi1>
    %convert_element_type3A_2846 = arith.extui %or3A_2845 : vector<62x62xi1> to vector<62x62xi32>
    %convert_element_type3A_2847 = arith.sitofp %convert_element_type3A_2846 : vector<62x62xi32> to vector<62x62xf32>
    %add3A_2848 = arith.addf %add3A_2835, %convert_element_type3A_2847 : vector<62x62xf32>
    %slice3A_2849 = vector.extract_strided_slice %div3A_2195 {offsets = [0, 50], sizes = [62, 1], strides = [1, 1]} : vector<62x62xf32> to vector<62x1xf32>
    %gt3A_2850 = vector.broadcast %slice3A_2849 : vector<62x1xf32> to vector<62x62xf32>
    %gt3A_2851 = arith.cmpf ogt, %gt3A_2850, %div3A_2195 : vector<62x62xf32>
    %eq3A_2852 = vector.broadcast %slice3A_2849 : vector<62x1xf32> to vector<62x62xf32>
    %eq3A_2853 = arith.cmpf oeq, %eq3A_2852, %div3A_2195 : vector<62x62xf32>
    %gt3A_2854 = arith.constant 50 : i32
    %gt3A_2855 = vector.broadcast %gt3A_2854 : i32 to vector<62x62xi32>
    %gt3A_2856 = arith.cmpi sgt, %iota3A_2196, %gt3A_2855 : vector<62x62xi32>
    %and3A_2857 = arith.andi %eq3A_2853, %gt3A_2856 : vector<62x62xi1>
    %or3A_2858 = arith.ori %gt3A_2851, %and3A_2857 : vector<62x62xi1>
    %convert_element_type3A_2859 = arith.extui %or3A_2858 : vector<62x62xi1> to vector<62x62xi32>
    %convert_element_type3A_2860 = arith.sitofp %convert_element_type3A_2859 : vector<62x62xi32> to vector<62x62xf32>
    %add3A_2861 = arith.addf %add3A_2848, %convert_element_type3A_2860 : vector<62x62xf32>
    %slice3A_2862 = vector.extract_strided_slice %div3A_2195 {offsets = [0, 51], sizes = [62, 1], strides = [1, 1]} : vector<62x62xf32> to vector<62x1xf32>
    %gt3A_2863 = vector.broadcast %slice3A_2862 : vector<62x1xf32> to vector<62x62xf32>
    %gt3A_2864 = arith.cmpf ogt, %gt3A_2863, %div3A_2195 : vector<62x62xf32>
    %eq3A_2865 = vector.broadcast %slice3A_2862 : vector<62x1xf32> to vector<62x62xf32>
    %eq3A_2866 = arith.cmpf oeq, %eq3A_2865, %div3A_2195 : vector<62x62xf32>
    %gt3A_2867 = arith.constant 51 : i32
    %gt3A_2868 = vector.broadcast %gt3A_2867 : i32 to vector<62x62xi32>
    %gt3A_2869 = arith.cmpi sgt, %iota3A_2196, %gt3A_2868 : vector<62x62xi32>
    %and3A_2870 = arith.andi %eq3A_2866, %gt3A_2869 : vector<62x62xi1>
    %or3A_2871 = arith.ori %gt3A_2864, %and3A_2870 : vector<62x62xi1>
    %convert_element_type3A_2872 = arith.extui %or3A_2871 : vector<62x62xi1> to vector<62x62xi32>
    %convert_element_type3A_2873 = arith.sitofp %convert_element_type3A_2872 : vector<62x62xi32> to vector<62x62xf32>
    %add3A_2874 = arith.addf %add3A_2861, %convert_element_type3A_2873 : vector<62x62xf32>
    %slice3A_2875 = vector.extract_strided_slice %div3A_2195 {offsets = [0, 52], sizes = [62, 1], strides = [1, 1]} : vector<62x62xf32> to vector<62x1xf32>
    %gt3A_2876 = vector.broadcast %slice3A_2875 : vector<62x1xf32> to vector<62x62xf32>
    %gt3A_2877 = arith.cmpf ogt, %gt3A_2876, %div3A_2195 : vector<62x62xf32>
    %eq3A_2878 = vector.broadcast %slice3A_2875 : vector<62x1xf32> to vector<62x62xf32>
    %eq3A_2879 = arith.cmpf oeq, %eq3A_2878, %div3A_2195 : vector<62x62xf32>
    %gt3A_2880 = arith.constant 52 : i32
    %gt3A_2881 = vector.broadcast %gt3A_2880 : i32 to vector<62x62xi32>
    %gt3A_2882 = arith.cmpi sgt, %iota3A_2196, %gt3A_2881 : vector<62x62xi32>
    %and3A_2883 = arith.andi %eq3A_2879, %gt3A_2882 : vector<62x62xi1>
    %or3A_2884 = arith.ori %gt3A_2877, %and3A_2883 : vector<62x62xi1>
    %convert_element_type3A_2885 = arith.extui %or3A_2884 : vector<62x62xi1> to vector<62x62xi32>
    %convert_element_type3A_2886 = arith.sitofp %convert_element_type3A_2885 : vector<62x62xi32> to vector<62x62xf32>
    %add3A_2887 = arith.addf %add3A_2874, %convert_element_type3A_2886 : vector<62x62xf32>
    %slice3A_2888 = vector.extract_strided_slice %div3A_2195 {offsets = [0, 53], sizes = [62, 1], strides = [1, 1]} : vector<62x62xf32> to vector<62x1xf32>
    %gt3A_2889 = vector.broadcast %slice3A_2888 : vector<62x1xf32> to vector<62x62xf32>
    %gt3A_2890 = arith.cmpf ogt, %gt3A_2889, %div3A_2195 : vector<62x62xf32>
    %eq3A_2891 = vector.broadcast %slice3A_2888 : vector<62x1xf32> to vector<62x62xf32>
    %eq3A_2892 = arith.cmpf oeq, %eq3A_2891, %div3A_2195 : vector<62x62xf32>
    %gt3A_2893 = arith.constant 53 : i32
    %gt3A_2894 = vector.broadcast %gt3A_2893 : i32 to vector<62x62xi32>
    %gt3A_2895 = arith.cmpi sgt, %iota3A_2196, %gt3A_2894 : vector<62x62xi32>
    %and3A_2896 = arith.andi %eq3A_2892, %gt3A_2895 : vector<62x62xi1>
    %or3A_2897 = arith.ori %gt3A_2890, %and3A_2896 : vector<62x62xi1>
    %convert_element_type3A_2898 = arith.extui %or3A_2897 : vector<62x62xi1> to vector<62x62xi32>
    %convert_element_type3A_2899 = arith.sitofp %convert_element_type3A_2898 : vector<62x62xi32> to vector<62x62xf32>
    %add3A_2900 = arith.addf %add3A_2887, %convert_element_type3A_2899 : vector<62x62xf32>
    %slice3A_2901 = vector.extract_strided_slice %div3A_2195 {offsets = [0, 54], sizes = [62, 1], strides = [1, 1]} : vector<62x62xf32> to vector<62x1xf32>
    %gt3A_2902 = vector.broadcast %slice3A_2901 : vector<62x1xf32> to vector<62x62xf32>
    %gt3A_2903 = arith.cmpf ogt, %gt3A_2902, %div3A_2195 : vector<62x62xf32>
    %eq3A_2904 = vector.broadcast %slice3A_2901 : vector<62x1xf32> to vector<62x62xf32>
    %eq3A_2905 = arith.cmpf oeq, %eq3A_2904, %div3A_2195 : vector<62x62xf32>
    %gt3A_2906 = arith.constant 54 : i32
    %gt3A_2907 = vector.broadcast %gt3A_2906 : i32 to vector<62x62xi32>
    %gt3A_2908 = arith.cmpi sgt, %iota3A_2196, %gt3A_2907 : vector<62x62xi32>
    %and3A_2909 = arith.andi %eq3A_2905, %gt3A_2908 : vector<62x62xi1>
    %or3A_2910 = arith.ori %gt3A_2903, %and3A_2909 : vector<62x62xi1>
    %convert_element_type3A_2911 = arith.extui %or3A_2910 : vector<62x62xi1> to vector<62x62xi32>
    %convert_element_type3A_2912 = arith.sitofp %convert_element_type3A_2911 : vector<62x62xi32> to vector<62x62xf32>
    %add3A_2913 = arith.addf %add3A_2900, %convert_element_type3A_2912 : vector<62x62xf32>
    %slice3A_2914 = vector.extract_strided_slice %div3A_2195 {offsets = [0, 55], sizes = [62, 1], strides = [1, 1]} : vector<62x62xf32> to vector<62x1xf32>
    %gt3A_2915 = vector.broadcast %slice3A_2914 : vector<62x1xf32> to vector<62x62xf32>
    %gt3A_2916 = arith.cmpf ogt, %gt3A_2915, %div3A_2195 : vector<62x62xf32>
    %eq3A_2917 = vector.broadcast %slice3A_2914 : vector<62x1xf32> to vector<62x62xf32>
    %eq3A_2918 = arith.cmpf oeq, %eq3A_2917, %div3A_2195 : vector<62x62xf32>
    %gt3A_2919 = arith.constant 55 : i32
    %gt3A_2920 = vector.broadcast %gt3A_2919 : i32 to vector<62x62xi32>
    %gt3A_2921 = arith.cmpi sgt, %iota3A_2196, %gt3A_2920 : vector<62x62xi32>
    %and3A_2922 = arith.andi %eq3A_2918, %gt3A_2921 : vector<62x62xi1>
    %or3A_2923 = arith.ori %gt3A_2916, %and3A_2922 : vector<62x62xi1>
    %convert_element_type3A_2924 = arith.extui %or3A_2923 : vector<62x62xi1> to vector<62x62xi32>
    %convert_element_type3A_2925 = arith.sitofp %convert_element_type3A_2924 : vector<62x62xi32> to vector<62x62xf32>
    %add3A_2926 = arith.addf %add3A_2913, %convert_element_type3A_2925 : vector<62x62xf32>
    %slice3A_2927 = vector.extract_strided_slice %div3A_2195 {offsets = [0, 56], sizes = [62, 1], strides = [1, 1]} : vector<62x62xf32> to vector<62x1xf32>
    %gt3A_2928 = vector.broadcast %slice3A_2927 : vector<62x1xf32> to vector<62x62xf32>
    %gt3A_2929 = arith.cmpf ogt, %gt3A_2928, %div3A_2195 : vector<62x62xf32>
    %eq3A_2930 = vector.broadcast %slice3A_2927 : vector<62x1xf32> to vector<62x62xf32>
    %eq3A_2931 = arith.cmpf oeq, %eq3A_2930, %div3A_2195 : vector<62x62xf32>
    %gt3A_2932 = arith.constant 56 : i32
    %gt3A_2933 = vector.broadcast %gt3A_2932 : i32 to vector<62x62xi32>
    %gt3A_2934 = arith.cmpi sgt, %iota3A_2196, %gt3A_2933 : vector<62x62xi32>
    %and3A_2935 = arith.andi %eq3A_2931, %gt3A_2934 : vector<62x62xi1>
    %or3A_2936 = arith.ori %gt3A_2929, %and3A_2935 : vector<62x62xi1>
    %convert_element_type3A_2937 = arith.extui %or3A_2936 : vector<62x62xi1> to vector<62x62xi32>
    %convert_element_type3A_2938 = arith.sitofp %convert_element_type3A_2937 : vector<62x62xi32> to vector<62x62xf32>
    %add3A_2939 = arith.addf %add3A_2926, %convert_element_type3A_2938 : vector<62x62xf32>
    %slice3A_2940 = vector.extract_strided_slice %div3A_2195 {offsets = [0, 57], sizes = [62, 1], strides = [1, 1]} : vector<62x62xf32> to vector<62x1xf32>
    %gt3A_2941 = vector.broadcast %slice3A_2940 : vector<62x1xf32> to vector<62x62xf32>
    %gt3A_2942 = arith.cmpf ogt, %gt3A_2941, %div3A_2195 : vector<62x62xf32>
    %eq3A_2943 = vector.broadcast %slice3A_2940 : vector<62x1xf32> to vector<62x62xf32>
    %eq3A_2944 = arith.cmpf oeq, %eq3A_2943, %div3A_2195 : vector<62x62xf32>
    %gt3A_2945 = arith.constant 57 : i32
    %gt3A_2946 = vector.broadcast %gt3A_2945 : i32 to vector<62x62xi32>
    %gt3A_2947 = arith.cmpi sgt, %iota3A_2196, %gt3A_2946 : vector<62x62xi32>
    %and3A_2948 = arith.andi %eq3A_2944, %gt3A_2947 : vector<62x62xi1>
    %or3A_2949 = arith.ori %gt3A_2942, %and3A_2948 : vector<62x62xi1>
    %convert_element_type3A_2950 = arith.extui %or3A_2949 : vector<62x62xi1> to vector<62x62xi32>
    %convert_element_type3A_2951 = arith.sitofp %convert_element_type3A_2950 : vector<62x62xi32> to vector<62x62xf32>
    %add3A_2952 = arith.addf %add3A_2939, %convert_element_type3A_2951 : vector<62x62xf32>
    %slice3A_2953 = vector.extract_strided_slice %div3A_2195 {offsets = [0, 58], sizes = [62, 1], strides = [1, 1]} : vector<62x62xf32> to vector<62x1xf32>
    %gt3A_2954 = vector.broadcast %slice3A_2953 : vector<62x1xf32> to vector<62x62xf32>
    %gt3A_2955 = arith.cmpf ogt, %gt3A_2954, %div3A_2195 : vector<62x62xf32>
    %eq3A_2956 = vector.broadcast %slice3A_2953 : vector<62x1xf32> to vector<62x62xf32>
    %eq3A_2957 = arith.cmpf oeq, %eq3A_2956, %div3A_2195 : vector<62x62xf32>
    %gt3A_2958 = arith.constant 58 : i32
    %gt3A_2959 = vector.broadcast %gt3A_2958 : i32 to vector<62x62xi32>
    %gt3A_2960 = arith.cmpi sgt, %iota3A_2196, %gt3A_2959 : vector<62x62xi32>
    %and3A_2961 = arith.andi %eq3A_2957, %gt3A_2960 : vector<62x62xi1>
    %or3A_2962 = arith.ori %gt3A_2955, %and3A_2961 : vector<62x62xi1>
    %convert_element_type3A_2963 = arith.extui %or3A_2962 : vector<62x62xi1> to vector<62x62xi32>
    %convert_element_type3A_2964 = arith.sitofp %convert_element_type3A_2963 : vector<62x62xi32> to vector<62x62xf32>
    %add3A_2965 = arith.addf %add3A_2952, %convert_element_type3A_2964 : vector<62x62xf32>
    %slice3A_2966 = vector.extract_strided_slice %div3A_2195 {offsets = [0, 59], sizes = [62, 1], strides = [1, 1]} : vector<62x62xf32> to vector<62x1xf32>
    %gt3A_2967 = vector.broadcast %slice3A_2966 : vector<62x1xf32> to vector<62x62xf32>
    %gt3A_2968 = arith.cmpf ogt, %gt3A_2967, %div3A_2195 : vector<62x62xf32>
    %eq3A_2969 = vector.broadcast %slice3A_2966 : vector<62x1xf32> to vector<62x62xf32>
    %eq3A_2970 = arith.cmpf oeq, %eq3A_2969, %div3A_2195 : vector<62x62xf32>
    %gt3A_2971 = arith.constant 59 : i32
    %gt3A_2972 = vector.broadcast %gt3A_2971 : i32 to vector<62x62xi32>
    %gt3A_2973 = arith.cmpi sgt, %iota3A_2196, %gt3A_2972 : vector<62x62xi32>
    %and3A_2974 = arith.andi %eq3A_2970, %gt3A_2973 : vector<62x62xi1>
    %or3A_2975 = arith.ori %gt3A_2968, %and3A_2974 : vector<62x62xi1>
    %convert_element_type3A_2976 = arith.extui %or3A_2975 : vector<62x62xi1> to vector<62x62xi32>
    %convert_element_type3A_2977 = arith.sitofp %convert_element_type3A_2976 : vector<62x62xi32> to vector<62x62xf32>
    %add3A_2978 = arith.addf %add3A_2965, %convert_element_type3A_2977 : vector<62x62xf32>
    %slice3A_2979 = vector.extract_strided_slice %div3A_2195 {offsets = [0, 60], sizes = [62, 1], strides = [1, 1]} : vector<62x62xf32> to vector<62x1xf32>
    %gt3A_2980 = vector.broadcast %slice3A_2979 : vector<62x1xf32> to vector<62x62xf32>
    %gt3A_2981 = arith.cmpf ogt, %gt3A_2980, %div3A_2195 : vector<62x62xf32>
    %eq3A_2982 = vector.broadcast %slice3A_2979 : vector<62x1xf32> to vector<62x62xf32>
    %eq3A_2983 = arith.cmpf oeq, %eq3A_2982, %div3A_2195 : vector<62x62xf32>
    %gt3A_2984 = arith.constant 60 : i32
    %gt3A_2985 = vector.broadcast %gt3A_2984 : i32 to vector<62x62xi32>
    %gt3A_2986 = arith.cmpi sgt, %iota3A_2196, %gt3A_2985 : vector<62x62xi32>
    %and3A_2987 = arith.andi %eq3A_2983, %gt3A_2986 : vector<62x62xi1>
    %or3A_2988 = arith.ori %gt3A_2981, %and3A_2987 : vector<62x62xi1>
    %convert_element_type3A_2989 = arith.extui %or3A_2988 : vector<62x62xi1> to vector<62x62xi32>
    %convert_element_type3A_2990 = arith.sitofp %convert_element_type3A_2989 : vector<62x62xi32> to vector<62x62xf32>
    %add3A_2991 = arith.addf %add3A_2978, %convert_element_type3A_2990 : vector<62x62xf32>
    %slice3A_2992 = vector.extract_strided_slice %div3A_2195 {offsets = [0, 61], sizes = [62, 1], strides = [1, 1]} : vector<62x62xf32> to vector<62x1xf32>
    %gt3A_2993 = vector.broadcast %slice3A_2992 : vector<62x1xf32> to vector<62x62xf32>
    %gt3A_2994 = arith.cmpf ogt, %gt3A_2993, %div3A_2195 : vector<62x62xf32>
    %eq3A_2995 = vector.broadcast %slice3A_2992 : vector<62x1xf32> to vector<62x62xf32>
    %eq3A_2996 = arith.cmpf oeq, %eq3A_2995, %div3A_2195 : vector<62x62xf32>
    %gt3A_2997 = arith.constant 61 : i32
    %gt3A_2998 = vector.broadcast %gt3A_2997 : i32 to vector<62x62xi32>
    %gt3A_2999 = arith.cmpi sgt, %iota3A_2196, %gt3A_2998 : vector<62x62xi32>
    %and3A_3000 = arith.andi %eq3A_2996, %gt3A_2999 : vector<62x62xi1>
    %or3A_3001 = arith.ori %gt3A_2994, %and3A_3000 : vector<62x62xi1>
    %convert_element_type3A_3002 = arith.extui %or3A_3001 : vector<62x62xi1> to vector<62x62xi32>
    %convert_element_type3A_3003 = arith.sitofp %convert_element_type3A_3002 : vector<62x62xi32> to vector<62x62xf32>
    %add3A_3004 = arith.addf %add3A_2991, %convert_element_type3A_3003 : vector<62x62xf32>
    %lt3A_3005 = arith.constant 4.900000e+01 : f32
    %lt3A_3006 = vector.broadcast %lt3A_3005 : f32 to vector<62x62xf32>
    %lt3A_3007 = arith.cmpf olt, %add3A_3004, %lt3A_3006 : vector<62x62xf32>
    %convert_element_type3A_3008 = arith.extui %lt3A_3007 : vector<62x62xi1> to vector<62x62xi32>
    %convert_element_type3A_3009 = arith.sitofp %convert_element_type3A_3008 : vector<62x62xi32> to vector<62x62xf32>
    %mul3A_3010 = arith.mulf %div3A_2195, %convert_element_type3A_3009 : vector<62x62xf32>
    %swap3A_3011 = arith.constant 0 : index
    %swap3A_3012 = arith.constant 0 : index
    %swap3A_3013 = arith.constant 0 : index
    %swap3A_3014 = vector.load %arg12[%swap3A_3011, %swap3A_3012, %swap3A_3013] : memref<1x62x62xf32, #tpu.memory_space<vmem>>, vector<1x62x62xf32>
    %swap3A_3015 = vector.shape_cast %swap3A_3014 : vector<1x62x62xf32> to vector<62x62xf32>
    %swap3A_3016 = vector.shape_cast %mul3A_3010 : vector<62x62xf32> to vector<1x62x62xf32>
    tpu.vector_store %arg12[%swap3A_3011, %swap3A_3012, %swap3A_3013], %swap3A_3016 {strides = array<i32>} : memref<1x62x62xf32, #tpu.memory_space<vmem>>, vector<1x62x62xf32>,
    %slice3A_3017 = vector.extract_strided_slice %reshape3A_2059 {offsets = [0, 0, 0], sizes = [1, 62, 1024], strides = [1, 1, 1]} : vector<5x62x1024xf32> to vector<1x62x1024xf32>
    %squeeze3A_3018 = vector.shape_cast %slice3A_3017 : vector<1x62x1024xf32> to vector<62x1024xf32>
    %dot_general3A_3019 = arith.constant dense<0.000000e+00> : vector<62x1024xf32>
    %dot_general3A_3020 = tpu.matmul %mul3A_3010, %squeeze3A_3018, %dot_general3A_3019 {dimension_numbers = #tpu.dot_dimension_numbers<[0], [0], [1], [1], [0, 1, 1, 1], [], []>, transpose_lhs_hint = false} : vector<62x62xf32>, vector<62x1024xf32>, vector<62x1024xf32> -> vector<62x1024xf32>
    %slice3A_3021 = vector.extract_strided_slice %reshape3A_2059 {offsets = [1, 0, 0], sizes = [1, 62, 1024], strides = [1, 1, 1]} : vector<5x62x1024xf32> to vector<1x62x1024xf32>
    %squeeze3A_3022 = vector.shape_cast %slice3A_3021 : vector<1x62x1024xf32> to vector<62x1024xf32>
    %dot_general3A_3023 = arith.constant dense<0.000000e+00> : vector<62x1024xf32>
    %dot_general3A_3024 = tpu.matmul %mul3A_3010, %squeeze3A_3022, %dot_general3A_3023 {dimension_numbers = #tpu.dot_dimension_numbers<[0], [0], [1], [1], [0, 1, 1, 1], [], []>, transpose_lhs_hint = false} : vector<62x62xf32>, vector<62x1024xf32>, vector<62x1024xf32> -> vector<62x1024xf32>
    %slice3A_3025 = vector.extract_strided_slice %reshape3A_2059 {offsets = [2, 0, 0], sizes = [1, 62, 1024], strides = [1, 1, 1]} : vector<5x62x1024xf32> to vector<1x62x1024xf32>
    %squeeze3A_3026 = vector.shape_cast %slice3A_3025 : vector<1x62x1024xf32> to vector<62x1024xf32>
    %dot_general3A_3027 = arith.constant dense<0.000000e+00> : vector<62x1024xf32>
    %dot_general3A_3028 = tpu.matmul %mul3A_3010, %squeeze3A_3026, %dot_general3A_3027 {dimension_numbers = #tpu.dot_dimension_numbers<[0], [0], [1], [1], [0, 1, 1, 1], [], []>, transpose_lhs_hint = false} : vector<62x62xf32>, vector<62x1024xf32>, vector<62x1024xf32> -> vector<62x1024xf32>
    %slice3A_3029 = vector.extract_strided_slice %reshape3A_2059 {offsets = [3, 0, 0], sizes = [1, 62, 1024], strides = [1, 1, 1]} : vector<5x62x1024xf32> to vector<1x62x1024xf32>
    %squeeze3A_3030 = vector.shape_cast %slice3A_3029 : vector<1x62x1024xf32> to vector<62x1024xf32>
    %dot_general3A_3031 = arith.constant dense<0.000000e+00> : vector<62x1024xf32>
    %dot_general3A_3032 = tpu.matmul %mul3A_3010, %squeeze3A_3030, %dot_general3A_3031 {dimension_numbers = #tpu.dot_dimension_numbers<[0], [0], [1], [1], [0, 1, 1, 1], [], []>, transpose_lhs_hint = false} : vector<62x62xf32>, vector<62x1024xf32>, vector<62x1024xf32> -> vector<62x1024xf32>
    %slice3A_3033 = vector.extract_strided_slice %reshape3A_2059 {offsets = [4, 0, 0], sizes = [1, 62, 1024], strides = [1, 1, 1]} : vector<5x62x1024xf32> to vector<1x62x1024xf32>
    %squeeze3A_3034 = vector.shape_cast %slice3A_3033 : vector<1x62x1024xf32> to vector<62x1024xf32>
    %dot_general3A_3035 = arith.constant dense<0.000000e+00> : vector<62x1024xf32>
    %dot_general3A_3036 = tpu.matmul %mul3A_3010, %squeeze3A_3034, %dot_general3A_3035 {dimension_numbers = #tpu.dot_dimension_numbers<[0], [0], [1], [1], [0, 1, 1, 1], [], []>, transpose_lhs_hint = false} : vector<62x62xf32>, vector<62x1024xf32>, vector<62x1024xf32> -> vector<62x1024xf32>
    %stack3A_3037 = vector.shape_cast %dot_general3A_3020 : vector<62x1024xf32> to vector<1x62x1024xf32>
    %stack3A_3038 = vector.shape_cast %dot_general3A_3024 : vector<62x1024xf32> to vector<1x62x1024xf32>
    %stack3A_3039 = vector.shape_cast %dot_general3A_3028 : vector<62x1024xf32> to vector<1x62x1024xf32>
    %stack3A_3040 = vector.shape_cast %dot_general3A_3032 : vector<62x1024xf32> to vector<1x62x1024xf32>
    %stack3A_3041 = vector.shape_cast %dot_general3A_3036 : vector<62x1024xf32> to vector<1x62x1024xf32>
    %stack3A_3042 = tpu.concatenate %stack3A_3037, %stack3A_3038, %stack3A_3039, %stack3A_3040, %stack3A_3041 in 0 : vector<1x62x1024xf32>, vector<1x62x1024xf32>, vector<1x62x1024xf32>, vector<1x62x1024xf32>, vector<1x62x1024xf32> -> vector<5x62x1024xf32>
    %reshape3A_3043 = vector.shape_cast %stack3A_3042 : vector<5x62x1024xf32> to vector<5x63488xf32>
    %dot_general3A_3044 = arith.constant dense<0.000000e+00> : vector<5x63488xf32>
    %dot_general3A_3045 = tpu.matmul %get3A_2049, %reshape3A_3043, %dot_general3A_3044 {dimension_numbers = #tpu.dot_dimension_numbers<[1], [0], [0], [1], [0, 0, 1, 1], [], []>, transpose_lhs_hint = false} : vector<5x5xf32>, vector<5x63488xf32>, vector<5x63488xf32> -> vector<5x63488xf32>
    %add3A_3046 = vector.broadcast %get3A_2054 : vector<5x1xf32> to vector<5x63488xf32>
    %add3A_3047 = arith.addf %dot_general3A_3045, %add3A_3046 : vector<5x63488xf32>
    %add3A_3048 = arith.addf %add3A_3047, %add3A_2023 : vector<5x63488xf32>
    %swap3A_3049 = arith.constant 0 : index
    %swap3A_3050 = arith.constant 15 : index
    %swap3A_3051 = arith.constant 0 : index
    %swap3A_3052 = vector.load %arg9[%swap3A_3049, %swap3A_3050, %swap3A_3051] : memref<1x20x63488xf32, #tpu.memory_space<vmem>>, vector<1x5x63488xf32>
    %swap3A_3053 = vector.shape_cast %swap3A_3052 : vector<1x5x63488xf32> to vector<5x63488xf32>
    %swap3A_3054 = vector.shape_cast %add3A_3048 : vector<5x63488xf32> to vector<1x5x63488xf32>
    tpu.vector_store %arg9[%swap3A_3049, %swap3A_3050, %swap3A_3051], %swap3A_3054 {strides = array<i32>} : memref<1x20x63488xf32, #tpu.memory_space<vmem>>, vector<1x5x63488xf32>,
    return
  }
  func.func @transform_0(%arg0: i32) -> (i32, i32, i32) {
    %c0_i32 = arith.constant 0 : i32
    %c0_i32_0 = arith.constant 0 : i32
    %c0_i32_1 = arith.constant 0 : i32
    return %arg0, %c0_i32, %c0_i32_0 : i32, i32, i32
  }
  func.func @transform_1(%arg0: i32) -> (i32, i32, i32) {
    %c0_i32 = arith.constant 0 : i32
    %c0_i32_0 = arith.constant 0 : i32
    %c0_i32_1 = arith.constant 0 : i32
    %c0_i32_2 = arith.constant 0 : i32
    return %c0_i32, %c0_i32_0, %c0_i32_1 : i32, i32, i32
  }
  func.func @transform_2(%arg0: i32) -> (i32, i32, i32) {
    %c0_i32 = arith.constant 0 : i32
    %c0_i32_0 = arith.constant 0 : i32
    %c0_i32_1 = arith.constant 0 : i32
    %c0_i32_2 = arith.constant 0 : i32
    return %c0_i32, %c0_i32_0, %c0_i32_1 : i32, i32, i32
  }
  func.func @transform_3(%arg0: i32) -> (i32, i32, i32) {
    %c0_i32 = arith.constant 0 : i32
    %c0_i32_0 = arith.constant 0 : i32
    %c0_i32_1 = arith.constant 0 : i32
    %c0_i32_2 = arith.constant 0 : i32
    return %c0_i32, %c0_i32_0, %c0_i32_1 : i32, i32, i32
  }
  func.func @transform_4(%arg0: i32) -> (i32, i32, i32) {
    %c0_i32 = arith.constant 0 : i32
    %c0_i32_0 = arith.constant 0 : i32
    %c0_i32_1 = arith.constant 0 : i32
    %c0_i32_2 = arith.constant 0 : i32
    return %c0_i32, %c0_i32_0, %c0_i32_1 : i32, i32, i32
  }
  func.func @transform_5(%arg0: i32) -> (i32, i32, i32) {
    %c0_i32 = arith.constant 0 : i32
    %c0_i32_0 = arith.constant 0 : i32
    %c0_i32_1 = arith.constant 0 : i32
    %c0_i32_2 = arith.constant 0 : i32
    return %c0_i32, %c0_i32_0, %c0_i32_1 : i32, i32, i32
  }
  func.func @transform_6(%arg0: i32) -> (i32, i32, i32) {
    %c0_i32 = arith.constant 0 : i32
    %c0_i32_0 = arith.constant 0 : i32
    %c0_i32_1 = arith.constant 0 : i32
    %c0_i32_2 = arith.constant 0 : i32
    return %c0_i32, %c0_i32_0, %c0_i32_1 : i32, i32, i32
  }
  func.func @transform_7(%arg0: i32) -> (i32, i32, i32) {
    %c0_i32 = arith.constant 0 : i32
    %c0_i32_0 = arith.constant 0 : i32
    %c0_i32_1 = arith.constant 0 : i32
    %c0_i32_2 = arith.constant 0 : i32
    return %c0_i32, %c0_i32_0, %c0_i32_1 : i32, i32, i32
  }
  func.func @transform_8(%arg0: i32) -> (i32, i32, i32) {
    %c0_i32 = arith.constant 0 : i32
    %c0_i32_0 = arith.constant 0 : i32
    %c0_i32_1 = arith.constant 0 : i32
    return %arg0, %c0_i32, %c0_i32_0 : i32, i32, i32
  }
  func.func @transform_9(%arg0: i32) -> (i32, i32, i32) {
    %c0_i32 = arith.constant 0 : i32
    %c0_i32_0 = arith.constant 0 : i32
    %c0_i32_1 = arith.constant 0 : i32
    return %arg0, %c0_i32, %c0_i32_0 : i32, i32, i32
  }
  func.func @transform_10(%arg0: i32) -> (i32, i32, i32) {
    %c0_i32 = arith.constant 0 : i32
    %c0_i32_0 = arith.constant 0 : i32
    %c0_i32_1 = arith.constant 0 : i32
    return %arg0, %c0_i32, %c0_i32_0 : i32, i32, i32
  }
  func.func @transform_11(%arg0: i32) -> (i32, i32, i32) {
    %c0_i32 = arith.constant 0 : i32
    %c0_i32_0 = arith.constant 0 : i32
    %c0_i32_1 = arith.constant 0 : i32
    return %arg0, %c0_i32, %c0_i32_0 : i32, i32, i32
  }
}

</mosaic_0001>

<sc_bundles>
// kernel: sparse-core-data-format-call.1.cloned.1.call-start
scs
called_computation.1_lowered:
.L_overlay_start_0:
0x0: {  	s2 =	sld [smem:$0x3FD9]  }
0x1: {  	s3 =	sld [smem:$0x3FFE];
	_ =	sdelay $0x1  }
0x2: {  	s1 =	srdreg.scid  }
0x3: {  	s0 =	sand.u32 $0x1, s1  }
0x4: {  	s18 =	sshll.u32 s0, $0xA;
	s2 =	sadd.s32 s3, s2  }
0x5: {  	s2 =	sadd.s32 s2, s18  }
0x6: {  	[smem:$0x3FC0] =	sst s2  }
0x7: {  	_ = 	snop  }
0x8: {  	s2 =	sld [smem:$0x3FC9];
	(tm) =	ssettm $0x1  }
0x9: {  	s19 =	sld [smem:$0x3FFB];
	_ =	sdelay $0x3  }
0xa: {  	_ =	strace s19  }
0xb: {  	s3 =	sld [smem:$0x3FFC];
	_ =	sdelay $0x3  }
0xc: {  	_ =	strace s3  }
0xd: {  	s3 =	sld [smem:$0x3FFD];
	_ =	sdelay $0x3  }
0xe: {  	_ =	strace s3  }
0xf: {  	_ =	strace $0x8FFFFFFF  }
0x10: {  	s20 =	sld [smem:$0x3FDB];
	_ =	sdelay $0x1  }
0x11: {  	s4 =	simm.s32 $_scs_section_size  }
0x12: {  	s5 =	simm.s32 $_size__tile_overlayer_lowered;
	s6 =	simm.s32 $_tile_overlayer_lowered  }
0x13: {  	s23 =	simm.s32 $0x1BFF;
	s22 =	sshll.u32 s6, $0x1;
	s3 =	sadd.s32 s4, s20  }
0x14: {  	s7 =	simm.s32 $0x0;
	s21 =	sshll.u32 s5, $0x1;
	s5 =	sadd.s32 s22, s3  }
0x15: {  	[timem:s7], [sflag:s23] =	dma.local [hbm:s5], s21  }
0x16: {  	_ =	swait.ge [sflag:s23], s21  }
0x17: {  	s4 =	ssub.s32 $0x0, s21;
	[sflag:s23] =	ssyncset.done $0x0  }
0x18: {  	[sflag:s23] =	ssyncadd.s32 s4;
	_ =	sdelay $0x1  }
0x19: {  	s24 =	simm.s32 $0x1B8B  }
0x1a: {  	_ =	swait.ge [sflag:s24], $0x1  }
0x1b: {  	[sflag:s24] =	ssyncset.done $0x0  }
0x1c: {  	s26 =	simm.s32 $0x1B8E;
	s25 =	sld [smem:$0x3FFE];
	[sflag:s24] =	ssyncadd.s32 $0xFFFFFFFF  }
0x1d: {  	s27 =	simm.s32 $execute0_lowered;
	[smem:$0x3FD2] =	sst s26  }
0x1e: {  	s5 =	sshll.u32 s27, $0x1;
	_ =	strace $0x80000046;
	[dreg:$0x1] =	wrdreg $0xFFFFFFFF  }
0x1f: {  	s28 =	simm.s32 $_size_execute0_lowered;
	s3 =	sadd.s32 s3, s5;
	[dreg:$0x0] =	wrdreg $0x0  }
0x20: {  	s5 =	sshll.u32 s28, $0x1;
	[dreg:$0x2] =	wrdreg s3  }
0x21: {  	[dreg:$0x3] =	wrdreg s5  }
0x22: {  	[dreg:$0x4] =	wrdreg $0xC0  }
0x23: {  	_ =	task [dreg:s7], $0x5FFFF  }
0x24: {  	[dreg:$0x1] =	wrdreg $0xFFFFFFFF  }
0x25: {  	[dreg:$0x0] =	wrdreg $0x60  }
0x26: {  	[dreg:$0x2] =	wrdreg s2  }
0x27: {  	[dreg:$0x3] =	wrdreg s25  }
0x28: {  	[dreg:$0x4] =	wrdreg $0x9  }
0x29: {  	_ =	task.clear_ibuf [dreg:s7], $0x5FFFF;
	_ =	strace $0x90000046  }
0x2a: {  	s29 =	simm.s32 $0x9;
	_ =	strace $0x80000048  }
0x2b: {  	_ =	swait.ge [sflag:s29], $0x1  }
0x2c: {  	[sflag:s29] =	ssyncadd.s32 $0xFFFFFFFF  }
0x2d: {  	_ =	strace $0x90000048  }
0x2e: {  	_ =	sfence  }
0x2f: {  	s30 =	sld [smem:$0x0];
	_ =	sdelay $0x2  }
0x30: {  	s31 =	sshll.u32 s1, $0xD;
	s1 =	sshrl.u32 s1, $0x2  }
0x31: {  	s3 =	sand.u32 $0x4000, s31;
	s1 =	sadd.s32 s1, s30  }
0x32: {  	s0 =	sor.u32 s3, s0;
	s1 =	sshll.u32 s1, $0x11  }
0x33: {  	s0 =	sor.u32 s1, s0  }
0x34: {  	s0 =	sadd.s32 $0x8F2B, s0  }
0x35: {  	[sflag:s0] =	ssyncadd.remote.s32 $0x1  }
0x36: {  	_ =	sfence.sel $0xFFFF  }
0x37: {  	[dreg:$0x0] =	wrdreg $0xFFFFFFFF;
	(pc) =	sbr.abs _section_cstart, $3  }
0x38: {  	[dreg:$0x1] =	wrdreg $0xFFFFFFFF  }
0x39: {  	_ =	task.clear_ibuf [dreg:s7], $0x2FFFF;
	_ =	strace $0x9FFFFFFF  }
0x3a: {  	(tm) =	ssettm $0x7FFFFFFF  }
0x3b: {  	_ =	shalt  }
tec
execute0_lowered:
.L_overlay_start_1:
0x0: {  	(tag) =	ssettag $0x1  }
0x1: {  	s2 =	rddreg [dreg:$0x0]  }
0x2: {  	s0 =	srdreg.scid;
	s4 =	rddreg [dreg:$0x1]  }
0x3: {  	s8 =	simm.s32 $0x2;
	s16 =	simm.s32 $0x0;
	s9 =	simm.s32 $0x50000  }
0x4: {  	s10 =	simm.s32 $0x0;
	s17 =	simm.s32 $0x0;
	s0 =	sshll.u32 s0, $0x7  }
0x5: {  	s19 =	simm.s32 $0x0;
	s18 =	simm.s32 $0x0;
	s1 =	sand.u32 $0x80, s0  }
0x6: {  	s12 =	simm.s32 $0x0;
	s14 =	simm.s32 $0x0;
	s3 =	ssub.s32 $0x400, s1  }
0x7: {  	s15 =	simm.s32 $0x0;
	s4 =	sadd.s32 $0x2400, s4;
	s5 =	sshrl.u32 s3, $0x7  }
.Ltmp0:
0x8: {  	s3 =	sshrl.u32 s3, $0x8;
	s5 =	sand.u32 $0x1, s5;
	(pc) =	sbr.rel .LBB1_1-.Ltmp0, $4  }
0x9: {  	s0 =	rddreg [dreg:$0x2];
	_ =	strace $0x80000047;
	s3 =	sadd.s32 s3, s5  }
0xa: {  	s5 =	simm.s32 $0x1;
	s6 =	smul.u32 $0x5, s3;
	s3 =	stileid.u32  }
0xb: {  	s11 =	smov.u32 s1;
	[sflag:s5] =	ssyncpa.u1 $0x0;
	s7 =	sshll.u32 s3, $0x2  }
0xc: {  	[sflag:s8] =	ssyncpa.u1 $0x0;
	s8 =	sadd.s32 $0x1, s6;
	s13 =	smov.u32 s7  }
.LBB1_7:
0xd: {  	s20 =	sadd.s32 $0x100, s11  }
0xe: {  	s16 =	sadd.s32 $0x20, s12;
	s21 =	smov.u32 s12;
	p1 =	sgt.s32 s20, $0x3FF  }
0xf: {  	s21 =	smov.u32 @p1 s16  }
0x10: {  	s22 =	smov.u32 s13;
	s16 =	sadd.s32 $0x40, s13;
	p2 =	sgt.s32 s21, $0x1F  }
0x11: {  	s22 =	smov.u32 @p2 s16  }
0x12: {  	s16 =	simm.s32 $0x1;
	p3 =	sgt.s32 s22, $0x3D  }
0x13: {  	s16 =	simm.s32 @!p3 $0x0  }
0x14: {  	p0 =	slt.u32 s15, $0x2;
	s24 =	sadd.s32 s16, s14  }
0x15: {  	s17 =	smov.u32 s12;
	s20 =	smov.u32 @p1 s1;
	p1 =	sgt.s32 s24, $0x4  }
0x16: {  	s23 =	simm.s32 @!p0 $0x2;
	s24 =	simm.s32 @p1 $0x0;
	p1 =	sne.s32 s15, s8  }
.Ltmp1:
0x17: {  	s19 =	smov.u32 s13;
	_ =	swait.ge @!p0 [sflag:s23], $0x4000;
	(pc) =	sbr.rel @!p1 .LBB1_8-.Ltmp1, $4  }
0x18: {  	s18 =	smov.u32 s14;
	[sflag:s23] =	ssyncset.done @!p0 $0x0;
	s21 =	simm.s32 @p2 $0x0  }
0x19: {  	s10 =	sadd.s32 $0x4000, s10;
	[sflag:s23] =	ssyncadd.s32 @!p0 $0xFFFFC000;
	s12 =	smov.u32 s21  }
0x1a: {  	s22 =	smov.u32 @p3 s7;
	s16 =	smov.u32 s11;
	s11 =	smov.u32 s20  }
0x1b: {  	s13 =	smov.u32 s22;
	s15 =	sadd.s32 $0x1, s15;
	s14 =	smov.u32 s24  }
.LBB1_1:
0x1c: {  	p0 =	sge.u32 s15, s6  }
0x1d: {  	s21 =	smov.u32 s14;
	p1 =	sgt.s32 @!p0 s14, $0x4  }
0x1e: {  	s22 =	sshra.s32 @!p0 s14, $0x1F;
	s23 =	sshra.s32 @!p0 s13, $0x1F;
	p1 =	por !p1, p0  }
0x1f: {  	s22 =	sand.u32 @!p0 s22, s14;
	s21 =	simm.s32 @p1 $0x4;
	p1 =	sgt.s32 @!p0 s13, $0x3A  }
0x20: {  	s21 =	ssub.s32 @!p0 s21, s22;
	p1 =	por !p1, p0;
	s22 =	smov.u32 s13  }
0x21: {  	s23 =	sand.u32 @!p0 s23, s13;
	s24 =	sadd.s32 @!p0 $0xFFFFFFFC, s21;
	s22 =	simm.s32 @p1 $0x3A  }
0x22: {  	s20 =	sand.u32 @!p0 $0x78, s11;
	p1 =	sgt.s32 @!p0 s24, $0x0;
	s22 =	ssub.s32 @!p0 s22, s23  }
0x23: {  	s21 =	ssub.s32 @!p0 $0x5, s21;
	p1 =	por !p1, p0;
	s23 =	sadd.s32 @!p0 $0xFFFFFFC6, s22  }
0x24: {  	s25 =	sshll.u32 @!p0 s12, $0x7;
	s21 =	simm.s32 @!p1 $0x0;
	p1 =	sgt.s32 @!p0 s23, $0x3  }
0x25: {  	s24 =	sand.u32 @!p0 $0x380, s25;
	s22 =	ssub.s32 @!p0 $0x3E, s22;
	p1 =	por !p1, p0  }
0x26: {  	s31 =	sadd.s32 $0xFFFFFFFF, s15;
	s20 =	sor.u32 @!p0 s20, s24;
	s22 =	simm.s32 @!p1 $0x0  }
0x27: {  	s23 =	ssub.s32 @!p0 $0x0, s12;
	p1 =	sgt.s32 @!p0 s11, $0x380;
	s21 =	smul.u32 @!p0 s21, s22  }
0x28: {  	s22 =	smin.u32 @!p0 s12, s23;
	p1 =	por !p1, p0;
	s23 =	smov.u32 s11  }
0x29: {  	s24 =	sshra.s32 @!p0 s11, $0x1F;
	s23 =	simm.s32 @p1 $0x380;
	p1 =	sgt.s32 @!p0 s22, $0x1F  }
0x2a: {  	s24 =	sand.u32 @!p0 s24, s11;
	s22 =	ssub.s32 @!p0 $0x20, s22;
	p1 =	por !p1, p0  }
0x2b: {  	s25 =	sand.u32 @!p0 $0xC00, s25;
	s23 =	ssub.s32 @!p0 s23, s24;
	s22 =	simm.s32 @!p1 $0x0  }
0x2c: {  	s25 =	sadd.s32 @!p0 s11, s25;
	s21 =	smul.u32 @!p0 s22, s21;
	s22 =	sadd.s32 @!p0 $0xFFFFFC80, s23  }
0x2d: {  	s25 =	sand.u32 @!p0 $0xF80, s25;
	s24 =	sxor.u32 @!p0 $0xFFFFFFFF, s15;
	p1 =	sgt.s32 @!p0 s22, $0x7F  }
0x2e: {  	s22 =	ssub.s32 @!p0 $0x400, s23;
	s23 =	smul.u32 @!p0 $0x3E000, s14;
	p1 =	por !p1, p0  }
0x2f: {  	s20 =	sshrl.u32 @!p0 s20, $0x3;
	s24 =	sshll.u32 @!p0 s24, $0xE;
	s22 =	simm.s32 @!p1 $0x0  }
0x30: {  	s23 =	sadd.s32 @!p0 s2, s23;
	s21 =	smul.u32 @!p0 s22, s21;
	s22 =	sshll.u32 @!p0 s13, $0xC  }
0x31: {  	s24 =	sand.u32 @!p0 $0x4000, s24;
	s22 =	sadd.s32 @!p0 s22, s23;
	s23 =	sand.u32 @!p0 $0x7, s11  }
0x32: {  	s21 =	sand.u32 @!p0 $0x3FFFFFFF, s21;
	s20 =	sadd.s32 @!p0 s20, s22;
	s22 =	sshll.u32 @!p0 s23, $0x12  }
0x33: {  	s23 =	simm.s32 @!p0 $0x2000;
	s20 =	sadd.s32 @!p0 s25, s20;
	s22 =	sor.u32 @!p0 $0x400, s22  }
0x34: {  	[tilespmem:s24], [sflag:$0x1] =	stream.strided.gather @!p0 [hbm4b:s20+s22], s21, s23, s22, $0x38;
	[tilespmem:$0x10000] =	vst v63  }
0x35: {  	p0 =	sge.u32 s31, s6  }
.Ltmp2:
0x36: {  	_ = 	snop;
	(pc) =	sbr.rel @p0 .LBB1_7-.Ltmp2, $1  }
0x37: {  	_ =	sdelay $0x3  }
0x38: {  	p0 =	sgt.s32 s18, $0x4  }
0x39: {  	s20 =	smov.u32 s18;
	s21 =	sshra.s32 s18, $0x1F;
	s22 =	smov.u32 s19  }
0x3a: {  	s23 =	sshra.s32 s19, $0x1F;
	s28 =	ssub.s32 $0x0, s17;
	s29 =	sshra.s32 s16, $0x1F  }
0x3b: {  	s20 =	simm.s32 @!p0 $0x4;
	s21 =	sand.u32 s21, s18;
	p0 =	sgt.s32 s19, $0x3A  }
0x3c: {  	s26 =	sand.u32 s23, s19;
	s20 =	ssub.s32 s20, s21;
	s22 =	simm.s32 @!p0 $0x3A  }
0x3d: {  	s23 =	sand.u32 s29, s16;
	s27 =	sadd.s32 $0xFFFFFFFC, s20;
	s21 =	ssub.s32 s22, s26  }
0x3e: {  	s20 =	ssub.s32 $0x5, s20;
	p0 =	sgt.s32 s27, $0x0;
	s22 =	sadd.s32 $0xFFFFFFC6, s21  }
0x3f: {  	s21 =	ssub.s32 $0x3E, s21;
	p1 =	sgt.s32 s22, $0x3;
	s20 =	simm.s32 @p0 $0x0  }
0x40: {  	p0 =	sgt.s32 s16, $0x380;
	s22 =	smov.u32 s16;
	s21 =	simm.s32 @p1 $0x0  }
0x41: {  	s22 =	simm.s32 @!p0 $0x380;
	s20 =	smul.u32 s20, s21;
	s21 =	smin.u32 s17, s28  }
0x42: {  	s22 =	ssub.s32 s22, s23;
	p0 =	sgt.s32 s21, $0x1F;
	s21 =	ssub.s32 $0x20, s21  }
0x43: {  	s23 =	sadd.s32 $0xFFFFFC80, s22;
	s21 =	simm.s32 @p0 $0x0  }
0x44: {  	p0 =	sgt.s32 s23, $0x7F;
	s20 =	smul.u32 s21, s20;
	s21 =	ssub.s32 $0x400, s22  }
0x45: {  	s21 =	simm.s32 @p0 $0x0  }
0x46: {  	s20 =	smul.u32 s21, s20;
	_ =	sdelay $0x1  }
0x47: {  	s30 =	sand.u32 $0x4000, s10;
	s31 =	sshll.u32 s15, $0xE;
	s20 =	sand.u32 $0x3FFFFFFF, s20  }
0x48: {  	s23 =	sand.u32 $0x4000, s31;
	s22 =	sor.u32 $0x40, s30;
	_ =	swait.ge [sflag:s5], s20  }
0x49: {  	s21 =	sor.u32 $0x8040, s30;
	s20 =	ssub.s32 $0x0, s20;
	[sflag:s5] =	ssyncset.done $0x0  }
0x4a: {  	[sflag:s5] =	ssyncadd.s32 s20;
	s20 =	sor.u32 $0x8000, s23;
	s23 =	simm.s32 $0x0  }
.LBB1_3:
0x4b: {  	v0 =	vmov s22;
	_ =	sdelay $0x3  }
0x4c: {  	s25 =	simm.s32 $0x0  }
0x4d: {  	v6 =	vld.idx.msk [tilespmem:v0+s25+$0x30 ss:$0x1], $0xffff  }
0x4e: {  	v7 =	vld.idx.msk [tilespmem:v0+s25+$0xFFFFFFC0 ss:$0x1], $0xffff  }
0x4f: {  	v5 =	vld.idx.msk [tilespmem:v0+s25+$0xFFFFFFD0 ss:$0x1], $0xffff  }
0x50: {  	v4 =	vld.idx.msk [tilespmem:v0+s25+$0xFFFFFFE0 ss:$0x1], $0xffff  }
0x51: {  	v3 =	vld.idx.msk [tilespmem:v0+s25+$0xFFFFFFF0 ss:$0x1], $0xffff  }
0x52: {  	v1 =	vld.idx.msk [tilespmem:v0+s25+$0x0 ss:$0x1], $0xffff  }
0x53: {  	v2 =	vld.idx.msk [tilespmem:v0+s25+$0x10 ss:$0x1], $0xffff;
	[tilespmem:s21+$0x30] =	vst v6  }
0x54: {  	s24 =	simm.s32 $0x80;
	s26 =	simm.s32 $0x400;
	[tilespmem:s21+$0xFFFFFFC0] =	vst v7;
	v6 =	vld.idx.msk [tilespmem:v0+s25+$0x20 ss:$0x1], $0xffff;
	s25 =	smov.u32 s21  }
.LBB1_4:
0x55: {  	p0 =	sne.s32 s26, $0x3E00;
	v7 =	vld.idx.msk [tilespmem:v0+s24+$0x30 ss:$0x1], $0xffff;
	[tilespmem:s25+$0xFFFFFFD0] =	vst v5  }
0x56: {  	v8 =	vld.idx.msk [tilespmem:v0+s24+$0xFFFFFFC0 ss:$0x1], $0xffff;
	[tilespmem:s25+$0xFFFFFFE0] =	vst v4  }
0x57: {  	v5 =	vld.idx.msk [tilespmem:v0+s24+$0xFFFFFFD0 ss:$0x1], $0xffff;
	[tilespmem:s25+$0xFFFFFFF0] =	vst v3  }
.Ltmp3:
0x58: {  	v4 =	vld.idx.msk [tilespmem:v0+s24+$0xFFFFFFE0 ss:$0x1], $0xffff;
	[tilespmem:s25+$0x0] =	vst v1;
	(pc) =	sbr.rel @p0 .LBB1_4-.Ltmp3, $4  }
0x59: {  	v3 =	vld.idx.msk [tilespmem:v0+s24+$0xFFFFFFF0 ss:$0x1], $0xffff;
	[tilespmem:s25+$0x10] =	vst v2  }
0x5a: {  	v1 =	vld.idx.msk [tilespmem:v0+s24+$0x0 ss:$0x1], $0xffff;
	[tilespmem:s25+$0x20] =	vst v6;
	s25 =	sadd.s32 $0x200, s25  }
0x5b: {  	v2 =	vld.idx.msk [tilespmem:v0+s24+$0x10 ss:$0x1], $0xffff;
	[tilespmem:s25+$0x30] =	vst v7  }
0x5c: {  	[tilespmem:s25+$0xFFFFFFC0] =	vst v8;
	v6 =	vld.idx.msk [tilespmem:v0+s24+$0x20 ss:$0x1], $0xffff;
	s24 =	sshra.s32 s26, $0x2;
	s26 =	sadd.s32 $0x200, s26  }
0x5d: {  	_ =	sdelay $0x2  }
0x5e: {  	[tilespmem:s25+$0xFFFFFFD0] =	vst v5  }
0x5f: {  	v56 =	vld.idx.msk [tilespmem:v0+s24+$0x30 ss:$0x1], $0xffff;
	[tilespmem:s25+$0xFFFFFFE0] =	vst v4  }
0x60: {  	v57 =	vld.idx.msk [tilespmem:v0+s24+$0xFFFFFFC0 ss:$0x1], $0xffff;
	[tilespmem:s25+$0xFFFFFFF0] =	vst v3  }
0x61: {  	v58 =	vld.idx.msk [tilespmem:v0+s24+$0xFFFFFFD0 ss:$0x1], $0xffff;
	[tilespmem:s25+$0x0] =	vst v1  }
0x62: {  	v59 =	vld.idx.msk [tilespmem:v0+s24+$0xFFFFFFE0 ss:$0x1], $0xffff;
	[tilespmem:s25+$0x10] =	vst v2  }
0x63: {  	v60 =	vld.idx.msk [tilespmem:v0+s24+$0xFFFFFFF0 ss:$0x1], $0xffff;
	s31 =	sadd.s32 $0x200, s25;
	[tilespmem:s25+$0x20] =	vst v6  }
0x64: {  	v61 =	vld.idx.msk [tilespmem:v0+s24+$0x0 ss:$0x1], $0xffff;
	[tilespmem:s31+$0x30] =	vst v56  }
0x65: {  	v62 =	vld.idx.msk [tilespmem:v0+s24+$0x10 ss:$0x1], $0xffff;
	s23 =	sadd.s32 $0x1, s23;
	[tilespmem:s31+$0xFFFFFFC0] =	vst v57  }
0x66: {  	v63 =	vld.idx.msk [tilespmem:v0+s24+$0x20 ss:$0x1], $0xffff;
	p0 =	sne.s32 s23, $0x4;
	[tilespmem:s31+$0xFFFFFFD0] =	vst v58  }
.Ltmp4:
0x67: {  	[tilespmem:s31+$0xFFFFFFE0] =	vst v59;
	(pc) =	sbr.rel @p0 .LBB1_3-.Ltmp4, $4  }
0x68: {  	[tilespmem:s31+$0xFFFFFFF0] =	vst v60  }
0x69: {  	[tilespmem:s31+$0x0] =	vst v61  }
0x6a: {  	[tilespmem:s31+$0x10] =	vst v62  }
0x6b: {  	s21 =	sadd.s32 $0x80, s21;
	s22 =	sadd.s32 $0x1000, s22;
	[tilespmem:s31+$0x20] =	vst v63  }
0x6c: {  	s19 =	sshll.u32 s19, $0x7  }
0x6d: {  	s21 =	sand.u32 $0x78, s16;
	s17 =	smul.u32 $0xA000, s17;
	s18 =	sshll.u32 s18, $0xD  }
0x6e: {  	s30 =	sand.u32 $0x7, s16;
	s22 =	sand.u32 $0x380, s19;
	s19 =	sand.u32 $0x1C00, s19  }
.Ltmp5:
0x6f: {  	s18 =	sadd.s32 s4, s18;
	s21 =	sor.u32 s22, s21;
	(pc) =	sbr.rel .LBB1_7-.Ltmp5, $4  }
0x70: {  	s19 =	sadd.s32 s16, s19;
	s17 =	sadd.s32 s17, s18;
	s21 =	sshrl.u32 s21, $0x3  }
0x71: {  	s16 =	sshll.u32 s30, $0x12;
	s31 =	sand.u32 $0x1F80, s19;
	s17 =	sadd.s32 s21, s17  }
0x72: {  	s16 =	sor.u32 $0x200, s16;
	s17 =	sadd.s32 s31, s17  }
0x73: {  	[hbm4b:s17+s16] =	stream.strided.scatter [tilespmem:s20], [sflag:$0x2], $0x4000, s9, s16, $0x38;
	[tilespmem:$0x10000] =	vst v63  }
.LBB1_8:
0x74: {  	_ =	sfence.sel $0x180000  }
0x75: {  	s1 =	simm.s32 $0x1;
	[bflag:$0x0] =	sbarrier.arrive $0xFFFF  }
0x76: {  	s31 =	simm.s32 $0x2;
	[sflag:s1] =	ssyncpa.u1 $0x1  }
0x77: {  	[sflag:s31] =	ssyncpa.u1 $0x1  }
0x78: {  	p0 =	sne.s32 s3, $0x0;
	_ =	strace $0x90000047  }
0x79: {  	s0 =	sadd.s32 @!p0 $0x100000, s0;
	[bflag:$0x2] =	sbarrier.arrive $0xFFFF  }
0x7a: {  	[sflag:s0] =	ssyncadd.tile.s32 @!p0 $0x1;
	_ =	shalt  }
.Lfunc_end1:
_tile_overlayer_lowered:
.L_overlay_start_2:
0x7b: {  	(tag) =	ssettag $0x2  }
0x7c: {  	s0 =	rddreg [dreg:$0x0];
	s2 =	stileid.u32  }
0x7d: {  	s1 =	rddreg [dreg:$0x1];
	p0 =	sne.s32 s2, $0x0  }
0x7e: {  	s3 =	rddreg [dreg:$0x2];
	[bflag:$0x3] =	sbarrier.arrive $0xFFFF;
	s2 =	simm.s32 @!p0 $0x1C01  }
0x7f: {  	[timem:s3], [sflag:s2] =	dma.local @!p0 [hbm:s0], s1  }
0x80: {  	s0 =	simm.s32 @!p0 $0x1  }
0x81: {  	_ =	swait.ge @!p0 [sflag:s0], s1  }
0x82: {  	s1 =	ssub.s32 @!p0 $0x0, s1;
	[sflag:s0] =	ssyncset.done @!p0 $0x0  }
0x83: {  	[sflag:s0] =	ssyncadd.s32 @!p0 s1  }
0x84: {  	[bflag:$0x3] =	sbarrier.arrive $0xFFFF  }
0x85: {  	_ =	shalt  }

// kernel: sparse-core-data-format-call.cloned.1.call-start
scs
called_computation_lowered:
.L_overlay_start_0:
0x0: {  	s2 =	sld [smem:$0x3FD9]  }
0x1: {  	s3 =	sld [smem:$0x3FFE];
	_ =	sdelay $0x1  }
0x2: {  	s1 =	srdreg.scid  }
0x3: {  	s0 =	sand.u32 $0x1, s1  }
0x4: {  	s15 =	sshll.u32 s0, $0xA;
	s2 =	sadd.s32 s3, s2  }
0x5: {  	s2 =	sadd.s32 s2, s15  }
0x6: {  	[smem:$0x3FC0] =	sst s2  }
0x7: {  	_ = 	snop  }
0x8: {  	s2 =	sld [smem:$0x3FD0];
	_ =	sdelay $0x2  }
0x9: {  	s16 =	simm.s32 $0xA;
	s4 =	simm.s32 $0x10  }
0xa: {  	[smem:s4], [sflag:s16] =	dma.local [hbm:s2], $0x1  }
0xb: {  	_ =	swait.eq [sflag:s16], $0x1  }
0xc: {  	[sflag:s16] =	ssyncset.done $0x0  }
0xd: {  	[sflag:s16] =	ssyncadd.s32 $0xFFFFFFFF  }
0xe: {  	s17 =	sld [smem:$0x10];
	(tm) =	ssettm $0x1  }
0xf: {  	s18 =	sld [smem:$0x3FFB];
	_ =	sdelay $0x3  }
0x10: {  	_ =	strace s18  }
0x11: {  	s3 =	sld [smem:$0x3FFC];
	_ =	sdelay $0x3  }
0x12: {  	_ =	strace s3  }
0x13: {  	s3 =	sld [smem:$0x3FFD];
	_ =	sdelay $0x3  }
0x14: {  	_ =	strace s3  }
0x15: {  	_ =	strace $0x8FFFFFFF  }
0x16: {  	s19 =	sld [smem:$0x3FDB];
	_ =	sdelay $0x1  }
0x17: {  	s20 =	simm.s32 $_scs_section_size  }
0x18: {  	s5 =	simm.s32 $_size__tile_overlayer_lowered;
	s6 =	simm.s32 $_tile_overlayer_lowered  }
0x19: {  	s23 =	simm.s32 $0x1BFF;
	s22 =	sshll.u32 s6, $0x1;
	s3 =	sadd.s32 s20, s19  }
0x1a: {  	s7 =	simm.s32 $0x0;
	s21 =	sshll.u32 s5, $0x1;
	s5 =	sadd.s32 s22, s3  }
0x1b: {  	[timem:s7], [sflag:s23] =	dma.local [hbm:s5], s21  }
0x1c: {  	_ =	swait.ge [sflag:s23], s21  }
0x1d: {  	s4 =	ssub.s32 $0x0, s21;
	[sflag:s23] =	ssyncset.done $0x0  }
0x1e: {  	[sflag:s23] =	ssyncadd.s32 s4;
	_ =	sdelay $0x1  }
0x1f: {  	s24 =	simm.s32 $0x1B8B  }
0x20: {  	_ =	swait.ge [sflag:s24], $0x1  }
0x21: {  	[sflag:s24] =	ssyncset.done $0x0  }
0x22: {  	s26 =	simm.s32 $0x1B8E;
	s25 =	sld [smem:$0x3FFE];
	[sflag:s24] =	ssyncadd.s32 $0xFFFFFFFF  }
0x23: {  	s27 =	simm.s32 $execute0_lowered;
	[smem:$0x3FD2] =	sst s26  }
0x24: {  	s5 =	sshll.u32 s27, $0x1;
	_ =	strace $0x80000049;
	[dreg:$0x1] =	wrdreg $0xFFFFFFFF  }
0x25: {  	s28 =	simm.s32 $_size_execute0_lowered;
	s3 =	sadd.s32 s3, s5;
	[dreg:$0x0] =	wrdreg $0x0  }
0x26: {  	s5 =	sshll.u32 s28, $0x1;
	[dreg:$0x2] =	wrdreg s3  }
0x27: {  	[dreg:$0x3] =	wrdreg s5  }
0x28: {  	[dreg:$0x4] =	wrdreg $0xC0  }
0x29: {  	_ =	task [dreg:s7], $0x5FFFF  }
0x2a: {  	[dreg:$0x1] =	wrdreg $0xFFFFFFFF  }
0x2b: {  	[dreg:$0x0] =	wrdreg $0x60  }
0x2c: {  	[dreg:$0x2] =	wrdreg s25  }
0x2d: {  	[dreg:$0x3] =	wrdreg s17  }
0x2e: {  	[dreg:$0x4] =	wrdreg $0x9  }
0x2f: {  	_ =	task.clear_ibuf [dreg:s7], $0x5FFFF;
	_ =	strace $0x90000049  }
0x30: {  	s29 =	simm.s32 $0x9;
	_ =	strace $0x8000004B  }
0x31: {  	_ =	swait.ge [sflag:s29], $0x1  }
0x32: {  	[sflag:s29] =	ssyncadd.s32 $0xFFFFFFFF  }
0x33: {  	_ =	strace $0x9000004B  }
0x34: {  	_ =	sfence  }
0x35: {  	s30 =	sld [smem:$0x0];
	_ =	sdelay $0x2  }
0x36: {  	s31 =	sshll.u32 s1, $0xD;
	s1 =	sshrl.u32 s1, $0x2  }
0x37: {  	s3 =	sand.u32 $0x4000, s31;
	s1 =	sadd.s32 s1, s30  }
0x38: {  	s0 =	sor.u32 s3, s0;
	s1 =	sshll.u32 s1, $0x11  }
0x39: {  	s0 =	sor.u32 s1, s0  }
0x3a: {  	s0 =	sadd.s32 $0x8F2B, s0  }
0x3b: {  	[sflag:s0] =	ssyncadd.remote.s32 $0x1  }
0x3c: {  	_ =	sfence.sel $0xFFFF  }
0x3d: {  	[dreg:$0x0] =	wrdreg $0xFFFFFFFF;
	(pc) =	sbr.abs _section_cstart, $3  }
0x3e: {  	[dreg:$0x1] =	wrdreg $0xFFFFFFFF  }
0x3f: {  	_ =	task.clear_ibuf [dreg:s7], $0x2FFFF;
	_ =	strace $0x9FFFFFFF  }
0x40: {  	(tm) =	ssettm $0x7FFFFFFF  }
0x41: {  	_ =	shalt  }
tec
execute0_lowered:
.L_overlay_start_1:
0x0: {  	(tag) =	ssettag $0x1  }
0x1: {  	s4 =	stileid.u32;
	s0 =	rddreg [dreg:$0x0]  }
0x2: {  	_ =	strace $0x8000004A;
	s27 =	srdreg.scid;
	s30 =	simm.s32 $0x1  }
0x3: {  	s31 =	simm.s32 $0x2;
	s20 =	simm.s32 $0x0;
	s10 =	simm.s32 $0x0  }
0x4: {  	s22 =	simm.s32 $0x0;
	s23 =	simm.s32 $0x0;
	s21 =	simm.s32 $0x0  }
0x5: {  	s11 =	simm.s32 $0x0;
	s12 =	simm.s32 $0x0;
	s1 =	sshll.u32 s4, $0x3  }
0x6: {  	s13 =	simm.s32 $0x0;
	s14 =	simm.s32 $0x0;
	s7 =	sand.u32 $0x18, s1  }
0x7: {  	s15 =	simm.s32 $0x0;
	s17 =	simm.s32 $0x0;
	s1 =	ssub.s32 $0x20, s7  }
0x8: {  	s19 =	simm.s32 $0x0;
	s29 =	simm.s32 $0x0;
	s2 =	sand.u32 $0x18, s1  }
0x9: {  	s8 =	sadd.s32 $0x5EA400, s0;
	s0 =	simm.s32 $0x1;
	p0 =	sne.s32 s2, $0x0  }
.Ltmp0:
0xa: {  	s1 =	sshrl.u32 s1, $0x5;
	s0 =	simm.s32 @!p0 $0x0;
	(pc) =	sbr.rel .LBB1_1-.Ltmp0, $4  }
0xb: {  	s4 =	sshll.u32 s4, $0x1;
	s2 =	sshll.u32 s27, $0x5;
	s0 =	sadd.s32 s0, s1  }
0xc: {  	[sflag:s30] =	ssyncpa.u1 $0x0;
	s28 =	sor.u32 s4, s2;
	s6 =	smul.u32 $0x50, s0  }
0xd: {  	[sflag:s31] =	ssyncpa.u1 $0x0;
	s18 =	smov.u32 s7;
	s24 =	sand.u32 $0x38, s28  }
0xe: {  	s16 =	smov.u32 s24;
	[dreg:$0x3] =	wrdreg s24;
	s3 =	sor.u32 $0x1, s6  }
.LBB1_7:
0xf: {  	p0 =	slt.u32 s19, $0x2;
	s0 =	smov.u32 s23  }
0x10: {  	s2 =	smov.u32 s22;
	s10 =	sadd.s32 $0x4000, s10;
	p1 =	sgt.s32 @!p0 s23, $0x13  }
0x11: {  	s1 =	sshra.s32 @!p0 s23, $0x1F;
	s4 =	sshra.s32 @!p0 s22, $0x1F;
	p1 =	por !p1, p0  }
0x12: {  	s5 =	sshra.s32 @!p0 s20, $0x1F;
	s1 =	sand.u32 @!p0 s1, s23;
	s0 =	simm.s32 @p1 $0x13  }
0x13: {  	s5 =	sand.u32 @!p0 s5, s20;
	p1 =	sgt.s32 @!p0 s22, $0x36;
	s0 =	ssub.s32 @!p0 s0, s1  }
0x14: {  	s23 =	smov.u32 s13;
	p1 =	por !p1, p0;
	s1 =	sadd.s32 @!p0 $0xFFFFFFED, s0  }
0x15: {  	s2 =	simm.s32 @p1 $0x36;
	s0 =	ssub.s32 @!p0 $0x14, s0;
	p2 =	sgt.s32 @!p0 s1, $0x0  }
0x16: {  	s1 =	sand.u32 @!p0 s4, s22;
	s4 =	sshra.s32 @!p0 s21, $0x1F;
	p1 =	por !p2, p0  }
0x17: {  	s1 =	ssub.s32 @!p0 s2, s1;
	p2 =	sgt.s32 @!p0 s21, $0x18;
	s4 =	sand.u32 @!p0 s4, s21  }
0x18: {  	s0 =	simm.s32 @!p1 $0x0;
	s2 =	sadd.s32 @!p0 $0xFFFFFFCA, s1;
	s1 =	ssub.s32 @!p0 $0x3E, s1  }
0x19: {  	p2 =	por !p2, p0;
	p1 =	sgt.s32 @!p0 s2, $0x7;
	s2 =	smov.u32 s21  }
0x1a: {  	p1 =	por !p1, p0;
	s2 =	simm.s32 @p2 $0x18;
	p2 =	sgt.s32 @!p0 s20, $0x300  }
0x1b: {  	s2 =	ssub.s32 @!p0 s2, s4;
	p2 =	por !p2, p0;
	s4 =	smov.u32 s20  }
0x1c: {  	s1 =	simm.s32 @!p1 $0x0;
	s9 =	sadd.s32 @!p0 $0xFFFFFFE8, s2;
	s4 =	simm.s32 @p2 $0x300  }
0x1d: {  	s2 =	ssub.s32 @!p0 $0x20, s2;
	p1 =	sgt.s32 @!p0 s9, $0x7;
	s4 =	ssub.s32 @!p0 s4, s5  }
0x1e: {  	s9 =	smov.u32 s16;
	p1 =	por !p1, p0;
	s5 =	sadd.s32 @!p0 $0xFFFFFD00, s4  }
0x1f: {  	s2 =	simm.s32 @!p1 $0x0;
	p1 =	sgt.s32 @!p0 s5, $0xFF;
	s5 =	sadd.s32 $0x100, s15  }
0x20: {  	s0 =	smul.u32 @!p0 s2, s0;
	p2 =	sgt.s32 s5, $0x3FF;
	s2 =	sadd.s32 $0x40, s16  }
0x21: {  	s13 =	smov.u32 s17;
	s22 =	smov.u32 s12;
	s9 =	smov.u32 @p2 s2  }
0x22: {  	s0 =	smul.u32 @!p0 s1, s0;
	p3 =	sgt.s32 s9, $0x3D;
	s1 =	simm.s32 $0x1  }
0x23: {  	s4 =	ssub.s32 @!p0 $0x400, s4;
	p1 =	por !p1, p0;
	s1 =	simm.s32 @!p3 $0x0  }
0x24: {  	s4 =	simm.s32 @!p1 $0x0;
	s2 =	sadd.s32 $0x20, s18;
	s1 =	sadd.s32 s1, s17  }
0x25: {  	s0 =	smul.u32 @!p0 s4, s0;
	s4 =	smov.u32 s18;
	p1 =	sgt.s32 s1, $0x13  }
0x26: {  	s12 =	smov.u32 s16;
	s21 =	smov.u32 s14;
	s4 =	smov.u32 @p1 s2  }
0x27: {  	s14 =	smov.u32 s18;
	s1 =	simm.s32 @p1 $0x0;
	p1 =	sgt.s32 s4, $0x1F  }
0x28: {  	s20 =	smov.u32 s11;
	s4 =	smov.u32 @p1 s7;
	p1 =	sne.s32 s19, s3  }
.Ltmp1:
0x29: {  	s11 =	smov.u32 s15;
	s5 =	simm.s32 @p2 $0x0;
	(pc) =	sbr.rel @!p1 .LBB1_8-.Ltmp1, $4  }
0x2a: {  	s9 =	smov.u32 @p3 s24;
	s0 =	sand.u32 @!p0 $0x3FFFFFFF, s0;
	s2 =	simm.s32 @!p0 $0x2  }
0x2b: {  	s15 =	smov.u32 s5;
	s16 =	smov.u32 s9;
	_ =	swait.ge @!p0 [sflag:s2], s0  }
0x2c: {  	s0 =	ssub.s32 @!p0 $0x0, s0;
	s17 =	smov.u32 s1;
	[sflag:s2] =	ssyncset.done @!p0 $0x0  }
0x2d: {  	s19 =	sadd.s32 $0x1, s19;
	[sflag:s2] =	ssyncadd.s32 @!p0 s0;
	s18 =	smov.u32 s4  }
.LBB1_1:
0x2e: {  	p0 =	sge.u32 s19, s6;
	s31 =	sadd.s32 $0xFFFFFFFF, s19  }
0x2f: {  	s0 =	sxor.u32 @!p0 $0xFFFFFFFF, s19;
	s1 =	sshll.u32 @!p0 s16, $0x7;
	s2 =	sand.u32 @!p0 $0x78, s15  }
0x30: {  	s5 =	smul.u32 @!p0 $0x28000, s18;
	s0 =	sshll.u32 @!p0 s0, $0xE;
	s4 =	sand.u32 @!p0 $0x380, s1  }
0x31: {  	s1 =	sand.u32 @!p0 $0x1C00, s1;
	s0 =	sand.u32 @!p0 $0x4000, s0;
	s2 =	sor.u32 @!p0 s2, s4  }
0x32: {  	s1 =	sadd.s32 @!p0 s15, s1;
	s4 =	sshll.u32 @!p0 s17, $0xD;
	s5 =	sadd.s32 @!p0 s8, s5  }
0x33: {  	s2 =	sshrl.u32 @!p0 s2, $0x3;
	s4 =	sadd.s32 @!p0 s4, s5;
	s5 =	sand.u32 @!p0 $0x7, s15  }
0x34: {  	s1 =	sand.u32 @!p0 $0x1F80, s1;
	s2 =	sadd.s32 @!p0 s2, s4;
	s4 =	sshll.u32 @!p0 s5, $0x12  }
0x35: {  	s1 =	sadd.s32 @!p0 s1, s2;
	s2 =	sor.u32 @!p0 $0x800, s4;
	s4 =	simm.s32 @!p0 $0x140000  }
0x36: {  	[tilespmem:s0], [sflag:$0x1] =	stream.strided.gather @!p0 [hbm4b:s1+s2], $0x4000, s4, s2, $0x38;
	[tilespmem:$0x10000] =	vst v63  }
0x37: {  	p0 =	sge.u32 s31, s6  }
.Ltmp2:
0x38: {  	_ = 	snop;
	(pc) =	sbr.rel @p0 .LBB1_7-.Ltmp2, $1  }
0x39: {  	_ =	sdelay $0x3  }
0x3a: {  	s0 =	sshll.u32 s10, $0x2  }
0x3b: {  	s4 =	simm.s32 $0x1;
	s1 =	sshll.u32 s19, $0xE;
	p0 =	por $0x0, $0x0  }
0x3c: {  	s30 =	simm.s32 $0x0;
	s31 =	simm.s32 $0x0;
	s0 =	sand.u32 $0x10000, s0  }
0x3d: {  	_ =	swait.ge [sflag:s4], $0x4000;
	s27 =	sand.u32 $0x4000, s1;
	s0 =	sshrl.u32 s0, $0x2  }
0x3e: {  	[sflag:s4] =	ssyncset.done $0x0;
	s24 =	sor.u32 $0x8000, s27;
	s25 =	sor.u32 $0x40, s0  }
0x3f: {  	s2 =	sor.u32 $0x8410, s0;
	[sflag:s4] =	ssyncadd.s32 $0xFFFFC000;
	s28 =	sadd.s32 $0x8400, s0  }
.LBB1_3:
0x40: {  	v1 =	vld [tilespmem:s25+$0xFFFFFFD0]  }
0x41: {  	v2 =	vld [tilespmem:s25+$0x430]  }
0x42: {  	s0 =	sshll.u32 s31, $0xB;
	v4 =	vld [tilespmem:s25+$0xFFFFFFE0]  }
0x43: {  	v7 =	vld [tilespmem:s25+$0xFFFFFFF0];
	v0 =	vmov s0  }
0x44: {  	v8 =	vld [tilespmem:s25+$0x0]  }
0x45: {  	s9 =	sand.u32 $0x300, s29;
	v9 =	vld [tilespmem:s25+$0x10]  }
0x46: {  	s1 =	sand.u32 $0x80, s29;
	v10 =	vld [tilespmem:s25+$0x20];
	s0 =	sadd.s32 s9, s27  }
0x47: {  	v11 =	vld [tilespmem:s25+$0x30];
	s0 =	sadd.s32 s1, s0;
	s1 =	simm.s32 $0x1;
	[tilespmem:s2+$0x60] =	vst v2  }
0x48: {  	s26 =	sshll.u32 s30, $0x2;
	s1 =	simm.s32 @!p0 $0x0;
	[tilespmem:s2+$0xFFFFFC00] =	vst v1;
	v3 =	vld.idx.msk [tilespmem:v0+s0+$0x400 ss:$0x1], $0xffff  }
0x49: {  	v6 =	vld [tilespmem:s25+$0x3D0];
	s1 =	sshll.u32 s1, $0x9;
	[tilespmem:s2+$0xFFFFFC10] =	vst v4;
	s0 =	sand.u32 $0xFFFFFC00, s26  }
0x4a: {  	v5 =	vld [tilespmem:s25+$0x3E0];
	[tilespmem:s2+$0xFFFFFC20] =	vst v7;
	s0 =	sor.u32 s1, s0  }
0x4b: {  	[tilespmem:s2+$0xFFFFFC30] =	vst v8;
	v4 =	vld [tilespmem:s25+$0x400];
	s0 =	sshrl.u32 s0, $0x2  }
0x4c: {  	[tilespmem:s2+$0xFFFFFC40] =	vst v9;
	v1 =	vld [tilespmem:s25+$0x410];
	s1 =	sadd.s32 s0, s28  }
0x4d: {  	s5 =	simm.s32 $0x80;
	[tilespmem:s1+$0x0] =	vst v3;
	v3 =	vld [tilespmem:s25+$0x3F0]  }
0x4e: {  	s4 =	sand.u32 $0x300, s5;
	[tilespmem:s2+$0xFFFFFC50] =	vst v10;
	v2 =	vld [tilespmem:s25+$0x420]  }
0x4f: {  	s9 =	simm.s32 $0x100;
	v7 =	vld [tilespmem:s25+$0xFFFFFFC0];
	[tilespmem:s2+$0xFFFFFC60] =	vst v11;
	s26 =	smov.u32 s2;
	s0 =	sadd.s32 $0x80, s25  }
.LBB1_4:
0x50: {  	p1 =	sne.s32 s9, $0x380;
	v8 =	vld [tilespmem:s0+$0xFFFFFFD0];
	s5 =	sand.u32 $0x80, s5;
	s4 =	sadd.s32 s4, s27;
	[tilespmem:s26+$0x0] =	vst v6  }
0x51: {  	s4 =	sadd.s32 s5, s4;
	v6 =	vld [tilespmem:s0+$0x430];
	[tilespmem:s26+$0x10] =	vst v5;
	s5 =	smov.u32 s9  }
0x52: {  	v5 =	vld.idx.msk [tilespmem:v0+s4+$0x400 ss:$0x1], $0xffff;
	[tilespmem:s26+$0x20] =	vst v3  }
0x53: {  	v3 =	vld [tilespmem:s0+$0xFFFFFFE0];
	[tilespmem:s26+$0x30] =	vst v4  }
0x54: {  	v4 =	vld [tilespmem:s0+$0xFFFFFFF0];
	[tilespmem:s26+$0xFFFFFBF0] =	vst v7  }
0x55: {  	v7 =	vld [tilespmem:s0+$0x0];
	[tilespmem:s26+$0x40] =	vst v1  }
0x56: {  	v1 =	vld [tilespmem:s0+$0x10];
	[tilespmem:s26+$0x50] =	vst v2;
	s26 =	sadd.s32 $0x800, s26  }
0x57: {  	s1 =	sadd.s32 $0x800, s1;
	v2 =	vld [tilespmem:s0+$0x20];
	[tilespmem:s26+$0x60] =	vst v6  }
0x58: {  	v9 =	vld [tilespmem:s0+$0x30];
	[tilespmem:s1+$0x0] =	vst v5  }
0x59: {  	[tilespmem:s26+$0xFFFFFC00] =	vst v8;
	v6 =	vld [tilespmem:s0+$0x3D0]  }
0x5a: {  	[tilespmem:s26+$0xFFFFFC10] =	vst v3;
	v5 =	vld [tilespmem:s0+$0x3E0]  }
.Ltmp3:
0x5b: {  	[tilespmem:s26+$0xFFFFFC20] =	vst v4;
	v3 =	vld [tilespmem:s0+$0x3F0];
	(pc) =	sbr.rel @p1 .LBB1_4-.Ltmp3, $4  }
0x5c: {  	[tilespmem:s26+$0xFFFFFC30] =	vst v7;
	v4 =	vld [tilespmem:s0+$0x400]  }
0x5d: {  	[tilespmem:s26+$0xFFFFFC40] =	vst v1;
	v1 =	vld [tilespmem:s0+$0x410]  }
0x5e: {  	[tilespmem:s26+$0xFFFFFC50] =	vst v2;
	v2 =	vld [tilespmem:s0+$0x420]  }
0x5f: {  	s9 =	sadd.s32 $0x80, s9;
	s4 =	sand.u32 $0x300, s5;
	v7 =	vld [tilespmem:s0+$0xFFFFFFC0];
	[tilespmem:s26+$0xFFFFFC60] =	vst v9;
	s0 =	sadd.s32 $0x80, s0  }
0x60: {  	[tilespmem:s26+$0x0] =	vst v6  }
0x61: {  	[tilespmem:s26+$0x10] =	vst v5  }
0x62: {  	v49 =	vld [tilespmem:s0+$0x430];
	[tilespmem:s26+$0x20] =	vst v3  }
0x63: {  	v50 =	vld [tilespmem:s0+$0xFFFFFFD0];
	[tilespmem:s26+$0x30] =	vst v4  }
0x64: {  	v51 =	vld [tilespmem:s0+$0xFFFFFFE0];
	[tilespmem:s26+$0x40] =	vst v1  }
0x65: {  	v52 =	vld [tilespmem:s0+$0xFFFFFFF0];
	[tilespmem:s26+$0x50] =	vst v2  }
0x66: {  	v53 =	vld [tilespmem:s0+$0x0];
	[tilespmem:s26+$0xFFFFFBF0] =	vst v7;
	s26 =	sadd.s32 $0x800, s26  }
0x67: {  	v54 =	vld [tilespmem:s0+$0x10];
	[tilespmem:s26+$0x60] =	vst v49  }
0x68: {  	v55 =	vld [tilespmem:s0+$0x20];
	[tilespmem:s26+$0xFFFFFC00] =	vst v50  }
0x69: {  	v56 =	vld [tilespmem:s0+$0x30];
	[tilespmem:s26+$0xFFFFFC10] =	vst v51  }
0x6a: {  	v57 =	vld [tilespmem:s0+$0x3D0];
	[tilespmem:s26+$0xFFFFFC20] =	vst v52  }
0x6b: {  	v58 =	vld [tilespmem:s0+$0x3E0];
	[tilespmem:s26+$0xFFFFFC30] =	vst v53  }
0x6c: {  	v59 =	vld [tilespmem:s0+$0x3F0];
	[tilespmem:s26+$0xFFFFFC40] =	vst v54  }
0x6d: {  	v60 =	vld [tilespmem:s0+$0x400];
	[tilespmem:s26+$0xFFFFFC50] =	vst v55  }
0x6e: {  	v61 =	vld [tilespmem:s0+$0xFFFFFFC0];
	[tilespmem:s26+$0xFFFFFC60] =	vst v56  }
0x6f: {  	s5 =	sand.u32 $0x80, s5;
	s4 =	sadd.s32 s4, s27;
	v62 =	vld [tilespmem:s0+$0x410];
	[tilespmem:s26+$0x0] =	vst v57  }
0x70: {  	v63 =	vld [tilespmem:s0+$0x420];
	s31 =	sadd.s32 $0x1, s31;
	s4 =	sadd.s32 s5, s4;
	[tilespmem:s26+$0x10] =	vst v58  }
0x71: {  	p1 =	sne.s32 s31, $0x8;
	v0 =	vld.idx.msk [tilespmem:v0+s4+$0x400 ss:$0x1], $0xffff;
	[tilespmem:s26+$0x20] =	vst v59  }
.Ltmp4:
0x72: {  	[tilespmem:s26+$0x30] =	vst v60;
	(pc) =	sbr.rel @p1 .LBB1_3-.Ltmp4, $4  }
0x73: {  	[tilespmem:s26+$0xFFFFFBF0] =	vst v61  }
0x74: {  	[tilespmem:s26+$0x40] =	vst v62  }
0x75: {  	s1 =	sadd.s32 $0x800, s1;
	s25 =	sadd.s32 $0x800, s25;
	[tilespmem:s26+$0x50] =	vst v63  }
0x76: {  	s30 =	sadd.s32 $0x80, s30;
	p0 =	por !p0, !p0;
	s2 =	sadd.s32 $0x80, s2;
	[tilespmem:s1+$0x0] =	vst v0  }
0x77: {  	p0 =	sgt.s32 s13, $0x13  }
0x78: {  	s0 =	smov.u32 s13;
	s1 =	sshra.s32 s13, $0x1F;
	s2 =	sand.u32 $0x78, s11  }
0x79: {  	s4 =	sshra.s32 s14, $0x1F;
	s5 =	sshll.u32 s14, $0x7;
	s9 =	smov.u32 s12  }
0x7a: {  	s25 =	sshra.s32 s12, $0x1F;
	s0 =	simm.s32 @!p0 $0x13;
	s1 =	sand.u32 s1, s13  }
0x7b: {  	s27 =	sshra.s32 s11, $0x1F;
	s30 =	smul.u32 $0x3E000, s13;
	s0 =	ssub.s32 s0, s1  }
0x7c: {  	s4 =	sand.u32 s4, s14;
	s25 =	sand.u32 s25, s12;
	s1 =	sadd.s32 $0xFFFFFFED, s0  }
0x7d: {  	s28 =	sand.u32 $0x380, s5;
	s0 =	ssub.s32 $0x14, s0;
	p0 =	sgt.s32 s1, $0x0  }
0x7e: {  	s1 =	smov.u32 s14;
	s0 =	simm.s32 @p0 $0x0;
	p0 =	sgt.s32 s14, $0x18  }
0x7f: {  	s5 =	sand.u32 $0xC00, s5;
	s1 =	simm.s32 @!p0 $0x18;
	p0 =	sgt.s32 s12, $0x36  }
0x80: {  	s31 =	sadd.s32 s11, s5;
	s1 =	ssub.s32 s1, s4;
	s9 =	simm.s32 @!p0 $0x36  }
0x81: {  	s26 =	sadd.s32 $0xFFFFFFE8, s1;
	s4 =	ssub.s32 s9, s25;
	s1 =	ssub.s32 $0x20, s1  }
0x82: {  	s25 =	smov.u32 s11;
	p0 =	sgt.s32 s26, $0x7;
	s9 =	sadd.s32 $0xFFFFFFCA, s4  }
0x83: {  	s4 =	ssub.s32 $0x3E, s4;
	s1 =	simm.s32 @p0 $0x0;
	p0 =	sgt.s32 s11, $0x300  }
0x84: {  	s25 =	simm.s32 @!p0 $0x300;
	p0 =	sgt.s32 s9, $0x7;
	s9 =	sand.u32 s27, s11  }
0x85: {  	s26 =	rddreg [dreg:$0x1];
	s0 =	smul.u32 s1, s0;
	s9 =	ssub.s32 s25, s9  }
0x86: {  	s5 =	sadd.s32 s26, s30;
	s4 =	simm.s32 @p0 $0x0;
	s25 =	sadd.s32 $0xFFFFFD00, s9  }
0x87: {  	s0 =	smul.u32 s4, s0;
	s4 =	ssub.s32 $0x400, s9;
	p0 =	sgt.s32 s25, $0xFF  }
0x88: {  	s1 =	sor.u32 s28, s2;
	s27 =	sand.u32 $0x7, s11;
	s4 =	simm.s32 @p0 $0x0  }
0x89: {  	s2 =	sand.u32 $0xF80, s31;
	s25 =	sshll.u32 s12, $0xC;
	s0 =	smul.u32 s4, s0  }
.Ltmp5:
0x8a: {  	s1 =	sshrl.u32 s1, $0x3;
	s4 =	sadd.s32 s25, s5;
	(pc) =	sbr.rel .LBB1_7-.Ltmp5, $4  }
0x8b: {  	s31 =	simm.s32 $0x8000;
	s28 =	sshll.u32 s27, $0x12;
	s1 =	sadd.s32 s1, s4  }
0x8c: {  	s30 =	sor.u32 $0x800, s28;
	s0 =	sand.u32 $0x3FFFFFFF, s0;
	s1 =	sadd.s32 s2, s1  }
0x8d: {  	[hbm4b:s1+s30] =	stream.strided.scatter [tilespmem:s24], [sflag:$0x2], s0, s31, s30, $0x38;
	[tilespmem:$0x10000] =	vst v63  }
0x8e: {  	s24 =	rddreg [dreg:$0x3]  }
.LBB1_8:
0x8f: {  	_ =	sfence.sel $0x180000  }
0x90: {  	s0 =	simm.s32 $0x1;
	[bflag:$0x0] =	sbarrier.arrive $0xFFFF  }
0x91: {  	s30 =	simm.s32 $0x2;
	[sflag:s0] =	ssyncpa.u1 $0x1  }
0x92: {  	[sflag:s30] =	ssyncpa.u1 $0x1  }
0x93: {  	_ =	strace $0x9000004A  }
0x94: {  	s31 =	stileid.u32;
	[bflag:$0x2] =	sbarrier.arrive $0xFFFF  }
0x95: {  	p0 =	sne.s32 s31, $0x0;
	s0 =	rddreg [dreg:$0x2]  }
0x96: {  	s0 =	sadd.s32 @!p0 $0x100000, s0  }
0x97: {  	[sflag:s0] =	ssyncadd.tile.s32 @!p0 $0x1;
	_ =	shalt  }
.Lfunc_end1:
_tile_overlayer_lowered:
.L_overlay_start_2:
0x98: {  	(tag) =	ssettag $0x2  }
0x99: {  	s0 =	rddreg [dreg:$0x0];
	s2 =	stileid.u32  }
0x9a: {  	s1 =	rddreg [dreg:$0x1];
	p0 =	sne.s32 s2, $0x0  }
0x9b: {  	s3 =	rddreg [dreg:$0x2];
	[bflag:$0x3] =	sbarrier.arrive $0xFFFF;
	s2 =	simm.s32 @!p0 $0x1C01  }
0x9c: {  	[timem:s3], [sflag:s2] =	dma.local @!p0 [hbm:s0], s1  }
0x9d: {  	s0 =	simm.s32 @!p0 $0x1  }
0x9e: {  	_ =	swait.ge @!p0 [sflag:s0], s1  }
0x9f: {  	s1 =	ssub.s32 @!p0 $0x0, s1;
	[sflag:s0] =	ssyncset.done @!p0 $0x0  }
0xa0: {  	[sflag:s0] =	ssyncadd.s32 @!p0 s1  }
0xa1: {  	[bflag:$0x3] =	sbarrier.arrive $0xFFFF  }
0xa2: {  	_ =	shalt  }

</sc_bundles>
